<compile_context>
chip_gen: v7x
topology: tpu7x:2x2x1
jax: 0.10.2.dev20260603
libtpu: 0.0.44.dev20260713+nightly
codegen_flags: <defaults>
</compile_context>

<pallas_src>
import functools

import jax
import jax.numpy as jnp
from jax import lax
from jax.experimental import pallas as pl
from jax.experimental.pallas import tpu as pltpu
from jax.experimental.pallas import tpu_sc as plsc

N = 10000
E = 320000
D = 128
D_OUT = 40

K = 128
NCH = E // K
NW = 32
ITERS = (NCH + NW - 1) // NW
RPT = 632
NPAD = 10240
DPT = NPAD // 16

_sc_mesh = plsc.VectorSubcoreMesh(core_axis_name="c", subcore_axis_name="s")



NBD = 4
ROUNDS_D = 20


def _deg_body(edge_hbm, out_hbm, idx_v, ones_v, zb_v, deg_sh, *sems):
    sem_i = sems[0:2 * NBD]
    sem_s = sems[2 * NBD:3 * NBD]
    c = lax.axis_index("c")
    s = lax.axis_index("s")
    w = s * 2 + c
    for j in range(K // 16):
        ones_v[pl.ds(j * 16, 16)] = jnp.full((16,), 1.0, jnp.float32)
    for j in range(DPT // 16):
        zb_v[pl.ds(j * 16, 16)] = jnp.zeros((16,), jnp.float32)
    pltpu.sync_copy(zb_v, deg_sh.at[pl.ds(s * DPT, DPT)])
    plsc.subcore_barrier()

    def idx_desc(i, slot):
        ch = i * NW + w
        return pltpu.make_async_copy(edge_hbm.at[1, pl.ds(ch * K, K)],
                                     idx_v.at[slot], sem_i[slot])

    def scatter_wait(slot, b):
        pltpu.make_async_copy(ones_v, deg_sh.at[idx_v.at[slot]],
                              sem_s[b]).wait()

    for b in range(NBD):
        idx_desc(b, b).start()

    def body2(r2, carry):
        for rr in range(2):
            r = r2 * 2 + rr
            for b in range(NBD):
                slot = rr * NBD + b
                i = r * NBD + b
                ch = i * NW + w

                @pl.when((r > 0) & (ch - NBD * NW < NCH))
                def _(slot=slot, b=b):
                    scatter_wait((1 - rr) * NBD + b, b)

                @pl.when(ch < NCH)
                def _(i=i, slot=slot, b=b):
                    idx_desc(i, slot).wait()
                    pltpu.async_copy(ones_v, deg_sh.at[idx_v.at[slot]],
                                     sem_s[b], add=True)

                @pl.when((i + NBD) * NW + w < NCH)
                def _(i=i, b=b):
                    idx_desc(i + NBD, (1 - rr) * NBD + b).start()

        return carry

    lax.fori_loop(0, ROUNDS_D // 2, body2, 0)
    for b in range(NBD):
        i = (ROUNDS_D - 1) * NBD + b

        @pl.when(i * NW + w < NCH)
        def _(b=b):
            scatter_wait(((ROUNDS_D - 1) % 2) * NBD + b, b)

    plsc.subcore_barrier()
    pltpu.sync_copy(deg_sh.at[pl.ds(s * DPT, DPT)],
                    out_hbm.at[c, pl.ds(s * DPT, DPT)])


_deg_kernel = pl.kernel(
    _deg_body,
    out_type=jax.ShapeDtypeStruct((2, NPAD), jnp.float32),
    mesh=_sc_mesh,
    scratch_types=[
        pltpu.VMEM((2 * NBD, K), jnp.int32),
        pltpu.VMEM((K,), jnp.float32),
        pltpu.VMEM((DPT,), jnp.float32),
        pltpu.VMEM_SHARED((NPAD,), jnp.float32),
    ] + [pltpu.SemaphoreType.DMA] * (3 * NBD),
)


NB = 3
ROUNDS = 28


def _scatter_body(t_hbm, edge_hbm, out0_hbm, out1_hbm,
                  idx_v, rows_v, acc_sh, *sems):
    sem_i = sems[0:2 * NB]
    sem_g = sems[2 * NB:3 * NB]
    sem_s = sems[3 * NB:4 * NB]
    c = lax.axis_index("c")
    s = lax.axis_index("s")
    w = s * 2 + c
    base = jnp.minimum(s * RPT, N - RPT)
    pltpu.sync_copy(t_hbm.at[pl.ds(base, RPT)],
                    acc_sh.at[pl.ds(base, RPT)])
    plsc.subcore_barrier()

    def idx_desc(i, slot):
        ch = i * NW + w
        return pltpu.make_async_copy(edge_hbm.at[:, pl.ds(ch * K, K)],
                                     idx_v.at[slot], sem_i[slot])

    def gather_desc(slot, b):
        return pltpu.make_async_copy(t_hbm.at[idx_v.at[slot, 0]],
                                     rows_v.at[b], sem_g[b])

    def scatter_wait(slot, b):
        pltpu.make_async_copy(rows_v.at[b], acc_sh.at[idx_v.at[slot, 1]],
                              sem_s[b]).wait()

    for b in range(NB):
        idx_desc(b, b).start()

    def body2(r2, carry):
        for rr in range(2):
            r = r2 * 2 + rr
            for b in range(NB):
                slot = rr * NB + b
                i = r * NB + b
                ch = i * NW + w

                @pl.when((r > 0) & (ch - NB * NW < NCH))
                def _(slot=slot, b=b):
                    scatter_wait((1 - rr) * NB + b, b)

                @pl.when(ch < NCH)
                def _(i=i, slot=slot, b=b):
                    idx_desc(i, slot).wait()
                    gather_desc(slot, b).start()

                @pl.when((i + NB) * NW + w < NCH)
                def _(i=i, b=b):
                    idx_desc(i + NB, (1 - rr) * NB + b).start()

            for b in range(NB):
                slot = rr * NB + b
                i = r * NB + b
                ch = i * NW + w

                @pl.when(ch < NCH)
                def _(slot=slot, b=b):
                    gather_desc(slot, b).wait()
                    pltpu.async_copy(rows_v.at[b],
                                     acc_sh.at[idx_v.at[slot, 1]],
                                     sem_s[b], add=True)

        return carry

    lax.fori_loop(0, ROUNDS // 2, body2, 0)
    for b in range(NB):
        i = (ROUNDS - 1) * NB + b

        @pl.when(i * NW + w < NCH)
        def _(b=b):
            scatter_wait(((ROUNDS - 1) % 2) * NB + b, b)

    plsc.subcore_barrier()

    @pl.when(c == 0)
    def _():
        pltpu.sync_copy(acc_sh.at[pl.ds(base, RPT)],
                        out0_hbm.at[pl.ds(base, RPT)])

    @pl.when(c == 1)
    def _():
        pltpu.sync_copy(acc_sh.at[pl.ds(base, RPT)],
                        out1_hbm.at[pl.ds(base, RPT)])


_scatter_kernel = pl.kernel(
    _scatter_body,
    out_type=[jax.ShapeDtypeStruct((N, D), jnp.float32),
              jax.ShapeDtypeStruct((N, D), jnp.float32)],
    mesh=_sc_mesh,
    scratch_types=[
        pltpu.VMEM((2 * NB, 2, K), jnp.int32),
        pltpu.VMEM((NB, K, D), jnp.float32),
        pltpu.VMEM_SHARED((N, D), jnp.float32),
    ] + [pltpu.SemaphoreType.DMA] * (4 * NB),
)



BLK = 2000
GRID = N // BLK


def _dinv_col(d0_ref, d1_ref):
    return lax.rsqrt(d0_ref[...] + d1_ref[...] + 1.0)


def _prep1_body(x_ref, w_ref, d0_ref, d1_ref, t_ref, dc_ref):
    dinv = _dinv_col(d0_ref, d1_ref)
    dc_ref[...] = dinv
    t_ref[...] = jnp.dot(x_ref[...], w_ref[...],
                         preferred_element_type=jnp.float32) * dinv


def _stats_body(a0_ref, a1_ref, t_ref, dc_ref, b1_ref,
                hpre_ref, st_ref):
    i = pl.program_id(0)
    dinv = dc_ref[...]
    h = dinv * (a0_ref[...] + a1_ref[...] - t_ref[...]) + b1_ref[...]
    hpre_ref[...] = h

    @pl.when(i == 0)
    def _():
        st_ref[...] = jnp.zeros_like(st_ref)

    st_ref[0:1, :] += jnp.sum(h, axis=0, keepdims=True)
    st_ref[1:2, :] += jnp.sum(h * h, axis=0, keepdims=True)


def _mid_body(hpre_ref, st_ref, g_ref, b_ref, w2_ref, dc_ref, t2_ref):
    mean = st_ref[0:1, :] * (1.0 / N)
    var = st_ref[1:2, :] * (1.0 / N) - mean * mean
    xn = (hpre_ref[...] - mean) * lax.rsqrt(var + 1e-5) * g_ref[...] + b_ref[...]
    h1 = jnp.maximum(xn, 0.0)
    t2_ref[...] = jnp.dot(h1, w2_ref[...],
                          preferred_element_type=jnp.float32) * dc_ref[...]


def _head_body(a0_ref, a1_ref, t2_ref, dc_ref, b2_ref,
               wc_ref, bc_ref, ws_ref, bs_ref, wh_ref, bh_ref, we_ref, be_ref,
               main_ref, sim_ref, homo_ref, ent_ref):
    h2 = (dc_ref[...]
          * (a0_ref[...] + a1_ref[...] - t2_ref[...]) + b2_ref[...])

    def mm(w_ref):
        return jnp.dot(h2, w_ref[...], preferred_element_type=jnp.float32)

    zc = mm(wc_ref) + bc_ref[...]
    zc = zc - jnp.max(zc, axis=1, keepdims=True)
    main_ref[...] = zc - jnp.log(jnp.sum(jnp.exp(zc), axis=1, keepdims=True))

    zs = mm(ws_ref) + bs_ref[...]
    zs = zs - jnp.max(zs, axis=1, keepdims=True)
    ezs = jnp.exp(zs)
    sim_ref[...] = ezs / jnp.sum(ezs, axis=1, keepdims=True)

    zh = mm(wh_ref) + bh_ref[...]
    homo_ref[...] = 1.0 / (1.0 + jnp.exp(-zh))

    ze = mm(we_ref) + be_ref[...]
    ent_ref[...] = 1.0 / (1.0 + jnp.exp(-ze))


def _row_spec(width):
    return pl.BlockSpec((BLK, width), lambda i: (i, 0))


def _fold_spec():
    return pl.BlockSpec((BLK, 1), lambda i: (i, 0))


def _full_spec(r, c):
    return pl.BlockSpec((r, c), lambda i: (0, 0))


@jax.jit
def kernel(x, edge_index, W1, b1, W2, b2, bn_g, bn_b,
           Wc, bc, Ws, bs, Wh, bh, We, be):
    degp = _deg_kernel(edge_index)
    d0 = degp[0, :N].reshape(N, 1)
    d1 = degp[1, :N].reshape(N, 1)

    t1, dinvc = pl.pallas_call(
        _prep1_body,
        grid=(GRID,),
        in_specs=[_row_spec(D), _full_spec(D, D), _fold_spec(), _fold_spec()],
        out_specs=[_row_spec(D), _fold_spec()],
        out_shape=[jax.ShapeDtypeStruct((N, D), jnp.float32),
                   jax.ShapeDtypeStruct((N, 1), jnp.float32)],
    )(x, W1, d0, d1)

    a1_0, a1_1 = _scatter_kernel(t1, edge_index)

    hpre, stats = pl.pallas_call(
        _stats_body,
        grid=(GRID,),
        in_specs=[_row_spec(D), _row_spec(D), _row_spec(D),
                  _fold_spec(), _full_spec(1, D)],
        out_specs=[_row_spec(D), _full_spec(2, D)],
        out_shape=[jax.ShapeDtypeStruct((N, D), jnp.float32),
                   jax.ShapeDtypeStruct((2, D), jnp.float32)],
    )(a1_0, a1_1, t1, dinvc, b1.reshape(1, D))

    t2 = pl.pallas_call(
        _mid_body,
        grid=(GRID,),
        in_specs=[_row_spec(D), _full_spec(2, D), _full_spec(1, D),
                  _full_spec(1, D), _full_spec(D, D), _fold_spec()],
        out_specs=_row_spec(D),
        out_shape=jax.ShapeDtypeStruct((N, D), jnp.float32),
    )(hpre, stats, bn_g.reshape(1, D), bn_b.reshape(1, D), W2, dinvc)

    a2_0, a2_1 = _scatter_kernel(t2, edge_index)

    main, sim, homo, ent = pl.pallas_call(
        _head_body,
        grid=(GRID,),
        in_specs=[_row_spec(D), _row_spec(D), _row_spec(D),
                  _fold_spec(), _full_spec(1, D),
                  _full_spec(D, D_OUT), _full_spec(1, D_OUT),
                  _full_spec(D, D_OUT), _full_spec(1, D_OUT),
                  _full_spec(D, 1), _full_spec(1, 1),
                  _full_spec(D, 1), _full_spec(1, 1)],
        out_specs=[_row_spec(D_OUT), _row_spec(D_OUT),
                   _row_spec(1), _row_spec(1)],
        out_shape=[jax.ShapeDtypeStruct((N, D_OUT), jnp.float32),
                   jax.ShapeDtypeStruct((N, D_OUT), jnp.float32),
                   jax.ShapeDtypeStruct((N, 1), jnp.float32),
                   jax.ShapeDtypeStruct((N, 1), jnp.float32)],
    )(a2_0, a2_1, t2, dinvc, b2.reshape(1, D),
      Wc, bc.reshape(1, D_OUT), Ws, bs.reshape(1, D_OUT),
      Wh, bh.reshape(1, 1), We, be.reshape(1, 1))

    return main, sim, homo.reshape(N), ent.reshape(N)

# --- scband reference (transcript-rebuilt; emitter-appended) ---
"""Pipeline reference for scband-auxiliary-gcn-84670985273383 (READ-ONLY COPY).

The authoritative reference and input builder live on the scoring server;
editing this copy changes nothing except your own understanding.
"""

import jax, jax.numpy as jnp
import numpy as np

N = 10000
E = 320000
D_IN = 128
D_H = 128
D_OUT = 40
N_CLS = 40


def setup_inputs(seed: int = 0) -> dict:
    key = jax.random.key(seed)
    ks = jax.random.split(key, 20)
    inp = {}
    inp["x"] = jax.random.normal(ks[0], (N, D_IN), dtype=jnp.float32)
    inp["edge_index"] = jax.random.randint(ks[1], (2, E), 0, N, dtype=jnp.int32)
    s1 = 1.0 / np.sqrt(D_IN)
    s2 = 1.0 / np.sqrt(D_H)
    inp["W1"] = jax.random.normal(ks[2], (D_IN, D_H), dtype=jnp.float32) * s1
    inp["b1"] = jnp.zeros((D_H,), dtype=jnp.float32)
    inp["W2"] = jax.random.normal(ks[3], (D_H, D_H), dtype=jnp.float32) * s2
    inp["b2"] = jnp.zeros((D_H,), dtype=jnp.float32)
    inp["bn_g"] = jnp.ones((D_H,), dtype=jnp.float32)
    inp["bn_b"] = jnp.zeros((D_H,), dtype=jnp.float32)
    inp["Wc"] = jax.random.normal(ks[4], (D_H, D_OUT), dtype=jnp.float32) * s2
    inp["bc"] = jnp.zeros((D_OUT,), dtype=jnp.float32)
    inp["Ws"] = jax.random.normal(ks[5], (D_H, N_CLS), dtype=jnp.float32) * s2
    inp["bs"] = jnp.zeros((N_CLS,), dtype=jnp.float32)
    inp["Wh"] = jax.random.normal(ks[6], (D_H, 1), dtype=jnp.float32) * s2
    inp["bh"] = jnp.zeros((1,), dtype=jnp.float32)
    inp["We"] = jax.random.normal(ks[7], (D_H, 1), dtype=jnp.float32) * s2
    inp["be"] = jnp.zeros((1,), dtype=jnp.float32)
    return inp


def reference(x, edge_index, W1, b1, W2, b2, bn_g, bn_b, Wc, bc, Ws, bs, Wh, bh, We, be):
    n = x.shape[0]
    loops = jnp.arange(n, dtype=edge_index.dtype)
    src = jnp.concatenate([edge_index[0], loops])
    dst = jnp.concatenate([edge_index[1], loops])
    ones = jnp.ones(src.shape[0], dtype=x.dtype)
    deg = jnp.zeros((n,), dtype=x.dtype).at[dst].add(ones)
    dinv = jax.lax.rsqrt(jnp.maximum(deg, 1.0))
    norm = dinv[src] * dinv[dst]

    def gcn_conv(h, W, b):
        hW = h @ W
        msg = hW[src] * norm[:, None]
        agg = jnp.zeros((n, W.shape[1]), dtype=h.dtype).at[dst].add(msg)
        return agg + b

    h = gcn_conv(x, W1, b1)
    mean = jnp.mean(h, axis=0)
    var = jnp.var(h, axis=0)
    h = (h - mean) / jnp.sqrt(var + 1e-5) * bn_g + bn_b
    h = jax.nn.relu(h)
    # dropout is identity in eval mode
    h = gcn_conv(h, W2, b2)
    main_out = jax.nn.log_softmax(h @ Wc + bc, axis=1)
    sim_out = jax.nn.softmax(h @ Ws + bs, axis=1)
    homo_out = jax.nn.sigmoid(h @ Wh + bh).squeeze(-1)
    ent_out = jax.nn.sigmoid(h @ We + be).squeeze(-1)
    return (main_out, sim_out, homo_out, ent_out)

if __name__ == "__main__":
    import jax
    _d = setup_inputs()
    print(jax.jit(kernel)(*tuple(_d.values())))

</pallas_src>

<mosaic_0001>
#map = affine_map<(d0, d1) -> (0, 0)>
module attributes {stable_mosaic.version = 14 : i64} {
  func.func @_scatter_body(%arg0: i32, %arg1: i32, %arg2: memref<10000x128xf32, #tpu.memory_space<hbm>>, %arg3: memref<2x320000xi32, #tpu.memory_space<hbm>>, %arg4: memref<10000x128xf32, #tpu.memory_space<hbm>>, %arg5: memref<10000x128xf32, #tpu.memory_space<hbm>>, %arg6: memref<6x2x128xi32, #tpu.memory_space<vmem>>, %arg7: memref<3x128x128xf32, #tpu.memory_space<vmem>>, %arg8: memref<10000x128xf32, #tpu.memory_space<vmem_shared>>, %arg9: memref<!tpu.dma_semaphore, #tpu.memory_space<semaphore_mem>>, %arg10: memref<!tpu.dma_semaphore, #tpu.memory_space<semaphore_mem>>, %arg11: memref<!tpu.dma_semaphore, #tpu.memory_space<semaphore_mem>>, %arg12: memref<!tpu.dma_semaphore, #tpu.memory_space<semaphore_mem>>, %arg13: memref<!tpu.dma_semaphore, #tpu.memory_space<semaphore_mem>>, %arg14: memref<!tpu.dma_semaphore, #tpu.memory_space<semaphore_mem>>, %arg15: memref<!tpu.dma_semaphore, #tpu.memory_space<semaphore_mem>>, %arg16: memref<!tpu.dma_semaphore, #tpu.memory_space<semaphore_mem>>, %arg17: memref<!tpu.dma_semaphore, #tpu.memory_space<semaphore_mem>>, %arg18: memref<!tpu.dma_semaphore, #tpu.memory_space<semaphore_mem>>, %arg19: memref<!tpu.dma_semaphore, #tpu.memory_space<semaphore_mem>>, %arg20: memref<!tpu.dma_semaphore, #tpu.memory_space<semaphore_mem>>) attributes {dimension_semantics = [#tpu.dimension_semantics<core_parallel>, #tpu.dimension_semantics<subcore_parallel>], iteration_bounds = array<i64: 2, 16>, scalar_prefetch = 0 : i64, scratch_operands = 15 : i64, tpu.core_type = #tpu.core_type<sc_vector_subcore>, window_params = [{transform_indices = #map}, {transform_indices = #map}, {transform_indices = #map}, {transform_indices = #map}]} {
    %mul3A = arith.constant 2 : i32
    %mul3A_0 = arith.muli %arg1, %mul3A : i32
    %add3A = arith.addi %mul3A_0, %arg0 : i32
    %mul3A_1 = arith.constant 632 : i32
    %mul3A_2 = arith.muli %arg1, %mul3A_1 : i32
    %min3A = arith.constant 9368 : i32
    %min3A_3 = arith.minsi %mul3A_2, %min3A : i32
    "tpu.region"() ({
      %run_scoped3A = tpu.sem_alloc : memref<!tpu.dma_semaphore, #tpu.memory_space<semaphore_mem>>
      %dma_start3A_87 = arith.constant 0 : i32
      %dma_start3A_88 = tpu.memref_slice %arg8[%min3A_3, %dma_start3A_87] : memref<10000x128xf32, #tpu.memory_space<vmem_shared>> -> memref<632x128xf32, #tpu.memory_space<vmem_shared>>
      %dma_start3A_89 = arith.constant 0 : i32
      %dma_start3A_90 = tpu.memref_slice %arg2[%min3A_3, %dma_start3A_89] : memref<10000x128xf32, #tpu.memory_space<hbm>> -> memref<632x128xf32, #tpu.memory_space<hbm>>
      tpu.enqueue_dma source(%dma_start3A_90 : memref<632x128xf32, #tpu.memory_space<hbm>>) target(%dma_start3A_88 : memref<632x128xf32, #tpu.memory_space<vmem_shared>>) target_semaphore(%run_scoped3A : memref<!tpu.dma_semaphore, #tpu.memory_space<semaphore_mem>>)
      %dma_wait3A = arith.constant 0 : i32
      %dma_wait3A_91 = tpu.memref_slice %arg8[%min3A_3, %dma_wait3A] : memref<10000x128xf32, #tpu.memory_space<vmem_shared>> -> memref<632x128xf32, #tpu.memory_space<vmem_shared>>
      %dma_wait3A_92 = arith.constant 0 : i32
      %dma_wait3A_93 = tpu.memref_slice %arg2[%min3A_3, %dma_wait3A_92] : memref<10000x128xf32, #tpu.memory_space<hbm>> -> memref<632x128xf32, #tpu.memory_space<hbm>>
      tpu.wait_dma2 semaphore(%run_scoped3A : memref<!tpu.dma_semaphore, #tpu.memory_space<semaphore_mem>>) src(%dma_wait3A_93 : memref<632x128xf32, #tpu.memory_space<hbm>>) dst(%dma_wait3A_91 : memref<632x128xf32, #tpu.memory_space<vmem_shared>>)
      tpu.yield
    }) : () -> ()
    %barrier3A = arith.constant 0 : index
    tpu.barrier barrier_id(%barrier3A)
    %add3A_4 = arith.constant 0 : i32
    %add3A_5 = arith.addi %add3A_4, %add3A : i32
    %mul3A_6 = arith.constant 128 : i32
    %mul3A_7 = arith.muli %add3A_5, %mul3A_6 : i32
    %dma_start3A = arith.constant 0 : i32
    %dma_start3A_8 = arith.constant 0 : i32
    %dma_start3A_9 = arith.constant 0 : i32
    %dma_start3A_10 = tpu.memref_slice %arg6[%dma_start3A, %dma_start3A_8, %dma_start3A_9] : memref<6x2x128xi32, #tpu.memory_space<vmem>> -> memref<1x2x128xi32, #tpu.memory_space<vmem>>
    %dma_start3A_11 = tpu.memref_squeeze %dma_start3A_10 : memref<1x2x128xi32, #tpu.memory_space<vmem>> -> memref<2x128xi32, #tpu.memory_space<vmem>>
    %dma_start3A_12 = arith.constant 0 : i32
    %dma_start3A_13 = tpu.memref_slice %arg3[%dma_start3A_12, %mul3A_7] : memref<2x320000xi32, #tpu.memory_space<hbm>> -> memref<2x128xi32, #tpu.memory_space<hbm>>
    %dma_start3A_14 = arith.constant 0 : i32
    %dma_start3A_15 = arith.constant 0 : i32
    %dma_start3A_16 = tpu.memref_slice %arg6[%dma_start3A, %dma_start3A_14, %dma_start3A_15] : memref<6x2x128xi32, #tpu.memory_space<vmem>> -> memref<1x2x128xi32, #tpu.memory_space<vmem>>
    %dma_start3A_17 = tpu.memref_squeeze %dma_start3A_16 : memref<1x2x128xi32, #tpu.memory_space<vmem>> -> memref<2x128xi32, #tpu.memory_space<vmem>>
    %dma_start3A_18 = arith.constant 0 : i32
    %dma_start3A_19 = tpu.memref_slice %arg3[%dma_start3A_18, %mul3A_7] : memref<2x320000xi32, #tpu.memory_space<hbm>> -> memref<2x128xi32, #tpu.memory_space<hbm>>
    tpu.enqueue_dma source(%dma_start3A_19 : memref<2x128xi32, #tpu.memory_space<hbm>>) target(%dma_start3A_17 : memref<2x128xi32, #tpu.memory_space<vmem>>) target_semaphore(%arg9 : memref<!tpu.dma_semaphore, #tpu.memory_space<semaphore_mem>>)
    %add3A_20 = arith.constant 32 : i32
    %add3A_21 = arith.addi %add3A_20, %add3A : i32
    %mul3A_22 = arith.constant 128 : i32
    %mul3A_23 = arith.muli %add3A_21, %mul3A_22 : i32
    %dma_start3A_24 = arith.constant 1 : i32
    %dma_start3A_25 = arith.constant 0 : i32
    %dma_start3A_26 = arith.constant 0 : i32
    %dma_start3A_27 = tpu.memref_slice %arg6[%dma_start3A_24, %dma_start3A_25, %dma_start3A_26] : memref<6x2x128xi32, #tpu.memory_space<vmem>> -> memref<1x2x128xi32, #tpu.memory_space<vmem>>
    %dma_start3A_28 = tpu.memref_squeeze %dma_start3A_27 : memref<1x2x128xi32, #tpu.memory_space<vmem>> -> memref<2x128xi32, #tpu.memory_space<vmem>>
    %dma_start3A_29 = arith.constant 0 : i32
    %dma_start3A_30 = tpu.memref_slice %arg3[%dma_start3A_29, %mul3A_23] : memref<2x320000xi32, #tpu.memory_space<hbm>> -> memref<2x128xi32, #tpu.memory_space<hbm>>
    %dma_start3A_31 = arith.constant 0 : i32
    %dma_start3A_32 = arith.constant 0 : i32
    %dma_start3A_33 = tpu.memref_slice %arg6[%dma_start3A_24, %dma_start3A_31, %dma_start3A_32] : memref<6x2x128xi32, #tpu.memory_space<vmem>> -> memref<1x2x128xi32, #tpu.memory_space<vmem>>
    %dma_start3A_34 = tpu.memref_squeeze %dma_start3A_33 : memref<1x2x128xi32, #tpu.memory_space<vmem>> -> memref<2x128xi32, #tpu.memory_space<vmem>>
    %dma_start3A_35 = arith.constant 0 : i32
    %dma_start3A_36 = tpu.memref_slice %arg3[%dma_start3A_35, %mul3A_23] : memref<2x320000xi32, #tpu.memory_space<hbm>> -> memref<2x128xi32, #tpu.memory_space<hbm>>
    tpu.enqueue_dma source(%dma_start3A_36 : memref<2x128xi32, #tpu.memory_space<hbm>>) target(%dma_start3A_34 : memref<2x128xi32, #tpu.memory_space<vmem>>) target_semaphore(%arg10 : memref<!tpu.dma_semaphore, #tpu.memory_space<semaphore_mem>>)
    %add3A_37 = arith.constant 64 : i32
    %add3A_38 = arith.addi %add3A_37, %add3A : i32
    %mul3A_39 = arith.constant 128 : i32
    %mul3A_40 = arith.muli %add3A_38, %mul3A_39 : i32
    %dma_start3A_41 = arith.constant 2 : i32
    %dma_start3A_42 = arith.constant 0 : i32
    %dma_start3A_43 = arith.constant 0 : i32
    %dma_start3A_44 = tpu.memref_slice %arg6[%dma_start3A_41, %dma_start3A_42, %dma_start3A_43] : memref<6x2x128xi32, #tpu.memory_space<vmem>> -> memref<1x2x128xi32, #tpu.memory_space<vmem>>
    %dma_start3A_45 = tpu.memref_squeeze %dma_start3A_44 : memref<1x2x128xi32, #tpu.memory_space<vmem>> -> memref<2x128xi32, #tpu.memory_space<vmem>>
    %dma_start3A_46 = arith.constant 0 : i32
    %dma_start3A_47 = tpu.memref_slice %arg3[%dma_start3A_46, %mul3A_40] : memref<2x320000xi32, #tpu.memory_space<hbm>> -> memref<2x128xi32, #tpu.memory_space<hbm>>
    %dma_start3A_48 = arith.constant 0 : i32
    %dma_start3A_49 = arith.constant 0 : i32
    %dma_start3A_50 = tpu.memref_slice %arg6[%dma_start3A_41, %dma_start3A_48, %dma_start3A_49] : memref<6x2x128xi32, #tpu.memory_space<vmem>> -> memref<1x2x128xi32, #tpu.memory_space<vmem>>
    %dma_start3A_51 = tpu.memref_squeeze %dma_start3A_50 : memref<1x2x128xi32, #tpu.memory_space<vmem>> -> memref<2x128xi32, #tpu.memory_space<vmem>>
    %dma_start3A_52 = arith.constant 0 : i32
    %dma_start3A_53 = tpu.memref_slice %arg3[%dma_start3A_52, %mul3A_40] : memref<2x320000xi32, #tpu.memory_space<hbm>> -> memref<2x128xi32, #tpu.memory_space<hbm>>
    tpu.enqueue_dma source(%dma_start3A_53 : memref<2x128xi32, #tpu.memory_space<hbm>>) target(%dma_start3A_51 : memref<2x128xi32, #tpu.memory_space<vmem>>) target_semaphore(%arg11 : memref<!tpu.dma_semaphore, #tpu.memory_space<semaphore_mem>>)
    %scan3A = arith.constant 0 : i32
    %scan3A_54 = arith.constant 0 : i32
    %scan3A_55 = arith.constant 14 : i32
    %scan3A_56 = arith.addi %scan3A_54, %scan3A_55 : i32
    %scan3A_57 = arith.constant 1 : i32
    scf.for %scan3A_87 = %scan3A_54 to %scan3A_56 step %scan3A_57  : i32 {
      %mul3A_88 = arith.constant 2 : i32
      %mul3A_89 = arith.muli %scan3A_87, %mul3A_88 : i32
      %add3A_90 = arith.constant 0 : i32
      %add3A_91 = arith.addi %mul3A_89, %add3A_90 : i32
      %mul3A_92 = arith.constant 3 : i32
      %mul3A_93 = arith.muli %add3A_91, %mul3A_92 : i32
      %add3A_94 = arith.constant 0 : i32
      %add3A_95 = arith.addi %mul3A_93, %add3A_94 : i32
      %mul3A_96 = arith.constant 32 : i32
      %mul3A_97 = arith.muli %add3A_95, %mul3A_96 : i32
      %add3A_98 = arith.addi %mul3A_97, %add3A : i32
      %gt3A = arith.constant 0 : i32
      %gt3A_99 = arith.cmpi sgt, %add3A_91, %gt3A : i32
      %sub3A = arith.constant 96 : i32
      %sub3A_100 = arith.subi %add3A_98, %sub3A : i32
      %lt3A_101 = arith.constant 2500 : i32
      %lt3A_102 = arith.cmpi slt, %sub3A_100, %lt3A_101 : i32
      %and3A = arith.andi %gt3A_99, %lt3A_102 : i1
      %convert_element_type3A_103 = arith.extui %and3A : i1 to i32
      %cond3A_104 = arith.constant 0 : i32
      %cond3A_105 = arith.cmpi ne, %convert_element_type3A_103, %cond3A_104 : i32
      scf.if %cond3A_105 {
        %dma_wait3A = arith.constant 0 : i32
        %dma_wait3A_357 = arith.constant 3 : i32
        %dma_wait3A_358 = arith.constant 1 : i32
        %dma_wait3A_359 = arith.constant 0 : i32
        %dma_wait3A_360 = arith.constant 0 : i32
        %dma_wait3A_361 = tpu.memref_slice %arg7[%dma_wait3A, %dma_wait3A_359, %dma_wait3A_360] : memref<3x128x128xf32, #tpu.memory_space<vmem>> -> memref<1x128x128xf32, #tpu.memory_space<vmem>>
        %dma_wait3A_362 = tpu.memref_squeeze %dma_wait3A_361 : memref<1x128x128xf32, #tpu.memory_space<vmem>> -> memref<128x128xf32, #tpu.memory_space<vmem>>
        %dma_wait3A_363 = arith.constant 0 : i32
        %dma_wait3A_364 = tpu.memref_slice %arg6[%dma_wait3A_357, %dma_wait3A_358, %dma_wait3A_363] : memref<6x2x128xi32, #tpu.memory_space<vmem>> -> memref<1x1x128xi32, #tpu.memory_space<vmem>>
        %dma_wait3A_365 = tpu.memref_squeeze %dma_wait3A_364 : memref<1x1x128xi32, #tpu.memory_space<vmem>> -> memref<128xi32, #tpu.memory_space<vmem>>
        %dma_wait3A_366 = arith.constant 0 : i32
        %dma_wait3A_367 = arith.constant 0 : i32
        %dma_wait3A_368 = tpu.memref_slice %arg8[%dma_wait3A_366, %dma_wait3A_367] : memref<10000x128xf32, #tpu.memory_space<vmem_shared>> -> memref<10000x128xf32, #tpu.memory_space<vmem_shared>>
        tpu.wait_indirect_dma semaphore(%arg18 : memref<!tpu.dma_semaphore, #tpu.memory_space<semaphore_mem>>) src(%dma_wait3A_362 : memref<128x128xf32, #tpu.memory_space<vmem>>) dst(%dma_wait3A_368 : memref<10000x128xf32, #tpu.memory_space<vmem_shared>>)
      } else {
      }
      %lt3A_106 = arith.constant 2500 : i32
      %lt3A_107 = arith.cmpi slt, %add3A_98, %lt3A_106 : i32
      %convert_element_type3A_108 = arith.extui %lt3A_107 : i1 to i32
      %cond3A_109 = arith.constant 0 : i32
      %cond3A_110 = arith.cmpi ne, %convert_element_type3A_108, %cond3A_109 : i32
      scf.if %cond3A_110 {
        %mul3A_357 = arith.constant 32 : i32
        %mul3A_358 = arith.muli %add3A_95, %mul3A_357 : i32
        %add3A_359 = arith.addi %mul3A_358, %add3A : i32
        %mul3A_360 = arith.constant 128 : i32
        %mul3A_361 = arith.muli %add3A_359, %mul3A_360 : i32
        %dma_wait3A = arith.constant 0 : i32
        %dma_wait3A_362 = arith.constant 0 : i32
        %dma_wait3A_363 = arith.constant 0 : i32
        %dma_wait3A_364 = tpu.memref_slice %arg6[%dma_wait3A, %dma_wait3A_362, %dma_wait3A_363] : memref<6x2x128xi32, #tpu.memory_space<vmem>> -> memref<1x2x128xi32, #tpu.memory_space<vmem>>
        %dma_wait3A_365 = tpu.memref_squeeze %dma_wait3A_364 : memref<1x2x128xi32, #tpu.memory_space<vmem>> -> memref<2x128xi32, #tpu.memory_space<vmem>>
        %dma_wait3A_366 = arith.constant 0 : i32
        %dma_wait3A_367 = tpu.memref_slice %arg3[%dma_wait3A_366, %mul3A_361] : memref<2x320000xi32, #tpu.memory_space<hbm>> -> memref<2x128xi32, #tpu.memory_space<hbm>>
        %dma_wait3A_368 = arith.constant 0 : i32
        %dma_wait3A_369 = arith.constant 0 : i32
        %dma_wait3A_370 = tpu.memref_slice %arg6[%dma_wait3A, %dma_wait3A_368, %dma_wait3A_369] : memref<6x2x128xi32, #tpu.memory_space<vmem>> -> memref<1x2x128xi32, #tpu.memory_space<vmem>>
        %dma_wait3A_371 = tpu.memref_squeeze %dma_wait3A_370 : memref<1x2x128xi32, #tpu.memory_space<vmem>> -> memref<2x128xi32, #tpu.memory_space<vmem>>
        %dma_wait3A_372 = arith.constant 0 : i32
        %dma_wait3A_373 = tpu.memref_slice %arg3[%dma_wait3A_372, %mul3A_361] : memref<2x320000xi32, #tpu.memory_space<hbm>> -> memref<2x128xi32, #tpu.memory_space<hbm>>
        tpu.wait_dma2 semaphore(%arg9 : memref<!tpu.dma_semaphore, #tpu.memory_space<semaphore_mem>>) src(%dma_wait3A_373 : memref<2x128xi32, #tpu.memory_space<hbm>>) dst(%dma_wait3A_371 : memref<2x128xi32, #tpu.memory_space<vmem>>)
        %dma_start3A_374 = arith.constant 0 : i32
        %dma_start3A_375 = arith.constant 0 : i32
        %dma_start3A_376 = arith.constant 0 : i32
        %dma_start3A_377 = arith.constant 0 : i32
        %dma_start3A_378 = arith.constant 0 : i32
        %dma_start3A_379 = tpu.memref_slice %arg7[%dma_start3A_376, %dma_start3A_377, %dma_start3A_378] : memref<3x128x128xf32, #tpu.memory_space<vmem>> -> memref<1x128x128xf32, #tpu.memory_space<vmem>>
        %dma_start3A_380 = tpu.memref_squeeze %dma_start3A_379 : memref<1x128x128xf32, #tpu.memory_space<vmem>> -> memref<128x128xf32, #tpu.memory_space<vmem>>
        %dma_start3A_381 = arith.constant 0 : i32
        %dma_start3A_382 = tpu.memref_slice %arg6[%dma_start3A_374, %dma_start3A_375, %dma_start3A_381] : memref<6x2x128xi32, #tpu.memory_space<vmem>> -> memref<1x1x128xi32, #tpu.memory_space<vmem>>
        %dma_start3A_383 = tpu.memref_squeeze %dma_start3A_382 : memref<1x1x128xi32, #tpu.memory_space<vmem>> -> memref<128xi32, #tpu.memory_space<vmem>>
        %dma_start3A_384 = arith.constant 0 : i32
        %dma_start3A_385 = arith.constant 0 : i32
        %dma_start3A_386 = tpu.memref_slice %arg2[%dma_start3A_384, %dma_start3A_385] : memref<10000x128xf32, #tpu.memory_space<hbm>> -> memref<10000x128xf32, #tpu.memory_space<hbm>>
        tpu.enqueue_indirect_dma source(%dma_start3A_386 : memref<10000x128xf32, #tpu.memory_space<hbm>>) target(%dma_start3A_380 : memref<128x128xf32, #tpu.memory_space<vmem>>) offsets(%dma_start3A_383 : memref<128xi32, #tpu.memory_space<vmem>>) semaphore(%arg15 : memref<!tpu.dma_semaphore, #tpu.memory_space<semaphore_mem>>)
      } else {
      }
      %add3A_111 = arith.constant 3 : i32
      %add3A_112 = arith.addi %add3A_95, %add3A_111 : i32
      %mul3A_113 = arith.constant 32 : i32
      %mul3A_114 = arith.muli %add3A_112, %mul3A_113 : i32
      %add3A_115 = arith.addi %mul3A_114, %add3A : i32
      %lt3A_116 = arith.constant 2500 : i32
      %lt3A_117 = arith.cmpi slt, %add3A_115, %lt3A_116 : i32
      %convert_element_type3A_118 = arith.extui %lt3A_117 : i1 to i32
      %cond3A_119 = arith.constant 0 : i32
      %cond3A_120 = arith.cmpi ne, %convert_element_type3A_118, %cond3A_119 : i32
      scf.if %cond3A_120 {
        %add3A_357 = arith.constant 3 : i32
        %add3A_358 = arith.addi %add3A_95, %add3A_357 : i32
        %mul3A_359 = arith.constant 32 : i32
        %mul3A_360 = arith.muli %add3A_358, %mul3A_359 : i32
        %add3A_361 = arith.addi %mul3A_360, %add3A : i32
        %mul3A_362 = arith.constant 128 : i32
        %mul3A_363 = arith.muli %add3A_361, %mul3A_362 : i32
        %dma_start3A_364 = arith.constant 3 : i32
        %dma_start3A_365 = arith.constant 0 : i32
        %dma_start3A_366 = arith.constant 0 : i32
        %dma_start3A_367 = tpu.memref_slice %arg6[%dma_start3A_364, %dma_start3A_365, %dma_start3A_366] : memref<6x2x128xi32, #tpu.memory_space<vmem>> -> memref<1x2x128xi32, #tpu.memory_space<vmem>>
        %dma_start3A_368 = tpu.memref_squeeze %dma_start3A_367 : memref<1x2x128xi32, #tpu.memory_space<vmem>> -> memref<2x128xi32, #tpu.memory_space<vmem>>
        %dma_start3A_369 = arith.constant 0 : i32
        %dma_start3A_370 = tpu.memref_slice %arg3[%dma_start3A_369, %mul3A_363] : memref<2x320000xi32, #tpu.memory_space<hbm>> -> memref<2x128xi32, #tpu.memory_space<hbm>>
        %dma_start3A_371 = arith.constant 0 : i32
        %dma_start3A_372 = arith.constant 0 : i32
        %dma_start3A_373 = tpu.memref_slice %arg6[%dma_start3A_364, %dma_start3A_371, %dma_start3A_372] : memref<6x2x128xi32, #tpu.memory_space<vmem>> -> memref<1x2x128xi32, #tpu.memory_space<vmem>>
        %dma_start3A_374 = tpu.memref_squeeze %dma_start3A_373 : memref<1x2x128xi32, #tpu.memory_space<vmem>> -> memref<2x128xi32, #tpu.memory_space<vmem>>
        %dma_start3A_375 = arith.constant 0 : i32
        %dma_start3A_376 = tpu.memref_slice %arg3[%dma_start3A_375, %mul3A_363] : memref<2x320000xi32, #tpu.memory_space<hbm>> -> memref<2x128xi32, #tpu.memory_space<hbm>>
        tpu.enqueue_dma source(%dma_start3A_376 : memref<2x128xi32, #tpu.memory_space<hbm>>) target(%dma_start3A_374 : memref<2x128xi32, #tpu.memory_space<vmem>>) target_semaphore(%arg12 : memref<!tpu.dma_semaphore, #tpu.memory_space<semaphore_mem>>)
      } else {
      }
      %mul3A_121 = arith.constant 3 : i32
      %mul3A_122 = arith.muli %add3A_91, %mul3A_121 : i32
      %add3A_123 = arith.constant 1 : i32
      %add3A_124 = arith.addi %mul3A_122, %add3A_123 : i32
      %mul3A_125 = arith.constant 32 : i32
      %mul3A_126 = arith.muli %add3A_124, %mul3A_125 : i32
      %add3A_127 = arith.addi %mul3A_126, %add3A : i32
      %gt3A_128 = arith.constant 0 : i32
      %gt3A_129 = arith.cmpi sgt, %add3A_91, %gt3A_128 : i32
      %sub3A_130 = arith.constant 96 : i32
      %sub3A_131 = arith.subi %add3A_127, %sub3A_130 : i32
      %lt3A_132 = arith.constant 2500 : i32
      %lt3A_133 = arith.cmpi slt, %sub3A_131, %lt3A_132 : i32
      %and3A_134 = arith.andi %gt3A_129, %lt3A_133 : i1
      %convert_element_type3A_135 = arith.extui %and3A_134 : i1 to i32
      %cond3A_136 = arith.constant 0 : i32
      %cond3A_137 = arith.cmpi ne, %convert_element_type3A_135, %cond3A_136 : i32
      scf.if %cond3A_137 {
        %dma_wait3A = arith.constant 1 : i32
        %dma_wait3A_357 = arith.constant 4 : i32
        %dma_wait3A_358 = arith.constant 1 : i32
        %dma_wait3A_359 = arith.constant 0 : i32
        %dma_wait3A_360 = arith.constant 0 : i32
        %dma_wait3A_361 = tpu.memref_slice %arg7[%dma_wait3A, %dma_wait3A_359, %dma_wait3A_360] : memref<3x128x128xf32, #tpu.memory_space<vmem>> -> memref<1x128x128xf32, #tpu.memory_space<vmem>>
        %dma_wait3A_362 = tpu.memref_squeeze %dma_wait3A_361 : memref<1x128x128xf32, #tpu.memory_space<vmem>> -> memref<128x128xf32, #tpu.memory_space<vmem>>
        %dma_wait3A_363 = arith.constant 0 : i32
        %dma_wait3A_364 = tpu.memref_slice %arg6[%dma_wait3A_357, %dma_wait3A_358, %dma_wait3A_363] : memref<6x2x128xi32, #tpu.memory_space<vmem>> -> memref<1x1x128xi32, #tpu.memory_space<vmem>>
        %dma_wait3A_365 = tpu.memref_squeeze %dma_wait3A_364 : memref<1x1x128xi32, #tpu.memory_space<vmem>> -> memref<128xi32, #tpu.memory_space<vmem>>
        %dma_wait3A_366 = arith.constant 0 : i32
        %dma_wait3A_367 = arith.constant 0 : i32
        %dma_wait3A_368 = tpu.memref_slice %arg8[%dma_wait3A_366, %dma_wait3A_367] : memref<10000x128xf32, #tpu.memory_space<vmem_shared>> -> memref<10000x128xf32, #tpu.memory_space<vmem_shared>>
        tpu.wait_indirect_dma semaphore(%arg19 : memref<!tpu.dma_semaphore, #tpu.memory_space<semaphore_mem>>) src(%dma_wait3A_362 : memref<128x128xf32, #tpu.memory_space<vmem>>) dst(%dma_wait3A_368 : memref<10000x128xf32, #tpu.memory_space<vmem_shared>>)
      } else {
      }
      %lt3A_138 = arith.constant 2500 : i32
      %lt3A_139 = arith.cmpi slt, %add3A_127, %lt3A_138 : i32
      %convert_element_type3A_140 = arith.extui %lt3A_139 : i1 to i32
      %cond3A_141 = arith.constant 0 : i32
      %cond3A_142 = arith.cmpi ne, %convert_element_type3A_140, %cond3A_141 : i32
      scf.if %cond3A_142 {
        %mul3A_357 = arith.constant 32 : i32
        %mul3A_358 = arith.muli %add3A_124, %mul3A_357 : i32
        %add3A_359 = arith.addi %mul3A_358, %add3A : i32
        %mul3A_360 = arith.constant 128 : i32
        %mul3A_361 = arith.muli %add3A_359, %mul3A_360 : i32
        %dma_wait3A = arith.constant 1 : i32
        %dma_wait3A_362 = arith.constant 0 : i32
        %dma_wait3A_363 = arith.constant 0 : i32
        %dma_wait3A_364 = tpu.memref_slice %arg6[%dma_wait3A, %dma_wait3A_362, %dma_wait3A_363] : memref<6x2x128xi32, #tpu.memory_space<vmem>> -> memref<1x2x128xi32, #tpu.memory_space<vmem>>
        %dma_wait3A_365 = tpu.memref_squeeze %dma_wait3A_364 : memref<1x2x128xi32, #tpu.memory_space<vmem>> -> memref<2x128xi32, #tpu.memory_space<vmem>>
        %dma_wait3A_366 = arith.constant 0 : i32
        %dma_wait3A_367 = tpu.memref_slice %arg3[%dma_wait3A_366, %mul3A_361] : memref<2x320000xi32, #tpu.memory_space<hbm>> -> memref<2x128xi32, #tpu.memory_space<hbm>>
        %dma_wait3A_368 = arith.constant 0 : i32
        %dma_wait3A_369 = arith.constant 0 : i32
        %dma_wait3A_370 = tpu.memref_slice %arg6[%dma_wait3A, %dma_wait3A_368, %dma_wait3A_369] : memref<6x2x128xi32, #tpu.memory_space<vmem>> -> memref<1x2x128xi32, #tpu.memory_space<vmem>>
        %dma_wait3A_371 = tpu.memref_squeeze %dma_wait3A_370 : memref<1x2x128xi32, #tpu.memory_space<vmem>> -> memref<2x128xi32, #tpu.memory_space<vmem>>
        %dma_wait3A_372 = arith.constant 0 : i32
        %dma_wait3A_373 = tpu.memref_slice %arg3[%dma_wait3A_372, %mul3A_361] : memref<2x320000xi32, #tpu.memory_space<hbm>> -> memref<2x128xi32, #tpu.memory_space<hbm>>
        tpu.wait_dma2 semaphore(%arg10 : memref<!tpu.dma_semaphore, #tpu.memory_space<semaphore_mem>>) src(%dma_wait3A_373 : memref<2x128xi32, #tpu.memory_space<hbm>>) dst(%dma_wait3A_371 : memref<2x128xi32, #tpu.memory_space<vmem>>)
        %dma_start3A_374 = arith.constant 1 : i32
        %dma_start3A_375 = arith.constant 0 : i32
        %dma_start3A_376 = arith.constant 1 : i32
        %dma_start3A_377 = arith.constant 0 : i32
        %dma_start3A_378 = arith.constant 0 : i32
        %dma_start3A_379 = tpu.memref_slice %arg7[%dma_start3A_376, %dma_start3A_377, %dma_start3A_378] : memref<3x128x128xf32, #tpu.memory_space<vmem>> -> memref<1x128x128xf32, #tpu.memory_space<vmem>>
        %dma_start3A_380 = tpu.memref_squeeze %dma_start3A_379 : memref<1x128x128xf32, #tpu.memory_space<vmem>> -> memref<128x128xf32, #tpu.memory_space<vmem>>
        %dma_start3A_381 = arith.constant 0 : i32
        %dma_start3A_382 = tpu.memref_slice %arg6[%dma_start3A_374, %dma_start3A_375, %dma_start3A_381] : memref<6x2x128xi32, #tpu.memory_space<vmem>> -> memref<1x1x128xi32, #tpu.memory_space<vmem>>
        %dma_start3A_383 = tpu.memref_squeeze %dma_start3A_382 : memref<1x1x128xi32, #tpu.memory_space<vmem>> -> memref<128xi32, #tpu.memory_space<vmem>>
        %dma_start3A_384 = arith.constant 0 : i32
        %dma_start3A_385 = arith.constant 0 : i32
        %dma_start3A_386 = tpu.memref_slice %arg2[%dma_start3A_384, %dma_start3A_385] : memref<10000x128xf32, #tpu.memory_space<hbm>> -> memref<10000x128xf32, #tpu.memory_space<hbm>>
        tpu.enqueue_indirect_dma source(%dma_start3A_386 : memref<10000x128xf32, #tpu.memory_space<hbm>>) target(%dma_start3A_380 : memref<128x128xf32, #tpu.memory_space<vmem>>) offsets(%dma_start3A_383 : memref<128xi32, #tpu.memory_space<vmem>>) semaphore(%arg16 : memref<!tpu.dma_semaphore, #tpu.memory_space<semaphore_mem>>)
      } else {
      }
      %add3A_143 = arith.constant 3 : i32
      %add3A_144 = arith.addi %add3A_124, %add3A_143 : i32
      %mul3A_145 = arith.constant 32 : i32
      %mul3A_146 = arith.muli %add3A_144, %mul3A_145 : i32
      %add3A_147 = arith.addi %mul3A_146, %add3A : i32
      %lt3A_148 = arith.constant 2500 : i32
      %lt3A_149 = arith.cmpi slt, %add3A_147, %lt3A_148 : i32
      %convert_element_type3A_150 = arith.extui %lt3A_149 : i1 to i32
      %cond3A_151 = arith.constant 0 : i32
      %cond3A_152 = arith.cmpi ne, %convert_element_type3A_150, %cond3A_151 : i32
      scf.if %cond3A_152 {
        %add3A_357 = arith.constant 3 : i32
        %add3A_358 = arith.addi %add3A_124, %add3A_357 : i32
        %mul3A_359 = arith.constant 32 : i32
        %mul3A_360 = arith.muli %add3A_358, %mul3A_359 : i32
        %add3A_361 = arith.addi %mul3A_360, %add3A : i32
        %mul3A_362 = arith.constant 128 : i32
        %mul3A_363 = arith.muli %add3A_361, %mul3A_362 : i32
        %dma_start3A_364 = arith.constant 4 : i32
        %dma_start3A_365 = arith.constant 0 : i32
        %dma_start3A_366 = arith.constant 0 : i32
        %dma_start3A_367 = tpu.memref_slice %arg6[%dma_start3A_364, %dma_start3A_365, %dma_start3A_366] : memref<6x2x128xi32, #tpu.memory_space<vmem>> -> memref<1x2x128xi32, #tpu.memory_space<vmem>>
        %dma_start3A_368 = tpu.memref_squeeze %dma_start3A_367 : memref<1x2x128xi32, #tpu.memory_space<vmem>> -> memref<2x128xi32, #tpu.memory_space<vmem>>
        %dma_start3A_369 = arith.constant 0 : i32
        %dma_start3A_370 = tpu.memref_slice %arg3[%dma_start3A_369, %mul3A_363] : memref<2x320000xi32, #tpu.memory_space<hbm>> -> memref<2x128xi32, #tpu.memory_space<hbm>>
        %dma_start3A_371 = arith.constant 0 : i32
        %dma_start3A_372 = arith.constant 0 : i32
        %dma_start3A_373 = tpu.memref_slice %arg6[%dma_start3A_364, %dma_start3A_371, %dma_start3A_372] : memref<6x2x128xi32, #tpu.memory_space<vmem>> -> memref<1x2x128xi32, #tpu.memory_space<vmem>>
        %dma_start3A_374 = tpu.memref_squeeze %dma_start3A_373 : memref<1x2x128xi32, #tpu.memory_space<vmem>> -> memref<2x128xi32, #tpu.memory_space<vmem>>
        %dma_start3A_375 = arith.constant 0 : i32
        %dma_start3A_376 = tpu.memref_slice %arg3[%dma_start3A_375, %mul3A_363] : memref<2x320000xi32, #tpu.memory_space<hbm>> -> memref<2x128xi32, #tpu.memory_space<hbm>>
        tpu.enqueue_dma source(%dma_start3A_376 : memref<2x128xi32, #tpu.memory_space<hbm>>) target(%dma_start3A_374 : memref<2x128xi32, #tpu.memory_space<vmem>>) target_semaphore(%arg13 : memref<!tpu.dma_semaphore, #tpu.memory_space<semaphore_mem>>)
      } else {
      }
      %mul3A_153 = arith.constant 3 : i32
      %mul3A_154 = arith.muli %add3A_91, %mul3A_153 : i32
      %add3A_155 = arith.constant 2 : i32
      %add3A_156 = arith.addi %mul3A_154, %add3A_155 : i32
      %mul3A_157 = arith.constant 32 : i32
      %mul3A_158 = arith.muli %add3A_156, %mul3A_157 : i32
      %add3A_159 = arith.addi %mul3A_158, %add3A : i32
      %gt3A_160 = arith.constant 0 : i32
      %gt3A_161 = arith.cmpi sgt, %add3A_91, %gt3A_160 : i32
      %sub3A_162 = arith.constant 96 : i32
      %sub3A_163 = arith.subi %add3A_159, %sub3A_162 : i32
      %lt3A_164 = arith.constant 2500 : i32
      %lt3A_165 = arith.cmpi slt, %sub3A_163, %lt3A_164 : i32
      %and3A_166 = arith.andi %gt3A_161, %lt3A_165 : i1
      %convert_element_type3A_167 = arith.extui %and3A_166 : i1 to i32
      %cond3A_168 = arith.constant 0 : i32
      %cond3A_169 = arith.cmpi ne, %convert_element_type3A_167, %cond3A_168 : i32
      scf.if %cond3A_169 {
        %dma_wait3A = arith.constant 2 : i32
        %dma_wait3A_357 = arith.constant 5 : i32
        %dma_wait3A_358 = arith.constant 1 : i32
        %dma_wait3A_359 = arith.constant 0 : i32
        %dma_wait3A_360 = arith.constant 0 : i32
        %dma_wait3A_361 = tpu.memref_slice %arg7[%dma_wait3A, %dma_wait3A_359, %dma_wait3A_360] : memref<3x128x128xf32, #tpu.memory_space<vmem>> -> memref<1x128x128xf32, #tpu.memory_space<vmem>>
        %dma_wait3A_362 = tpu.memref_squeeze %dma_wait3A_361 : memref<1x128x128xf32, #tpu.memory_space<vmem>> -> memref<128x128xf32, #tpu.memory_space<vmem>>
        %dma_wait3A_363 = arith.constant 0 : i32
        %dma_wait3A_364 = tpu.memref_slice %arg6[%dma_wait3A_357, %dma_wait3A_358, %dma_wait3A_363] : memref<6x2x128xi32, #tpu.memory_space<vmem>> -> memref<1x1x128xi32, #tpu.memory_space<vmem>>
        %dma_wait3A_365 = tpu.memref_squeeze %dma_wait3A_364 : memref<1x1x128xi32, #tpu.memory_space<vmem>> -> memref<128xi32, #tpu.memory_space<vmem>>
        %dma_wait3A_366 = arith.constant 0 : i32
        %dma_wait3A_367 = arith.constant 0 : i32
        %dma_wait3A_368 = tpu.memref_slice %arg8[%dma_wait3A_366, %dma_wait3A_367] : memref<10000x128xf32, #tpu.memory_space<vmem_shared>> -> memref<10000x128xf32, #tpu.memory_space<vmem_shared>>
        tpu.wait_indirect_dma semaphore(%arg20 : memref<!tpu.dma_semaphore, #tpu.memory_space<semaphore_mem>>) src(%dma_wait3A_362 : memref<128x128xf32, #tpu.memory_space<vmem>>) dst(%dma_wait3A_368 : memref<10000x128xf32, #tpu.memory_space<vmem_shared>>)
      } else {
      }
      %lt3A_170 = arith.constant 2500 : i32
      %lt3A_171 = arith.cmpi slt, %add3A_159, %lt3A_170 : i32
      %convert_element_type3A_172 = arith.extui %lt3A_171 : i1 to i32
      %cond3A_173 = arith.constant 0 : i32
      %cond3A_174 = arith.cmpi ne, %convert_element_type3A_172, %cond3A_173 : i32
      scf.if %cond3A_174 {
        %mul3A_357 = arith.constant 32 : i32
        %mul3A_358 = arith.muli %add3A_156, %mul3A_357 : i32
        %add3A_359 = arith.addi %mul3A_358, %add3A : i32
        %mul3A_360 = arith.constant 128 : i32
        %mul3A_361 = arith.muli %add3A_359, %mul3A_360 : i32
        %dma_wait3A = arith.constant 2 : i32
        %dma_wait3A_362 = arith.constant 0 : i32
        %dma_wait3A_363 = arith.constant 0 : i32
        %dma_wait3A_364 = tpu.memref_slice %arg6[%dma_wait3A, %dma_wait3A_362, %dma_wait3A_363] : memref<6x2x128xi32, #tpu.memory_space<vmem>> -> memref<1x2x128xi32, #tpu.memory_space<vmem>>
        %dma_wait3A_365 = tpu.memref_squeeze %dma_wait3A_364 : memref<1x2x128xi32, #tpu.memory_space<vmem>> -> memref<2x128xi32, #tpu.memory_space<vmem>>
        %dma_wait3A_366 = arith.constant 0 : i32
        %dma_wait3A_367 = tpu.memref_slice %arg3[%dma_wait3A_366, %mul3A_361] : memref<2x320000xi32, #tpu.memory_space<hbm>> -> memref<2x128xi32, #tpu.memory_space<hbm>>
        %dma_wait3A_368 = arith.constant 0 : i32
        %dma_wait3A_369 = arith.constant 0 : i32
        %dma_wait3A_370 = tpu.memref_slice %arg6[%dma_wait3A, %dma_wait3A_368, %dma_wait3A_369] : memref<6x2x128xi32, #tpu.memory_space<vmem>> -> memref<1x2x128xi32, #tpu.memory_space<vmem>>
        %dma_wait3A_371 = tpu.memref_squeeze %dma_wait3A_370 : memref<1x2x128xi32, #tpu.memory_space<vmem>> -> memref<2x128xi32, #tpu.memory_space<vmem>>
        %dma_wait3A_372 = arith.constant 0 : i32
        %dma_wait3A_373 = tpu.memref_slice %arg3[%dma_wait3A_372, %mul3A_361] : memref<2x320000xi32, #tpu.memory_space<hbm>> -> memref<2x128xi32, #tpu.memory_space<hbm>>
        tpu.wait_dma2 semaphore(%arg11 : memref<!tpu.dma_semaphore, #tpu.memory_space<semaphore_mem>>) src(%dma_wait3A_373 : memref<2x128xi32, #tpu.memory_space<hbm>>) dst(%dma_wait3A_371 : memref<2x128xi32, #tpu.memory_space<vmem>>)
        %dma_start3A_374 = arith.constant 2 : i32
        %dma_start3A_375 = arith.constant 0 : i32
        %dma_start3A_376 = arith.constant 2 : i32
        %dma_start3A_377 = arith.constant 0 : i32
        %dma_start3A_378 = arith.constant 0 : i32
        %dma_start3A_379 = tpu.memref_slice %arg7[%dma_start3A_376, %dma_start3A_377, %dma_start3A_378] : memref<3x128x128xf32, #tpu.memory_space<vmem>> -> memref<1x128x128xf32, #tpu.memory_space<vmem>>
        %dma_start3A_380 = tpu.memref_squeeze %dma_start3A_379 : memref<1x128x128xf32, #tpu.memory_space<vmem>> -> memref<128x128xf32, #tpu.memory_space<vmem>>
        %dma_start3A_381 = arith.constant 0 : i32
        %dma_start3A_382 = tpu.memref_slice %arg6[%dma_start3A_374, %dma_start3A_375, %dma_start3A_381] : memref<6x2x128xi32, #tpu.memory_space<vmem>> -> memref<1x1x128xi32, #tpu.memory_space<vmem>>
        %dma_start3A_383 = tpu.memref_squeeze %dma_start3A_382 : memref<1x1x128xi32, #tpu.memory_space<vmem>> -> memref<128xi32, #tpu.memory_space<vmem>>
        %dma_start3A_384 = arith.constant 0 : i32
        %dma_start3A_385 = arith.constant 0 : i32
        %dma_start3A_386 = tpu.memref_slice %arg2[%dma_start3A_384, %dma_start3A_385] : memref<10000x128xf32, #tpu.memory_space<hbm>> -> memref<10000x128xf32, #tpu.memory_space<hbm>>
        tpu.enqueue_indirect_dma source(%dma_start3A_386 : memref<10000x128xf32, #tpu.memory_space<hbm>>) target(%dma_start3A_380 : memref<128x128xf32, #tpu.memory_space<vmem>>) offsets(%dma_start3A_383 : memref<128xi32, #tpu.memory_space<vmem>>) semaphore(%arg17 : memref<!tpu.dma_semaphore, #tpu.memory_space<semaphore_mem>>)
      } else {
      }
      %add3A_175 = arith.constant 3 : i32
      %add3A_176 = arith.addi %add3A_156, %add3A_175 : i32
      %mul3A_177 = arith.constant 32 : i32
      %mul3A_178 = arith.muli %add3A_176, %mul3A_177 : i32
      %add3A_179 = arith.addi %mul3A_178, %add3A : i32
      %lt3A_180 = arith.constant 2500 : i32
      %lt3A_181 = arith.cmpi slt, %add3A_179, %lt3A_180 : i32
      %convert_element_type3A_182 = arith.extui %lt3A_181 : i1 to i32
      %cond3A_183 = arith.constant 0 : i32
      %cond3A_184 = arith.cmpi ne, %convert_element_type3A_182, %cond3A_183 : i32
      scf.if %cond3A_184 {
        %add3A_357 = arith.constant 3 : i32
        %add3A_358 = arith.addi %add3A_156, %add3A_357 : i32
        %mul3A_359 = arith.constant 32 : i32
        %mul3A_360 = arith.muli %add3A_358, %mul3A_359 : i32
        %add3A_361 = arith.addi %mul3A_360, %add3A : i32
        %mul3A_362 = arith.constant 128 : i32
        %mul3A_363 = arith.muli %add3A_361, %mul3A_362 : i32
        %dma_start3A_364 = arith.constant 5 : i32
        %dma_start3A_365 = arith.constant 0 : i32
        %dma_start3A_366 = arith.constant 0 : i32
        %dma_start3A_367 = tpu.memref_slice %arg6[%dma_start3A_364, %dma_start3A_365, %dma_start3A_366] : memref<6x2x128xi32, #tpu.memory_space<vmem>> -> memref<1x2x128xi32, #tpu.memory_space<vmem>>
        %dma_start3A_368 = tpu.memref_squeeze %dma_start3A_367 : memref<1x2x128xi32, #tpu.memory_space<vmem>> -> memref<2x128xi32, #tpu.memory_space<vmem>>
        %dma_start3A_369 = arith.constant 0 : i32
        %dma_start3A_370 = tpu.memref_slice %arg3[%dma_start3A_369, %mul3A_363] : memref<2x320000xi32, #tpu.memory_space<hbm>> -> memref<2x128xi32, #tpu.memory_space<hbm>>
        %dma_start3A_371 = arith.constant 0 : i32
        %dma_start3A_372 = arith.constant 0 : i32
        %dma_start3A_373 = tpu.memref_slice %arg6[%dma_start3A_364, %dma_start3A_371, %dma_start3A_372] : memref<6x2x128xi32, #tpu.memory_space<vmem>> -> memref<1x2x128xi32, #tpu.memory_space<vmem>>
        %dma_start3A_374 = tpu.memref_squeeze %dma_start3A_373 : memref<1x2x128xi32, #tpu.memory_space<vmem>> -> memref<2x128xi32, #tpu.memory_space<vmem>>
        %dma_start3A_375 = arith.constant 0 : i32
        %dma_start3A_376 = tpu.memref_slice %arg3[%dma_start3A_375, %mul3A_363] : memref<2x320000xi32, #tpu.memory_space<hbm>> -> memref<2x128xi32, #tpu.memory_space<hbm>>
        tpu.enqueue_dma source(%dma_start3A_376 : memref<2x128xi32, #tpu.memory_space<hbm>>) target(%dma_start3A_374 : memref<2x128xi32, #tpu.memory_space<vmem>>) target_semaphore(%arg14 : memref<!tpu.dma_semaphore, #tpu.memory_space<semaphore_mem>>)
      } else {
      }
      %mul3A_185 = arith.constant 3 : i32
      %mul3A_186 = arith.muli %add3A_91, %mul3A_185 : i32
      %add3A_187 = arith.constant 0 : i32
      %add3A_188 = arith.addi %mul3A_186, %add3A_187 : i32
      %mul3A_189 = arith.constant 32 : i32
      %mul3A_190 = arith.muli %add3A_188, %mul3A_189 : i32
      %add3A_191 = arith.addi %mul3A_190, %add3A : i32
      %lt3A_192 = arith.constant 2500 : i32
      %lt3A_193 = arith.cmpi slt, %add3A_191, %lt3A_192 : i32
      %convert_element_type3A_194 = arith.extui %lt3A_193 : i1 to i32
      %cond3A_195 = arith.constant 0 : i32
      %cond3A_196 = arith.cmpi ne, %convert_element_type3A_194, %cond3A_195 : i32
      scf.if %cond3A_196 {
        %dma_wait3A = arith.constant 0 : i32
        %dma_wait3A_357 = arith.constant 0 : i32
        %dma_wait3A_358 = arith.constant 0 : i32
        %dma_wait3A_359 = arith.constant 0 : i32
        %dma_wait3A_360 = arith.constant 0 : i32
        %dma_wait3A_361 = tpu.memref_slice %arg7[%dma_wait3A_358, %dma_wait3A_359, %dma_wait3A_360] : memref<3x128x128xf32, #tpu.memory_space<vmem>> -> memref<1x128x128xf32, #tpu.memory_space<vmem>>
        %dma_wait3A_362 = tpu.memref_squeeze %dma_wait3A_361 : memref<1x128x128xf32, #tpu.memory_space<vmem>> -> memref<128x128xf32, #tpu.memory_space<vmem>>
        %dma_wait3A_363 = arith.constant 0 : i32
        %dma_wait3A_364 = tpu.memref_slice %arg6[%dma_wait3A, %dma_wait3A_357, %dma_wait3A_363] : memref<6x2x128xi32, #tpu.memory_space<vmem>> -> memref<1x1x128xi32, #tpu.memory_space<vmem>>
        %dma_wait3A_365 = tpu.memref_squeeze %dma_wait3A_364 : memref<1x1x128xi32, #tpu.memory_space<vmem>> -> memref<128xi32, #tpu.memory_space<vmem>>
        %dma_wait3A_366 = arith.constant 0 : i32
        %dma_wait3A_367 = arith.constant 0 : i32
        %dma_wait3A_368 = tpu.memref_slice %arg2[%dma_wait3A_366, %dma_wait3A_367] : memref<10000x128xf32, #tpu.memory_space<hbm>> -> memref<10000x128xf32, #tpu.memory_space<hbm>>
        tpu.wait_indirect_dma semaphore(%arg15 : memref<!tpu.dma_semaphore, #tpu.memory_space<semaphore_mem>>) src(%dma_wait3A_368 : memref<10000x128xf32, #tpu.memory_space<hbm>>) dst(%dma_wait3A_362 : memref<128x128xf32, #tpu.memory_space<vmem>>)
        %dma_start3A_369 = arith.constant 0 : i32
        %dma_start3A_370 = arith.constant 0 : i32
        %dma_start3A_371 = arith.constant 1 : i32
        %dma_start3A_372 = arith.constant 0 : i32
        %dma_start3A_373 = arith.constant 0 : i32
        %dma_start3A_374 = tpu.memref_slice %arg7[%dma_start3A_369, %dma_start3A_372, %dma_start3A_373] : memref<3x128x128xf32, #tpu.memory_space<vmem>> -> memref<1x128x128xf32, #tpu.memory_space<vmem>>
        %dma_start3A_375 = tpu.memref_squeeze %dma_start3A_374 : memref<1x128x128xf32, #tpu.memory_space<vmem>> -> memref<128x128xf32, #tpu.memory_space<vmem>>
        %dma_start3A_376 = arith.constant 0 : i32
        %dma_start3A_377 = tpu.memref_slice %arg6[%dma_start3A_370, %dma_start3A_371, %dma_start3A_376] : memref<6x2x128xi32, #tpu.memory_space<vmem>> -> memref<1x1x128xi32, #tpu.memory_space<vmem>>
        %dma_start3A_378 = tpu.memref_squeeze %dma_start3A_377 : memref<1x1x128xi32, #tpu.memory_space<vmem>> -> memref<128xi32, #tpu.memory_space<vmem>>
        %dma_start3A_379 = arith.constant 0 : i32
        %dma_start3A_380 = arith.constant 0 : i32
        %dma_start3A_381 = tpu.memref_slice %arg8[%dma_start3A_379, %dma_start3A_380] : memref<10000x128xf32, #tpu.memory_space<vmem_shared>> -> memref<10000x128xf32, #tpu.memory_space<vmem_shared>>
        tpu.enqueue_indirect_dma source(%dma_start3A_375 : memref<128x128xf32, #tpu.memory_space<vmem>>) target(%dma_start3A_381 : memref<10000x128xf32, #tpu.memory_space<vmem_shared>>) offsets(%dma_start3A_378 : memref<128xi32, #tpu.memory_space<vmem>>) semaphore(%arg18 : memref<!tpu.dma_semaphore, #tpu.memory_space<semaphore_mem>>) {add = true}
      } else {
      }
      %mul3A_197 = arith.constant 3 : i32
      %mul3A_198 = arith.muli %add3A_91, %mul3A_197 : i32
      %add3A_199 = arith.constant 1 : i32
      %add3A_200 = arith.addi %mul3A_198, %add3A_199 : i32
      %mul3A_201 = arith.constant 32 : i32
      %mul3A_202 = arith.muli %add3A_200, %mul3A_201 : i32
      %add3A_203 = arith.addi %mul3A_202, %add3A : i32
      %lt3A_204 = arith.constant 2500 : i32
      %lt3A_205 = arith.cmpi slt, %add3A_203, %lt3A_204 : i32
      %convert_element_type3A_206 = arith.extui %lt3A_205 : i1 to i32
      %cond3A_207 = arith.constant 0 : i32
      %cond3A_208 = arith.cmpi ne, %convert_element_type3A_206, %cond3A_207 : i32
      scf.if %cond3A_208 {
        %dma_wait3A = arith.constant 1 : i32
        %dma_wait3A_357 = arith.constant 0 : i32
        %dma_wait3A_358 = arith.constant 1 : i32
        %dma_wait3A_359 = arith.constant 0 : i32
        %dma_wait3A_360 = arith.constant 0 : i32
        %dma_wait3A_361 = tpu.memref_slice %arg7[%dma_wait3A_358, %dma_wait3A_359, %dma_wait3A_360] : memref<3x128x128xf32, #tpu.memory_space<vmem>> -> memref<1x128x128xf32, #tpu.memory_space<vmem>>
        %dma_wait3A_362 = tpu.memref_squeeze %dma_wait3A_361 : memref<1x128x128xf32, #tpu.memory_space<vmem>> -> memref<128x128xf32, #tpu.memory_space<vmem>>
        %dma_wait3A_363 = arith.constant 0 : i32
        %dma_wait3A_364 = tpu.memref_slice %arg6[%dma_wait3A, %dma_wait3A_357, %dma_wait3A_363] : memref<6x2x128xi32, #tpu.memory_space<vmem>> -> memref<1x1x128xi32, #tpu.memory_space<vmem>>
        %dma_wait3A_365 = tpu.memref_squeeze %dma_wait3A_364 : memref<1x1x128xi32, #tpu.memory_space<vmem>> -> memref<128xi32, #tpu.memory_space<vmem>>
        %dma_wait3A_366 = arith.constant 0 : i32
        %dma_wait3A_367 = arith.constant 0 : i32
        %dma_wait3A_368 = tpu.memref_slice %arg2[%dma_wait3A_366, %dma_wait3A_367] : memref<10000x128xf32, #tpu.memory_space<hbm>> -> memref<10000x128xf32, #tpu.memory_space<hbm>>
        tpu.wait_indirect_dma semaphore(%arg16 : memref<!tpu.dma_semaphore, #tpu.memory_space<semaphore_mem>>) src(%dma_wait3A_368 : memref<10000x128xf32, #tpu.memory_space<hbm>>) dst(%dma_wait3A_362 : memref<128x128xf32, #tpu.memory_space<vmem>>)
        %dma_start3A_369 = arith.constant 1 : i32
        %dma_start3A_370 = arith.constant 1 : i32
        %dma_start3A_371 = arith.constant 1 : i32
        %dma_start3A_372 = arith.constant 0 : i32
        %dma_start3A_373 = arith.constant 0 : i32
        %dma_start3A_374 = tpu.memref_slice %arg7[%dma_start3A_369, %dma_start3A_372, %dma_start3A_373] : memref<3x128x128xf32, #tpu.memory_space<vmem>> -> memref<1x128x128xf32, #tpu.memory_space<vmem>>
        %dma_start3A_375 = tpu.memref_squeeze %dma_start3A_374 : memref<1x128x128xf32, #tpu.memory_space<vmem>> -> memref<128x128xf32, #tpu.memory_space<vmem>>
        %dma_start3A_376 = arith.constant 0 : i32
        %dma_start3A_377 = tpu.memref_slice %arg6[%dma_start3A_370, %dma_start3A_371, %dma_start3A_376] : memref<6x2x128xi32, #tpu.memory_space<vmem>> -> memref<1x1x128xi32, #tpu.memory_space<vmem>>
        %dma_start3A_378 = tpu.memref_squeeze %dma_start3A_377 : memref<1x1x128xi32, #tpu.memory_space<vmem>> -> memref<128xi32, #tpu.memory_space<vmem>>
        %dma_start3A_379 = arith.constant 0 : i32
        %dma_start3A_380 = arith.constant 0 : i32
        %dma_start3A_381 = tpu.memref_slice %arg8[%dma_start3A_379, %dma_start3A_380] : memref<10000x128xf32, #tpu.memory_space<vmem_shared>> -> memref<10000x128xf32, #tpu.memory_space<vmem_shared>>
        tpu.enqueue_indirect_dma source(%dma_start3A_375 : memref<128x128xf32, #tpu.memory_space<vmem>>) target(%dma_start3A_381 : memref<10000x128xf32, #tpu.memory_space<vmem_shared>>) offsets(%dma_start3A_378 : memref<128xi32, #tpu.memory_space<vmem>>) semaphore(%arg19 : memref<!tpu.dma_semaphore, #tpu.memory_space<semaphore_mem>>) {add = true}
      } else {
      }
      %mul3A_209 = arith.constant 3 : i32
      %mul3A_210 = arith.muli %add3A_91, %mul3A_209 : i32
      %add3A_211 = arith.constant 2 : i32
      %add3A_212 = arith.addi %mul3A_210, %add3A_211 : i32
      %mul3A_213 = arith.constant 32 : i32
      %mul3A_214 = arith.muli %add3A_212, %mul3A_213 : i32
      %add3A_215 = arith.addi %mul3A_214, %add3A : i32
      %lt3A_216 = arith.constant 2500 : i32
      %lt3A_217 = arith.cmpi slt, %add3A_215, %lt3A_216 : i32
      %convert_element_type3A_218 = arith.extui %lt3A_217 : i1 to i32
      %cond3A_219 = arith.constant 0 : i32
      %cond3A_220 = arith.cmpi ne, %convert_element_type3A_218, %cond3A_219 : i32
      scf.if %cond3A_220 {
        %dma_wait3A = arith.constant 2 : i32
        %dma_wait3A_357 = arith.constant 0 : i32
        %dma_wait3A_358 = arith.constant 2 : i32
        %dma_wait3A_359 = arith.constant 0 : i32
        %dma_wait3A_360 = arith.constant 0 : i32
        %dma_wait3A_361 = tpu.memref_slice %arg7[%dma_wait3A_358, %dma_wait3A_359, %dma_wait3A_360] : memref<3x128x128xf32, #tpu.memory_space<vmem>> -> memref<1x128x128xf32, #tpu.memory_space<vmem>>
        %dma_wait3A_362 = tpu.memref_squeeze %dma_wait3A_361 : memref<1x128x128xf32, #tpu.memory_space<vmem>> -> memref<128x128xf32, #tpu.memory_space<vmem>>
        %dma_wait3A_363 = arith.constant 0 : i32
        %dma_wait3A_364 = tpu.memref_slice %arg6[%dma_wait3A, %dma_wait3A_357, %dma_wait3A_363] : memref<6x2x128xi32, #tpu.memory_space<vmem>> -> memref<1x1x128xi32, #tpu.memory_space<vmem>>
        %dma_wait3A_365 = tpu.memref_squeeze %dma_wait3A_364 : memref<1x1x128xi32, #tpu.memory_space<vmem>> -> memref<128xi32, #tpu.memory_space<vmem>>
        %dma_wait3A_366 = arith.constant 0 : i32
        %dma_wait3A_367 = arith.constant 0 : i32
        %dma_wait3A_368 = tpu.memref_slice %arg2[%dma_wait3A_366, %dma_wait3A_367] : memref<10000x128xf32, #tpu.memory_space<hbm>> -> memref<10000x128xf32, #tpu.memory_space<hbm>>
        tpu.wait_indirect_dma semaphore(%arg17 : memref<!tpu.dma_semaphore, #tpu.memory_space<semaphore_mem>>) src(%dma_wait3A_368 : memref<10000x128xf32, #tpu.memory_space<hbm>>) dst(%dma_wait3A_362 : memref<128x128xf32, #tpu.memory_space<vmem>>)
        %dma_start3A_369 = arith.constant 2 : i32
        %dma_start3A_370 = arith.constant 2 : i32
        %dma_start3A_371 = arith.constant 1 : i32
        %dma_start3A_372 = arith.constant 0 : i32
        %dma_start3A_373 = arith.constant 0 : i32
        %dma_start3A_374 = tpu.memref_slice %arg7[%dma_start3A_369, %dma_start3A_372, %dma_start3A_373] : memref<3x128x128xf32, #tpu.memory_space<vmem>> -> memref<1x128x128xf32, #tpu.memory_space<vmem>>
        %dma_start3A_375 = tpu.memref_squeeze %dma_start3A_374 : memref<1x128x128xf32, #tpu.memory_space<vmem>> -> memref<128x128xf32, #tpu.memory_space<vmem>>
        %dma_start3A_376 = arith.constant 0 : i32
        %dma_start3A_377 = tpu.memref_slice %arg6[%dma_start3A_370, %dma_start3A_371, %dma_start3A_376] : memref<6x2x128xi32, #tpu.memory_space<vmem>> -> memref<1x1x128xi32, #tpu.memory_space<vmem>>
        %dma_start3A_378 = tpu.memref_squeeze %dma_start3A_377 : memref<1x1x128xi32, #tpu.memory_space<vmem>> -> memref<128xi32, #tpu.memory_space<vmem>>
        %dma_start3A_379 = arith.constant 0 : i32
        %dma_start3A_380 = arith.constant 0 : i32
        %dma_start3A_381 = tpu.memref_slice %arg8[%dma_start3A_379, %dma_start3A_380] : memref<10000x128xf32, #tpu.memory_space<vmem_shared>> -> memref<10000x128xf32, #tpu.memory_space<vmem_shared>>
        tpu.enqueue_indirect_dma source(%dma_start3A_375 : memref<128x128xf32, #tpu.memory_space<vmem>>) target(%dma_start3A_381 : memref<10000x128xf32, #tpu.memory_space<vmem_shared>>) offsets(%dma_start3A_378 : memref<128xi32, #tpu.memory_space<vmem>>) semaphore(%arg20 : memref<!tpu.dma_semaphore, #tpu.memory_space<semaphore_mem>>) {add = true}
      } else {
      }
      %mul3A_221 = arith.constant 2 : i32
      %mul3A_222 = arith.muli %scan3A_87, %mul3A_221 : i32
      %add3A_223 = arith.constant 1 : i32
      %add3A_224 = arith.addi %mul3A_222, %add3A_223 : i32
      %mul3A_225 = arith.constant 3 : i32
      %mul3A_226 = arith.muli %add3A_224, %mul3A_225 : i32
      %add3A_227 = arith.constant 0 : i32
      %add3A_228 = arith.addi %mul3A_226, %add3A_227 : i32
      %mul3A_229 = arith.constant 32 : i32
      %mul3A_230 = arith.muli %add3A_228, %mul3A_229 : i32
      %add3A_231 = arith.addi %mul3A_230, %add3A : i32
      %gt3A_232 = arith.constant 0 : i32
      %gt3A_233 = arith.cmpi sgt, %add3A_224, %gt3A_232 : i32
      %sub3A_234 = arith.constant 96 : i32
      %sub3A_235 = arith.subi %add3A_231, %sub3A_234 : i32
      %lt3A_236 = arith.constant 2500 : i32
      %lt3A_237 = arith.cmpi slt, %sub3A_235, %lt3A_236 : i32
      %and3A_238 = arith.andi %gt3A_233, %lt3A_237 : i1
      %convert_element_type3A_239 = arith.extui %and3A_238 : i1 to i32
      %cond3A_240 = arith.constant 0 : i32
      %cond3A_241 = arith.cmpi ne, %convert_element_type3A_239, %cond3A_240 : i32
      scf.if %cond3A_241 {
        %dma_wait3A = arith.constant 0 : i32
        %dma_wait3A_357 = arith.constant 0 : i32
        %dma_wait3A_358 = arith.constant 1 : i32
        %dma_wait3A_359 = arith.constant 0 : i32
        %dma_wait3A_360 = arith.constant 0 : i32
        %dma_wait3A_361 = tpu.memref_slice %arg7[%dma_wait3A, %dma_wait3A_359, %dma_wait3A_360] : memref<3x128x128xf32, #tpu.memory_space<vmem>> -> memref<1x128x128xf32, #tpu.memory_space<vmem>>
        %dma_wait3A_362 = tpu.memref_squeeze %dma_wait3A_361 : memref<1x128x128xf32, #tpu.memory_space<vmem>> -> memref<128x128xf32, #tpu.memory_space<vmem>>
        %dma_wait3A_363 = arith.constant 0 : i32
        %dma_wait3A_364 = tpu.memref_slice %arg6[%dma_wait3A_357, %dma_wait3A_358, %dma_wait3A_363] : memref<6x2x128xi32, #tpu.memory_space<vmem>> -> memref<1x1x128xi32, #tpu.memory_space<vmem>>
        %dma_wait3A_365 = tpu.memref_squeeze %dma_wait3A_364 : memref<1x1x128xi32, #tpu.memory_space<vmem>> -> memref<128xi32, #tpu.memory_space<vmem>>
        %dma_wait3A_366 = arith.constant 0 : i32
        %dma_wait3A_367 = arith.constant 0 : i32
        %dma_wait3A_368 = tpu.memref_slice %arg8[%dma_wait3A_366, %dma_wait3A_367] : memref<10000x128xf32, #tpu.memory_space<vmem_shared>> -> memref<10000x128xf32, #tpu.memory_space<vmem_shared>>
        tpu.wait_indirect_dma semaphore(%arg18 : memref<!tpu.dma_semaphore, #tpu.memory_space<semaphore_mem>>) src(%dma_wait3A_362 : memref<128x128xf32, #tpu.memory_space<vmem>>) dst(%dma_wait3A_368 : memref<10000x128xf32, #tpu.memory_space<vmem_shared>>)
      } else {
      }
      %lt3A_242 = arith.constant 2500 : i32
      %lt3A_243 = arith.cmpi slt, %add3A_231, %lt3A_242 : i32
      %convert_element_type3A_244 = arith.extui %lt3A_243 : i1 to i32
      %cond3A_245 = arith.constant 0 : i32
      %cond3A_246 = arith.cmpi ne, %convert_element_type3A_244, %cond3A_245 : i32
      scf.if %cond3A_246 {
        %mul3A_357 = arith.constant 32 : i32
        %mul3A_358 = arith.muli %add3A_228, %mul3A_357 : i32
        %add3A_359 = arith.addi %mul3A_358, %add3A : i32
        %mul3A_360 = arith.constant 128 : i32
        %mul3A_361 = arith.muli %add3A_359, %mul3A_360 : i32
        %dma_wait3A = arith.constant 3 : i32
        %dma_wait3A_362 = arith.constant 0 : i32
        %dma_wait3A_363 = arith.constant 0 : i32
        %dma_wait3A_364 = tpu.memref_slice %arg6[%dma_wait3A, %dma_wait3A_362, %dma_wait3A_363] : memref<6x2x128xi32, #tpu.memory_space<vmem>> -> memref<1x2x128xi32, #tpu.memory_space<vmem>>
        %dma_wait3A_365 = tpu.memref_squeeze %dma_wait3A_364 : memref<1x2x128xi32, #tpu.memory_space<vmem>> -> memref<2x128xi32, #tpu.memory_space<vmem>>
        %dma_wait3A_366 = arith.constant 0 : i32
        %dma_wait3A_367 = tpu.memref_slice %arg3[%dma_wait3A_366, %mul3A_361] : memref<2x320000xi32, #tpu.memory_space<hbm>> -> memref<2x128xi32, #tpu.memory_space<hbm>>
        %dma_wait3A_368 = arith.constant 0 : i32
        %dma_wait3A_369 = arith.constant 0 : i32
        %dma_wait3A_370 = tpu.memref_slice %arg6[%dma_wait3A, %dma_wait3A_368, %dma_wait3A_369] : memref<6x2x128xi32, #tpu.memory_space<vmem>> -> memref<1x2x128xi32, #tpu.memory_space<vmem>>
        %dma_wait3A_371 = tpu.memref_squeeze %dma_wait3A_370 : memref<1x2x128xi32, #tpu.memory_space<vmem>> -> memref<2x128xi32, #tpu.memory_space<vmem>>
        %dma_wait3A_372 = arith.constant 0 : i32
        %dma_wait3A_373 = tpu.memref_slice %arg3[%dma_wait3A_372, %mul3A_361] : memref<2x320000xi32, #tpu.memory_space<hbm>> -> memref<2x128xi32, #tpu.memory_space<hbm>>
        tpu.wait_dma2 semaphore(%arg12 : memref<!tpu.dma_semaphore, #tpu.memory_space<semaphore_mem>>) src(%dma_wait3A_373 : memref<2x128xi32, #tpu.memory_space<hbm>>) dst(%dma_wait3A_371 : memref<2x128xi32, #tpu.memory_space<vmem>>)
        %dma_start3A_374 = arith.constant 3 : i32
        %dma_start3A_375 = arith.constant 0 : i32
        %dma_start3A_376 = arith.constant 0 : i32
        %dma_start3A_377 = arith.constant 0 : i32
        %dma_start3A_378 = arith.constant 0 : i32
        %dma_start3A_379 = tpu.memref_slice %arg7[%dma_start3A_376, %dma_start3A_377, %dma_start3A_378] : memref<3x128x128xf32, #tpu.memory_space<vmem>> -> memref<1x128x128xf32, #tpu.memory_space<vmem>>
        %dma_start3A_380 = tpu.memref_squeeze %dma_start3A_379 : memref<1x128x128xf32, #tpu.memory_space<vmem>> -> memref<128x128xf32, #tpu.memory_space<vmem>>
        %dma_start3A_381 = arith.constant 0 : i32
        %dma_start3A_382 = tpu.memref_slice %arg6[%dma_start3A_374, %dma_start3A_375, %dma_start3A_381] : memref<6x2x128xi32, #tpu.memory_space<vmem>> -> memref<1x1x128xi32, #tpu.memory_space<vmem>>
        %dma_start3A_383 = tpu.memref_squeeze %dma_start3A_382 : memref<1x1x128xi32, #tpu.memory_space<vmem>> -> memref<128xi32, #tpu.memory_space<vmem>>
        %dma_start3A_384 = arith.constant 0 : i32
        %dma_start3A_385 = arith.constant 0 : i32
        %dma_start3A_386 = tpu.memref_slice %arg2[%dma_start3A_384, %dma_start3A_385] : memref<10000x128xf32, #tpu.memory_space<hbm>> -> memref<10000x128xf32, #tpu.memory_space<hbm>>
        tpu.enqueue_indirect_dma source(%dma_start3A_386 : memref<10000x128xf32, #tpu.memory_space<hbm>>) target(%dma_start3A_380 : memref<128x128xf32, #tpu.memory_space<vmem>>) offsets(%dma_start3A_383 : memref<128xi32, #tpu.memory_space<vmem>>) semaphore(%arg15 : memref<!tpu.dma_semaphore, #tpu.memory_space<semaphore_mem>>)
      } else {
      }
      %add3A_247 = arith.constant 3 : i32
      %add3A_248 = arith.addi %add3A_228, %add3A_247 : i32
      %mul3A_249 = arith.constant 32 : i32
      %mul3A_250 = arith.muli %add3A_248, %mul3A_249 : i32
      %add3A_251 = arith.addi %mul3A_250, %add3A : i32
      %lt3A_252 = arith.constant 2500 : i32
      %lt3A_253 = arith.cmpi slt, %add3A_251, %lt3A_252 : i32
      %convert_element_type3A_254 = arith.extui %lt3A_253 : i1 to i32
      %cond3A_255 = arith.constant 0 : i32
      %cond3A_256 = arith.cmpi ne, %convert_element_type3A_254, %cond3A_255 : i32
      scf.if %cond3A_256 {
        %add3A_357 = arith.constant 3 : i32
        %add3A_358 = arith.addi %add3A_228, %add3A_357 : i32
        %mul3A_359 = arith.constant 32 : i32
        %mul3A_360 = arith.muli %add3A_358, %mul3A_359 : i32
        %add3A_361 = arith.addi %mul3A_360, %add3A : i32
        %mul3A_362 = arith.constant 128 : i32
        %mul3A_363 = arith.muli %add3A_361, %mul3A_362 : i32
        %dma_start3A_364 = arith.constant 0 : i32
        %dma_start3A_365 = arith.constant 0 : i32
        %dma_start3A_366 = arith.constant 0 : i32
        %dma_start3A_367 = tpu.memref_slice %arg6[%dma_start3A_364, %dma_start3A_365, %dma_start3A_366] : memref<6x2x128xi32, #tpu.memory_space<vmem>> -> memref<1x2x128xi32, #tpu.memory_space<vmem>>
        %dma_start3A_368 = tpu.memref_squeeze %dma_start3A_367 : memref<1x2x128xi32, #tpu.memory_space<vmem>> -> memref<2x128xi32, #tpu.memory_space<vmem>>
        %dma_start3A_369 = arith.constant 0 : i32
        %dma_start3A_370 = tpu.memref_slice %arg3[%dma_start3A_369, %mul3A_363] : memref<2x320000xi32, #tpu.memory_space<hbm>> -> memref<2x128xi32, #tpu.memory_space<hbm>>
        %dma_start3A_371 = arith.constant 0 : i32
        %dma_start3A_372 = arith.constant 0 : i32
        %dma_start3A_373 = tpu.memref_slice %arg6[%dma_start3A_364, %dma_start3A_371, %dma_start3A_372] : memref<6x2x128xi32, #tpu.memory_space<vmem>> -> memref<1x2x128xi32, #tpu.memory_space<vmem>>
        %dma_start3A_374 = tpu.memref_squeeze %dma_start3A_373 : memref<1x2x128xi32, #tpu.memory_space<vmem>> -> memref<2x128xi32, #tpu.memory_space<vmem>>
        %dma_start3A_375 = arith.constant 0 : i32
        %dma_start3A_376 = tpu.memref_slice %arg3[%dma_start3A_375, %mul3A_363] : memref<2x320000xi32, #tpu.memory_space<hbm>> -> memref<2x128xi32, #tpu.memory_space<hbm>>
        tpu.enqueue_dma source(%dma_start3A_376 : memref<2x128xi32, #tpu.memory_space<hbm>>) target(%dma_start3A_374 : memref<2x128xi32, #tpu.memory_space<vmem>>) target_semaphore(%arg9 : memref<!tpu.dma_semaphore, #tpu.memory_space<semaphore_mem>>)
      } else {
      }
      %mul3A_257 = arith.constant 3 : i32
      %mul3A_258 = arith.muli %add3A_224, %mul3A_257 : i32
      %add3A_259 = arith.constant 1 : i32
      %add3A_260 = arith.addi %mul3A_258, %add3A_259 : i32
      %mul3A_261 = arith.constant 32 : i32
      %mul3A_262 = arith.muli %add3A_260, %mul3A_261 : i32
      %add3A_263 = arith.addi %mul3A_262, %add3A : i32
      %gt3A_264 = arith.constant 0 : i32
      %gt3A_265 = arith.cmpi sgt, %add3A_224, %gt3A_264 : i32
      %sub3A_266 = arith.constant 96 : i32
      %sub3A_267 = arith.subi %add3A_263, %sub3A_266 : i32
      %lt3A_268 = arith.constant 2500 : i32
      %lt3A_269 = arith.cmpi slt, %sub3A_267, %lt3A_268 : i32
      %and3A_270 = arith.andi %gt3A_265, %lt3A_269 : i1
      %convert_element_type3A_271 = arith.extui %and3A_270 : i1 to i32
      %cond3A_272 = arith.constant 0 : i32
      %cond3A_273 = arith.cmpi ne, %convert_element_type3A_271, %cond3A_272 : i32
      scf.if %cond3A_273 {
        %dma_wait3A = arith.constant 1 : i32
        %dma_wait3A_357 = arith.constant 1 : i32
        %dma_wait3A_358 = arith.constant 1 : i32
        %dma_wait3A_359 = arith.constant 0 : i32
        %dma_wait3A_360 = arith.constant 0 : i32
        %dma_wait3A_361 = tpu.memref_slice %arg7[%dma_wait3A, %dma_wait3A_359, %dma_wait3A_360] : memref<3x128x128xf32, #tpu.memory_space<vmem>> -> memref<1x128x128xf32, #tpu.memory_space<vmem>>
        %dma_wait3A_362 = tpu.memref_squeeze %dma_wait3A_361 : memref<1x128x128xf32, #tpu.memory_space<vmem>> -> memref<128x128xf32, #tpu.memory_space<vmem>>
        %dma_wait3A_363 = arith.constant 0 : i32
        %dma_wait3A_364 = tpu.memref_slice %arg6[%dma_wait3A_357, %dma_wait3A_358, %dma_wait3A_363] : memref<6x2x128xi32, #tpu.memory_space<vmem>> -> memref<1x1x128xi32, #tpu.memory_space<vmem>>
        %dma_wait3A_365 = tpu.memref_squeeze %dma_wait3A_364 : memref<1x1x128xi32, #tpu.memory_space<vmem>> -> memref<128xi32, #tpu.memory_space<vmem>>
        %dma_wait3A_366 = arith.constant 0 : i32
        %dma_wait3A_367 = arith.constant 0 : i32
        %dma_wait3A_368 = tpu.memref_slice %arg8[%dma_wait3A_366, %dma_wait3A_367] : memref<10000x128xf32, #tpu.memory_space<vmem_shared>> -> memref<10000x128xf32, #tpu.memory_space<vmem_shared>>
        tpu.wait_indirect_dma semaphore(%arg19 : memref<!tpu.dma_semaphore, #tpu.memory_space<semaphore_mem>>) src(%dma_wait3A_362 : memref<128x128xf32, #tpu.memory_space<vmem>>) dst(%dma_wait3A_368 : memref<10000x128xf32, #tpu.memory_space<vmem_shared>>)
      } else {
      }
      %lt3A_274 = arith.constant 2500 : i32
      %lt3A_275 = arith.cmpi slt, %add3A_263, %lt3A_274 : i32
      %convert_element_type3A_276 = arith.extui %lt3A_275 : i1 to i32
      %cond3A_277 = arith.constant 0 : i32
      %cond3A_278 = arith.cmpi ne, %convert_element_type3A_276, %cond3A_277 : i32
      scf.if %cond3A_278 {
        %mul3A_357 = arith.constant 32 : i32
        %mul3A_358 = arith.muli %add3A_260, %mul3A_357 : i32
        %add3A_359 = arith.addi %mul3A_358, %add3A : i32
        %mul3A_360 = arith.constant 128 : i32
        %mul3A_361 = arith.muli %add3A_359, %mul3A_360 : i32
        %dma_wait3A = arith.constant 4 : i32
        %dma_wait3A_362 = arith.constant 0 : i32
        %dma_wait3A_363 = arith.constant 0 : i32
        %dma_wait3A_364 = tpu.memref_slice %arg6[%dma_wait3A, %dma_wait3A_362, %dma_wait3A_363] : memref<6x2x128xi32, #tpu.memory_space<vmem>> -> memref<1x2x128xi32, #tpu.memory_space<vmem>>
        %dma_wait3A_365 = tpu.memref_squeeze %dma_wait3A_364 : memref<1x2x128xi32, #tpu.memory_space<vmem>> -> memref<2x128xi32, #tpu.memory_space<vmem>>
        %dma_wait3A_366 = arith.constant 0 : i32
        %dma_wait3A_367 = tpu.memref_slice %arg3[%dma_wait3A_366, %mul3A_361] : memref<2x320000xi32, #tpu.memory_space<hbm>> -> memref<2x128xi32, #tpu.memory_space<hbm>>
        %dma_wait3A_368 = arith.constant 0 : i32
        %dma_wait3A_369 = arith.constant 0 : i32
        %dma_wait3A_370 = tpu.memref_slice %arg6[%dma_wait3A, %dma_wait3A_368, %dma_wait3A_369] : memref<6x2x128xi32, #tpu.memory_space<vmem>> -> memref<1x2x128xi32, #tpu.memory_space<vmem>>
        %dma_wait3A_371 = tpu.memref_squeeze %dma_wait3A_370 : memref<1x2x128xi32, #tpu.memory_space<vmem>> -> memref<2x128xi32, #tpu.memory_space<vmem>>
        %dma_wait3A_372 = arith.constant 0 : i32
        %dma_wait3A_373 = tpu.memref_slice %arg3[%dma_wait3A_372, %mul3A_361] : memref<2x320000xi32, #tpu.memory_space<hbm>> -> memref<2x128xi32, #tpu.memory_space<hbm>>
        tpu.wait_dma2 semaphore(%arg13 : memref<!tpu.dma_semaphore, #tpu.memory_space<semaphore_mem>>) src(%dma_wait3A_373 : memref<2x128xi32, #tpu.memory_space<hbm>>) dst(%dma_wait3A_371 : memref<2x128xi32, #tpu.memory_space<vmem>>)
        %dma_start3A_374 = arith.constant 4 : i32
        %dma_start3A_375 = arith.constant 0 : i32
        %dma_start3A_376 = arith.constant 1 : i32
        %dma_start3A_377 = arith.constant 0 : i32
        %dma_start3A_378 = arith.constant 0 : i32
        %dma_start3A_379 = tpu.memref_slice %arg7[%dma_start3A_376, %dma_start3A_377, %dma_start3A_378] : memref<3x128x128xf32, #tpu.memory_space<vmem>> -> memref<1x128x128xf32, #tpu.memory_space<vmem>>
        %dma_start3A_380 = tpu.memref_squeeze %dma_start3A_379 : memref<1x128x128xf32, #tpu.memory_space<vmem>> -> memref<128x128xf32, #tpu.memory_space<vmem>>
        %dma_start3A_381 = arith.constant 0 : i32
        %dma_start3A_382 = tpu.memref_slice %arg6[%dma_start3A_374, %dma_start3A_375, %dma_start3A_381] : memref<6x2x128xi32, #tpu.memory_space<vmem>> -> memref<1x1x128xi32, #tpu.memory_space<vmem>>
        %dma_start3A_383 = tpu.memref_squeeze %dma_start3A_382 : memref<1x1x128xi32, #tpu.memory_space<vmem>> -> memref<128xi32, #tpu.memory_space<vmem>>
        %dma_start3A_384 = arith.constant 0 : i32
        %dma_start3A_385 = arith.constant 0 : i32
        %dma_start3A_386 = tpu.memref_slice %arg2[%dma_start3A_384, %dma_start3A_385] : memref<10000x128xf32, #tpu.memory_space<hbm>> -> memref<10000x128xf32, #tpu.memory_space<hbm>>
        tpu.enqueue_indirect_dma source(%dma_start3A_386 : memref<10000x128xf32, #tpu.memory_space<hbm>>) target(%dma_start3A_380 : memref<128x128xf32, #tpu.memory_space<vmem>>) offsets(%dma_start3A_383 : memref<128xi32, #tpu.memory_space<vmem>>) semaphore(%arg16 : memref<!tpu.dma_semaphore, #tpu.memory_space<semaphore_mem>>)
      } else {
      }
      %add3A_279 = arith.constant 3 : i32
      %add3A_280 = arith.addi %add3A_260, %add3A_279 : i32
      %mul3A_281 = arith.constant 32 : i32
      %mul3A_282 = arith.muli %add3A_280, %mul3A_281 : i32
      %add3A_283 = arith.addi %mul3A_282, %add3A : i32
      %lt3A_284 = arith.constant 2500 : i32
      %lt3A_285 = arith.cmpi slt, %add3A_283, %lt3A_284 : i32
      %convert_element_type3A_286 = arith.extui %lt3A_285 : i1 to i32
      %cond3A_287 = arith.constant 0 : i32
      %cond3A_288 = arith.cmpi ne, %convert_element_type3A_286, %cond3A_287 : i32
      scf.if %cond3A_288 {
        %add3A_357 = arith.constant 3 : i32
        %add3A_358 = arith.addi %add3A_260, %add3A_357 : i32
        %mul3A_359 = arith.constant 32 : i32
        %mul3A_360 = arith.muli %add3A_358, %mul3A_359 : i32
        %add3A_361 = arith.addi %mul3A_360, %add3A : i32
        %mul3A_362 = arith.constant 128 : i32
        %mul3A_363 = arith.muli %add3A_361, %mul3A_362 : i32
        %dma_start3A_364 = arith.constant 1 : i32
        %dma_start3A_365 = arith.constant 0 : i32
        %dma_start3A_366 = arith.constant 0 : i32
        %dma_start3A_367 = tpu.memref_slice %arg6[%dma_start3A_364, %dma_start3A_365, %dma_start3A_366] : memref<6x2x128xi32, #tpu.memory_space<vmem>> -> memref<1x2x128xi32, #tpu.memory_space<vmem>>
        %dma_start3A_368 = tpu.memref_squeeze %dma_start3A_367 : memref<1x2x128xi32, #tpu.memory_space<vmem>> -> memref<2x128xi32, #tpu.memory_space<vmem>>
        %dma_start3A_369 = arith.constant 0 : i32
        %dma_start3A_370 = tpu.memref_slice %arg3[%dma_start3A_369, %mul3A_363] : memref<2x320000xi32, #tpu.memory_space<hbm>> -> memref<2x128xi32, #tpu.memory_space<hbm>>
        %dma_start3A_371 = arith.constant 0 : i32
        %dma_start3A_372 = arith.constant 0 : i32
        %dma_start3A_373 = tpu.memref_slice %arg6[%dma_start3A_364, %dma_start3A_371, %dma_start3A_372] : memref<6x2x128xi32, #tpu.memory_space<vmem>> -> memref<1x2x128xi32, #tpu.memory_space<vmem>>
        %dma_start3A_374 = tpu.memref_squeeze %dma_start3A_373 : memref<1x2x128xi32, #tpu.memory_space<vmem>> -> memref<2x128xi32, #tpu.memory_space<vmem>>
        %dma_start3A_375 = arith.constant 0 : i32
        %dma_start3A_376 = tpu.memref_slice %arg3[%dma_start3A_375, %mul3A_363] : memref<2x320000xi32, #tpu.memory_space<hbm>> -> memref<2x128xi32, #tpu.memory_space<hbm>>
        tpu.enqueue_dma source(%dma_start3A_376 : memref<2x128xi32, #tpu.memory_space<hbm>>) target(%dma_start3A_374 : memref<2x128xi32, #tpu.memory_space<vmem>>) target_semaphore(%arg10 : memref<!tpu.dma_semaphore, #tpu.memory_space<semaphore_mem>>)
      } else {
      }
      %mul3A_289 = arith.constant 3 : i32
      %mul3A_290 = arith.muli %add3A_224, %mul3A_289 : i32
      %add3A_291 = arith.constant 2 : i32
      %add3A_292 = arith.addi %mul3A_290, %add3A_291 : i32
      %mul3A_293 = arith.constant 32 : i32
      %mul3A_294 = arith.muli %add3A_292, %mul3A_293 : i32
      %add3A_295 = arith.addi %mul3A_294, %add3A : i32
      %gt3A_296 = arith.constant 0 : i32
      %gt3A_297 = arith.cmpi sgt, %add3A_224, %gt3A_296 : i32
      %sub3A_298 = arith.constant 96 : i32
      %sub3A_299 = arith.subi %add3A_295, %sub3A_298 : i32
      %lt3A_300 = arith.constant 2500 : i32
      %lt3A_301 = arith.cmpi slt, %sub3A_299, %lt3A_300 : i32
      %and3A_302 = arith.andi %gt3A_297, %lt3A_301 : i1
      %convert_element_type3A_303 = arith.extui %and3A_302 : i1 to i32
      %cond3A_304 = arith.constant 0 : i32
      %cond3A_305 = arith.cmpi ne, %convert_element_type3A_303, %cond3A_304 : i32
      scf.if %cond3A_305 {
        %dma_wait3A = arith.constant 2 : i32
        %dma_wait3A_357 = arith.constant 2 : i32
        %dma_wait3A_358 = arith.constant 1 : i32
        %dma_wait3A_359 = arith.constant 0 : i32
        %dma_wait3A_360 = arith.constant 0 : i32
        %dma_wait3A_361 = tpu.memref_slice %arg7[%dma_wait3A, %dma_wait3A_359, %dma_wait3A_360] : memref<3x128x128xf32, #tpu.memory_space<vmem>> -> memref<1x128x128xf32, #tpu.memory_space<vmem>>
        %dma_wait3A_362 = tpu.memref_squeeze %dma_wait3A_361 : memref<1x128x128xf32, #tpu.memory_space<vmem>> -> memref<128x128xf32, #tpu.memory_space<vmem>>
        %dma_wait3A_363 = arith.constant 0 : i32
        %dma_wait3A_364 = tpu.memref_slice %arg6[%dma_wait3A_357, %dma_wait3A_358, %dma_wait3A_363] : memref<6x2x128xi32, #tpu.memory_space<vmem>> -> memref<1x1x128xi32, #tpu.memory_space<vmem>>
        %dma_wait3A_365 = tpu.memref_squeeze %dma_wait3A_364 : memref<1x1x128xi32, #tpu.memory_space<vmem>> -> memref<128xi32, #tpu.memory_space<vmem>>
        %dma_wait3A_366 = arith.constant 0 : i32
        %dma_wait3A_367 = arith.constant 0 : i32
        %dma_wait3A_368 = tpu.memref_slice %arg8[%dma_wait3A_366, %dma_wait3A_367] : memref<10000x128xf32, #tpu.memory_space<vmem_shared>> -> memref<10000x128xf32, #tpu.memory_space<vmem_shared>>
        tpu.wait_indirect_dma semaphore(%arg20 : memref<!tpu.dma_semaphore, #tpu.memory_space<semaphore_mem>>) src(%dma_wait3A_362 : memref<128x128xf32, #tpu.memory_space<vmem>>) dst(%dma_wait3A_368 : memref<10000x128xf32, #tpu.memory_space<vmem_shared>>)
      } else {
      }
      %lt3A_306 = arith.constant 2500 : i32
      %lt3A_307 = arith.cmpi slt, %add3A_295, %lt3A_306 : i32
      %convert_element_type3A_308 = arith.extui %lt3A_307 : i1 to i32
      %cond3A_309 = arith.constant 0 : i32
      %cond3A_310 = arith.cmpi ne, %convert_element_type3A_308, %cond3A_309 : i32
      scf.if %cond3A_310 {
        %mul3A_357 = arith.constant 32 : i32
        %mul3A_358 = arith.muli %add3A_292, %mul3A_357 : i32
        %add3A_359 = arith.addi %mul3A_358, %add3A : i32
        %mul3A_360 = arith.constant 128 : i32
        %mul3A_361 = arith.muli %add3A_359, %mul3A_360 : i32
        %dma_wait3A = arith.constant 5 : i32
        %dma_wait3A_362 = arith.constant 0 : i32
        %dma_wait3A_363 = arith.constant 0 : i32
        %dma_wait3A_364 = tpu.memref_slice %arg6[%dma_wait3A, %dma_wait3A_362, %dma_wait3A_363] : memref<6x2x128xi32, #tpu.memory_space<vmem>> -> memref<1x2x128xi32, #tpu.memory_space<vmem>>
        %dma_wait3A_365 = tpu.memref_squeeze %dma_wait3A_364 : memref<1x2x128xi32, #tpu.memory_space<vmem>> -> memref<2x128xi32, #tpu.memory_space<vmem>>
        %dma_wait3A_366 = arith.constant 0 : i32
        %dma_wait3A_367 = tpu.memref_slice %arg3[%dma_wait3A_366, %mul3A_361] : memref<2x320000xi32, #tpu.memory_space<hbm>> -> memref<2x128xi32, #tpu.memory_space<hbm>>
        %dma_wait3A_368 = arith.constant 0 : i32
        %dma_wait3A_369 = arith.constant 0 : i32
        %dma_wait3A_370 = tpu.memref_slice %arg6[%dma_wait3A, %dma_wait3A_368, %dma_wait3A_369] : memref<6x2x128xi32, #tpu.memory_space<vmem>> -> memref<1x2x128xi32, #tpu.memory_space<vmem>>
        %dma_wait3A_371 = tpu.memref_squeeze %dma_wait3A_370 : memref<1x2x128xi32, #tpu.memory_space<vmem>> -> memref<2x128xi32, #tpu.memory_space<vmem>>
        %dma_wait3A_372 = arith.constant 0 : i32
        %dma_wait3A_373 = tpu.memref_slice %arg3[%dma_wait3A_372, %mul3A_361] : memref<2x320000xi32, #tpu.memory_space<hbm>> -> memref<2x128xi32, #tpu.memory_space<hbm>>
        tpu.wait_dma2 semaphore(%arg14 : memref<!tpu.dma_semaphore, #tpu.memory_space<semaphore_mem>>) src(%dma_wait3A_373 : memref<2x128xi32, #tpu.memory_space<hbm>>) dst(%dma_wait3A_371 : memref<2x128xi32, #tpu.memory_space<vmem>>)
        %dma_start3A_374 = arith.constant 5 : i32
        %dma_start3A_375 = arith.constant 0 : i32
        %dma_start3A_376 = arith.constant 2 : i32
        %dma_start3A_377 = arith.constant 0 : i32
        %dma_start3A_378 = arith.constant 0 : i32
        %dma_start3A_379 = tpu.memref_slice %arg7[%dma_start3A_376, %dma_start3A_377, %dma_start3A_378] : memref<3x128x128xf32, #tpu.memory_space<vmem>> -> memref<1x128x128xf32, #tpu.memory_space<vmem>>
        %dma_start3A_380 = tpu.memref_squeeze %dma_start3A_379 : memref<1x128x128xf32, #tpu.memory_space<vmem>> -> memref<128x128xf32, #tpu.memory_space<vmem>>
        %dma_start3A_381 = arith.constant 0 : i32
        %dma_start3A_382 = tpu.memref_slice %arg6[%dma_start3A_374, %dma_start3A_375, %dma_start3A_381] : memref<6x2x128xi32, #tpu.memory_space<vmem>> -> memref<1x1x128xi32, #tpu.memory_space<vmem>>
        %dma_start3A_383 = tpu.memref_squeeze %dma_start3A_382 : memref<1x1x128xi32, #tpu.memory_space<vmem>> -> memref<128xi32, #tpu.memory_space<vmem>>
        %dma_start3A_384 = arith.constant 0 : i32
        %dma_start3A_385 = arith.constant 0 : i32
        %dma_start3A_386 = tpu.memref_slice %arg2[%dma_start3A_384, %dma_start3A_385] : memref<10000x128xf32, #tpu.memory_space<hbm>> -> memref<10000x128xf32, #tpu.memory_space<hbm>>
        tpu.enqueue_indirect_dma source(%dma_start3A_386 : memref<10000x128xf32, #tpu.memory_space<hbm>>) target(%dma_start3A_380 : memref<128x128xf32, #tpu.memory_space<vmem>>) offsets(%dma_start3A_383 : memref<128xi32, #tpu.memory_space<vmem>>) semaphore(%arg17 : memref<!tpu.dma_semaphore, #tpu.memory_space<semaphore_mem>>)
      } else {
      }
      %add3A_311 = arith.constant 3 : i32
      %add3A_312 = arith.addi %add3A_292, %add3A_311 : i32
      %mul3A_313 = arith.constant 32 : i32
      %mul3A_314 = arith.muli %add3A_312, %mul3A_313 : i32
      %add3A_315 = arith.addi %mul3A_314, %add3A : i32
      %lt3A_316 = arith.constant 2500 : i32
      %lt3A_317 = arith.cmpi slt, %add3A_315, %lt3A_316 : i32
      %convert_element_type3A_318 = arith.extui %lt3A_317 : i1 to i32
      %cond3A_319 = arith.constant 0 : i32
      %cond3A_320 = arith.cmpi ne, %convert_element_type3A_318, %cond3A_319 : i32
      scf.if %cond3A_320 {
        %add3A_357 = arith.constant 3 : i32
        %add3A_358 = arith.addi %add3A_292, %add3A_357 : i32
        %mul3A_359 = arith.constant 32 : i32
        %mul3A_360 = arith.muli %add3A_358, %mul3A_359 : i32
        %add3A_361 = arith.addi %mul3A_360, %add3A : i32
        %mul3A_362 = arith.constant 128 : i32
        %mul3A_363 = arith.muli %add3A_361, %mul3A_362 : i32
        %dma_start3A_364 = arith.constant 2 : i32
        %dma_start3A_365 = arith.constant 0 : i32
        %dma_start3A_366 = arith.constant 0 : i32
        %dma_start3A_367 = tpu.memref_slice %arg6[%dma_start3A_364, %dma_start3A_365, %dma_start3A_366] : memref<6x2x128xi32, #tpu.memory_space<vmem>> -> memref<1x2x128xi32, #tpu.memory_space<vmem>>
        %dma_start3A_368 = tpu.memref_squeeze %dma_start3A_367 : memref<1x2x128xi32, #tpu.memory_space<vmem>> -> memref<2x128xi32, #tpu.memory_space<vmem>>
        %dma_start3A_369 = arith.constant 0 : i32
        %dma_start3A_370 = tpu.memref_slice %arg3[%dma_start3A_369, %mul3A_363] : memref<2x320000xi32, #tpu.memory_space<hbm>> -> memref<2x128xi32, #tpu.memory_space<hbm>>
        %dma_start3A_371 = arith.constant 0 : i32
        %dma_start3A_372 = arith.constant 0 : i32
        %dma_start3A_373 = tpu.memref_slice %arg6[%dma_start3A_364, %dma_start3A_371, %dma_start3A_372] : memref<6x2x128xi32, #tpu.memory_space<vmem>> -> memref<1x2x128xi32, #tpu.memory_space<vmem>>
        %dma_start3A_374 = tpu.memref_squeeze %dma_start3A_373 : memref<1x2x128xi32, #tpu.memory_space<vmem>> -> memref<2x128xi32, #tpu.memory_space<vmem>>
        %dma_start3A_375 = arith.constant 0 : i32
        %dma_start3A_376 = tpu.memref_slice %arg3[%dma_start3A_375, %mul3A_363] : memref<2x320000xi32, #tpu.memory_space<hbm>> -> memref<2x128xi32, #tpu.memory_space<hbm>>
        tpu.enqueue_dma source(%dma_start3A_376 : memref<2x128xi32, #tpu.memory_space<hbm>>) target(%dma_start3A_374 : memref<2x128xi32, #tpu.memory_space<vmem>>) target_semaphore(%arg11 : memref<!tpu.dma_semaphore, #tpu.memory_space<semaphore_mem>>)
      } else {
      }
      %mul3A_321 = arith.constant 3 : i32
      %mul3A_322 = arith.muli %add3A_224, %mul3A_321 : i32
      %add3A_323 = arith.constant 0 : i32
      %add3A_324 = arith.addi %mul3A_322, %add3A_323 : i32
      %mul3A_325 = arith.constant 32 : i32
      %mul3A_326 = arith.muli %add3A_324, %mul3A_325 : i32
      %add3A_327 = arith.addi %mul3A_326, %add3A : i32
      %lt3A_328 = arith.constant 2500 : i32
      %lt3A_329 = arith.cmpi slt, %add3A_327, %lt3A_328 : i32
      %convert_element_type3A_330 = arith.extui %lt3A_329 : i1 to i32
      %cond3A_331 = arith.constant 0 : i32
      %cond3A_332 = arith.cmpi ne, %convert_element_type3A_330, %cond3A_331 : i32
      scf.if %cond3A_332 {
        %dma_wait3A = arith.constant 3 : i32
        %dma_wait3A_357 = arith.constant 0 : i32
        %dma_wait3A_358 = arith.constant 0 : i32
        %dma_wait3A_359 = arith.constant 0 : i32
        %dma_wait3A_360 = arith.constant 0 : i32
        %dma_wait3A_361 = tpu.memref_slice %arg7[%dma_wait3A_358, %dma_wait3A_359, %dma_wait3A_360] : memref<3x128x128xf32, #tpu.memory_space<vmem>> -> memref<1x128x128xf32, #tpu.memory_space<vmem>>
        %dma_wait3A_362 = tpu.memref_squeeze %dma_wait3A_361 : memref<1x128x128xf32, #tpu.memory_space<vmem>> -> memref<128x128xf32, #tpu.memory_space<vmem>>
        %dma_wait3A_363 = arith.constant 0 : i32
        %dma_wait3A_364 = tpu.memref_slice %arg6[%dma_wait3A, %dma_wait3A_357, %dma_wait3A_363] : memref<6x2x128xi32, #tpu.memory_space<vmem>> -> memref<1x1x128xi32, #tpu.memory_space<vmem>>
        %dma_wait3A_365 = tpu.memref_squeeze %dma_wait3A_364 : memref<1x1x128xi32, #tpu.memory_space<vmem>> -> memref<128xi32, #tpu.memory_space<vmem>>
        %dma_wait3A_366 = arith.constant 0 : i32
        %dma_wait3A_367 = arith.constant 0 : i32
        %dma_wait3A_368 = tpu.memref_slice %arg2[%dma_wait3A_366, %dma_wait3A_367] : memref<10000x128xf32, #tpu.memory_space<hbm>> -> memref<10000x128xf32, #tpu.memory_space<hbm>>
        tpu.wait_indirect_dma semaphore(%arg15 : memref<!tpu.dma_semaphore, #tpu.memory_space<semaphore_mem>>) src(%dma_wait3A_368 : memref<10000x128xf32, #tpu.memory_space<hbm>>) dst(%dma_wait3A_362 : memref<128x128xf32, #tpu.memory_space<vmem>>)
        %dma_start3A_369 = arith.constant 0 : i32
        %dma_start3A_370 = arith.constant 3 : i32
        %dma_start3A_371 = arith.constant 1 : i32
        %dma_start3A_372 = arith.constant 0 : i32
        %dma_start3A_373 = arith.constant 0 : i32
        %dma_start3A_374 = tpu.memref_slice %arg7[%dma_start3A_369, %dma_start3A_372, %dma_start3A_373] : memref<3x128x128xf32, #tpu.memory_space<vmem>> -> memref<1x128x128xf32, #tpu.memory_space<vmem>>
        %dma_start3A_375 = tpu.memref_squeeze %dma_start3A_374 : memref<1x128x128xf32, #tpu.memory_space<vmem>> -> memref<128x128xf32, #tpu.memory_space<vmem>>
        %dma_start3A_376 = arith.constant 0 : i32
        %dma_start3A_377 = tpu.memref_slice %arg6[%dma_start3A_370, %dma_start3A_371, %dma_start3A_376] : memref<6x2x128xi32, #tpu.memory_space<vmem>> -> memref<1x1x128xi32, #tpu.memory_space<vmem>>
        %dma_start3A_378 = tpu.memref_squeeze %dma_start3A_377 : memref<1x1x128xi32, #tpu.memory_space<vmem>> -> memref<128xi32, #tpu.memory_space<vmem>>
        %dma_start3A_379 = arith.constant 0 : i32
        %dma_start3A_380 = arith.constant 0 : i32
        %dma_start3A_381 = tpu.memref_slice %arg8[%dma_start3A_379, %dma_start3A_380] : memref<10000x128xf32, #tpu.memory_space<vmem_shared>> -> memref<10000x128xf32, #tpu.memory_space<vmem_shared>>
        tpu.enqueue_indirect_dma source(%dma_start3A_375 : memref<128x128xf32, #tpu.memory_space<vmem>>) target(%dma_start3A_381 : memref<10000x128xf32, #tpu.memory_space<vmem_shared>>) offsets(%dma_start3A_378 : memref<128xi32, #tpu.memory_space<vmem>>) semaphore(%arg18 : memref<!tpu.dma_semaphore, #tpu.memory_space<semaphore_mem>>) {add = true}
      } else {
      }
      %mul3A_333 = arith.constant 3 : i32
      %mul3A_334 = arith.muli %add3A_224, %mul3A_333 : i32
      %add3A_335 = arith.constant 1 : i32
      %add3A_336 = arith.addi %mul3A_334, %add3A_335 : i32
      %mul3A_337 = arith.constant 32 : i32
      %mul3A_338 = arith.muli %add3A_336, %mul3A_337 : i32
      %add3A_339 = arith.addi %mul3A_338, %add3A : i32
      %lt3A_340 = arith.constant 2500 : i32
      %lt3A_341 = arith.cmpi slt, %add3A_339, %lt3A_340 : i32
      %convert_element_type3A_342 = arith.extui %lt3A_341 : i1 to i32
      %cond3A_343 = arith.constant 0 : i32
      %cond3A_344 = arith.cmpi ne, %convert_element_type3A_342, %cond3A_343 : i32
      scf.if %cond3A_344 {
        %dma_wait3A = arith.constant 4 : i32
        %dma_wait3A_357 = arith.constant 0 : i32
        %dma_wait3A_358 = arith.constant 1 : i32
        %dma_wait3A_359 = arith.constant 0 : i32
        %dma_wait3A_360 = arith.constant 0 : i32
        %dma_wait3A_361 = tpu.memref_slice %arg7[%dma_wait3A_358, %dma_wait3A_359, %dma_wait3A_360] : memref<3x128x128xf32, #tpu.memory_space<vmem>> -> memref<1x128x128xf32, #tpu.memory_space<vmem>>
        %dma_wait3A_362 = tpu.memref_squeeze %dma_wait3A_361 : memref<1x128x128xf32, #tpu.memory_space<vmem>> -> memref<128x128xf32, #tpu.memory_space<vmem>>
        %dma_wait3A_363 = arith.constant 0 : i32
        %dma_wait3A_364 = tpu.memref_slice %arg6[%dma_wait3A, %dma_wait3A_357, %dma_wait3A_363] : memref<6x2x128xi32, #tpu.memory_space<vmem>> -> memref<1x1x128xi32, #tpu.memory_space<vmem>>
        %dma_wait3A_365 = tpu.memref_squeeze %dma_wait3A_364 : memref<1x1x128xi32, #tpu.memory_space<vmem>> -> memref<128xi32, #tpu.memory_space<vmem>>
        %dma_wait3A_366 = arith.constant 0 : i32
        %dma_wait3A_367 = arith.constant 0 : i32
        %dma_wait3A_368 = tpu.memref_slice %arg2[%dma_wait3A_366, %dma_wait3A_367] : memref<10000x128xf32, #tpu.memory_space<hbm>> -> memref<10000x128xf32, #tpu.memory_space<hbm>>
        tpu.wait_indirect_dma semaphore(%arg16 : memref<!tpu.dma_semaphore, #tpu.memory_space<semaphore_mem>>) src(%dma_wait3A_368 : memref<10000x128xf32, #tpu.memory_space<hbm>>) dst(%dma_wait3A_362 : memref<128x128xf32, #tpu.memory_space<vmem>>)
        %dma_start3A_369 = arith.constant 1 : i32
        %dma_start3A_370 = arith.constant 4 : i32
        %dma_start3A_371 = arith.constant 1 : i32
        %dma_start3A_372 = arith.constant 0 : i32
        %dma_start3A_373 = arith.constant 0 : i32
        %dma_start3A_374 = tpu.memref_slice %arg7[%dma_start3A_369, %dma_start3A_372, %dma_start3A_373] : memref<3x128x128xf32, #tpu.memory_space<vmem>> -> memref<1x128x128xf32, #tpu.memory_space<vmem>>
        %dma_start3A_375 = tpu.memref_squeeze %dma_start3A_374 : memref<1x128x128xf32, #tpu.memory_space<vmem>> -> memref<128x128xf32, #tpu.memory_space<vmem>>
        %dma_start3A_376 = arith.constant 0 : i32
        %dma_start3A_377 = tpu.memref_slice %arg6[%dma_start3A_370, %dma_start3A_371, %dma_start3A_376] : memref<6x2x128xi32, #tpu.memory_space<vmem>> -> memref<1x1x128xi32, #tpu.memory_space<vmem>>
        %dma_start3A_378 = tpu.memref_squeeze %dma_start3A_377 : memref<1x1x128xi32, #tpu.memory_space<vmem>> -> memref<128xi32, #tpu.memory_space<vmem>>
        %dma_start3A_379 = arith.constant 0 : i32
        %dma_start3A_380 = arith.constant 0 : i32
        %dma_start3A_381 = tpu.memref_slice %arg8[%dma_start3A_379, %dma_start3A_380] : memref<10000x128xf32, #tpu.memory_space<vmem_shared>> -> memref<10000x128xf32, #tpu.memory_space<vmem_shared>>
        tpu.enqueue_indirect_dma source(%dma_start3A_375 : memref<128x128xf32, #tpu.memory_space<vmem>>) target(%dma_start3A_381 : memref<10000x128xf32, #tpu.memory_space<vmem_shared>>) offsets(%dma_start3A_378 : memref<128xi32, #tpu.memory_space<vmem>>) semaphore(%arg19 : memref<!tpu.dma_semaphore, #tpu.memory_space<semaphore_mem>>) {add = true}
      } else {
      }
      %mul3A_345 = arith.constant 3 : i32
      %mul3A_346 = arith.muli %add3A_224, %mul3A_345 : i32
      %add3A_347 = arith.constant 2 : i32
      %add3A_348 = arith.addi %mul3A_346, %add3A_347 : i32
      %mul3A_349 = arith.constant 32 : i32
      %mul3A_350 = arith.muli %add3A_348, %mul3A_349 : i32
      %add3A_351 = arith.addi %mul3A_350, %add3A : i32
      %lt3A_352 = arith.constant 2500 : i32
      %lt3A_353 = arith.cmpi slt, %add3A_351, %lt3A_352 : i32
      %convert_element_type3A_354 = arith.extui %lt3A_353 : i1 to i32
      %cond3A_355 = arith.constant 0 : i32
      %cond3A_356 = arith.cmpi ne, %convert_element_type3A_354, %cond3A_355 : i32
      scf.if %cond3A_356 {
        %dma_wait3A = arith.constant 5 : i32
        %dma_wait3A_357 = arith.constant 0 : i32
        %dma_wait3A_358 = arith.constant 2 : i32
        %dma_wait3A_359 = arith.constant 0 : i32
        %dma_wait3A_360 = arith.constant 0 : i32
        %dma_wait3A_361 = tpu.memref_slice %arg7[%dma_wait3A_358, %dma_wait3A_359, %dma_wait3A_360] : memref<3x128x128xf32, #tpu.memory_space<vmem>> -> memref<1x128x128xf32, #tpu.memory_space<vmem>>
        %dma_wait3A_362 = tpu.memref_squeeze %dma_wait3A_361 : memref<1x128x128xf32, #tpu.memory_space<vmem>> -> memref<128x128xf32, #tpu.memory_space<vmem>>
        %dma_wait3A_363 = arith.constant 0 : i32
        %dma_wait3A_364 = tpu.memref_slice %arg6[%dma_wait3A, %dma_wait3A_357, %dma_wait3A_363] : memref<6x2x128xi32, #tpu.memory_space<vmem>> -> memref<1x1x128xi32, #tpu.memory_space<vmem>>
        %dma_wait3A_365 = tpu.memref_squeeze %dma_wait3A_364 : memref<1x1x128xi32, #tpu.memory_space<vmem>> -> memref<128xi32, #tpu.memory_space<vmem>>
        %dma_wait3A_366 = arith.constant 0 : i32
        %dma_wait3A_367 = arith.constant 0 : i32
        %dma_wait3A_368 = tpu.memref_slice %arg2[%dma_wait3A_366, %dma_wait3A_367] : memref<10000x128xf32, #tpu.memory_space<hbm>> -> memref<10000x128xf32, #tpu.memory_space<hbm>>
        tpu.wait_indirect_dma semaphore(%arg17 : memref<!tpu.dma_semaphore, #tpu.memory_space<semaphore_mem>>) src(%dma_wait3A_368 : memref<10000x128xf32, #tpu.memory_space<hbm>>) dst(%dma_wait3A_362 : memref<128x128xf32, #tpu.memory_space<vmem>>)
        %dma_start3A_369 = arith.constant 2 : i32
        %dma_start3A_370 = arith.constant 5 : i32
        %dma_start3A_371 = arith.constant 1 : i32
        %dma_start3A_372 = arith.constant 0 : i32
        %dma_start3A_373 = arith.constant 0 : i32
        %dma_start3A_374 = tpu.memref_slice %arg7[%dma_start3A_369, %dma_start3A_372, %dma_start3A_373] : memref<3x128x128xf32, #tpu.memory_space<vmem>> -> memref<1x128x128xf32, #tpu.memory_space<vmem>>
        %dma_start3A_375 = tpu.memref_squeeze %dma_start3A_374 : memref<1x128x128xf32, #tpu.memory_space<vmem>> -> memref<128x128xf32, #tpu.memory_space<vmem>>
        %dma_start3A_376 = arith.constant 0 : i32
        %dma_start3A_377 = tpu.memref_slice %arg6[%dma_start3A_370, %dma_start3A_371, %dma_start3A_376] : memref<6x2x128xi32, #tpu.memory_space<vmem>> -> memref<1x1x128xi32, #tpu.memory_space<vmem>>
        %dma_start3A_378 = tpu.memref_squeeze %dma_start3A_377 : memref<1x1x128xi32, #tpu.memory_space<vmem>> -> memref<128xi32, #tpu.memory_space<vmem>>
        %dma_start3A_379 = arith.constant 0 : i32
        %dma_start3A_380 = arith.constant 0 : i32
        %dma_start3A_381 = tpu.memref_slice %arg8[%dma_start3A_379, %dma_start3A_380] : memref<10000x128xf32, #tpu.memory_space<vmem_shared>> -> memref<10000x128xf32, #tpu.memory_space<vmem_shared>>
        tpu.enqueue_indirect_dma source(%dma_start3A_375 : memref<128x128xf32, #tpu.memory_space<vmem>>) target(%dma_start3A_381 : memref<10000x128xf32, #tpu.memory_space<vmem_shared>>) offsets(%dma_start3A_378 : memref<128xi32, #tpu.memory_space<vmem>>) semaphore(%arg20 : memref<!tpu.dma_semaphore, #tpu.memory_space<semaphore_mem>>) {add = true}
      } else {
      }
    }
    %scan3A_58 = arith.constant 14 : i32
    %add3A_59 = arith.constant 2592 : i32
    %add3A_60 = arith.addi %add3A_59, %add3A : i32
    %lt3A = arith.constant 2500 : i32
    %lt3A_61 = arith.cmpi slt, %add3A_60, %lt3A : i32
    %convert_element_type3A = arith.extui %lt3A_61 : i1 to i32
    %cond3A = arith.constant 0 : i32
    %cond3A_62 = arith.cmpi ne, %convert_element_type3A, %cond3A : i32
    scf.if %cond3A_62 {
      %dma_wait3A = arith.constant 0 : i32
      %dma_wait3A_87 = arith.constant 3 : i32
      %dma_wait3A_88 = arith.constant 1 : i32
      %dma_wait3A_89 = arith.constant 0 : i32
      %dma_wait3A_90 = arith.constant 0 : i32
      %dma_wait3A_91 = tpu.memref_slice %arg7[%dma_wait3A, %dma_wait3A_89, %dma_wait3A_90] : memref<3x128x128xf32, #tpu.memory_space<vmem>> -> memref<1x128x128xf32, #tpu.memory_space<vmem>>
      %dma_wait3A_92 = tpu.memref_squeeze %dma_wait3A_91 : memref<1x128x128xf32, #tpu.memory_space<vmem>> -> memref<128x128xf32, #tpu.memory_space<vmem>>
      %dma_wait3A_93 = arith.constant 0 : i32
      %dma_wait3A_94 = tpu.memref_slice %arg6[%dma_wait3A_87, %dma_wait3A_88, %dma_wait3A_93] : memref<6x2x128xi32, #tpu.memory_space<vmem>> -> memref<1x1x128xi32, #tpu.memory_space<vmem>>
      %dma_wait3A_95 = tpu.memref_squeeze %dma_wait3A_94 : memref<1x1x128xi32, #tpu.memory_space<vmem>> -> memref<128xi32, #tpu.memory_space<vmem>>
      %dma_wait3A_96 = arith.constant 0 : i32
      %dma_wait3A_97 = arith.constant 0 : i32
      %dma_wait3A_98 = tpu.memref_slice %arg8[%dma_wait3A_96, %dma_wait3A_97] : memref<10000x128xf32, #tpu.memory_space<vmem_shared>> -> memref<10000x128xf32, #tpu.memory_space<vmem_shared>>
      tpu.wait_indirect_dma semaphore(%arg18 : memref<!tpu.dma_semaphore, #tpu.memory_space<semaphore_mem>>) src(%dma_wait3A_92 : memref<128x128xf32, #tpu.memory_space<vmem>>) dst(%dma_wait3A_98 : memref<10000x128xf32, #tpu.memory_space<vmem_shared>>)
    } else {
    }
    %add3A_63 = arith.constant 2624 : i32
    %add3A_64 = arith.addi %add3A_63, %add3A : i32
    %lt3A_65 = arith.constant 2500 : i32
    %lt3A_66 = arith.cmpi slt, %add3A_64, %lt3A_65 : i32
    %convert_element_type3A_67 = arith.extui %lt3A_66 : i1 to i32
    %cond3A_68 = arith.constant 0 : i32
    %cond3A_69 = arith.cmpi ne, %convert_element_type3A_67, %cond3A_68 : i32
    scf.if %cond3A_69 {
      %dma_wait3A = arith.constant 1 : i32
      %dma_wait3A_87 = arith.constant 4 : i32
      %dma_wait3A_88 = arith.constant 1 : i32
      %dma_wait3A_89 = arith.constant 0 : i32
      %dma_wait3A_90 = arith.constant 0 : i32
      %dma_wait3A_91 = tpu.memref_slice %arg7[%dma_wait3A, %dma_wait3A_89, %dma_wait3A_90] : memref<3x128x128xf32, #tpu.memory_space<vmem>> -> memref<1x128x128xf32, #tpu.memory_space<vmem>>
      %dma_wait3A_92 = tpu.memref_squeeze %dma_wait3A_91 : memref<1x128x128xf32, #tpu.memory_space<vmem>> -> memref<128x128xf32, #tpu.memory_space<vmem>>
      %dma_wait3A_93 = arith.constant 0 : i32
      %dma_wait3A_94 = tpu.memref_slice %arg6[%dma_wait3A_87, %dma_wait3A_88, %dma_wait3A_93] : memref<6x2x128xi32, #tpu.memory_space<vmem>> -> memref<1x1x128xi32, #tpu.memory_space<vmem>>
      %dma_wait3A_95 = tpu.memref_squeeze %dma_wait3A_94 : memref<1x1x128xi32, #tpu.memory_space<vmem>> -> memref<128xi32, #tpu.memory_space<vmem>>
      %dma_wait3A_96 = arith.constant 0 : i32
      %dma_wait3A_97 = arith.constant 0 : i32
      %dma_wait3A_98 = tpu.memref_slice %arg8[%dma_wait3A_96, %dma_wait3A_97] : memref<10000x128xf32, #tpu.memory_space<vmem_shared>> -> memref<10000x128xf32, #tpu.memory_space<vmem_shared>>
      tpu.wait_indirect_dma semaphore(%arg19 : memref<!tpu.dma_semaphore, #tpu.memory_space<semaphore_mem>>) src(%dma_wait3A_92 : memref<128x128xf32, #tpu.memory_space<vmem>>) dst(%dma_wait3A_98 : memref<10000x128xf32, #tpu.memory_space<vmem_shared>>)
    } else {
    }
    %add3A_70 = arith.constant 2656 : i32
    %add3A_71 = arith.addi %add3A_70, %add3A : i32
    %lt3A_72 = arith.constant 2500 : i32
    %lt3A_73 = arith.cmpi slt, %add3A_71, %lt3A_72 : i32
    %convert_element_type3A_74 = arith.extui %lt3A_73 : i1 to i32
    %cond3A_75 = arith.constant 0 : i32
    %cond3A_76 = arith.cmpi ne, %convert_element_type3A_74, %cond3A_75 : i32
    scf.if %cond3A_76 {
      %dma_wait3A = arith.constant 2 : i32
      %dma_wait3A_87 = arith.constant 5 : i32
      %dma_wait3A_88 = arith.constant 1 : i32
      %dma_wait3A_89 = arith.constant 0 : i32
      %dma_wait3A_90 = arith.constant 0 : i32
      %dma_wait3A_91 = tpu.memref_slice %arg7[%dma_wait3A, %dma_wait3A_89, %dma_wait3A_90] : memref<3x128x128xf32, #tpu.memory_space<vmem>> -> memref<1x128x128xf32, #tpu.memory_space<vmem>>
      %dma_wait3A_92 = tpu.memref_squeeze %dma_wait3A_91 : memref<1x128x128xf32, #tpu.memory_space<vmem>> -> memref<128x128xf32, #tpu.memory_space<vmem>>
      %dma_wait3A_93 = arith.constant 0 : i32
      %dma_wait3A_94 = tpu.memref_slice %arg6[%dma_wait3A_87, %dma_wait3A_88, %dma_wait3A_93] : memref<6x2x128xi32, #tpu.memory_space<vmem>> -> memref<1x1x128xi32, #tpu.memory_space<vmem>>
      %dma_wait3A_95 = tpu.memref_squeeze %dma_wait3A_94 : memref<1x1x128xi32, #tpu.memory_space<vmem>> -> memref<128xi32, #tpu.memory_space<vmem>>
      %dma_wait3A_96 = arith.constant 0 : i32
      %dma_wait3A_97 = arith.constant 0 : i32
      %dma_wait3A_98 = tpu.memref_slice %arg8[%dma_wait3A_96, %dma_wait3A_97] : memref<10000x128xf32, #tpu.memory_space<vmem_shared>> -> memref<10000x128xf32, #tpu.memory_space<vmem_shared>>
      tpu.wait_indirect_dma semaphore(%arg20 : memref<!tpu.dma_semaphore, #tpu.memory_space<semaphore_mem>>) src(%dma_wait3A_92 : memref<128x128xf32, #tpu.memory_space<vmem>>) dst(%dma_wait3A_98 : memref<10000x128xf32, #tpu.memory_space<vmem_shared>>)
    } else {
    }
    %barrier3A_77 = arith.constant 0 : index
    tpu.barrier barrier_id(%barrier3A_77)
    %eq3A = arith.constant 0 : i32
    %eq3A_78 = arith.cmpi eq, %arg0, %eq3A : i32
    %convert_element_type3A_79 = arith.extui %eq3A_78 : i1 to i32
    %cond3A_80 = arith.constant 0 : i32
    %cond3A_81 = arith.cmpi ne, %convert_element_type3A_79, %cond3A_80 : i32
    scf.if %cond3A_81 {
      "tpu.region"() ({
        %run_scoped3A = tpu.sem_alloc : memref<!tpu.dma_semaphore, #tpu.memory_space<semaphore_mem>>
        %dma_start3A_87 = arith.constant 0 : i32
        %dma_start3A_88 = tpu.memref_slice %arg4[%min3A_3, %dma_start3A_87] : memref<10000x128xf32, #tpu.memory_space<hbm>> -> memref<632x128xf32, #tpu.memory_space<hbm>>
        %dma_start3A_89 = arith.constant 0 : i32
        %dma_start3A_90 = tpu.memref_slice %arg8[%min3A_3, %dma_start3A_89] : memref<10000x128xf32, #tpu.memory_space<vmem_shared>> -> memref<632x128xf32, #tpu.memory_space<vmem_shared>>
        tpu.enqueue_dma source(%dma_start3A_90 : memref<632x128xf32, #tpu.memory_space<vmem_shared>>) target(%dma_start3A_88 : memref<632x128xf32, #tpu.memory_space<hbm>>) target_semaphore(%run_scoped3A : memref<!tpu.dma_semaphore, #tpu.memory_space<semaphore_mem>>)
        %dma_wait3A = arith.constant 0 : i32
        %dma_wait3A_91 = tpu.memref_slice %arg4[%min3A_3, %dma_wait3A] : memref<10000x128xf32, #tpu.memory_space<hbm>> -> memref<632x128xf32, #tpu.memory_space<hbm>>
        %dma_wait3A_92 = arith.constant 0 : i32
        %dma_wait3A_93 = tpu.memref_slice %arg8[%min3A_3, %dma_wait3A_92] : memref<10000x128xf32, #tpu.memory_space<vmem_shared>> -> memref<632x128xf32, #tpu.memory_space<vmem_shared>>
        tpu.wait_dma2 semaphore(%run_scoped3A : memref<!tpu.dma_semaphore, #tpu.memory_space<semaphore_mem>>) src(%dma_wait3A_93 : memref<632x128xf32, #tpu.memory_space<vmem_shared>>) dst(%dma_wait3A_91 : memref<632x128xf32, #tpu.memory_space<hbm>>)
        tpu.yield
      }) : () -> ()
    } else {
    }
    %eq3A_82 = arith.constant 1 : i32
    %eq3A_83 = arith.cmpi eq, %arg0, %eq3A_82 : i32
    %convert_element_type3A_84 = arith.extui %eq3A_83 : i1 to i32
    %cond3A_85 = arith.constant 0 : i32
    %cond3A_86 = arith.cmpi ne, %convert_element_type3A_84, %cond3A_85 : i32
    scf.if %cond3A_86 {
      "tpu.region"() ({
        %run_scoped3A = tpu.sem_alloc : memref<!tpu.dma_semaphore, #tpu.memory_space<semaphore_mem>>
        %dma_start3A_87 = arith.constant 0 : i32
        %dma_start3A_88 = tpu.memref_slice %arg5[%min3A_3, %dma_start3A_87] : memref<10000x128xf32, #tpu.memory_space<hbm>> -> memref<632x128xf32, #tpu.memory_space<hbm>>
        %dma_start3A_89 = arith.constant 0 : i32
        %dma_start3A_90 = tpu.memref_slice %arg8[%min3A_3, %dma_start3A_89] : memref<10000x128xf32, #tpu.memory_space<vmem_shared>> -> memref<632x128xf32, #tpu.memory_space<vmem_shared>>
        tpu.enqueue_dma source(%dma_start3A_90 : memref<632x128xf32, #tpu.memory_space<vmem_shared>>) target(%dma_start3A_88 : memref<632x128xf32, #tpu.memory_space<hbm>>) target_semaphore(%run_scoped3A : memref<!tpu.dma_semaphore, #tpu.memory_space<semaphore_mem>>)
        %dma_wait3A = arith.constant 0 : i32
        %dma_wait3A_91 = tpu.memref_slice %arg5[%min3A_3, %dma_wait3A] : memref<10000x128xf32, #tpu.memory_space<hbm>> -> memref<632x128xf32, #tpu.memory_space<hbm>>
        %dma_wait3A_92 = arith.constant 0 : i32
        %dma_wait3A_93 = tpu.memref_slice %arg8[%min3A_3, %dma_wait3A_92] : memref<10000x128xf32, #tpu.memory_space<vmem_shared>> -> memref<632x128xf32, #tpu.memory_space<vmem_shared>>
        tpu.wait_dma2 semaphore(%run_scoped3A : memref<!tpu.dma_semaphore, #tpu.memory_space<semaphore_mem>>) src(%dma_wait3A_93 : memref<632x128xf32, #tpu.memory_space<vmem_shared>>) dst(%dma_wait3A_91 : memref<632x128xf32, #tpu.memory_space<hbm>>)
        tpu.yield
      }) : () -> ()
    } else {
    }
    return
  }
}

#map = affine_map<(d0, d1) -> (0, 0)>
module attributes {stable_mosaic.version = 14 : i64} {
  func.func @_scatter_body(%arg0: i32, %arg1: i32, %arg2: memref<10000x128xf32, #tpu.memory_space<hbm>>, %arg3: memref<2x320000xi32, #tpu.memory_space<hbm>>, %arg4: memref<10000x128xf32, #tpu.memory_space<hbm>>, %arg5: memref<10000x128xf32, #tpu.memory_space<hbm>>, %arg6: memref<6x2x128xi32, #tpu.memory_space<vmem>>, %arg7: memref<3x128x128xf32, #tpu.memory_space<vmem>>, %arg8: memref<10000x128xf32, #tpu.memory_space<vmem_shared>>, %arg9: memref<!tpu.dma_semaphore, #tpu.memory_space<semaphore_mem>>, %arg10: memref<!tpu.dma_semaphore, #tpu.memory_space<semaphore_mem>>, %arg11: memref<!tpu.dma_semaphore, #tpu.memory_space<semaphore_mem>>, %arg12: memref<!tpu.dma_semaphore, #tpu.memory_space<semaphore_mem>>, %arg13: memref<!tpu.dma_semaphore, #tpu.memory_space<semaphore_mem>>, %arg14: memref<!tpu.dma_semaphore, #tpu.memory_space<semaphore_mem>>, %arg15: memref<!tpu.dma_semaphore, #tpu.memory_space<semaphore_mem>>, %arg16: memref<!tpu.dma_semaphore, #tpu.memory_space<semaphore_mem>>, %arg17: memref<!tpu.dma_semaphore, #tpu.memory_space<semaphore_mem>>, %arg18: memref<!tpu.dma_semaphore, #tpu.memory_space<semaphore_mem>>, %arg19: memref<!tpu.dma_semaphore, #tpu.memory_space<semaphore_mem>>, %arg20: memref<!tpu.dma_semaphore, #tpu.memory_space<semaphore_mem>>) attributes {dimension_semantics = [#tpu.dimension_semantics<core_parallel>, #tpu.dimension_semantics<subcore_parallel>], iteration_bounds = array<i64: 2, 16>, scalar_prefetch = 0 : i64, scratch_operands = 15 : i64, tpu.core_type = #tpu.core_type<sc_vector_subcore>, window_params = [{transform_indices = #map}, {transform_indices = #map}, {transform_indices = #map}, {transform_indices = #map}]} {
    %mul3A = arith.constant 2 : i32
    %mul3A_0 = arith.muli %arg1, %mul3A : i32
    %add3A = arith.addi %mul3A_0, %arg0 : i32
    %mul3A_1 = arith.constant 632 : i32
    %mul3A_2 = arith.muli %arg1, %mul3A_1 : i32
    %min3A = arith.constant 9368 : i32
    %min3A_3 = arith.minsi %mul3A_2, %min3A : i32
    "tpu.region"() ({
      %run_scoped3A = tpu.sem_alloc : memref<!tpu.dma_semaphore, #tpu.memory_space<semaphore_mem>>
      %dma_start3A_87 = arith.constant 0 : i32
      %dma_start3A_88 = tpu.memref_slice %arg8[%min3A_3, %dma_start3A_87] : memref<10000x128xf32, #tpu.memory_space<vmem_shared>> -> memref<632x128xf32, #tpu.memory_space<vmem_shared>>
      %dma_start3A_89 = arith.constant 0 : i32
      %dma_start3A_90 = tpu.memref_slice %arg2[%min3A_3, %dma_start3A_89] : memref<10000x128xf32, #tpu.memory_space<hbm>> -> memref<632x128xf32, #tpu.memory_space<hbm>>
      tpu.enqueue_dma source(%dma_start3A_90 : memref<632x128xf32, #tpu.memory_space<hbm>>) target(%dma_start3A_88 : memref<632x128xf32, #tpu.memory_space<vmem_shared>>) target_semaphore(%run_scoped3A : memref<!tpu.dma_semaphore, #tpu.memory_space<semaphore_mem>>)
      %dma_wait3A = arith.constant 0 : i32
      %dma_wait3A_91 = tpu.memref_slice %arg8[%min3A_3, %dma_wait3A] : memref<10000x128xf32, #tpu.memory_space<vmem_shared>> -> memref<632x128xf32, #tpu.memory_space<vmem_shared>>
      %dma_wait3A_92 = arith.constant 0 : i32
      %dma_wait3A_93 = tpu.memref_slice %arg2[%min3A_3, %dma_wait3A_92] : memref<10000x128xf32, #tpu.memory_space<hbm>> -> memref<632x128xf32, #tpu.memory_space<hbm>>
      tpu.wait_dma2 semaphore(%run_scoped3A : memref<!tpu.dma_semaphore, #tpu.memory_space<semaphore_mem>>) src(%dma_wait3A_93 : memref<632x128xf32, #tpu.memory_space<hbm>>) dst(%dma_wait3A_91 : memref<632x128xf32, #tpu.memory_space<vmem_shared>>)
      tpu.yield
    }) : () -> ()
    %barrier3A = arith.constant 0 : index
    tpu.barrier barrier_id(%barrier3A)
    %add3A_4 = arith.constant 0 : i32
    %add3A_5 = arith.addi %add3A_4, %add3A : i32
    %mul3A_6 = arith.constant 128 : i32
    %mul3A_7 = arith.muli %add3A_5, %mul3A_6 : i32
    %dma_start3A = arith.constant 0 : i32
    %dma_start3A_8 = arith.constant 0 : i32
    %dma_start3A_9 = arith.constant 0 : i32
    %dma_start3A_10 = tpu.memref_slice %arg6[%dma_start3A, %dma_start3A_8, %dma_start3A_9] : memref<6x2x128xi32, #tpu.memory_space<vmem>> -> memref<1x2x128xi32, #tpu.memory_space<vmem>>
    %dma_start3A_11 = tpu.memref_squeeze %dma_start3A_10 : memref<1x2x128xi32, #tpu.memory_space<vmem>> -> memref<2x128xi32, #tpu.memory_space<vmem>>
    %dma_start3A_12 = arith.constant 0 : i32
    %dma_start3A_13 = tpu.memref_slice %arg3[%dma_start3A_12, %mul3A_7] : memref<2x320000xi32, #tpu.memory_space<hbm>> -> memref<2x128xi32, #tpu.memory_space<hbm>>
    %dma_start3A_14 = arith.constant 0 : i32
    %dma_start3A_15 = arith.constant 0 : i32
    %dma_start3A_16 = tpu.memref_slice %arg6[%dma_start3A, %dma_start3A_14, %dma_start3A_15] : memref<6x2x128xi32, #tpu.memory_space<vmem>> -> memref<1x2x128xi32, #tpu.memory_space<vmem>>
    %dma_start3A_17 = tpu.memref_squeeze %dma_start3A_16 : memref<1x2x128xi32, #tpu.memory_space<vmem>> -> memref<2x128xi32, #tpu.memory_space<vmem>>
    %dma_start3A_18 = arith.constant 0 : i32
    %dma_start3A_19 = tpu.memref_slice %arg3[%dma_start3A_18, %mul3A_7] : memref<2x320000xi32, #tpu.memory_space<hbm>> -> memref<2x128xi32, #tpu.memory_space<hbm>>
    tpu.enqueue_dma source(%dma_start3A_19 : memref<2x128xi32, #tpu.memory_space<hbm>>) target(%dma_start3A_17 : memref<2x128xi32, #tpu.memory_space<vmem>>) target_semaphore(%arg9 : memref<!tpu.dma_semaphore, #tpu.memory_space<semaphore_mem>>)
    %add3A_20 = arith.constant 32 : i32
    %add3A_21 = arith.addi %add3A_20, %add3A : i32
    %mul3A_22 = arith.constant 128 : i32
    %mul3A_23 = arith.muli %add3A_21, %mul3A_22 : i32
    %dma_start3A_24 = arith.constant 1 : i32
    %dma_start3A_25 = arith.constant 0 : i32
    %dma_start3A_26 = arith.constant 0 : i32
    %dma_start3A_27 = tpu.memref_slice %arg6[%dma_start3A_24, %dma_start3A_25, %dma_start3A_26] : memref<6x2x128xi32, #tpu.memory_space<vmem>> -> memref<1x2x128xi32, #tpu.memory_space<vmem>>
    %dma_start3A_28 = tpu.memref_squeeze %dma_start3A_27 : memref<1x2x128xi32, #tpu.memory_space<vmem>> -> memref<2x128xi32, #tpu.memory_space<vmem>>
    %dma_start3A_29 = arith.constant 0 : i32
    %dma_start3A_30 = tpu.memref_slice %arg3[%dma_start3A_29, %mul3A_23] : memref<2x320000xi32, #tpu.memory_space<hbm>> -> memref<2x128xi32, #tpu.memory_space<hbm>>
    %dma_start3A_31 = arith.constant 0 : i32
    %dma_start3A_32 = arith.constant 0 : i32
    %dma_start3A_33 = tpu.memref_slice %arg6[%dma_start3A_24, %dma_start3A_31, %dma_start3A_32] : memref<6x2x128xi32, #tpu.memory_space<vmem>> -> memref<1x2x128xi32, #tpu.memory_space<vmem>>
    %dma_start3A_34 = tpu.memref_squeeze %dma_start3A_33 : memref<1x2x128xi32, #tpu.memory_space<vmem>> -> memref<2x128xi32, #tpu.memory_space<vmem>>
    %dma_start3A_35 = arith.constant 0 : i32
    %dma_start3A_36 = tpu.memref_slice %arg3[%dma_start3A_35, %mul3A_23] : memref<2x320000xi32, #tpu.memory_space<hbm>> -> memref<2x128xi32, #tpu.memory_space<hbm>>
    tpu.enqueue_dma source(%dma_start3A_36 : memref<2x128xi32, #tpu.memory_space<hbm>>) target(%dma_start3A_34 : memref<2x128xi32, #tpu.memory_space<vmem>>) target_semaphore(%arg10 : memref<!tpu.dma_semaphore, #tpu.memory_space<semaphore_mem>>)
    %add3A_37 = arith.constant 64 : i32
    %add3A_38 = arith.addi %add3A_37, %add3A : i32
    %mul3A_39 = arith.constant 128 : i32
    %mul3A_40 = arith.muli %add3A_38, %mul3A_39 : i32
    %dma_start3A_41 = arith.constant 2 : i32
    %dma_start3A_42 = arith.constant 0 : i32
    %dma_start3A_43 = arith.constant 0 : i32
    %dma_start3A_44 = tpu.memref_slice %arg6[%dma_start3A_41, %dma_start3A_42, %dma_start3A_43] : memref<6x2x128xi32, #tpu.memory_space<vmem>> -> memref<1x2x128xi32, #tpu.memory_space<vmem>>
    %dma_start3A_45 = tpu.memref_squeeze %dma_start3A_44 : memref<1x2x128xi32, #tpu.memory_space<vmem>> -> memref<2x128xi32, #tpu.memory_space<vmem>>
    %dma_start3A_46 = arith.constant 0 : i32
    %dma_start3A_47 = tpu.memref_slice %arg3[%dma_start3A_46, %mul3A_40] : memref<2x320000xi32, #tpu.memory_space<hbm>> -> memref<2x128xi32, #tpu.memory_space<hbm>>
    %dma_start3A_48 = arith.constant 0 : i32
    %dma_start3A_49 = arith.constant 0 : i32
    %dma_start3A_50 = tpu.memref_slice %arg6[%dma_start3A_41, %dma_start3A_48, %dma_start3A_49] : memref<6x2x128xi32, #tpu.memory_space<vmem>> -> memref<1x2x128xi32, #tpu.memory_space<vmem>>
    %dma_start3A_51 = tpu.memref_squeeze %dma_start3A_50 : memref<1x2x128xi32, #tpu.memory_space<vmem>> -> memref<2x128xi32, #tpu.memory_space<vmem>>
    %dma_start3A_52 = arith.constant 0 : i32
    %dma_start3A_53 = tpu.memref_slice %arg3[%dma_start3A_52, %mul3A_40] : memref<2x320000xi32, #tpu.memory_space<hbm>> -> memref<2x128xi32, #tpu.memory_space<hbm>>
    tpu.enqueue_dma source(%dma_start3A_53 : memref<2x128xi32, #tpu.memory_space<hbm>>) target(%dma_start3A_51 : memref<2x128xi32, #tpu.memory_space<vmem>>) target_semaphore(%arg11 : memref<!tpu.dma_semaphore, #tpu.memory_space<semaphore_mem>>)
    %scan3A = arith.constant 0 : i32
    %scan3A_54 = arith.constant 0 : i32
    %scan3A_55 = arith.constant 14 : i32
    %scan3A_56 = arith.addi %scan3A_54, %scan3A_55 : i32
    %scan3A_57 = arith.constant 1 : i32
    scf.for %scan3A_87 = %scan3A_54 to %scan3A_56 step %scan3A_57  : i32 {
      %mul3A_88 = arith.constant 2 : i32
      %mul3A_89 = arith.muli %scan3A_87, %mul3A_88 : i32
      %add3A_90 = arith.constant 0 : i32
      %add3A_91 = arith.addi %mul3A_89, %add3A_90 : i32
      %mul3A_92 = arith.constant 3 : i32
      %mul3A_93 = arith.muli %add3A_91, %mul3A_92 : i32
      %add3A_94 = arith.constant 0 : i32
      %add3A_95 = arith.addi %mul3A_93, %add3A_94 : i32
      %mul3A_96 = arith.constant 32 : i32
      %mul3A_97 = arith.muli %add3A_95, %mul3A_96 : i32
      %add3A_98 = arith.addi %mul3A_97, %add3A : i32
      %gt3A = arith.constant 0 : i32
      %gt3A_99 = arith.cmpi sgt, %add3A_91, %gt3A : i32
      %sub3A = arith.constant 96 : i32
      %sub3A_100 = arith.subi %add3A_98, %sub3A : i32
      %lt3A_101 = arith.constant 2500 : i32
      %lt3A_102 = arith.cmpi slt, %sub3A_100, %lt3A_101 : i32
      %and3A = arith.andi %gt3A_99, %lt3A_102 : i1
      %convert_element_type3A_103 = arith.extui %and3A : i1 to i32
      %cond3A_104 = arith.constant 0 : i32
      %cond3A_105 = arith.cmpi ne, %convert_element_type3A_103, %cond3A_104 : i32
      scf.if %cond3A_105 {
        %dma_wait3A = arith.constant 0 : i32
        %dma_wait3A_357 = arith.constant 3 : i32
        %dma_wait3A_358 = arith.constant 1 : i32
        %dma_wait3A_359 = arith.constant 0 : i32
        %dma_wait3A_360 = arith.constant 0 : i32
        %dma_wait3A_361 = tpu.memref_slice %arg7[%dma_wait3A, %dma_wait3A_359, %dma_wait3A_360] : memref<3x128x128xf32, #tpu.memory_space<vmem>> -> memref<1x128x128xf32, #tpu.memory_space<vmem>>
        %dma_wait3A_362 = tpu.memref_squeeze %dma_wait3A_361 : memref<1x128x128xf32, #tpu.memory_space<vmem>> -> memref<128x128xf32, #tpu.memory_space<vmem>>
        %dma_wait3A_363 = arith.constant 0 : i32
        %dma_wait3A_364 = tpu.memref_slice %arg6[%dma_wait3A_357, %dma_wait3A_358, %dma_wait3A_363] : memref<6x2x128xi32, #tpu.memory_space<vmem>> -> memref<1x1x128xi32, #tpu.memory_space<vmem>>
        %dma_wait3A_365 = tpu.memref_squeeze %dma_wait3A_364 : memref<1x1x128xi32, #tpu.memory_space<vmem>> -> memref<128xi32, #tpu.memory_space<vmem>>
        %dma_wait3A_366 = arith.constant 0 : i32
        %dma_wait3A_367 = arith.constant 0 : i32
        %dma_wait3A_368 = tpu.memref_slice %arg8[%dma_wait3A_366, %dma_wait3A_367] : memref<10000x128xf32, #tpu.memory_space<vmem_shared>> -> memref<10000x128xf32, #tpu.memory_space<vmem_shared>>
        tpu.wait_indirect_dma semaphore(%arg18 : memref<!tpu.dma_semaphore, #tpu.memory_space<semaphore_mem>>) src(%dma_wait3A_362 : memref<128x128xf32, #tpu.memory_space<vmem>>) dst(%dma_wait3A_368 : memref<10000x128xf32, #tpu.memory_space<vmem_shared>>)
      } else {
      }
      %lt3A_106 = arith.constant 2500 : i32
      %lt3A_107 = arith.cmpi slt, %add3A_98, %lt3A_106 : i32
      %convert_element_type3A_108 = arith.extui %lt3A_107 : i1 to i32
      %cond3A_109 = arith.constant 0 : i32
      %cond3A_110 = arith.cmpi ne, %convert_element_type3A_108, %cond3A_109 : i32
      scf.if %cond3A_110 {
        %mul3A_357 = arith.constant 32 : i32
        %mul3A_358 = arith.muli %add3A_95, %mul3A_357 : i32
        %add3A_359 = arith.addi %mul3A_358, %add3A : i32
        %mul3A_360 = arith.constant 128 : i32
        %mul3A_361 = arith.muli %add3A_359, %mul3A_360 : i32
        %dma_wait3A = arith.constant 0 : i32
        %dma_wait3A_362 = arith.constant 0 : i32
        %dma_wait3A_363 = arith.constant 0 : i32
        %dma_wait3A_364 = tpu.memref_slice %arg6[%dma_wait3A, %dma_wait3A_362, %dma_wait3A_363] : memref<6x2x128xi32, #tpu.memory_space<vmem>> -> memref<1x2x128xi32, #tpu.memory_space<vmem>>
        %dma_wait3A_365 = tpu.memref_squeeze %dma_wait3A_364 : memref<1x2x128xi32, #tpu.memory_space<vmem>> -> memref<2x128xi32, #tpu.memory_space<vmem>>
        %dma_wait3A_366 = arith.constant 0 : i32
        %dma_wait3A_367 = tpu.memref_slice %arg3[%dma_wait3A_366, %mul3A_361] : memref<2x320000xi32, #tpu.memory_space<hbm>> -> memref<2x128xi32, #tpu.memory_space<hbm>>
        %dma_wait3A_368 = arith.constant 0 : i32
        %dma_wait3A_369 = arith.constant 0 : i32
        %dma_wait3A_370 = tpu.memref_slice %arg6[%dma_wait3A, %dma_wait3A_368, %dma_wait3A_369] : memref<6x2x128xi32, #tpu.memory_space<vmem>> -> memref<1x2x128xi32, #tpu.memory_space<vmem>>
        %dma_wait3A_371 = tpu.memref_squeeze %dma_wait3A_370 : memref<1x2x128xi32, #tpu.memory_space<vmem>> -> memref<2x128xi32, #tpu.memory_space<vmem>>
        %dma_wait3A_372 = arith.constant 0 : i32
        %dma_wait3A_373 = tpu.memref_slice %arg3[%dma_wait3A_372, %mul3A_361] : memref<2x320000xi32, #tpu.memory_space<hbm>> -> memref<2x128xi32, #tpu.memory_space<hbm>>
        tpu.wait_dma2 semaphore(%arg9 : memref<!tpu.dma_semaphore, #tpu.memory_space<semaphore_mem>>) src(%dma_wait3A_373 : memref<2x128xi32, #tpu.memory_space<hbm>>) dst(%dma_wait3A_371 : memref<2x128xi32, #tpu.memory_space<vmem>>)
        %dma_start3A_374 = arith.constant 0 : i32
        %dma_start3A_375 = arith.constant 0 : i32
        %dma_start3A_376 = arith.constant 0 : i32
        %dma_start3A_377 = arith.constant 0 : i32
        %dma_start3A_378 = arith.constant 0 : i32
        %dma_start3A_379 = tpu.memref_slice %arg7[%dma_start3A_376, %dma_start3A_377, %dma_start3A_378] : memref<3x128x128xf32, #tpu.memory_space<vmem>> -> memref<1x128x128xf32, #tpu.memory_space<vmem>>
        %dma_start3A_380 = tpu.memref_squeeze %dma_start3A_379 : memref<1x128x128xf32, #tpu.memory_space<vmem>> -> memref<128x128xf32, #tpu.memory_space<vmem>>
        %dma_start3A_381 = arith.constant 0 : i32
        %dma_start3A_382 = tpu.memref_slice %arg6[%dma_start3A_374, %dma_start3A_375, %dma_start3A_381] : memref<6x2x128xi32, #tpu.memory_space<vmem>> -> memref<1x1x128xi32, #tpu.memory_space<vmem>>
        %dma_start3A_383 = tpu.memref_squeeze %dma_start3A_382 : memref<1x1x128xi32, #tpu.memory_space<vmem>> -> memref<128xi32, #tpu.memory_space<vmem>>
        %dma_start3A_384 = arith.constant 0 : i32
        %dma_start3A_385 = arith.constant 0 : i32
        %dma_start3A_386 = tpu.memref_slice %arg2[%dma_start3A_384, %dma_start3A_385] : memref<10000x128xf32, #tpu.memory_space<hbm>> -> memref<10000x128xf32, #tpu.memory_space<hbm>>
        tpu.enqueue_indirect_dma source(%dma_start3A_386 : memref<10000x128xf32, #tpu.memory_space<hbm>>) target(%dma_start3A_380 : memref<128x128xf32, #tpu.memory_space<vmem>>) offsets(%dma_start3A_383 : memref<128xi32, #tpu.memory_space<vmem>>) semaphore(%arg15 : memref<!tpu.dma_semaphore, #tpu.memory_space<semaphore_mem>>)
      } else {
      }
      %add3A_111 = arith.constant 3 : i32
      %add3A_112 = arith.addi %add3A_95, %add3A_111 : i32
      %mul3A_113 = arith.constant 32 : i32
      %mul3A_114 = arith.muli %add3A_112, %mul3A_113 : i32
      %add3A_115 = arith.addi %mul3A_114, %add3A : i32
      %lt3A_116 = arith.constant 2500 : i32
      %lt3A_117 = arith.cmpi slt, %add3A_115, %lt3A_116 : i32
      %convert_element_type3A_118 = arith.extui %lt3A_117 : i1 to i32
      %cond3A_119 = arith.constant 0 : i32
      %cond3A_120 = arith.cmpi ne, %convert_element_type3A_118, %cond3A_119 : i32
      scf.if %cond3A_120 {
        %add3A_357 = arith.constant 3 : i32
        %add3A_358 = arith.addi %add3A_95, %add3A_357 : i32
        %mul3A_359 = arith.constant 32 : i32
        %mul3A_360 = arith.muli %add3A_358, %mul3A_359 : i32
        %add3A_361 = arith.addi %mul3A_360, %add3A : i32
        %mul3A_362 = arith.constant 128 : i32
        %mul3A_363 = arith.muli %add3A_361, %mul3A_362 : i32
        %dma_start3A_364 = arith.constant 3 : i32
        %dma_start3A_365 = arith.constant 0 : i32
        %dma_start3A_366 = arith.constant 0 : i32
        %dma_start3A_367 = tpu.memref_slice %arg6[%dma_start3A_364, %dma_start3A_365, %dma_start3A_366] : memref<6x2x128xi32, #tpu.memory_space<vmem>> -> memref<1x2x128xi32, #tpu.memory_space<vmem>>
        %dma_start3A_368 = tpu.memref_squeeze %dma_start3A_367 : memref<1x2x128xi32, #tpu.memory_space<vmem>> -> memref<2x128xi32, #tpu.memory_space<vmem>>
        %dma_start3A_369 = arith.constant 0 : i32
        %dma_start3A_370 = tpu.memref_slice %arg3[%dma_start3A_369, %mul3A_363] : memref<2x320000xi32, #tpu.memory_space<hbm>> -> memref<2x128xi32, #tpu.memory_space<hbm>>
        %dma_start3A_371 = arith.constant 0 : i32
        %dma_start3A_372 = arith.constant 0 : i32
        %dma_start3A_373 = tpu.memref_slice %arg6[%dma_start3A_364, %dma_start3A_371, %dma_start3A_372] : memref<6x2x128xi32, #tpu.memory_space<vmem>> -> memref<1x2x128xi32, #tpu.memory_space<vmem>>
        %dma_start3A_374 = tpu.memref_squeeze %dma_start3A_373 : memref<1x2x128xi32, #tpu.memory_space<vmem>> -> memref<2x128xi32, #tpu.memory_space<vmem>>
        %dma_start3A_375 = arith.constant 0 : i32
        %dma_start3A_376 = tpu.memref_slice %arg3[%dma_start3A_375, %mul3A_363] : memref<2x320000xi32, #tpu.memory_space<hbm>> -> memref<2x128xi32, #tpu.memory_space<hbm>>
        tpu.enqueue_dma source(%dma_start3A_376 : memref<2x128xi32, #tpu.memory_space<hbm>>) target(%dma_start3A_374 : memref<2x128xi32, #tpu.memory_space<vmem>>) target_semaphore(%arg12 : memref<!tpu.dma_semaphore, #tpu.memory_space<semaphore_mem>>)
      } else {
      }
      %mul3A_121 = arith.constant 3 : i32
      %mul3A_122 = arith.muli %add3A_91, %mul3A_121 : i32
      %add3A_123 = arith.constant 1 : i32
      %add3A_124 = arith.addi %mul3A_122, %add3A_123 : i32
      %mul3A_125 = arith.constant 32 : i32
      %mul3A_126 = arith.muli %add3A_124, %mul3A_125 : i32
      %add3A_127 = arith.addi %mul3A_126, %add3A : i32
      %gt3A_128 = arith.constant 0 : i32
      %gt3A_129 = arith.cmpi sgt, %add3A_91, %gt3A_128 : i32
      %sub3A_130 = arith.constant 96 : i32
      %sub3A_131 = arith.subi %add3A_127, %sub3A_130 : i32
      %lt3A_132 = arith.constant 2500 : i32
      %lt3A_133 = arith.cmpi slt, %sub3A_131, %lt3A_132 : i32
      %and3A_134 = arith.andi %gt3A_129, %lt3A_133 : i1
      %convert_element_type3A_135 = arith.extui %and3A_134 : i1 to i32
      %cond3A_136 = arith.constant 0 : i32
      %cond3A_137 = arith.cmpi ne, %convert_element_type3A_135, %cond3A_136 : i32
      scf.if %cond3A_137 {
        %dma_wait3A = arith.constant 1 : i32
        %dma_wait3A_357 = arith.constant 4 : i32
        %dma_wait3A_358 = arith.constant 1 : i32
        %dma_wait3A_359 = arith.constant 0 : i32
        %dma_wait3A_360 = arith.constant 0 : i32
        %dma_wait3A_361 = tpu.memref_slice %arg7[%dma_wait3A, %dma_wait3A_359, %dma_wait3A_360] : memref<3x128x128xf32, #tpu.memory_space<vmem>> -> memref<1x128x128xf32, #tpu.memory_space<vmem>>
        %dma_wait3A_362 = tpu.memref_squeeze %dma_wait3A_361 : memref<1x128x128xf32, #tpu.memory_space<vmem>> -> memref<128x128xf32, #tpu.memory_space<vmem>>
        %dma_wait3A_363 = arith.constant 0 : i32
        %dma_wait3A_364 = tpu.memref_slice %arg6[%dma_wait3A_357, %dma_wait3A_358, %dma_wait3A_363] : memref<6x2x128xi32, #tpu.memory_space<vmem>> -> memref<1x1x128xi32, #tpu.memory_space<vmem>>
        %dma_wait3A_365 = tpu.memref_squeeze %dma_wait3A_364 : memref<1x1x128xi32, #tpu.memory_space<vmem>> -> memref<128xi32, #tpu.memory_space<vmem>>
        %dma_wait3A_366 = arith.constant 0 : i32
        %dma_wait3A_367 = arith.constant 0 : i32
        %dma_wait3A_368 = tpu.memref_slice %arg8[%dma_wait3A_366, %dma_wait3A_367] : memref<10000x128xf32, #tpu.memory_space<vmem_shared>> -> memref<10000x128xf32, #tpu.memory_space<vmem_shared>>
        tpu.wait_indirect_dma semaphore(%arg19 : memref<!tpu.dma_semaphore, #tpu.memory_space<semaphore_mem>>) src(%dma_wait3A_362 : memref<128x128xf32, #tpu.memory_space<vmem>>) dst(%dma_wait3A_368 : memref<10000x128xf32, #tpu.memory_space<vmem_shared>>)
      } else {
      }
      %lt3A_138 = arith.constant 2500 : i32
      %lt3A_139 = arith.cmpi slt, %add3A_127, %lt3A_138 : i32
      %convert_element_type3A_140 = arith.extui %lt3A_139 : i1 to i32
      %cond3A_141 = arith.constant 0 : i32
      %cond3A_142 = arith.cmpi ne, %convert_element_type3A_140, %cond3A_141 : i32
      scf.if %cond3A_142 {
        %mul3A_357 = arith.constant 32 : i32
        %mul3A_358 = arith.muli %add3A_124, %mul3A_357 : i32
        %add3A_359 = arith.addi %mul3A_358, %add3A : i32
        %mul3A_360 = arith.constant 128 : i32
        %mul3A_361 = arith.muli %add3A_359, %mul3A_360 : i32
        %dma_wait3A = arith.constant 1 : i32
        %dma_wait3A_362 = arith.constant 0 : i32
        %dma_wait3A_363 = arith.constant 0 : i32
        %dma_wait3A_364 = tpu.memref_slice %arg6[%dma_wait3A, %dma_wait3A_362, %dma_wait3A_363] : memref<6x2x128xi32, #tpu.memory_space<vmem>> -> memref<1x2x128xi32, #tpu.memory_space<vmem>>
        %dma_wait3A_365 = tpu.memref_squeeze %dma_wait3A_364 : memref<1x2x128xi32, #tpu.memory_space<vmem>> -> memref<2x128xi32, #tpu.memory_space<vmem>>
        %dma_wait3A_366 = arith.constant 0 : i32
        %dma_wait3A_367 = tpu.memref_slice %arg3[%dma_wait3A_366, %mul3A_361] : memref<2x320000xi32, #tpu.memory_space<hbm>> -> memref<2x128xi32, #tpu.memory_space<hbm>>
        %dma_wait3A_368 = arith.constant 0 : i32
        %dma_wait3A_369 = arith.constant 0 : i32
        %dma_wait3A_370 = tpu.memref_slice %arg6[%dma_wait3A, %dma_wait3A_368, %dma_wait3A_369] : memref<6x2x128xi32, #tpu.memory_space<vmem>> -> memref<1x2x128xi32, #tpu.memory_space<vmem>>
        %dma_wait3A_371 = tpu.memref_squeeze %dma_wait3A_370 : memref<1x2x128xi32, #tpu.memory_space<vmem>> -> memref<2x128xi32, #tpu.memory_space<vmem>>
        %dma_wait3A_372 = arith.constant 0 : i32
        %dma_wait3A_373 = tpu.memref_slice %arg3[%dma_wait3A_372, %mul3A_361] : memref<2x320000xi32, #tpu.memory_space<hbm>> -> memref<2x128xi32, #tpu.memory_space<hbm>>
        tpu.wait_dma2 semaphore(%arg10 : memref<!tpu.dma_semaphore, #tpu.memory_space<semaphore_mem>>) src(%dma_wait3A_373 : memref<2x128xi32, #tpu.memory_space<hbm>>) dst(%dma_wait3A_371 : memref<2x128xi32, #tpu.memory_space<vmem>>)
        %dma_start3A_374 = arith.constant 1 : i32
        %dma_start3A_375 = arith.constant 0 : i32
        %dma_start3A_376 = arith.constant 1 : i32
        %dma_start3A_377 = arith.constant 0 : i32
        %dma_start3A_378 = arith.constant 0 : i32
        %dma_start3A_379 = tpu.memref_slice %arg7[%dma_start3A_376, %dma_start3A_377, %dma_start3A_378] : memref<3x128x128xf32, #tpu.memory_space<vmem>> -> memref<1x128x128xf32, #tpu.memory_space<vmem>>
        %dma_start3A_380 = tpu.memref_squeeze %dma_start3A_379 : memref<1x128x128xf32, #tpu.memory_space<vmem>> -> memref<128x128xf32, #tpu.memory_space<vmem>>
        %dma_start3A_381 = arith.constant 0 : i32
        %dma_start3A_382 = tpu.memref_slice %arg6[%dma_start3A_374, %dma_start3A_375, %dma_start3A_381] : memref<6x2x128xi32, #tpu.memory_space<vmem>> -> memref<1x1x128xi32, #tpu.memory_space<vmem>>
        %dma_start3A_383 = tpu.memref_squeeze %dma_start3A_382 : memref<1x1x128xi32, #tpu.memory_space<vmem>> -> memref<128xi32, #tpu.memory_space<vmem>>
        %dma_start3A_384 = arith.constant 0 : i32
        %dma_start3A_385 = arith.constant 0 : i32
        %dma_start3A_386 = tpu.memref_slice %arg2[%dma_start3A_384, %dma_start3A_385] : memref<10000x128xf32, #tpu.memory_space<hbm>> -> memref<10000x128xf32, #tpu.memory_space<hbm>>
        tpu.enqueue_indirect_dma source(%dma_start3A_386 : memref<10000x128xf32, #tpu.memory_space<hbm>>) target(%dma_start3A_380 : memref<128x128xf32, #tpu.memory_space<vmem>>) offsets(%dma_start3A_383 : memref<128xi32, #tpu.memory_space<vmem>>) semaphore(%arg16 : memref<!tpu.dma_semaphore, #tpu.memory_space<semaphore_mem>>)
      } else {
      }
      %add3A_143 = arith.constant 3 : i32
      %add3A_144 = arith.addi %add3A_124, %add3A_143 : i32
      %mul3A_145 = arith.constant 32 : i32
      %mul3A_146 = arith.muli %add3A_144, %mul3A_145 : i32
      %add3A_147 = arith.addi %mul3A_146, %add3A : i32
      %lt3A_148 = arith.constant 2500 : i32
      %lt3A_149 = arith.cmpi slt, %add3A_147, %lt3A_148 : i32
      %convert_element_type3A_150 = arith.extui %lt3A_149 : i1 to i32
      %cond3A_151 = arith.constant 0 : i32
      %cond3A_152 = arith.cmpi ne, %convert_element_type3A_150, %cond3A_151 : i32
      scf.if %cond3A_152 {
        %add3A_357 = arith.constant 3 : i32
        %add3A_358 = arith.addi %add3A_124, %add3A_357 : i32
        %mul3A_359 = arith.constant 32 : i32
        %mul3A_360 = arith.muli %add3A_358, %mul3A_359 : i32
        %add3A_361 = arith.addi %mul3A_360, %add3A : i32
        %mul3A_362 = arith.constant 128 : i32
        %mul3A_363 = arith.muli %add3A_361, %mul3A_362 : i32
        %dma_start3A_364 = arith.constant 4 : i32
        %dma_start3A_365 = arith.constant 0 : i32
        %dma_start3A_366 = arith.constant 0 : i32
        %dma_start3A_367 = tpu.memref_slice %arg6[%dma_start3A_364, %dma_start3A_365, %dma_start3A_366] : memref<6x2x128xi32, #tpu.memory_space<vmem>> -> memref<1x2x128xi32, #tpu.memory_space<vmem>>
        %dma_start3A_368 = tpu.memref_squeeze %dma_start3A_367 : memref<1x2x128xi32, #tpu.memory_space<vmem>> -> memref<2x128xi32, #tpu.memory_space<vmem>>
        %dma_start3A_369 = arith.constant 0 : i32
        %dma_start3A_370 = tpu.memref_slice %arg3[%dma_start3A_369, %mul3A_363] : memref<2x320000xi32, #tpu.memory_space<hbm>> -> memref<2x128xi32, #tpu.memory_space<hbm>>
        %dma_start3A_371 = arith.constant 0 : i32
        %dma_start3A_372 = arith.constant 0 : i32
        %dma_start3A_373 = tpu.memref_slice %arg6[%dma_start3A_364, %dma_start3A_371, %dma_start3A_372] : memref<6x2x128xi32, #tpu.memory_space<vmem>> -> memref<1x2x128xi32, #tpu.memory_space<vmem>>
        %dma_start3A_374 = tpu.memref_squeeze %dma_start3A_373 : memref<1x2x128xi32, #tpu.memory_space<vmem>> -> memref<2x128xi32, #tpu.memory_space<vmem>>
        %dma_start3A_375 = arith.constant 0 : i32
        %dma_start3A_376 = tpu.memref_slice %arg3[%dma_start3A_375, %mul3A_363] : memref<2x320000xi32, #tpu.memory_space<hbm>> -> memref<2x128xi32, #tpu.memory_space<hbm>>
        tpu.enqueue_dma source(%dma_start3A_376 : memref<2x128xi32, #tpu.memory_space<hbm>>) target(%dma_start3A_374 : memref<2x128xi32, #tpu.memory_space<vmem>>) target_semaphore(%arg13 : memref<!tpu.dma_semaphore, #tpu.memory_space<semaphore_mem>>)
      } else {
      }
      %mul3A_153 = arith.constant 3 : i32
      %mul3A_154 = arith.muli %add3A_91, %mul3A_153 : i32
      %add3A_155 = arith.constant 2 : i32
      %add3A_156 = arith.addi %mul3A_154, %add3A_155 : i32
      %mul3A_157 = arith.constant 32 : i32
      %mul3A_158 = arith.muli %add3A_156, %mul3A_157 : i32
      %add3A_159 = arith.addi %mul3A_158, %add3A : i32
      %gt3A_160 = arith.constant 0 : i32
      %gt3A_161 = arith.cmpi sgt, %add3A_91, %gt3A_160 : i32
      %sub3A_162 = arith.constant 96 : i32
      %sub3A_163 = arith.subi %add3A_159, %sub3A_162 : i32
      %lt3A_164 = arith.constant 2500 : i32
      %lt3A_165 = arith.cmpi slt, %sub3A_163, %lt3A_164 : i32
      %and3A_166 = arith.andi %gt3A_161, %lt3A_165 : i1
      %convert_element_type3A_167 = arith.extui %and3A_166 : i1 to i32
      %cond3A_168 = arith.constant 0 : i32
      %cond3A_169 = arith.cmpi ne, %convert_element_type3A_167, %cond3A_168 : i32
      scf.if %cond3A_169 {
        %dma_wait3A = arith.constant 2 : i32
        %dma_wait3A_357 = arith.constant 5 : i32
        %dma_wait3A_358 = arith.constant 1 : i32
        %dma_wait3A_359 = arith.constant 0 : i32
        %dma_wait3A_360 = arith.constant 0 : i32
        %dma_wait3A_361 = tpu.memref_slice %arg7[%dma_wait3A, %dma_wait3A_359, %dma_wait3A_360] : memref<3x128x128xf32, #tpu.memory_space<vmem>> -> memref<1x128x128xf32, #tpu.memory_space<vmem>>
        %dma_wait3A_362 = tpu.memref_squeeze %dma_wait3A_361 : memref<1x128x128xf32, #tpu.memory_space<vmem>> -> memref<128x128xf32, #tpu.memory_space<vmem>>
        %dma_wait3A_363 = arith.constant 0 : i32
        %dma_wait3A_364 = tpu.memref_slice %arg6[%dma_wait3A_357, %dma_wait3A_358, %dma_wait3A_363] : memref<6x2x128xi32, #tpu.memory_space<vmem>> -> memref<1x1x128xi32, #tpu.memory_space<vmem>>
        %dma_wait3A_365 = tpu.memref_squeeze %dma_wait3A_364 : memref<1x1x128xi32, #tpu.memory_space<vmem>> -> memref<128xi32, #tpu.memory_space<vmem>>
        %dma_wait3A_366 = arith.constant 0 : i32
        %dma_wait3A_367 = arith.constant 0 : i32
        %dma_wait3A_368 = tpu.memref_slice %arg8[%dma_wait3A_366, %dma_wait3A_367] : memref<10000x128xf32, #tpu.memory_space<vmem_shared>> -> memref<10000x128xf32, #tpu.memory_space<vmem_shared>>
        tpu.wait_indirect_dma semaphore(%arg20 : memref<!tpu.dma_semaphore, #tpu.memory_space<semaphore_mem>>) src(%dma_wait3A_362 : memref<128x128xf32, #tpu.memory_space<vmem>>) dst(%dma_wait3A_368 : memref<10000x128xf32, #tpu.memory_space<vmem_shared>>)
      } else {
      }
      %lt3A_170 = arith.constant 2500 : i32
      %lt3A_171 = arith.cmpi slt, %add3A_159, %lt3A_170 : i32
      %convert_element_type3A_172 = arith.extui %lt3A_171 : i1 to i32
      %cond3A_173 = arith.constant 0 : i32
      %cond3A_174 = arith.cmpi ne, %convert_element_type3A_172, %cond3A_173 : i32
      scf.if %cond3A_174 {
        %mul3A_357 = arith.constant 32 : i32
        %mul3A_358 = arith.muli %add3A_156, %mul3A_357 : i32
        %add3A_359 = arith.addi %mul3A_358, %add3A : i32
        %mul3A_360 = arith.constant 128 : i32
        %mul3A_361 = arith.muli %add3A_359, %mul3A_360 : i32
        %dma_wait3A = arith.constant 2 : i32
        %dma_wait3A_362 = arith.constant 0 : i32
        %dma_wait3A_363 = arith.constant 0 : i32
        %dma_wait3A_364 = tpu.memref_slice %arg6[%dma_wait3A, %dma_wait3A_362, %dma_wait3A_363] : memref<6x2x128xi32, #tpu.memory_space<vmem>> -> memref<1x2x128xi32, #tpu.memory_space<vmem>>
        %dma_wait3A_365 = tpu.memref_squeeze %dma_wait3A_364 : memref<1x2x128xi32, #tpu.memory_space<vmem>> -> memref<2x128xi32, #tpu.memory_space<vmem>>
        %dma_wait3A_366 = arith.constant 0 : i32
        %dma_wait3A_367 = tpu.memref_slice %arg3[%dma_wait3A_366, %mul3A_361] : memref<2x320000xi32, #tpu.memory_space<hbm>> -> memref<2x128xi32, #tpu.memory_space<hbm>>
        %dma_wait3A_368 = arith.constant 0 : i32
        %dma_wait3A_369 = arith.constant 0 : i32
        %dma_wait3A_370 = tpu.memref_slice %arg6[%dma_wait3A, %dma_wait3A_368, %dma_wait3A_369] : memref<6x2x128xi32, #tpu.memory_space<vmem>> -> memref<1x2x128xi32, #tpu.memory_space<vmem>>
        %dma_wait3A_371 = tpu.memref_squeeze %dma_wait3A_370 : memref<1x2x128xi32, #tpu.memory_space<vmem>> -> memref<2x128xi32, #tpu.memory_space<vmem>>
        %dma_wait3A_372 = arith.constant 0 : i32
        %dma_wait3A_373 = tpu.memref_slice %arg3[%dma_wait3A_372, %mul3A_361] : memref<2x320000xi32, #tpu.memory_space<hbm>> -> memref<2x128xi32, #tpu.memory_space<hbm>>
        tpu.wait_dma2 semaphore(%arg11 : memref<!tpu.dma_semaphore, #tpu.memory_space<semaphore_mem>>) src(%dma_wait3A_373 : memref<2x128xi32, #tpu.memory_space<hbm>>) dst(%dma_wait3A_371 : memref<2x128xi32, #tpu.memory_space<vmem>>)
        %dma_start3A_374 = arith.constant 2 : i32
        %dma_start3A_375 = arith.constant 0 : i32
        %dma_start3A_376 = arith.constant 2 : i32
        %dma_start3A_377 = arith.constant 0 : i32
        %dma_start3A_378 = arith.constant 0 : i32
        %dma_start3A_379 = tpu.memref_slice %arg7[%dma_start3A_376, %dma_start3A_377, %dma_start3A_378] : memref<3x128x128xf32, #tpu.memory_space<vmem>> -> memref<1x128x128xf32, #tpu.memory_space<vmem>>
        %dma_start3A_380 = tpu.memref_squeeze %dma_start3A_379 : memref<1x128x128xf32, #tpu.memory_space<vmem>> -> memref<128x128xf32, #tpu.memory_space<vmem>>
        %dma_start3A_381 = arith.constant 0 : i32
        %dma_start3A_382 = tpu.memref_slice %arg6[%dma_start3A_374, %dma_start3A_375, %dma_start3A_381] : memref<6x2x128xi32, #tpu.memory_space<vmem>> -> memref<1x1x128xi32, #tpu.memory_space<vmem>>
        %dma_start3A_383 = tpu.memref_squeeze %dma_start3A_382 : memref<1x1x128xi32, #tpu.memory_space<vmem>> -> memref<128xi32, #tpu.memory_space<vmem>>
        %dma_start3A_384 = arith.constant 0 : i32
        %dma_start3A_385 = arith.constant 0 : i32
        %dma_start3A_386 = tpu.memref_slice %arg2[%dma_start3A_384, %dma_start3A_385] : memref<10000x128xf32, #tpu.memory_space<hbm>> -> memref<10000x128xf32, #tpu.memory_space<hbm>>
        tpu.enqueue_indirect_dma source(%dma_start3A_386 : memref<10000x128xf32, #tpu.memory_space<hbm>>) target(%dma_start3A_380 : memref<128x128xf32, #tpu.memory_space<vmem>>) offsets(%dma_start3A_383 : memref<128xi32, #tpu.memory_space<vmem>>) semaphore(%arg17 : memref<!tpu.dma_semaphore, #tpu.memory_space<semaphore_mem>>)
      } else {
      }
      %add3A_175 = arith.constant 3 : i32
      %add3A_176 = arith.addi %add3A_156, %add3A_175 : i32
      %mul3A_177 = arith.constant 32 : i32
      %mul3A_178 = arith.muli %add3A_176, %mul3A_177 : i32
      %add3A_179 = arith.addi %mul3A_178, %add3A : i32
      %lt3A_180 = arith.constant 2500 : i32
      %lt3A_181 = arith.cmpi slt, %add3A_179, %lt3A_180 : i32
      %convert_element_type3A_182 = arith.extui %lt3A_181 : i1 to i32
      %cond3A_183 = arith.constant 0 : i32
      %cond3A_184 = arith.cmpi ne, %convert_element_type3A_182, %cond3A_183 : i32
      scf.if %cond3A_184 {
        %add3A_357 = arith.constant 3 : i32
        %add3A_358 = arith.addi %add3A_156, %add3A_357 : i32
        %mul3A_359 = arith.constant 32 : i32
        %mul3A_360 = arith.muli %add3A_358, %mul3A_359 : i32
        %add3A_361 = arith.addi %mul3A_360, %add3A : i32
        %mul3A_362 = arith.constant 128 : i32
        %mul3A_363 = arith.muli %add3A_361, %mul3A_362 : i32
        %dma_start3A_364 = arith.constant 5 : i32
        %dma_start3A_365 = arith.constant 0 : i32
        %dma_start3A_366 = arith.constant 0 : i32
        %dma_start3A_367 = tpu.memref_slice %arg6[%dma_start3A_364, %dma_start3A_365, %dma_start3A_366] : memref<6x2x128xi32, #tpu.memory_space<vmem>> -> memref<1x2x128xi32, #tpu.memory_space<vmem>>
        %dma_start3A_368 = tpu.memref_squeeze %dma_start3A_367 : memref<1x2x128xi32, #tpu.memory_space<vmem>> -> memref<2x128xi32, #tpu.memory_space<vmem>>
        %dma_start3A_369 = arith.constant 0 : i32
        %dma_start3A_370 = tpu.memref_slice %arg3[%dma_start3A_369, %mul3A_363] : memref<2x320000xi32, #tpu.memory_space<hbm>> -> memref<2x128xi32, #tpu.memory_space<hbm>>
        %dma_start3A_371 = arith.constant 0 : i32
        %dma_start3A_372 = arith.constant 0 : i32
        %dma_start3A_373 = tpu.memref_slice %arg6[%dma_start3A_364, %dma_start3A_371, %dma_start3A_372] : memref<6x2x128xi32, #tpu.memory_space<vmem>> -> memref<1x2x128xi32, #tpu.memory_space<vmem>>
        %dma_start3A_374 = tpu.memref_squeeze %dma_start3A_373 : memref<1x2x128xi32, #tpu.memory_space<vmem>> -> memref<2x128xi32, #tpu.memory_space<vmem>>
        %dma_start3A_375 = arith.constant 0 : i32
        %dma_start3A_376 = tpu.memref_slice %arg3[%dma_start3A_375, %mul3A_363] : memref<2x320000xi32, #tpu.memory_space<hbm>> -> memref<2x128xi32, #tpu.memory_space<hbm>>
        tpu.enqueue_dma source(%dma_start3A_376 : memref<2x128xi32, #tpu.memory_space<hbm>>) target(%dma_start3A_374 : memref<2x128xi32, #tpu.memory_space<vmem>>) target_semaphore(%arg14 : memref<!tpu.dma_semaphore, #tpu.memory_space<semaphore_mem>>)
      } else {
      }
      %mul3A_185 = arith.constant 3 : i32
      %mul3A_186 = arith.muli %add3A_91, %mul3A_185 : i32
      %add3A_187 = arith.constant 0 : i32
      %add3A_188 = arith.addi %mul3A_186, %add3A_187 : i32
      %mul3A_189 = arith.constant 32 : i32
      %mul3A_190 = arith.muli %add3A_188, %mul3A_189 : i32
      %add3A_191 = arith.addi %mul3A_190, %add3A : i32
      %lt3A_192 = arith.constant 2500 : i32
      %lt3A_193 = arith.cmpi slt, %add3A_191, %lt3A_192 : i32
      %convert_element_type3A_194 = arith.extui %lt3A_193 : i1 to i32
      %cond3A_195 = arith.constant 0 : i32
      %cond3A_196 = arith.cmpi ne, %convert_element_type3A_194, %cond3A_195 : i32
      scf.if %cond3A_196 {
        %dma_wait3A = arith.constant 0 : i32
        %dma_wait3A_357 = arith.constant 0 : i32
        %dma_wait3A_358 = arith.constant 0 : i32
        %dma_wait3A_359 = arith.constant 0 : i32
        %dma_wait3A_360 = arith.constant 0 : i32
        %dma_wait3A_361 = tpu.memref_slice %arg7[%dma_wait3A_358, %dma_wait3A_359, %dma_wait3A_360] : memref<3x128x128xf32, #tpu.memory_space<vmem>> -> memref<1x128x128xf32, #tpu.memory_space<vmem>>
        %dma_wait3A_362 = tpu.memref_squeeze %dma_wait3A_361 : memref<1x128x128xf32, #tpu.memory_space<vmem>> -> memref<128x128xf32, #tpu.memory_space<vmem>>
        %dma_wait3A_363 = arith.constant 0 : i32
        %dma_wait3A_364 = tpu.memref_slice %arg6[%dma_wait3A, %dma_wait3A_357, %dma_wait3A_363] : memref<6x2x128xi32, #tpu.memory_space<vmem>> -> memref<1x1x128xi32, #tpu.memory_space<vmem>>
        %dma_wait3A_365 = tpu.memref_squeeze %dma_wait3A_364 : memref<1x1x128xi32, #tpu.memory_space<vmem>> -> memref<128xi32, #tpu.memory_space<vmem>>
        %dma_wait3A_366 = arith.constant 0 : i32
        %dma_wait3A_367 = arith.constant 0 : i32
        %dma_wait3A_368 = tpu.memref_slice %arg2[%dma_wait3A_366, %dma_wait3A_367] : memref<10000x128xf32, #tpu.memory_space<hbm>> -> memref<10000x128xf32, #tpu.memory_space<hbm>>
        tpu.wait_indirect_dma semaphore(%arg15 : memref<!tpu.dma_semaphore, #tpu.memory_space<semaphore_mem>>) src(%dma_wait3A_368 : memref<10000x128xf32, #tpu.memory_space<hbm>>) dst(%dma_wait3A_362 : memref<128x128xf32, #tpu.memory_space<vmem>>)
        %dma_start3A_369 = arith.constant 0 : i32
        %dma_start3A_370 = arith.constant 0 : i32
        %dma_start3A_371 = arith.constant 1 : i32
        %dma_start3A_372 = arith.constant 0 : i32
        %dma_start3A_373 = arith.constant 0 : i32
        %dma_start3A_374 = tpu.memref_slice %arg7[%dma_start3A_369, %dma_start3A_372, %dma_start3A_373] : memref<3x128x128xf32, #tpu.memory_space<vmem>> -> memref<1x128x128xf32, #tpu.memory_space<vmem>>
        %dma_start3A_375 = tpu.memref_squeeze %dma_start3A_374 : memref<1x128x128xf32, #tpu.memory_space<vmem>> -> memref<128x128xf32, #tpu.memory_space<vmem>>
        %dma_start3A_376 = arith.constant 0 : i32
        %dma_start3A_377 = tpu.memref_slice %arg6[%dma_start3A_370, %dma_start3A_371, %dma_start3A_376] : memref<6x2x128xi32, #tpu.memory_space<vmem>> -> memref<1x1x128xi32, #tpu.memory_space<vmem>>
        %dma_start3A_378 = tpu.memref_squeeze %dma_start3A_377 : memref<1x1x128xi32, #tpu.memory_space<vmem>> -> memref<128xi32, #tpu.memory_space<vmem>>
        %dma_start3A_379 = arith.constant 0 : i32
        %dma_start3A_380 = arith.constant 0 : i32
        %dma_start3A_381 = tpu.memref_slice %arg8[%dma_start3A_379, %dma_start3A_380] : memref<10000x128xf32, #tpu.memory_space<vmem_shared>> -> memref<10000x128xf32, #tpu.memory_space<vmem_shared>>
        tpu.enqueue_indirect_dma source(%dma_start3A_375 : memref<128x128xf32, #tpu.memory_space<vmem>>) target(%dma_start3A_381 : memref<10000x128xf32, #tpu.memory_space<vmem_shared>>) offsets(%dma_start3A_378 : memref<128xi32, #tpu.memory_space<vmem>>) semaphore(%arg18 : memref<!tpu.dma_semaphore, #tpu.memory_space<semaphore_mem>>) {add = true}
      } else {
      }
      %mul3A_197 = arith.constant 3 : i32
      %mul3A_198 = arith.muli %add3A_91, %mul3A_197 : i32
      %add3A_199 = arith.constant 1 : i32
      %add3A_200 = arith.addi %mul3A_198, %add3A_199 : i32
      %mul3A_201 = arith.constant 32 : i32
      %mul3A_202 = arith.muli %add3A_200, %mul3A_201 : i32
      %add3A_203 = arith.addi %mul3A_202, %add3A : i32
      %lt3A_204 = arith.constant 2500 : i32
      %lt3A_205 = arith.cmpi slt, %add3A_203, %lt3A_204 : i32
      %convert_element_type3A_206 = arith.extui %lt3A_205 : i1 to i32
      %cond3A_207 = arith.constant 0 : i32
      %cond3A_208 = arith.cmpi ne, %convert_element_type3A_206, %cond3A_207 : i32
      scf.if %cond3A_208 {
        %dma_wait3A = arith.constant 1 : i32
        %dma_wait3A_357 = arith.constant 0 : i32
        %dma_wait3A_358 = arith.constant 1 : i32
        %dma_wait3A_359 = arith.constant 0 : i32
        %dma_wait3A_360 = arith.constant 0 : i32
        %dma_wait3A_361 = tpu.memref_slice %arg7[%dma_wait3A_358, %dma_wait3A_359, %dma_wait3A_360] : memref<3x128x128xf32, #tpu.memory_space<vmem>> -> memref<1x128x128xf32, #tpu.memory_space<vmem>>
        %dma_wait3A_362 = tpu.memref_squeeze %dma_wait3A_361 : memref<1x128x128xf32, #tpu.memory_space<vmem>> -> memref<128x128xf32, #tpu.memory_space<vmem>>
        %dma_wait3A_363 = arith.constant 0 : i32
        %dma_wait3A_364 = tpu.memref_slice %arg6[%dma_wait3A, %dma_wait3A_357, %dma_wait3A_363] : memref<6x2x128xi32, #tpu.memory_space<vmem>> -> memref<1x1x128xi32, #tpu.memory_space<vmem>>
        %dma_wait3A_365 = tpu.memref_squeeze %dma_wait3A_364 : memref<1x1x128xi32, #tpu.memory_space<vmem>> -> memref<128xi32, #tpu.memory_space<vmem>>
        %dma_wait3A_366 = arith.constant 0 : i32
        %dma_wait3A_367 = arith.constant 0 : i32
        %dma_wait3A_368 = tpu.memref_slice %arg2[%dma_wait3A_366, %dma_wait3A_367] : memref<10000x128xf32, #tpu.memory_space<hbm>> -> memref<10000x128xf32, #tpu.memory_space<hbm>>
        tpu.wait_indirect_dma semaphore(%arg16 : memref<!tpu.dma_semaphore, #tpu.memory_space<semaphore_mem>>) src(%dma_wait3A_368 : memref<10000x128xf32, #tpu.memory_space<hbm>>) dst(%dma_wait3A_362 : memref<128x128xf32, #tpu.memory_space<vmem>>)
        %dma_start3A_369 = arith.constant 1 : i32
        %dma_start3A_370 = arith.constant 1 : i32
        %dma_start3A_371 = arith.constant 1 : i32
        %dma_start3A_372 = arith.constant 0 : i32
        %dma_start3A_373 = arith.constant 0 : i32
        %dma_start3A_374 = tpu.memref_slice %arg7[%dma_start3A_369, %dma_start3A_372, %dma_start3A_373] : memref<3x128x128xf32, #tpu.memory_space<vmem>> -> memref<1x128x128xf32, #tpu.memory_space<vmem>>
        %dma_start3A_375 = tpu.memref_squeeze %dma_start3A_374 : memref<1x128x128xf32, #tpu.memory_space<vmem>> -> memref<128x128xf32, #tpu.memory_space<vmem>>
        %dma_start3A_376 = arith.constant 0 : i32
        %dma_start3A_377 = tpu.memref_slice %arg6[%dma_start3A_370, %dma_start3A_371, %dma_start3A_376] : memref<6x2x128xi32, #tpu.memory_space<vmem>> -> memref<1x1x128xi32, #tpu.memory_space<vmem>>
        %dma_start3A_378 = tpu.memref_squeeze %dma_start3A_377 : memref<1x1x128xi32, #tpu.memory_space<vmem>> -> memref<128xi32, #tpu.memory_space<vmem>>
        %dma_start3A_379 = arith.constant 0 : i32
        %dma_start3A_380 = arith.constant 0 : i32
        %dma_start3A_381 = tpu.memref_slice %arg8[%dma_start3A_379, %dma_start3A_380] : memref<10000x128xf32, #tpu.memory_space<vmem_shared>> -> memref<10000x128xf32, #tpu.memory_space<vmem_shared>>
        tpu.enqueue_indirect_dma source(%dma_start3A_375 : memref<128x128xf32, #tpu.memory_space<vmem>>) target(%dma_start3A_381 : memref<10000x128xf32, #tpu.memory_space<vmem_shared>>) offsets(%dma_start3A_378 : memref<128xi32, #tpu.memory_space<vmem>>) semaphore(%arg19 : memref<!tpu.dma_semaphore, #tpu.memory_space<semaphore_mem>>) {add = true}
      } else {
      }
      %mul3A_209 = arith.constant 3 : i32
      %mul3A_210 = arith.muli %add3A_91, %mul3A_209 : i32
      %add3A_211 = arith.constant 2 : i32
      %add3A_212 = arith.addi %mul3A_210, %add3A_211 : i32
      %mul3A_213 = arith.constant 32 : i32
      %mul3A_214 = arith.muli %add3A_212, %mul3A_213 : i32
      %add3A_215 = arith.addi %mul3A_214, %add3A : i32
      %lt3A_216 = arith.constant 2500 : i32
      %lt3A_217 = arith.cmpi slt, %add3A_215, %lt3A_216 : i32
      %convert_element_type3A_218 = arith.extui %lt3A_217 : i1 to i32
      %cond3A_219 = arith.constant 0 : i32
      %cond3A_220 = arith.cmpi ne, %convert_element_type3A_218, %cond3A_219 : i32
      scf.if %cond3A_220 {
        %dma_wait3A = arith.constant 2 : i32
        %dma_wait3A_357 = arith.constant 0 : i32
        %dma_wait3A_358 = arith.constant 2 : i32
        %dma_wait3A_359 = arith.constant 0 : i32
        %dma_wait3A_360 = arith.constant 0 : i32
        %dma_wait3A_361 = tpu.memref_slice %arg7[%dma_wait3A_358, %dma_wait3A_359, %dma_wait3A_360] : memref<3x128x128xf32, #tpu.memory_space<vmem>> -> memref<1x128x128xf32, #tpu.memory_space<vmem>>
        %dma_wait3A_362 = tpu.memref_squeeze %dma_wait3A_361 : memref<1x128x128xf32, #tpu.memory_space<vmem>> -> memref<128x128xf32, #tpu.memory_space<vmem>>
        %dma_wait3A_363 = arith.constant 0 : i32
        %dma_wait3A_364 = tpu.memref_slice %arg6[%dma_wait3A, %dma_wait3A_357, %dma_wait3A_363] : memref<6x2x128xi32, #tpu.memory_space<vmem>> -> memref<1x1x128xi32, #tpu.memory_space<vmem>>
        %dma_wait3A_365 = tpu.memref_squeeze %dma_wait3A_364 : memref<1x1x128xi32, #tpu.memory_space<vmem>> -> memref<128xi32, #tpu.memory_space<vmem>>
        %dma_wait3A_366 = arith.constant 0 : i32
        %dma_wait3A_367 = arith.constant 0 : i32
        %dma_wait3A_368 = tpu.memref_slice %arg2[%dma_wait3A_366, %dma_wait3A_367] : memref<10000x128xf32, #tpu.memory_space<hbm>> -> memref<10000x128xf32, #tpu.memory_space<hbm>>
        tpu.wait_indirect_dma semaphore(%arg17 : memref<!tpu.dma_semaphore, #tpu.memory_space<semaphore_mem>>) src(%dma_wait3A_368 : memref<10000x128xf32, #tpu.memory_space<hbm>>) dst(%dma_wait3A_362 : memref<128x128xf32, #tpu.memory_space<vmem>>)
        %dma_start3A_369 = arith.constant 2 : i32
        %dma_start3A_370 = arith.constant 2 : i32
        %dma_start3A_371 = arith.constant 1 : i32
        %dma_start3A_372 = arith.constant 0 : i32
        %dma_start3A_373 = arith.constant 0 : i32
        %dma_start3A_374 = tpu.memref_slice %arg7[%dma_start3A_369, %dma_start3A_372, %dma_start3A_373] : memref<3x128x128xf32, #tpu.memory_space<vmem>> -> memref<1x128x128xf32, #tpu.memory_space<vmem>>
        %dma_start3A_375 = tpu.memref_squeeze %dma_start3A_374 : memref<1x128x128xf32, #tpu.memory_space<vmem>> -> memref<128x128xf32, #tpu.memory_space<vmem>>
        %dma_start3A_376 = arith.constant 0 : i32
        %dma_start3A_377 = tpu.memref_slice %arg6[%dma_start3A_370, %dma_start3A_371, %dma_start3A_376] : memref<6x2x128xi32, #tpu.memory_space<vmem>> -> memref<1x1x128xi32, #tpu.memory_space<vmem>>
        %dma_start3A_378 = tpu.memref_squeeze %dma_start3A_377 : memref<1x1x128xi32, #tpu.memory_space<vmem>> -> memref<128xi32, #tpu.memory_space<vmem>>
        %dma_start3A_379 = arith.constant 0 : i32
        %dma_start3A_380 = arith.constant 0 : i32
        %dma_start3A_381 = tpu.memref_slice %arg8[%dma_start3A_379, %dma_start3A_380] : memref<10000x128xf32, #tpu.memory_space<vmem_shared>> -> memref<10000x128xf32, #tpu.memory_space<vmem_shared>>
        tpu.enqueue_indirect_dma source(%dma_start3A_375 : memref<128x128xf32, #tpu.memory_space<vmem>>) target(%dma_start3A_381 : memref<10000x128xf32, #tpu.memory_space<vmem_shared>>) offsets(%dma_start3A_378 : memref<128xi32, #tpu.memory_space<vmem>>) semaphore(%arg20 : memref<!tpu.dma_semaphore, #tpu.memory_space<semaphore_mem>>) {add = true}
      } else {
      }
      %mul3A_221 = arith.constant 2 : i32
      %mul3A_222 = arith.muli %scan3A_87, %mul3A_221 : i32
      %add3A_223 = arith.constant 1 : i32
      %add3A_224 = arith.addi %mul3A_222, %add3A_223 : i32
      %mul3A_225 = arith.constant 3 : i32
      %mul3A_226 = arith.muli %add3A_224, %mul3A_225 : i32
      %add3A_227 = arith.constant 0 : i32
      %add3A_228 = arith.addi %mul3A_226, %add3A_227 : i32
      %mul3A_229 = arith.constant 32 : i32
      %mul3A_230 = arith.muli %add3A_228, %mul3A_229 : i32
      %add3A_231 = arith.addi %mul3A_230, %add3A : i32
      %gt3A_232 = arith.constant 0 : i32
      %gt3A_233 = arith.cmpi sgt, %add3A_224, %gt3A_232 : i32
      %sub3A_234 = arith.constant 96 : i32
      %sub3A_235 = arith.subi %add3A_231, %sub3A_234 : i32
      %lt3A_236 = arith.constant 2500 : i32
      %lt3A_237 = arith.cmpi slt, %sub3A_235, %lt3A_236 : i32
      %and3A_238 = arith.andi %gt3A_233, %lt3A_237 : i1
      %convert_element_type3A_239 = arith.extui %and3A_238 : i1 to i32
      %cond3A_240 = arith.constant 0 : i32
      %cond3A_241 = arith.cmpi ne, %convert_element_type3A_239, %cond3A_240 : i32
      scf.if %cond3A_241 {
        %dma_wait3A = arith.constant 0 : i32
        %dma_wait3A_357 = arith.constant 0 : i32
        %dma_wait3A_358 = arith.constant 1 : i32
        %dma_wait3A_359 = arith.constant 0 : i32
        %dma_wait3A_360 = arith.constant 0 : i32
        %dma_wait3A_361 = tpu.memref_slice %arg7[%dma_wait3A, %dma_wait3A_359, %dma_wait3A_360] : memref<3x128x128xf32, #tpu.memory_space<vmem>> -> memref<1x128x128xf32, #tpu.memory_space<vmem>>
        %dma_wait3A_362 = tpu.memref_squeeze %dma_wait3A_361 : memref<1x128x128xf32, #tpu.memory_space<vmem>> -> memref<128x128xf32, #tpu.memory_space<vmem>>
        %dma_wait3A_363 = arith.constant 0 : i32
        %dma_wait3A_364 = tpu.memref_slice %arg6[%dma_wait3A_357, %dma_wait3A_358, %dma_wait3A_363] : memref<6x2x128xi32, #tpu.memory_space<vmem>> -> memref<1x1x128xi32, #tpu.memory_space<vmem>>
        %dma_wait3A_365 = tpu.memref_squeeze %dma_wait3A_364 : memref<1x1x128xi32, #tpu.memory_space<vmem>> -> memref<128xi32, #tpu.memory_space<vmem>>
        %dma_wait3A_366 = arith.constant 0 : i32
        %dma_wait3A_367 = arith.constant 0 : i32
        %dma_wait3A_368 = tpu.memref_slice %arg8[%dma_wait3A_366, %dma_wait3A_367] : memref<10000x128xf32, #tpu.memory_space<vmem_shared>> -> memref<10000x128xf32, #tpu.memory_space<vmem_shared>>
        tpu.wait_indirect_dma semaphore(%arg18 : memref<!tpu.dma_semaphore, #tpu.memory_space<semaphore_mem>>) src(%dma_wait3A_362 : memref<128x128xf32, #tpu.memory_space<vmem>>) dst(%dma_wait3A_368 : memref<10000x128xf32, #tpu.memory_space<vmem_shared>>)
      } else {
      }
      %lt3A_242 = arith.constant 2500 : i32
      %lt3A_243 = arith.cmpi slt, %add3A_231, %lt3A_242 : i32
      %convert_element_type3A_244 = arith.extui %lt3A_243 : i1 to i32
      %cond3A_245 = arith.constant 0 : i32
      %cond3A_246 = arith.cmpi ne, %convert_element_type3A_244, %cond3A_245 : i32
      scf.if %cond3A_246 {
        %mul3A_357 = arith.constant 32 : i32
        %mul3A_358 = arith.muli %add3A_228, %mul3A_357 : i32
        %add3A_359 = arith.addi %mul3A_358, %add3A : i32
        %mul3A_360 = arith.constant 128 : i32
        %mul3A_361 = arith.muli %add3A_359, %mul3A_360 : i32
        %dma_wait3A = arith.constant 3 : i32
        %dma_wait3A_362 = arith.constant 0 : i32
        %dma_wait3A_363 = arith.constant 0 : i32
        %dma_wait3A_364 = tpu.memref_slice %arg6[%dma_wait3A, %dma_wait3A_362, %dma_wait3A_363] : memref<6x2x128xi32, #tpu.memory_space<vmem>> -> memref<1x2x128xi32, #tpu.memory_space<vmem>>
        %dma_wait3A_365 = tpu.memref_squeeze %dma_wait3A_364 : memref<1x2x128xi32, #tpu.memory_space<vmem>> -> memref<2x128xi32, #tpu.memory_space<vmem>>
        %dma_wait3A_366 = arith.constant 0 : i32
        %dma_wait3A_367 = tpu.memref_slice %arg3[%dma_wait3A_366, %mul3A_361] : memref<2x320000xi32, #tpu.memory_space<hbm>> -> memref<2x128xi32, #tpu.memory_space<hbm>>
        %dma_wait3A_368 = arith.constant 0 : i32
        %dma_wait3A_369 = arith.constant 0 : i32
        %dma_wait3A_370 = tpu.memref_slice %arg6[%dma_wait3A, %dma_wait3A_368, %dma_wait3A_369] : memref<6x2x128xi32, #tpu.memory_space<vmem>> -> memref<1x2x128xi32, #tpu.memory_space<vmem>>
        %dma_wait3A_371 = tpu.memref_squeeze %dma_wait3A_370 : memref<1x2x128xi32, #tpu.memory_space<vmem>> -> memref<2x128xi32, #tpu.memory_space<vmem>>
        %dma_wait3A_372 = arith.constant 0 : i32
        %dma_wait3A_373 = tpu.memref_slice %arg3[%dma_wait3A_372, %mul3A_361] : memref<2x320000xi32, #tpu.memory_space<hbm>> -> memref<2x128xi32, #tpu.memory_space<hbm>>
        tpu.wait_dma2 semaphore(%arg12 : memref<!tpu.dma_semaphore, #tpu.memory_space<semaphore_mem>>) src(%dma_wait3A_373 : memref<2x128xi32, #tpu.memory_space<hbm>>) dst(%dma_wait3A_371 : memref<2x128xi32, #tpu.memory_space<vmem>>)
        %dma_start3A_374 = arith.constant 3 : i32
        %dma_start3A_375 = arith.constant 0 : i32
        %dma_start3A_376 = arith.constant 0 : i32
        %dma_start3A_377 = arith.constant 0 : i32
        %dma_start3A_378 = arith.constant 0 : i32
        %dma_start3A_379 = tpu.memref_slice %arg7[%dma_start3A_376, %dma_start3A_377, %dma_start3A_378] : memref<3x128x128xf32, #tpu.memory_space<vmem>> -> memref<1x128x128xf32, #tpu.memory_space<vmem>>
        %dma_start3A_380 = tpu.memref_squeeze %dma_start3A_379 : memref<1x128x128xf32, #tpu.memory_space<vmem>> -> memref<128x128xf32, #tpu.memory_space<vmem>>
        %dma_start3A_381 = arith.constant 0 : i32
        %dma_start3A_382 = tpu.memref_slice %arg6[%dma_start3A_374, %dma_start3A_375, %dma_start3A_381] : memref<6x2x128xi32, #tpu.memory_space<vmem>> -> memref<1x1x128xi32, #tpu.memory_space<vmem>>
        %dma_start3A_383 = tpu.memref_squeeze %dma_start3A_382 : memref<1x1x128xi32, #tpu.memory_space<vmem>> -> memref<128xi32, #tpu.memory_space<vmem>>
        %dma_start3A_384 = arith.constant 0 : i32
        %dma_start3A_385 = arith.constant 0 : i32
        %dma_start3A_386 = tpu.memref_slice %arg2[%dma_start3A_384, %dma_start3A_385] : memref<10000x128xf32, #tpu.memory_space<hbm>> -> memref<10000x128xf32, #tpu.memory_space<hbm>>
        tpu.enqueue_indirect_dma source(%dma_start3A_386 : memref<10000x128xf32, #tpu.memory_space<hbm>>) target(%dma_start3A_380 : memref<128x128xf32, #tpu.memory_space<vmem>>) offsets(%dma_start3A_383 : memref<128xi32, #tpu.memory_space<vmem>>) semaphore(%arg15 : memref<!tpu.dma_semaphore, #tpu.memory_space<semaphore_mem>>)
      } else {
      }
      %add3A_247 = arith.constant 3 : i32
      %add3A_248 = arith.addi %add3A_228, %add3A_247 : i32
      %mul3A_249 = arith.constant 32 : i32
      %mul3A_250 = arith.muli %add3A_248, %mul3A_249 : i32
      %add3A_251 = arith.addi %mul3A_250, %add3A : i32
      %lt3A_252 = arith.constant 2500 : i32
      %lt3A_253 = arith.cmpi slt, %add3A_251, %lt3A_252 : i32
      %convert_element_type3A_254 = arith.extui %lt3A_253 : i1 to i32
      %cond3A_255 = arith.constant 0 : i32
      %cond3A_256 = arith.cmpi ne, %convert_element_type3A_254, %cond3A_255 : i32
      scf.if %cond3A_256 {
        %add3A_357 = arith.constant 3 : i32
        %add3A_358 = arith.addi %add3A_228, %add3A_357 : i32
        %mul3A_359 = arith.constant 32 : i32
        %mul3A_360 = arith.muli %add3A_358, %mul3A_359 : i32
        %add3A_361 = arith.addi %mul3A_360, %add3A : i32
        %mul3A_362 = arith.constant 128 : i32
        %mul3A_363 = arith.muli %add3A_361, %mul3A_362 : i32
        %dma_start3A_364 = arith.constant 0 : i32
        %dma_start3A_365 = arith.constant 0 : i32
        %dma_start3A_366 = arith.constant 0 : i32
        %dma_start3A_367 = tpu.memref_slice %arg6[%dma_start3A_364, %dma_start3A_365, %dma_start3A_366] : memref<6x2x128xi32, #tpu.memory_space<vmem>> -> memref<1x2x128xi32, #tpu.memory_space<vmem>>
        %dma_start3A_368 = tpu.memref_squeeze %dma_start3A_367 : memref<1x2x128xi32, #tpu.memory_space<vmem>> -> memref<2x128xi32, #tpu.memory_space<vmem>>
        %dma_start3A_369 = arith.constant 0 : i32
        %dma_start3A_370 = tpu.memref_slice %arg3[%dma_start3A_369, %mul3A_363] : memref<2x320000xi32, #tpu.memory_space<hbm>> -> memref<2x128xi32, #tpu.memory_space<hbm>>
        %dma_start3A_371 = arith.constant 0 : i32
        %dma_start3A_372 = arith.constant 0 : i32
        %dma_start3A_373 = tpu.memref_slice %arg6[%dma_start3A_364, %dma_start3A_371, %dma_start3A_372] : memref<6x2x128xi32, #tpu.memory_space<vmem>> -> memref<1x2x128xi32, #tpu.memory_space<vmem>>
        %dma_start3A_374 = tpu.memref_squeeze %dma_start3A_373 : memref<1x2x128xi32, #tpu.memory_space<vmem>> -> memref<2x128xi32, #tpu.memory_space<vmem>>
        %dma_start3A_375 = arith.constant 0 : i32
        %dma_start3A_376 = tpu.memref_slice %arg3[%dma_start3A_375, %mul3A_363] : memref<2x320000xi32, #tpu.memory_space<hbm>> -> memref<2x128xi32, #tpu.memory_space<hbm>>
        tpu.enqueue_dma source(%dma_start3A_376 : memref<2x128xi32, #tpu.memory_space<hbm>>) target(%dma_start3A_374 : memref<2x128xi32, #tpu.memory_space<vmem>>) target_semaphore(%arg9 : memref<!tpu.dma_semaphore, #tpu.memory_space<semaphore_mem>>)
      } else {
      }
      %mul3A_257 = arith.constant 3 : i32
      %mul3A_258 = arith.muli %add3A_224, %mul3A_257 : i32
      %add3A_259 = arith.constant 1 : i32
      %add3A_260 = arith.addi %mul3A_258, %add3A_259 : i32
      %mul3A_261 = arith.constant 32 : i32
      %mul3A_262 = arith.muli %add3A_260, %mul3A_261 : i32
      %add3A_263 = arith.addi %mul3A_262, %add3A : i32
      %gt3A_264 = arith.constant 0 : i32
      %gt3A_265 = arith.cmpi sgt, %add3A_224, %gt3A_264 : i32
      %sub3A_266 = arith.constant 96 : i32
      %sub3A_267 = arith.subi %add3A_263, %sub3A_266 : i32
      %lt3A_268 = arith.constant 2500 : i32
      %lt3A_269 = arith.cmpi slt, %sub3A_267, %lt3A_268 : i32
      %and3A_270 = arith.andi %gt3A_265, %lt3A_269 : i1
      %convert_element_type3A_271 = arith.extui %and3A_270 : i1 to i32
      %cond3A_272 = arith.constant 0 : i32
      %cond3A_273 = arith.cmpi ne, %convert_element_type3A_271, %cond3A_272 : i32
      scf.if %cond3A_273 {
        %dma_wait3A = arith.constant 1 : i32
        %dma_wait3A_357 = arith.constant 1 : i32
        %dma_wait3A_358 = arith.constant 1 : i32
        %dma_wait3A_359 = arith.constant 0 : i32
        %dma_wait3A_360 = arith.constant 0 : i32
        %dma_wait3A_361 = tpu.memref_slice %arg7[%dma_wait3A, %dma_wait3A_359, %dma_wait3A_360] : memref<3x128x128xf32, #tpu.memory_space<vmem>> -> memref<1x128x128xf32, #tpu.memory_space<vmem>>
        %dma_wait3A_362 = tpu.memref_squeeze %dma_wait3A_361 : memref<1x128x128xf32, #tpu.memory_space<vmem>> -> memref<128x128xf32, #tpu.memory_space<vmem>>
        %dma_wait3A_363 = arith.constant 0 : i32
        %dma_wait3A_364 = tpu.memref_slice %arg6[%dma_wait3A_357, %dma_wait3A_358, %dma_wait3A_363] : memref<6x2x128xi32, #tpu.memory_space<vmem>> -> memref<1x1x128xi32, #tpu.memory_space<vmem>>
        %dma_wait3A_365 = tpu.memref_squeeze %dma_wait3A_364 : memref<1x1x128xi32, #tpu.memory_space<vmem>> -> memref<128xi32, #tpu.memory_space<vmem>>
        %dma_wait3A_366 = arith.constant 0 : i32
        %dma_wait3A_367 = arith.constant 0 : i32
        %dma_wait3A_368 = tpu.memref_slice %arg8[%dma_wait3A_366, %dma_wait3A_367] : memref<10000x128xf32, #tpu.memory_space<vmem_shared>> -> memref<10000x128xf32, #tpu.memory_space<vmem_shared>>
        tpu.wait_indirect_dma semaphore(%arg19 : memref<!tpu.dma_semaphore, #tpu.memory_space<semaphore_mem>>) src(%dma_wait3A_362 : memref<128x128xf32, #tpu.memory_space<vmem>>) dst(%dma_wait3A_368 : memref<10000x128xf32, #tpu.memory_space<vmem_shared>>)
      } else {
      }
      %lt3A_274 = arith.constant 2500 : i32
      %lt3A_275 = arith.cmpi slt, %add3A_263, %lt3A_274 : i32
      %convert_element_type3A_276 = arith.extui %lt3A_275 : i1 to i32
      %cond3A_277 = arith.constant 0 : i32
      %cond3A_278 = arith.cmpi ne, %convert_element_type3A_276, %cond3A_277 : i32
      scf.if %cond3A_278 {
        %mul3A_357 = arith.constant 32 : i32
        %mul3A_358 = arith.muli %add3A_260, %mul3A_357 : i32
        %add3A_359 = arith.addi %mul3A_358, %add3A : i32
        %mul3A_360 = arith.constant 128 : i32
        %mul3A_361 = arith.muli %add3A_359, %mul3A_360 : i32
        %dma_wait3A = arith.constant 4 : i32
        %dma_wait3A_362 = arith.constant 0 : i32
        %dma_wait3A_363 = arith.constant 0 : i32
        %dma_wait3A_364 = tpu.memref_slice %arg6[%dma_wait3A, %dma_wait3A_362, %dma_wait3A_363] : memref<6x2x128xi32, #tpu.memory_space<vmem>> -> memref<1x2x128xi32, #tpu.memory_space<vmem>>
        %dma_wait3A_365 = tpu.memref_squeeze %dma_wait3A_364 : memref<1x2x128xi32, #tpu.memory_space<vmem>> -> memref<2x128xi32, #tpu.memory_space<vmem>>
        %dma_wait3A_366 = arith.constant 0 : i32
        %dma_wait3A_367 = tpu.memref_slice %arg3[%dma_wait3A_366, %mul3A_361] : memref<2x320000xi32, #tpu.memory_space<hbm>> -> memref<2x128xi32, #tpu.memory_space<hbm>>
        %dma_wait3A_368 = arith.constant 0 : i32
        %dma_wait3A_369 = arith.constant 0 : i32
        %dma_wait3A_370 = tpu.memref_slice %arg6[%dma_wait3A, %dma_wait3A_368, %dma_wait3A_369] : memref<6x2x128xi32, #tpu.memory_space<vmem>> -> memref<1x2x128xi32, #tpu.memory_space<vmem>>
        %dma_wait3A_371 = tpu.memref_squeeze %dma_wait3A_370 : memref<1x2x128xi32, #tpu.memory_space<vmem>> -> memref<2x128xi32, #tpu.memory_space<vmem>>
        %dma_wait3A_372 = arith.constant 0 : i32
        %dma_wait3A_373 = tpu.memref_slice %arg3[%dma_wait3A_372, %mul3A_361] : memref<2x320000xi32, #tpu.memory_space<hbm>> -> memref<2x128xi32, #tpu.memory_space<hbm>>
        tpu.wait_dma2 semaphore(%arg13 : memref<!tpu.dma_semaphore, #tpu.memory_space<semaphore_mem>>) src(%dma_wait3A_373 : memref<2x128xi32, #tpu.memory_space<hbm>>) dst(%dma_wait3A_371 : memref<2x128xi32, #tpu.memory_space<vmem>>)
        %dma_start3A_374 = arith.constant 4 : i32
        %dma_start3A_375 = arith.constant 0 : i32
        %dma_start3A_376 = arith.constant 1 : i32
        %dma_start3A_377 = arith.constant 0 : i32
        %dma_start3A_378 = arith.constant 0 : i32
        %dma_start3A_379 = tpu.memref_slice %arg7[%dma_start3A_376, %dma_start3A_377, %dma_start3A_378] : memref<3x128x128xf32, #tpu.memory_space<vmem>> -> memref<1x128x128xf32, #tpu.memory_space<vmem>>
        %dma_start3A_380 = tpu.memref_squeeze %dma_start3A_379 : memref<1x128x128xf32, #tpu.memory_space<vmem>> -> memref<128x128xf32, #tpu.memory_space<vmem>>
        %dma_start3A_381 = arith.constant 0 : i32
        %dma_start3A_382 = tpu.memref_slice %arg6[%dma_start3A_374, %dma_start3A_375, %dma_start3A_381] : memref<6x2x128xi32, #tpu.memory_space<vmem>> -> memref<1x1x128xi32, #tpu.memory_space<vmem>>
        %dma_start3A_383 = tpu.memref_squeeze %dma_start3A_382 : memref<1x1x128xi32, #tpu.memory_space<vmem>> -> memref<128xi32, #tpu.memory_space<vmem>>
        %dma_start3A_384 = arith.constant 0 : i32
        %dma_start3A_385 = arith.constant 0 : i32
        %dma_start3A_386 = tpu.memref_slice %arg2[%dma_start3A_384, %dma_start3A_385] : memref<10000x128xf32, #tpu.memory_space<hbm>> -> memref<10000x128xf32, #tpu.memory_space<hbm>>
        tpu.enqueue_indirect_dma source(%dma_start3A_386 : memref<10000x128xf32, #tpu.memory_space<hbm>>) target(%dma_start3A_380 : memref<128x128xf32, #tpu.memory_space<vmem>>) offsets(%dma_start3A_383 : memref<128xi32, #tpu.memory_space<vmem>>) semaphore(%arg16 : memref<!tpu.dma_semaphore, #tpu.memory_space<semaphore_mem>>)
      } else {
      }
      %add3A_279 = arith.constant 3 : i32
      %add3A_280 = arith.addi %add3A_260, %add3A_279 : i32
      %mul3A_281 = arith.constant 32 : i32
      %mul3A_282 = arith.muli %add3A_280, %mul3A_281 : i32
      %add3A_283 = arith.addi %mul3A_282, %add3A : i32
      %lt3A_284 = arith.constant 2500 : i32
      %lt3A_285 = arith.cmpi slt, %add3A_283, %lt3A_284 : i32
      %convert_element_type3A_286 = arith.extui %lt3A_285 : i1 to i32
      %cond3A_287 = arith.constant 0 : i32
      %cond3A_288 = arith.cmpi ne, %convert_element_type3A_286, %cond3A_287 : i32
      scf.if %cond3A_288 {
        %add3A_357 = arith.constant 3 : i32
        %add3A_358 = arith.addi %add3A_260, %add3A_357 : i32
        %mul3A_359 = arith.constant 32 : i32
        %mul3A_360 = arith.muli %add3A_358, %mul3A_359 : i32
        %add3A_361 = arith.addi %mul3A_360, %add3A : i32
        %mul3A_362 = arith.constant 128 : i32
        %mul3A_363 = arith.muli %add3A_361, %mul3A_362 : i32
        %dma_start3A_364 = arith.constant 1 : i32
        %dma_start3A_365 = arith.constant 0 : i32
        %dma_start3A_366 = arith.constant 0 : i32
        %dma_start3A_367 = tpu.memref_slice %arg6[%dma_start3A_364, %dma_start3A_365, %dma_start3A_366] : memref<6x2x128xi32, #tpu.memory_space<vmem>> -> memref<1x2x128xi32, #tpu.memory_space<vmem>>
        %dma_start3A_368 = tpu.memref_squeeze %dma_start3A_367 : memref<1x2x128xi32, #tpu.memory_space<vmem>> -> memref<2x128xi32, #tpu.memory_space<vmem>>
        %dma_start3A_369 = arith.constant 0 : i32
        %dma_start3A_370 = tpu.memref_slice %arg3[%dma_start3A_369, %mul3A_363] : memref<2x320000xi32, #tpu.memory_space<hbm>> -> memref<2x128xi32, #tpu.memory_space<hbm>>
        %dma_start3A_371 = arith.constant 0 : i32
        %dma_start3A_372 = arith.constant 0 : i32
        %dma_start3A_373 = tpu.memref_slice %arg6[%dma_start3A_364, %dma_start3A_371, %dma_start3A_372] : memref<6x2x128xi32, #tpu.memory_space<vmem>> -> memref<1x2x128xi32, #tpu.memory_space<vmem>>
        %dma_start3A_374 = tpu.memref_squeeze %dma_start3A_373 : memref<1x2x128xi32, #tpu.memory_space<vmem>> -> memref<2x128xi32, #tpu.memory_space<vmem>>
        %dma_start3A_375 = arith.constant 0 : i32
        %dma_start3A_376 = tpu.memref_slice %arg3[%dma_start3A_375, %mul3A_363] : memref<2x320000xi32, #tpu.memory_space<hbm>> -> memref<2x128xi32, #tpu.memory_space<hbm>>
        tpu.enqueue_dma source(%dma_start3A_376 : memref<2x128xi32, #tpu.memory_space<hbm>>) target(%dma_start3A_374 : memref<2x128xi32, #tpu.memory_space<vmem>>) target_semaphore(%arg10 : memref<!tpu.dma_semaphore, #tpu.memory_space<semaphore_mem>>)
      } else {
      }
      %mul3A_289 = arith.constant 3 : i32
      %mul3A_290 = arith.muli %add3A_224, %mul3A_289 : i32
      %add3A_291 = arith.constant 2 : i32
      %add3A_292 = arith.addi %mul3A_290, %add3A_291 : i32
      %mul3A_293 = arith.constant 32 : i32
      %mul3A_294 = arith.muli %add3A_292, %mul3A_293 : i32
      %add3A_295 = arith.addi %mul3A_294, %add3A : i32
      %gt3A_296 = arith.constant 0 : i32
      %gt3A_297 = arith.cmpi sgt, %add3A_224, %gt3A_296 : i32
      %sub3A_298 = arith.constant 96 : i32
      %sub3A_299 = arith.subi %add3A_295, %sub3A_298 : i32
      %lt3A_300 = arith.constant 2500 : i32
      %lt3A_301 = arith.cmpi slt, %sub3A_299, %lt3A_300 : i32
      %and3A_302 = arith.andi %gt3A_297, %lt3A_301 : i1
      %convert_element_type3A_303 = arith.extui %and3A_302 : i1 to i32
      %cond3A_304 = arith.constant 0 : i32
      %cond3A_305 = arith.cmpi ne, %convert_element_type3A_303, %cond3A_304 : i32
      scf.if %cond3A_305 {
        %dma_wait3A = arith.constant 2 : i32
        %dma_wait3A_357 = arith.constant 2 : i32
        %dma_wait3A_358 = arith.constant 1 : i32
        %dma_wait3A_359 = arith.constant 0 : i32
        %dma_wait3A_360 = arith.constant 0 : i32
        %dma_wait3A_361 = tpu.memref_slice %arg7[%dma_wait3A, %dma_wait3A_359, %dma_wait3A_360] : memref<3x128x128xf32, #tpu.memory_space<vmem>> -> memref<1x128x128xf32, #tpu.memory_space<vmem>>
        %dma_wait3A_362 = tpu.memref_squeeze %dma_wait3A_361 : memref<1x128x128xf32, #tpu.memory_space<vmem>> -> memref<128x128xf32, #tpu.memory_space<vmem>>
        %dma_wait3A_363 = arith.constant 0 : i32
        %dma_wait3A_364 = tpu.memref_slice %arg6[%dma_wait3A_357, %dma_wait3A_358, %dma_wait3A_363] : memref<6x2x128xi32, #tpu.memory_space<vmem>> -> memref<1x1x128xi32, #tpu.memory_space<vmem>>
        %dma_wait3A_365 = tpu.memref_squeeze %dma_wait3A_364 : memref<1x1x128xi32, #tpu.memory_space<vmem>> -> memref<128xi32, #tpu.memory_space<vmem>>
        %dma_wait3A_366 = arith.constant 0 : i32
        %dma_wait3A_367 = arith.constant 0 : i32
        %dma_wait3A_368 = tpu.memref_slice %arg8[%dma_wait3A_366, %dma_wait3A_367] : memref<10000x128xf32, #tpu.memory_space<vmem_shared>> -> memref<10000x128xf32, #tpu.memory_space<vmem_shared>>
        tpu.wait_indirect_dma semaphore(%arg20 : memref<!tpu.dma_semaphore, #tpu.memory_space<semaphore_mem>>) src(%dma_wait3A_362 : memref<128x128xf32, #tpu.memory_space<vmem>>) dst(%dma_wait3A_368 : memref<10000x128xf32, #tpu.memory_space<vmem_shared>>)
      } else {
      }
      %lt3A_306 = arith.constant 2500 : i32
      %lt3A_307 = arith.cmpi slt, %add3A_295, %lt3A_306 : i32
      %convert_element_type3A_308 = arith.extui %lt3A_307 : i1 to i32
      %cond3A_309 = arith.constant 0 : i32
      %cond3A_310 = arith.cmpi ne, %convert_element_type3A_308, %cond3A_309 : i32
      scf.if %cond3A_310 {
        %mul3A_357 = arith.constant 32 : i32
        %mul3A_358 = arith.muli %add3A_292, %mul3A_357 : i32
        %add3A_359 = arith.addi %mul3A_358, %add3A : i32
        %mul3A_360 = arith.constant 128 : i32
        %mul3A_361 = arith.muli %add3A_359, %mul3A_360 : i32
        %dma_wait3A = arith.constant 5 : i32
        %dma_wait3A_362 = arith.constant 0 : i32
        %dma_wait3A_363 = arith.constant 0 : i32
        %dma_wait3A_364 = tpu.memref_slice %arg6[%dma_wait3A, %dma_wait3A_362, %dma_wait3A_363] : memref<6x2x128xi32, #tpu.memory_space<vmem>> -> memref<1x2x128xi32, #tpu.memory_space<vmem>>
        %dma_wait3A_365 = tpu.memref_squeeze %dma_wait3A_364 : memref<1x2x128xi32, #tpu.memory_space<vmem>> -> memref<2x128xi32, #tpu.memory_space<vmem>>
        %dma_wait3A_366 = arith.constant 0 : i32
        %dma_wait3A_367 = tpu.memref_slice %arg3[%dma_wait3A_366, %mul3A_361] : memref<2x320000xi32, #tpu.memory_space<hbm>> -> memref<2x128xi32, #tpu.memory_space<hbm>>
        %dma_wait3A_368 = arith.constant 0 : i32
        %dma_wait3A_369 = arith.constant 0 : i32
        %dma_wait3A_370 = tpu.memref_slice %arg6[%dma_wait3A, %dma_wait3A_368, %dma_wait3A_369] : memref<6x2x128xi32, #tpu.memory_space<vmem>> -> memref<1x2x128xi32, #tpu.memory_space<vmem>>
        %dma_wait3A_371 = tpu.memref_squeeze %dma_wait3A_370 : memref<1x2x128xi32, #tpu.memory_space<vmem>> -> memref<2x128xi32, #tpu.memory_space<vmem>>
        %dma_wait3A_372 = arith.constant 0 : i32
        %dma_wait3A_373 = tpu.memref_slice %arg3[%dma_wait3A_372, %mul3A_361] : memref<2x320000xi32, #tpu.memory_space<hbm>> -> memref<2x128xi32, #tpu.memory_space<hbm>>
        tpu.wait_dma2 semaphore(%arg14 : memref<!tpu.dma_semaphore, #tpu.memory_space<semaphore_mem>>) src(%dma_wait3A_373 : memref<2x128xi32, #tpu.memory_space<hbm>>) dst(%dma_wait3A_371 : memref<2x128xi32, #tpu.memory_space<vmem>>)
        %dma_start3A_374 = arith.constant 5 : i32
        %dma_start3A_375 = arith.constant 0 : i32
        %dma_start3A_376 = arith.constant 2 : i32
        %dma_start3A_377 = arith.constant 0 : i32
        %dma_start3A_378 = arith.constant 0 : i32
        %dma_start3A_379 = tpu.memref_slice %arg7[%dma_start3A_376, %dma_start3A_377, %dma_start3A_378] : memref<3x128x128xf32, #tpu.memory_space<vmem>> -> memref<1x128x128xf32, #tpu.memory_space<vmem>>
        %dma_start3A_380 = tpu.memref_squeeze %dma_start3A_379 : memref<1x128x128xf32, #tpu.memory_space<vmem>> -> memref<128x128xf32, #tpu.memory_space<vmem>>
        %dma_start3A_381 = arith.constant 0 : i32
        %dma_start3A_382 = tpu.memref_slice %arg6[%dma_start3A_374, %dma_start3A_375, %dma_start3A_381] : memref<6x2x128xi32, #tpu.memory_space<vmem>> -> memref<1x1x128xi32, #tpu.memory_space<vmem>>
        %dma_start3A_383 = tpu.memref_squeeze %dma_start3A_382 : memref<1x1x128xi32, #tpu.memory_space<vmem>> -> memref<128xi32, #tpu.memory_space<vmem>>
        %dma_start3A_384 = arith.constant 0 : i32
        %dma_start3A_385 = arith.constant 0 : i32
        %dma_start3A_386 = tpu.memref_slice %arg2[%dma_start3A_384, %dma_start3A_385] : memref<10000x128xf32, #tpu.memory_space<hbm>> -> memref<10000x128xf32, #tpu.memory_space<hbm>>
        tpu.enqueue_indirect_dma source(%dma_start3A_386 : memref<10000x128xf32, #tpu.memory_space<hbm>>) target(%dma_start3A_380 : memref<128x128xf32, #tpu.memory_space<vmem>>) offsets(%dma_start3A_383 : memref<128xi32, #tpu.memory_space<vmem>>) semaphore(%arg17 : memref<!tpu.dma_semaphore, #tpu.memory_space<semaphore_mem>>)
      } else {
      }
      %add3A_311 = arith.constant 3 : i32
      %add3A_312 = arith.addi %add3A_292, %add3A_311 : i32
      %mul3A_313 = arith.constant 32 : i32
      %mul3A_314 = arith.muli %add3A_312, %mul3A_313 : i32
      %add3A_315 = arith.addi %mul3A_314, %add3A : i32
      %lt3A_316 = arith.constant 2500 : i32
      %lt3A_317 = arith.cmpi slt, %add3A_315, %lt3A_316 : i32
      %convert_element_type3A_318 = arith.extui %lt3A_317 : i1 to i32
      %cond3A_319 = arith.constant 0 : i32
      %cond3A_320 = arith.cmpi ne, %convert_element_type3A_318, %cond3A_319 : i32
      scf.if %cond3A_320 {
        %add3A_357 = arith.constant 3 : i32
        %add3A_358 = arith.addi %add3A_292, %add3A_357 : i32
        %mul3A_359 = arith.constant 32 : i32
        %mul3A_360 = arith.muli %add3A_358, %mul3A_359 : i32
        %add3A_361 = arith.addi %mul3A_360, %add3A : i32
        %mul3A_362 = arith.constant 128 : i32
        %mul3A_363 = arith.muli %add3A_361, %mul3A_362 : i32
        %dma_start3A_364 = arith.constant 2 : i32
        %dma_start3A_365 = arith.constant 0 : i32
        %dma_start3A_366 = arith.constant 0 : i32
        %dma_start3A_367 = tpu.memref_slice %arg6[%dma_start3A_364, %dma_start3A_365, %dma_start3A_366] : memref<6x2x128xi32, #tpu.memory_space<vmem>> -> memref<1x2x128xi32, #tpu.memory_space<vmem>>
        %dma_start3A_368 = tpu.memref_squeeze %dma_start3A_367 : memref<1x2x128xi32, #tpu.memory_space<vmem>> -> memref<2x128xi32, #tpu.memory_space<vmem>>
        %dma_start3A_369 = arith.constant 0 : i32
        %dma_start3A_370 = tpu.memref_slice %arg3[%dma_start3A_369, %mul3A_363] : memref<2x320000xi32, #tpu.memory_space<hbm>> -> memref<2x128xi32, #tpu.memory_space<hbm>>
        %dma_start3A_371 = arith.constant 0 : i32
        %dma_start3A_372 = arith.constant 0 : i32
        %dma_start3A_373 = tpu.memref_slice %arg6[%dma_start3A_364, %dma_start3A_371, %dma_start3A_372] : memref<6x2x128xi32, #tpu.memory_space<vmem>> -> memref<1x2x128xi32, #tpu.memory_space<vmem>>
        %dma_start3A_374 = tpu.memref_squeeze %dma_start3A_373 : memref<1x2x128xi32, #tpu.memory_space<vmem>> -> memref<2x128xi32, #tpu.memory_space<vmem>>
        %dma_start3A_375 = arith.constant 0 : i32
        %dma_start3A_376 = tpu.memref_slice %arg3[%dma_start3A_375, %mul3A_363] : memref<2x320000xi32, #tpu.memory_space<hbm>> -> memref<2x128xi32, #tpu.memory_space<hbm>>
        tpu.enqueue_dma source(%dma_start3A_376 : memref<2x128xi32, #tpu.memory_space<hbm>>) target(%dma_start3A_374 : memref<2x128xi32, #tpu.memory_space<vmem>>) target_semaphore(%arg11 : memref<!tpu.dma_semaphore, #tpu.memory_space<semaphore_mem>>)
      } else {
      }
      %mul3A_321 = arith.constant 3 : i32
      %mul3A_322 = arith.muli %add3A_224, %mul3A_321 : i32
      %add3A_323 = arith.constant 0 : i32
      %add3A_324 = arith.addi %mul3A_322, %add3A_323 : i32
      %mul3A_325 = arith.constant 32 : i32
      %mul3A_326 = arith.muli %add3A_324, %mul3A_325 : i32
      %add3A_327 = arith.addi %mul3A_326, %add3A : i32
      %lt3A_328 = arith.constant 2500 : i32
      %lt3A_329 = arith.cmpi slt, %add3A_327, %lt3A_328 : i32
      %convert_element_type3A_330 = arith.extui %lt3A_329 : i1 to i32
      %cond3A_331 = arith.constant 0 : i32
      %cond3A_332 = arith.cmpi ne, %convert_element_type3A_330, %cond3A_331 : i32
      scf.if %cond3A_332 {
        %dma_wait3A = arith.constant 3 : i32
        %dma_wait3A_357 = arith.constant 0 : i32
        %dma_wait3A_358 = arith.constant 0 : i32
        %dma_wait3A_359 = arith.constant 0 : i32
        %dma_wait3A_360 = arith.constant 0 : i32
        %dma_wait3A_361 = tpu.memref_slice %arg7[%dma_wait3A_358, %dma_wait3A_359, %dma_wait3A_360] : memref<3x128x128xf32, #tpu.memory_space<vmem>> -> memref<1x128x128xf32, #tpu.memory_space<vmem>>
        %dma_wait3A_362 = tpu.memref_squeeze %dma_wait3A_361 : memref<1x128x128xf32, #tpu.memory_space<vmem>> -> memref<128x128xf32, #tpu.memory_space<vmem>>
        %dma_wait3A_363 = arith.constant 0 : i32
        %dma_wait3A_364 = tpu.memref_slice %arg6[%dma_wait3A, %dma_wait3A_357, %dma_wait3A_363] : memref<6x2x128xi32, #tpu.memory_space<vmem>> -> memref<1x1x128xi32, #tpu.memory_space<vmem>>
        %dma_wait3A_365 = tpu.memref_squeeze %dma_wait3A_364 : memref<1x1x128xi32, #tpu.memory_space<vmem>> -> memref<128xi32, #tpu.memory_space<vmem>>
        %dma_wait3A_366 = arith.constant 0 : i32
        %dma_wait3A_367 = arith.constant 0 : i32
        %dma_wait3A_368 = tpu.memref_slice %arg2[%dma_wait3A_366, %dma_wait3A_367] : memref<10000x128xf32, #tpu.memory_space<hbm>> -> memref<10000x128xf32, #tpu.memory_space<hbm>>
        tpu.wait_indirect_dma semaphore(%arg15 : memref<!tpu.dma_semaphore, #tpu.memory_space<semaphore_mem>>) src(%dma_wait3A_368 : memref<10000x128xf32, #tpu.memory_space<hbm>>) dst(%dma_wait3A_362 : memref<128x128xf32, #tpu.memory_space<vmem>>)
        %dma_start3A_369 = arith.constant 0 : i32
        %dma_start3A_370 = arith.constant 3 : i32
        %dma_start3A_371 = arith.constant 1 : i32
        %dma_start3A_372 = arith.constant 0 : i32
        %dma_start3A_373 = arith.constant 0 : i32
        %dma_start3A_374 = tpu.memref_slice %arg7[%dma_start3A_369, %dma_start3A_372, %dma_start3A_373] : memref<3x128x128xf32, #tpu.memory_space<vmem>> -> memref<1x128x128xf32, #tpu.memory_space<vmem>>
        %dma_start3A_375 = tpu.memref_squeeze %dma_start3A_374 : memref<1x128x128xf32, #tpu.memory_space<vmem>> -> memref<128x128xf32, #tpu.memory_space<vmem>>
        %dma_start3A_376 = arith.constant 0 : i32
        %dma_start3A_377 = tpu.memref_slice %arg6[%dma_start3A_370, %dma_start3A_371, %dma_start3A_376] : memref<6x2x128xi32, #tpu.memory_space<vmem>> -> memref<1x1x128xi32, #tpu.memory_space<vmem>>
        %dma_start3A_378 = tpu.memref_squeeze %dma_start3A_377 : memref<1x1x128xi32, #tpu.memory_space<vmem>> -> memref<128xi32, #tpu.memory_space<vmem>>
        %dma_start3A_379 = arith.constant 0 : i32
        %dma_start3A_380 = arith.constant 0 : i32
        %dma_start3A_381 = tpu.memref_slice %arg8[%dma_start3A_379, %dma_start3A_380] : memref<10000x128xf32, #tpu.memory_space<vmem_shared>> -> memref<10000x128xf32, #tpu.memory_space<vmem_shared>>
        tpu.enqueue_indirect_dma source(%dma_start3A_375 : memref<128x128xf32, #tpu.memory_space<vmem>>) target(%dma_start3A_381 : memref<10000x128xf32, #tpu.memory_space<vmem_shared>>) offsets(%dma_start3A_378 : memref<128xi32, #tpu.memory_space<vmem>>) semaphore(%arg18 : memref<!tpu.dma_semaphore, #tpu.memory_space<semaphore_mem>>) {add = true}
      } else {
      }
      %mul3A_333 = arith.constant 3 : i32
      %mul3A_334 = arith.muli %add3A_224, %mul3A_333 : i32
      %add3A_335 = arith.constant 1 : i32
      %add3A_336 = arith.addi %mul3A_334, %add3A_335 : i32
      %mul3A_337 = arith.constant 32 : i32
      %mul3A_338 = arith.muli %add3A_336, %mul3A_337 : i32
      %add3A_339 = arith.addi %mul3A_338, %add3A : i32
      %lt3A_340 = arith.constant 2500 : i32
      %lt3A_341 = arith.cmpi slt, %add3A_339, %lt3A_340 : i32
      %convert_element_type3A_342 = arith.extui %lt3A_341 : i1 to i32
      %cond3A_343 = arith.constant 0 : i32
      %cond3A_344 = arith.cmpi ne, %convert_element_type3A_342, %cond3A_343 : i32
      scf.if %cond3A_344 {
        %dma_wait3A = arith.constant 4 : i32
        %dma_wait3A_357 = arith.constant 0 : i32
        %dma_wait3A_358 = arith.constant 1 : i32
        %dma_wait3A_359 = arith.constant 0 : i32
        %dma_wait3A_360 = arith.constant 0 : i32
        %dma_wait3A_361 = tpu.memref_slice %arg7[%dma_wait3A_358, %dma_wait3A_359, %dma_wait3A_360] : memref<3x128x128xf32, #tpu.memory_space<vmem>> -> memref<1x128x128xf32, #tpu.memory_space<vmem>>
        %dma_wait3A_362 = tpu.memref_squeeze %dma_wait3A_361 : memref<1x128x128xf32, #tpu.memory_space<vmem>> -> memref<128x128xf32, #tpu.memory_space<vmem>>
        %dma_wait3A_363 = arith.constant 0 : i32
        %dma_wait3A_364 = tpu.memref_slice %arg6[%dma_wait3A, %dma_wait3A_357, %dma_wait3A_363] : memref<6x2x128xi32, #tpu.memory_space<vmem>> -> memref<1x1x128xi32, #tpu.memory_space<vmem>>
        %dma_wait3A_365 = tpu.memref_squeeze %dma_wait3A_364 : memref<1x1x128xi32, #tpu.memory_space<vmem>> -> memref<128xi32, #tpu.memory_space<vmem>>
        %dma_wait3A_366 = arith.constant 0 : i32
        %dma_wait3A_367 = arith.constant 0 : i32
        %dma_wait3A_368 = tpu.memref_slice %arg2[%dma_wait3A_366, %dma_wait3A_367] : memref<10000x128xf32, #tpu.memory_space<hbm>> -> memref<10000x128xf32, #tpu.memory_space<hbm>>
        tpu.wait_indirect_dma semaphore(%arg16 : memref<!tpu.dma_semaphore, #tpu.memory_space<semaphore_mem>>) src(%dma_wait3A_368 : memref<10000x128xf32, #tpu.memory_space<hbm>>) dst(%dma_wait3A_362 : memref<128x128xf32, #tpu.memory_space<vmem>>)
        %dma_start3A_369 = arith.constant 1 : i32
        %dma_start3A_370 = arith.constant 4 : i32
        %dma_start3A_371 = arith.constant 1 : i32
        %dma_start3A_372 = arith.constant 0 : i32
        %dma_start3A_373 = arith.constant 0 : i32
        %dma_start3A_374 = tpu.memref_slice %arg7[%dma_start3A_369, %dma_start3A_372, %dma_start3A_373] : memref<3x128x128xf32, #tpu.memory_space<vmem>> -> memref<1x128x128xf32, #tpu.memory_space<vmem>>
        %dma_start3A_375 = tpu.memref_squeeze %dma_start3A_374 : memref<1x128x128xf32, #tpu.memory_space<vmem>> -> memref<128x128xf32, #tpu.memory_space<vmem>>
        %dma_start3A_376 = arith.constant 0 : i32
        %dma_start3A_377 = tpu.memref_slice %arg6[%dma_start3A_370, %dma_start3A_371, %dma_start3A_376] : memref<6x2x128xi32, #tpu.memory_space<vmem>> -> memref<1x1x128xi32, #tpu.memory_space<vmem>>
        %dma_start3A_378 = tpu.memref_squeeze %dma_start3A_377 : memref<1x1x128xi32, #tpu.memory_space<vmem>> -> memref<128xi32, #tpu.memory_space<vmem>>
        %dma_start3A_379 = arith.constant 0 : i32
        %dma_start3A_380 = arith.constant 0 : i32
        %dma_start3A_381 = tpu.memref_slice %arg8[%dma_start3A_379, %dma_start3A_380] : memref<10000x128xf32, #tpu.memory_space<vmem_shared>> -> memref<10000x128xf32, #tpu.memory_space<vmem_shared>>
        tpu.enqueue_indirect_dma source(%dma_start3A_375 : memref<128x128xf32, #tpu.memory_space<vmem>>) target(%dma_start3A_381 : memref<10000x128xf32, #tpu.memory_space<vmem_shared>>) offsets(%dma_start3A_378 : memref<128xi32, #tpu.memory_space<vmem>>) semaphore(%arg19 : memref<!tpu.dma_semaphore, #tpu.memory_space<semaphore_mem>>) {add = true}
      } else {
      }
      %mul3A_345 = arith.constant 3 : i32
      %mul3A_346 = arith.muli %add3A_224, %mul3A_345 : i32
      %add3A_347 = arith.constant 2 : i32
      %add3A_348 = arith.addi %mul3A_346, %add3A_347 : i32
      %mul3A_349 = arith.constant 32 : i32
      %mul3A_350 = arith.muli %add3A_348, %mul3A_349 : i32
      %add3A_351 = arith.addi %mul3A_350, %add3A : i32
      %lt3A_352 = arith.constant 2500 : i32
      %lt3A_353 = arith.cmpi slt, %add3A_351, %lt3A_352 : i32
      %convert_element_type3A_354 = arith.extui %lt3A_353 : i1 to i32
      %cond3A_355 = arith.constant 0 : i32
      %cond3A_356 = arith.cmpi ne, %convert_element_type3A_354, %cond3A_355 : i32
      scf.if %cond3A_356 {
        %dma_wait3A = arith.constant 5 : i32
        %dma_wait3A_357 = arith.constant 0 : i32
        %dma_wait3A_358 = arith.constant 2 : i32
        %dma_wait3A_359 = arith.constant 0 : i32
        %dma_wait3A_360 = arith.constant 0 : i32
        %dma_wait3A_361 = tpu.memref_slice %arg7[%dma_wait3A_358, %dma_wait3A_359, %dma_wait3A_360] : memref<3x128x128xf32, #tpu.memory_space<vmem>> -> memref<1x128x128xf32, #tpu.memory_space<vmem>>
        %dma_wait3A_362 = tpu.memref_squeeze %dma_wait3A_361 : memref<1x128x128xf32, #tpu.memory_space<vmem>> -> memref<128x128xf32, #tpu.memory_space<vmem>>
        %dma_wait3A_363 = arith.constant 0 : i32
        %dma_wait3A_364 = tpu.memref_slice %arg6[%dma_wait3A, %dma_wait3A_357, %dma_wait3A_363] : memref<6x2x128xi32, #tpu.memory_space<vmem>> -> memref<1x1x128xi32, #tpu.memory_space<vmem>>
        %dma_wait3A_365 = tpu.memref_squeeze %dma_wait3A_364 : memref<1x1x128xi32, #tpu.memory_space<vmem>> -> memref<128xi32, #tpu.memory_space<vmem>>
        %dma_wait3A_366 = arith.constant 0 : i32
        %dma_wait3A_367 = arith.constant 0 : i32
        %dma_wait3A_368 = tpu.memref_slice %arg2[%dma_wait3A_366, %dma_wait3A_367] : memref<10000x128xf32, #tpu.memory_space<hbm>> -> memref<10000x128xf32, #tpu.memory_space<hbm>>
        tpu.wait_indirect_dma semaphore(%arg17 : memref<!tpu.dma_semaphore, #tpu.memory_space<semaphore_mem>>) src(%dma_wait3A_368 : memref<10000x128xf32, #tpu.memory_space<hbm>>) dst(%dma_wait3A_362 : memref<128x128xf32, #tpu.memory_space<vmem>>)
        %dma_start3A_369 = arith.constant 2 : i32
        %dma_start3A_370 = arith.constant 5 : i32
        %dma_start3A_371 = arith.constant 1 : i32
        %dma_start3A_372 = arith.constant 0 : i32
        %dma_start3A_373 = arith.constant 0 : i32
        %dma_start3A_374 = tpu.memref_slice %arg7[%dma_start3A_369, %dma_start3A_372, %dma_start3A_373] : memref<3x128x128xf32, #tpu.memory_space<vmem>> -> memref<1x128x128xf32, #tpu.memory_space<vmem>>
        %dma_start3A_375 = tpu.memref_squeeze %dma_start3A_374 : memref<1x128x128xf32, #tpu.memory_space<vmem>> -> memref<128x128xf32, #tpu.memory_space<vmem>>
        %dma_start3A_376 = arith.constant 0 : i32
        %dma_start3A_377 = tpu.memref_slice %arg6[%dma_start3A_370, %dma_start3A_371, %dma_start3A_376] : memref<6x2x128xi32, #tpu.memory_space<vmem>> -> memref<1x1x128xi32, #tpu.memory_space<vmem>>
        %dma_start3A_378 = tpu.memref_squeeze %dma_start3A_377 : memref<1x1x128xi32, #tpu.memory_space<vmem>> -> memref<128xi32, #tpu.memory_space<vmem>>
        %dma_start3A_379 = arith.constant 0 : i32
        %dma_start3A_380 = arith.constant 0 : i32
        %dma_start3A_381 = tpu.memref_slice %arg8[%dma_start3A_379, %dma_start3A_380] : memref<10000x128xf32, #tpu.memory_space<vmem_shared>> -> memref<10000x128xf32, #tpu.memory_space<vmem_shared>>
        tpu.enqueue_indirect_dma source(%dma_start3A_375 : memref<128x128xf32, #tpu.memory_space<vmem>>) target(%dma_start3A_381 : memref<10000x128xf32, #tpu.memory_space<vmem_shared>>) offsets(%dma_start3A_378 : memref<128xi32, #tpu.memory_space<vmem>>) semaphore(%arg20 : memref<!tpu.dma_semaphore, #tpu.memory_space<semaphore_mem>>) {add = true}
      } else {
      }
    }
    %scan3A_58 = arith.constant 14 : i32
    %add3A_59 = arith.constant 2592 : i32
    %add3A_60 = arith.addi %add3A_59, %add3A : i32
    %lt3A = arith.constant 2500 : i32
    %lt3A_61 = arith.cmpi slt, %add3A_60, %lt3A : i32
    %convert_element_type3A = arith.extui %lt3A_61 : i1 to i32
    %cond3A = arith.constant 0 : i32
    %cond3A_62 = arith.cmpi ne, %convert_element_type3A, %cond3A : i32
    scf.if %cond3A_62 {
      %dma_wait3A = arith.constant 0 : i32
      %dma_wait3A_87 = arith.constant 3 : i32
      %dma_wait3A_88 = arith.constant 1 : i32
      %dma_wait3A_89 = arith.constant 0 : i32
      %dma_wait3A_90 = arith.constant 0 : i32
      %dma_wait3A_91 = tpu.memref_slice %arg7[%dma_wait3A, %dma_wait3A_89, %dma_wait3A_90] : memref<3x128x128xf32, #tpu.memory_space<vmem>> -> memref<1x128x128xf32, #tpu.memory_space<vmem>>
      %dma_wait3A_92 = tpu.memref_squeeze %dma_wait3A_91 : memref<1x128x128xf32, #tpu.memory_space<vmem>> -> memref<128x128xf32, #tpu.memory_space<vmem>>
      %dma_wait3A_93 = arith.constant 0 : i32
      %dma_wait3A_94 = tpu.memref_slice %arg6[%dma_wait3A_87, %dma_wait3A_88, %dma_wait3A_93] : memref<6x2x128xi32, #tpu.memory_space<vmem>> -> memref<1x1x128xi32, #tpu.memory_space<vmem>>
      %dma_wait3A_95 = tpu.memref_squeeze %dma_wait3A_94 : memref<1x1x128xi32, #tpu.memory_space<vmem>> -> memref<128xi32, #tpu.memory_space<vmem>>
      %dma_wait3A_96 = arith.constant 0 : i32
      %dma_wait3A_97 = arith.constant 0 : i32
      %dma_wait3A_98 = tpu.memref_slice %arg8[%dma_wait3A_96, %dma_wait3A_97] : memref<10000x128xf32, #tpu.memory_space<vmem_shared>> -> memref<10000x128xf32, #tpu.memory_space<vmem_shared>>
      tpu.wait_indirect_dma semaphore(%arg18 : memref<!tpu.dma_semaphore, #tpu.memory_space<semaphore_mem>>) src(%dma_wait3A_92 : memref<128x128xf32, #tpu.memory_space<vmem>>) dst(%dma_wait3A_98 : memref<10000x128xf32, #tpu.memory_space<vmem_shared>>)
    } else {
    }
    %add3A_63 = arith.constant 2624 : i32
    %add3A_64 = arith.addi %add3A_63, %add3A : i32
    %lt3A_65 = arith.constant 2500 : i32
    %lt3A_66 = arith.cmpi slt, %add3A_64, %lt3A_65 : i32
    %convert_element_type3A_67 = arith.extui %lt3A_66 : i1 to i32
    %cond3A_68 = arith.constant 0 : i32
    %cond3A_69 = arith.cmpi ne, %convert_element_type3A_67, %cond3A_68 : i32
    scf.if %cond3A_69 {
      %dma_wait3A = arith.constant 1 : i32
      %dma_wait3A_87 = arith.constant 4 : i32
      %dma_wait3A_88 = arith.constant 1 : i32
      %dma_wait3A_89 = arith.constant 0 : i32
      %dma_wait3A_90 = arith.constant 0 : i32
      %dma_wait3A_91 = tpu.memref_slice %arg7[%dma_wait3A, %dma_wait3A_89, %dma_wait3A_90] : memref<3x128x128xf32, #tpu.memory_space<vmem>> -> memref<1x128x128xf32, #tpu.memory_space<vmem>>
      %dma_wait3A_92 = tpu.memref_squeeze %dma_wait3A_91 : memref<1x128x128xf32, #tpu.memory_space<vmem>> -> memref<128x128xf32, #tpu.memory_space<vmem>>
      %dma_wait3A_93 = arith.constant 0 : i32
      %dma_wait3A_94 = tpu.memref_slice %arg6[%dma_wait3A_87, %dma_wait3A_88, %dma_wait3A_93] : memref<6x2x128xi32, #tpu.memory_space<vmem>> -> memref<1x1x128xi32, #tpu.memory_space<vmem>>
      %dma_wait3A_95 = tpu.memref_squeeze %dma_wait3A_94 : memref<1x1x128xi32, #tpu.memory_space<vmem>> -> memref<128xi32, #tpu.memory_space<vmem>>
      %dma_wait3A_96 = arith.constant 0 : i32
      %dma_wait3A_97 = arith.constant 0 : i32
      %dma_wait3A_98 = tpu.memref_slice %arg8[%dma_wait3A_96, %dma_wait3A_97] : memref<10000x128xf32, #tpu.memory_space<vmem_shared>> -> memref<10000x128xf32, #tpu.memory_space<vmem_shared>>
      tpu.wait_indirect_dma semaphore(%arg19 : memref<!tpu.dma_semaphore, #tpu.memory_space<semaphore_mem>>) src(%dma_wait3A_92 : memref<128x128xf32, #tpu.memory_space<vmem>>) dst(%dma_wait3A_98 : memref<10000x128xf32, #tpu.memory_space<vmem_shared>>)
    } else {
    }
    %add3A_70 = arith.constant 2656 : i32
    %add3A_71 = arith.addi %add3A_70, %add3A : i32
    %lt3A_72 = arith.constant 2500 : i32
    %lt3A_73 = arith.cmpi slt, %add3A_71, %lt3A_72 : i32
    %convert_element_type3A_74 = arith.extui %lt3A_73 : i1 to i32
    %cond3A_75 = arith.constant 0 : i32
    %cond3A_76 = arith.cmpi ne, %convert_element_type3A_74, %cond3A_75 : i32
    scf.if %cond3A_76 {
      %dma_wait3A = arith.constant 2 : i32
      %dma_wait3A_87 = arith.constant 5 : i32
      %dma_wait3A_88 = arith.constant 1 : i32
      %dma_wait3A_89 = arith.constant 0 : i32
      %dma_wait3A_90 = arith.constant 0 : i32
      %dma_wait3A_91 = tpu.memref_slice %arg7[%dma_wait3A, %dma_wait3A_89, %dma_wait3A_90] : memref<3x128x128xf32, #tpu.memory_space<vmem>> -> memref<1x128x128xf32, #tpu.memory_space<vmem>>
      %dma_wait3A_92 = tpu.memref_squeeze %dma_wait3A_91 : memref<1x128x128xf32, #tpu.memory_space<vmem>> -> memref<128x128xf32, #tpu.memory_space<vmem>>
      %dma_wait3A_93 = arith.constant 0 : i32
      %dma_wait3A_94 = tpu.memref_slice %arg6[%dma_wait3A_87, %dma_wait3A_88, %dma_wait3A_93] : memref<6x2x128xi32, #tpu.memory_space<vmem>> -> memref<1x1x128xi32, #tpu.memory_space<vmem>>
      %dma_wait3A_95 = tpu.memref_squeeze %dma_wait3A_94 : memref<1x1x128xi32, #tpu.memory_space<vmem>> -> memref<128xi32, #tpu.memory_space<vmem>>
      %dma_wait3A_96 = arith.constant 0 : i32
      %dma_wait3A_97 = arith.constant 0 : i32
      %dma_wait3A_98 = tpu.memref_slice %arg8[%dma_wait3A_96, %dma_wait3A_97] : memref<10000x128xf32, #tpu.memory_space<vmem_shared>> -> memref<10000x128xf32, #tpu.memory_space<vmem_shared>>
      tpu.wait_indirect_dma semaphore(%arg20 : memref<!tpu.dma_semaphore, #tpu.memory_space<semaphore_mem>>) src(%dma_wait3A_92 : memref<128x128xf32, #tpu.memory_space<vmem>>) dst(%dma_wait3A_98 : memref<10000x128xf32, #tpu.memory_space<vmem_shared>>)
    } else {
    }
    %barrier3A_77 = arith.constant 0 : index
    tpu.barrier barrier_id(%barrier3A_77)
    %eq3A = arith.constant 0 : i32
    %eq3A_78 = arith.cmpi eq, %arg0, %eq3A : i32
    %convert_element_type3A_79 = arith.extui %eq3A_78 : i1 to i32
    %cond3A_80 = arith.constant 0 : i32
    %cond3A_81 = arith.cmpi ne, %convert_element_type3A_79, %cond3A_80 : i32
    scf.if %cond3A_81 {
      "tpu.region"() ({
        %run_scoped3A = tpu.sem_alloc : memref<!tpu.dma_semaphore, #tpu.memory_space<semaphore_mem>>
        %dma_start3A_87 = arith.constant 0 : i32
        %dma_start3A_88 = tpu.memref_slice %arg4[%min3A_3, %dma_start3A_87] : memref<10000x128xf32, #tpu.memory_space<hbm>> -> memref<632x128xf32, #tpu.memory_space<hbm>>
        %dma_start3A_89 = arith.constant 0 : i32
        %dma_start3A_90 = tpu.memref_slice %arg8[%min3A_3, %dma_start3A_89] : memref<10000x128xf32, #tpu.memory_space<vmem_shared>> -> memref<632x128xf32, #tpu.memory_space<vmem_shared>>
        tpu.enqueue_dma source(%dma_start3A_90 : memref<632x128xf32, #tpu.memory_space<vmem_shared>>) target(%dma_start3A_88 : memref<632x128xf32, #tpu.memory_space<hbm>>) target_semaphore(%run_scoped3A : memref<!tpu.dma_semaphore, #tpu.memory_space<semaphore_mem>>)
        %dma_wait3A = arith.constant 0 : i32
        %dma_wait3A_91 = tpu.memref_slice %arg4[%min3A_3, %dma_wait3A] : memref<10000x128xf32, #tpu.memory_space<hbm>> -> memref<632x128xf32, #tpu.memory_space<hbm>>
        %dma_wait3A_92 = arith.constant 0 : i32
        %dma_wait3A_93 = tpu.memref_slice %arg8[%min3A_3, %dma_wait3A_92] : memref<10000x128xf32, #tpu.memory_space<vmem_shared>> -> memref<632x128xf32, #tpu.memory_space<vmem_shared>>
        tpu.wait_dma2 semaphore(%run_scoped3A : memref<!tpu.dma_semaphore, #tpu.memory_space<semaphore_mem>>) src(%dma_wait3A_93 : memref<632x128xf32, #tpu.memory_space<vmem_shared>>) dst(%dma_wait3A_91 : memref<632x128xf32, #tpu.memory_space<hbm>>)
        tpu.yield
      }) : () -> ()
    } else {
    }
    %eq3A_82 = arith.constant 1 : i32
    %eq3A_83 = arith.cmpi eq, %arg0, %eq3A_82 : i32
    %convert_element_type3A_84 = arith.extui %eq3A_83 : i1 to i32
    %cond3A_85 = arith.constant 0 : i32
    %cond3A_86 = arith.cmpi ne, %convert_element_type3A_84, %cond3A_85 : i32
    scf.if %cond3A_86 {
      "tpu.region"() ({
        %run_scoped3A = tpu.sem_alloc : memref<!tpu.dma_semaphore, #tpu.memory_space<semaphore_mem>>
        %dma_start3A_87 = arith.constant 0 : i32
        %dma_start3A_88 = tpu.memref_slice %arg5[%min3A_3, %dma_start3A_87] : memref<10000x128xf32, #tpu.memory_space<hbm>> -> memref<632x128xf32, #tpu.memory_space<hbm>>
        %dma_start3A_89 = arith.constant 0 : i32
        %dma_start3A_90 = tpu.memref_slice %arg8[%min3A_3, %dma_start3A_89] : memref<10000x128xf32, #tpu.memory_space<vmem_shared>> -> memref<632x128xf32, #tpu.memory_space<vmem_shared>>
        tpu.enqueue_dma source(%dma_start3A_90 : memref<632x128xf32, #tpu.memory_space<vmem_shared>>) target(%dma_start3A_88 : memref<632x128xf32, #tpu.memory_space<hbm>>) target_semaphore(%run_scoped3A : memref<!tpu.dma_semaphore, #tpu.memory_space<semaphore_mem>>)
        %dma_wait3A = arith.constant 0 : i32
        %dma_wait3A_91 = tpu.memref_slice %arg5[%min3A_3, %dma_wait3A] : memref<10000x128xf32, #tpu.memory_space<hbm>> -> memref<632x128xf32, #tpu.memory_space<hbm>>
        %dma_wait3A_92 = arith.constant 0 : i32
        %dma_wait3A_93 = tpu.memref_slice %arg8[%min3A_3, %dma_wait3A_92] : memref<10000x128xf32, #tpu.memory_space<vmem_shared>> -> memref<632x128xf32, #tpu.memory_space<vmem_shared>>
        tpu.wait_dma2 semaphore(%run_scoped3A : memref<!tpu.dma_semaphore, #tpu.memory_space<semaphore_mem>>) src(%dma_wait3A_93 : memref<632x128xf32, #tpu.memory_space<vmem_shared>>) dst(%dma_wait3A_91 : memref<632x128xf32, #tpu.memory_space<hbm>>)
        tpu.yield
      }) : () -> ()
    } else {
    }
    return
  }
}

#map = affine_map<(d0, d1) -> (0, 0)>
module attributes {stable_mosaic.version = 14 : i64} {
  func.func @_deg_body(%arg0: i32, %arg1: i32, %arg2: memref<2x320000xi32, #tpu.memory_space<hbm>>, %arg3: memref<2x10240xf32, #tpu.memory_space<hbm>>, %arg4: memref<8x128xi32, #tpu.memory_space<vmem>>, %arg5: memref<128xf32, #tpu.memory_space<vmem>>, %arg6: memref<640xf32, #tpu.memory_space<vmem>>, %arg7: memref<10240xf32, #tpu.memory_space<vmem_shared>>, %arg8: memref<!tpu.dma_semaphore, #tpu.memory_space<semaphore_mem>>, %arg9: memref<!tpu.dma_semaphore, #tpu.memory_space<semaphore_mem>>, %arg10: memref<!tpu.dma_semaphore, #tpu.memory_space<semaphore_mem>>, %arg11: memref<!tpu.dma_semaphore, #tpu.memory_space<semaphore_mem>>, %arg12: memref<!tpu.dma_semaphore, #tpu.memory_space<semaphore_mem>>, %arg13: memref<!tpu.dma_semaphore, #tpu.memory_space<semaphore_mem>>, %arg14: memref<!tpu.dma_semaphore, #tpu.memory_space<semaphore_mem>>, %arg15: memref<!tpu.dma_semaphore, #tpu.memory_space<semaphore_mem>>, %arg16: memref<!tpu.dma_semaphore, #tpu.memory_space<semaphore_mem>>, %arg17: memref<!tpu.dma_semaphore, #tpu.memory_space<semaphore_mem>>, %arg18: memref<!tpu.dma_semaphore, #tpu.memory_space<semaphore_mem>>, %arg19: memref<!tpu.dma_semaphore, #tpu.memory_space<semaphore_mem>>) attributes {dimension_semantics = [#tpu.dimension_semantics<core_parallel>, #tpu.dimension_semantics<subcore_parallel>], iteration_bounds = array<i64: 2, 16>, scalar_prefetch = 0 : i64, scratch_operands = 16 : i64, tpu.core_type = #tpu.core_type<sc_vector_subcore>, window_params = [{transform_indices = #map}, {transform_indices = #map}]} {
    %mul3A = arith.constant 2 : i32
    %mul3A_0 = arith.muli %arg1, %mul3A : i32
    %add3A = arith.addi %mul3A_0, %arg0 : i32
    %broadcast_in_dim3A = arith.constant 1.000000e+00 : f32
    %broadcast_in_dim3A_1 = vector.broadcast %broadcast_in_dim3A : f32 to vector<16xf32>
    %swap3A = arith.constant 0 : index
    %swap3A_2 = tpu.vector_load %arg5[%swap3A] {strides = array<i32>} : memref<128xf32, #tpu.memory_space<vmem>>, vector<16xf32>,
    %swap3A_3 = vector.shape_cast %swap3A_2 : vector<16xf32> to vector<16xf32>
    %swap3A_4 = vector.shape_cast %broadcast_in_dim3A_1 : vector<16xf32> to vector<16xf32>
    tpu.vector_store %arg5[%swap3A], %swap3A_4 {strides = array<i32>} : memref<128xf32, #tpu.memory_space<vmem>>, vector<16xf32>,
    %broadcast_in_dim3A_5 = arith.constant 1.000000e+00 : f32
    %broadcast_in_dim3A_6 = vector.broadcast %broadcast_in_dim3A_5 : f32 to vector<16xf32>
    %swap3A_7 = arith.constant 16 : index
    %swap3A_8 = tpu.vector_load %arg5[%swap3A_7] {strides = array<i32>} : memref<128xf32, #tpu.memory_space<vmem>>, vector<16xf32>,
    %swap3A_9 = vector.shape_cast %swap3A_8 : vector<16xf32> to vector<16xf32>
    %swap3A_10 = vector.shape_cast %broadcast_in_dim3A_6 : vector<16xf32> to vector<16xf32>
    tpu.vector_store %arg5[%swap3A_7], %swap3A_10 {strides = array<i32>} : memref<128xf32, #tpu.memory_space<vmem>>, vector<16xf32>,
    %broadcast_in_dim3A_11 = arith.constant 1.000000e+00 : f32
    %broadcast_in_dim3A_12 = vector.broadcast %broadcast_in_dim3A_11 : f32 to vector<16xf32>
    %swap3A_13 = arith.constant 32 : index
    %swap3A_14 = tpu.vector_load %arg5[%swap3A_13] {strides = array<i32>} : memref<128xf32, #tpu.memory_space<vmem>>, vector<16xf32>,
    %swap3A_15 = vector.shape_cast %swap3A_14 : vector<16xf32> to vector<16xf32>
    %swap3A_16 = vector.shape_cast %broadcast_in_dim3A_12 : vector<16xf32> to vector<16xf32>
    tpu.vector_store %arg5[%swap3A_13], %swap3A_16 {strides = array<i32>} : memref<128xf32, #tpu.memory_space<vmem>>, vector<16xf32>,
    %broadcast_in_dim3A_17 = arith.constant 1.000000e+00 : f32
    %broadcast_in_dim3A_18 = vector.broadcast %broadcast_in_dim3A_17 : f32 to vector<16xf32>
    %swap3A_19 = arith.constant 48 : index
    %swap3A_20 = tpu.vector_load %arg5[%swap3A_19] {strides = array<i32>} : memref<128xf32, #tpu.memory_space<vmem>>, vector<16xf32>,
    %swap3A_21 = vector.shape_cast %swap3A_20 : vector<16xf32> to vector<16xf32>
    %swap3A_22 = vector.shape_cast %broadcast_in_dim3A_18 : vector<16xf32> to vector<16xf32>
    tpu.vector_store %arg5[%swap3A_19], %swap3A_22 {strides = array<i32>} : memref<128xf32, #tpu.memory_space<vmem>>, vector<16xf32>,
    %broadcast_in_dim3A_23 = arith.constant 1.000000e+00 : f32
    %broadcast_in_dim3A_24 = vector.broadcast %broadcast_in_dim3A_23 : f32 to vector<16xf32>
    %swap3A_25 = arith.constant 64 : index
    %swap3A_26 = tpu.vector_load %arg5[%swap3A_25] {strides = array<i32>} : memref<128xf32, #tpu.memory_space<vmem>>, vector<16xf32>,
    %swap3A_27 = vector.shape_cast %swap3A_26 : vector<16xf32> to vector<16xf32>
    %swap3A_28 = vector.shape_cast %broadcast_in_dim3A_24 : vector<16xf32> to vector<16xf32>
    tpu.vector_store %arg5[%swap3A_25], %swap3A_28 {strides = array<i32>} : memref<128xf32, #tpu.memory_space<vmem>>, vector<16xf32>,
    %broadcast_in_dim3A_29 = arith.constant 1.000000e+00 : f32
    %broadcast_in_dim3A_30 = vector.broadcast %broadcast_in_dim3A_29 : f32 to vector<16xf32>
    %swap3A_31 = arith.constant 80 : index
    %swap3A_32 = tpu.vector_load %arg5[%swap3A_31] {strides = array<i32>} : memref<128xf32, #tpu.memory_space<vmem>>, vector<16xf32>,
    %swap3A_33 = vector.shape_cast %swap3A_32 : vector<16xf32> to vector<16xf32>
    %swap3A_34 = vector.shape_cast %broadcast_in_dim3A_30 : vector<16xf32> to vector<16xf32>
    tpu.vector_store %arg5[%swap3A_31], %swap3A_34 {strides = array<i32>} : memref<128xf32, #tpu.memory_space<vmem>>, vector<16xf32>,
    %broadcast_in_dim3A_35 = arith.constant 1.000000e+00 : f32
    %broadcast_in_dim3A_36 = vector.broadcast %broadcast_in_dim3A_35 : f32 to vector<16xf32>
    %swap3A_37 = arith.constant 96 : index
    %swap3A_38 = tpu.vector_load %arg5[%swap3A_37] {strides = array<i32>} : memref<128xf32, #tpu.memory_space<vmem>>, vector<16xf32>,
    %swap3A_39 = vector.shape_cast %swap3A_38 : vector<16xf32> to vector<16xf32>
    %swap3A_40 = vector.shape_cast %broadcast_in_dim3A_36 : vector<16xf32> to vector<16xf32>
    tpu.vector_store %arg5[%swap3A_37], %swap3A_40 {strides = array<i32>} : memref<128xf32, #tpu.memory_space<vmem>>, vector<16xf32>,
    %broadcast_in_dim3A_41 = arith.constant 1.000000e+00 : f32
    %broadcast_in_dim3A_42 = vector.broadcast %broadcast_in_dim3A_41 : f32 to vector<16xf32>
    %swap3A_43 = arith.constant 112 : index
    %swap3A_44 = tpu.vector_load %arg5[%swap3A_43] {strides = array<i32>} : memref<128xf32, #tpu.memory_space<vmem>>, vector<16xf32>,
    %swap3A_45 = vector.shape_cast %swap3A_44 : vector<16xf32> to vector<16xf32>
    %swap3A_46 = vector.shape_cast %broadcast_in_dim3A_42 : vector<16xf32> to vector<16xf32>
    tpu.vector_store %arg5[%swap3A_43], %swap3A_46 {strides = array<i32>} : memref<128xf32, #tpu.memory_space<vmem>>, vector<16xf32>,
    %broadcast_in_dim3A_47 = arith.constant 0.000000e+00 : f32
    %broadcast_in_dim3A_48 = vector.broadcast %broadcast_in_dim3A_47 : f32 to vector<16xf32>
    %swap3A_49 = arith.constant 0 : index
    %swap3A_50 = tpu.vector_load %arg6[%swap3A_49] {strides = array<i32>} : memref<640xf32, #tpu.memory_space<vmem>>, vector<16xf32>,
    %swap3A_51 = vector.shape_cast %swap3A_50 : vector<16xf32> to vector<16xf32>
    %swap3A_52 = vector.shape_cast %broadcast_in_dim3A_48 : vector<16xf32> to vector<16xf32>
    tpu.vector_store %arg6[%swap3A_49], %swap3A_52 {strides = array<i32>} : memref<640xf32, #tpu.memory_space<vmem>>, vector<16xf32>,
    %broadcast_in_dim3A_53 = arith.constant 0.000000e+00 : f32
    %broadcast_in_dim3A_54 = vector.broadcast %broadcast_in_dim3A_53 : f32 to vector<16xf32>
    %swap3A_55 = arith.constant 16 : index
    %swap3A_56 = tpu.vector_load %arg6[%swap3A_55] {strides = array<i32>} : memref<640xf32, #tpu.memory_space<vmem>>, vector<16xf32>,
    %swap3A_57 = vector.shape_cast %swap3A_56 : vector<16xf32> to vector<16xf32>
    %swap3A_58 = vector.shape_cast %broadcast_in_dim3A_54 : vector<16xf32> to vector<16xf32>
    tpu.vector_store %arg6[%swap3A_55], %swap3A_58 {strides = array<i32>} : memref<640xf32, #tpu.memory_space<vmem>>, vector<16xf32>,
    %broadcast_in_dim3A_59 = arith.constant 0.000000e+00 : f32
    %broadcast_in_dim3A_60 = vector.broadcast %broadcast_in_dim3A_59 : f32 to vector<16xf32>
    %swap3A_61 = arith.constant 32 : index
    %swap3A_62 = tpu.vector_load %arg6[%swap3A_61] {strides = array<i32>} : memref<640xf32, #tpu.memory_space<vmem>>, vector<16xf32>,
    %swap3A_63 = vector.shape_cast %swap3A_62 : vector<16xf32> to vector<16xf32>
    %swap3A_64 = vector.shape_cast %broadcast_in_dim3A_60 : vector<16xf32> to vector<16xf32>
    tpu.vector_store %arg6[%swap3A_61], %swap3A_64 {strides = array<i32>} : memref<640xf32, #tpu.memory_space<vmem>>, vector<16xf32>,
    %broadcast_in_dim3A_65 = arith.constant 0.000000e+00 : f32
    %broadcast_in_dim3A_66 = vector.broadcast %broadcast_in_dim3A_65 : f32 to vector<16xf32>
    %swap3A_67 = arith.constant 48 : index
    %swap3A_68 = tpu.vector_load %arg6[%swap3A_67] {strides = array<i32>} : memref<640xf32, #tpu.memory_space<vmem>>, vector<16xf32>,
    %swap3A_69 = vector.shape_cast %swap3A_68 : vector<16xf32> to vector<16xf32>
    %swap3A_70 = vector.shape_cast %broadcast_in_dim3A_66 : vector<16xf32> to vector<16xf32>
    tpu.vector_store %arg6[%swap3A_67], %swap3A_70 {strides = array<i32>} : memref<640xf32, #tpu.memory_space<vmem>>, vector<16xf32>,
    %broadcast_in_dim3A_71 = arith.constant 0.000000e+00 : f32
    %broadcast_in_dim3A_72 = vector.broadcast %broadcast_in_dim3A_71 : f32 to vector<16xf32>
    %swap3A_73 = arith.constant 64 : index
    %swap3A_74 = tpu.vector_load %arg6[%swap3A_73] {strides = array<i32>} : memref<640xf32, #tpu.memory_space<vmem>>, vector<16xf32>,
    %swap3A_75 = vector.shape_cast %swap3A_74 : vector<16xf32> to vector<16xf32>
    %swap3A_76 = vector.shape_cast %broadcast_in_dim3A_72 : vector<16xf32> to vector<16xf32>
    tpu.vector_store %arg6[%swap3A_73], %swap3A_76 {strides = array<i32>} : memref<640xf32, #tpu.memory_space<vmem>>, vector<16xf32>,
    %broadcast_in_dim3A_77 = arith.constant 0.000000e+00 : f32
    %broadcast_in_dim3A_78 = vector.broadcast %broadcast_in_dim3A_77 : f32 to vector<16xf32>
    %swap3A_79 = arith.constant 80 : index
    %swap3A_80 = tpu.vector_load %arg6[%swap3A_79] {strides = array<i32>} : memref<640xf32, #tpu.memory_space<vmem>>, vector<16xf32>,
    %swap3A_81 = vector.shape_cast %swap3A_80 : vector<16xf32> to vector<16xf32>
    %swap3A_82 = vector.shape_cast %broadcast_in_dim3A_78 : vector<16xf32> to vector<16xf32>
    tpu.vector_store %arg6[%swap3A_79], %swap3A_82 {strides = array<i32>} : memref<640xf32, #tpu.memory_space<vmem>>, vector<16xf32>,
    %broadcast_in_dim3A_83 = arith.constant 0.000000e+00 : f32
    %broadcast_in_dim3A_84 = vector.broadcast %broadcast_in_dim3A_83 : f32 to vector<16xf32>
    %swap3A_85 = arith.constant 96 : index
    %swap3A_86 = tpu.vector_load %arg6[%swap3A_85] {strides = array<i32>} : memref<640xf32, #tpu.memory_space<vmem>>, vector<16xf32>,
    %swap3A_87 = vector.shape_cast %swap3A_86 : vector<16xf32> to vector<16xf32>
    %swap3A_88 = vector.shape_cast %broadcast_in_dim3A_84 : vector<16xf32> to vector<16xf32>
    tpu.vector_store %arg6[%swap3A_85], %swap3A_88 {strides = array<i32>} : memref<640xf32, #tpu.memory_space<vmem>>, vector<16xf32>,
    %broadcast_in_dim3A_89 = arith.constant 0.000000e+00 : f32
    %broadcast_in_dim3A_90 = vector.broadcast %broadcast_in_dim3A_89 : f32 to vector<16xf32>
    %swap3A_91 = arith.constant 112 : index
    %swap3A_92 = tpu.vector_load %arg6[%swap3A_91] {strides = array<i32>} : memref<640xf32, #tpu.memory_space<vmem>>, vector<16xf32>,
    %swap3A_93 = vector.shape_cast %swap3A_92 : vector<16xf32> to vector<16xf32>
    %swap3A_94 = vector.shape_cast %broadcast_in_dim3A_90 : vector<16xf32> to vector<16xf32>
    tpu.vector_store %arg6[%swap3A_91], %swap3A_94 {strides = array<i32>} : memref<640xf32, #tpu.memory_space<vmem>>, vector<16xf32>,
    %broadcast_in_dim3A_95 = arith.constant 0.000000e+00 : f32
    %broadcast_in_dim3A_96 = vector.broadcast %broadcast_in_dim3A_95 : f32 to vector<16xf32>
    %swap3A_97 = arith.constant 128 : index
    %swap3A_98 = tpu.vector_load %arg6[%swap3A_97] {strides = array<i32>} : memref<640xf32, #tpu.memory_space<vmem>>, vector<16xf32>,
    %swap3A_99 = vector.shape_cast %swap3A_98 : vector<16xf32> to vector<16xf32>
    %swap3A_100 = vector.shape_cast %broadcast_in_dim3A_96 : vector<16xf32> to vector<16xf32>
    tpu.vector_store %arg6[%swap3A_97], %swap3A_100 {strides = array<i32>} : memref<640xf32, #tpu.memory_space<vmem>>, vector<16xf32>,
    %broadcast_in_dim3A_101 = arith.constant 0.000000e+00 : f32
    %broadcast_in_dim3A_102 = vector.broadcast %broadcast_in_dim3A_101 : f32 to vector<16xf32>
    %swap3A_103 = arith.constant 144 : index
    %swap3A_104 = tpu.vector_load %arg6[%swap3A_103] {strides = array<i32>} : memref<640xf32, #tpu.memory_space<vmem>>, vector<16xf32>,
    %swap3A_105 = vector.shape_cast %swap3A_104 : vector<16xf32> to vector<16xf32>
    %swap3A_106 = vector.shape_cast %broadcast_in_dim3A_102 : vector<16xf32> to vector<16xf32>
    tpu.vector_store %arg6[%swap3A_103], %swap3A_106 {strides = array<i32>} : memref<640xf32, #tpu.memory_space<vmem>>, vector<16xf32>,
    %broadcast_in_dim3A_107 = arith.constant 0.000000e+00 : f32
    %broadcast_in_dim3A_108 = vector.broadcast %broadcast_in_dim3A_107 : f32 to vector<16xf32>
    %swap3A_109 = arith.constant 160 : index
    %swap3A_110 = tpu.vector_load %arg6[%swap3A_109] {strides = array<i32>} : memref<640xf32, #tpu.memory_space<vmem>>, vector<16xf32>,
    %swap3A_111 = vector.shape_cast %swap3A_110 : vector<16xf32> to vector<16xf32>
    %swap3A_112 = vector.shape_cast %broadcast_in_dim3A_108 : vector<16xf32> to vector<16xf32>
    tpu.vector_store %arg6[%swap3A_109], %swap3A_112 {strides = array<i32>} : memref<640xf32, #tpu.memory_space<vmem>>, vector<16xf32>,
    %broadcast_in_dim3A_113 = arith.constant 0.000000e+00 : f32
    %broadcast_in_dim3A_114 = vector.broadcast %broadcast_in_dim3A_113 : f32 to vector<16xf32>
    %swap3A_115 = arith.constant 176 : index
    %swap3A_116 = tpu.vector_load %arg6[%swap3A_115] {strides = array<i32>} : memref<640xf32, #tpu.memory_space<vmem>>, vector<16xf32>,
    %swap3A_117 = vector.shape_cast %swap3A_116 : vector<16xf32> to vector<16xf32>
    %swap3A_118 = vector.shape_cast %broadcast_in_dim3A_114 : vector<16xf32> to vector<16xf32>
    tpu.vector_store %arg6[%swap3A_115], %swap3A_118 {strides = array<i32>} : memref<640xf32, #tpu.memory_space<vmem>>, vector<16xf32>,
    %broadcast_in_dim3A_119 = arith.constant 0.000000e+00 : f32
    %broadcast_in_dim3A_120 = vector.broadcast %broadcast_in_dim3A_119 : f32 to vector<16xf32>
    %swap3A_121 = arith.constant 192 : index
    %swap3A_122 = tpu.vector_load %arg6[%swap3A_121] {strides = array<i32>} : memref<640xf32, #tpu.memory_space<vmem>>, vector<16xf32>,
    %swap3A_123 = vector.shape_cast %swap3A_122 : vector<16xf32> to vector<16xf32>
    %swap3A_124 = vector.shape_cast %broadcast_in_dim3A_120 : vector<16xf32> to vector<16xf32>
    tpu.vector_store %arg6[%swap3A_121], %swap3A_124 {strides = array<i32>} : memref<640xf32, #tpu.memory_space<vmem>>, vector<16xf32>,
    %broadcast_in_dim3A_125 = arith.constant 0.000000e+00 : f32
    %broadcast_in_dim3A_126 = vector.broadcast %broadcast_in_dim3A_125 : f32 to vector<16xf32>
    %swap3A_127 = arith.constant 208 : index
    %swap3A_128 = tpu.vector_load %arg6[%swap3A_127] {strides = array<i32>} : memref<640xf32, #tpu.memory_space<vmem>>, vector<16xf32>,
    %swap3A_129 = vector.shape_cast %swap3A_128 : vector<16xf32> to vector<16xf32>
    %swap3A_130 = vector.shape_cast %broadcast_in_dim3A_126 : vector<16xf32> to vector<16xf32>
    tpu.vector_store %arg6[%swap3A_127], %swap3A_130 {strides = array<i32>} : memref<640xf32, #tpu.memory_space<vmem>>, vector<16xf32>,
    %broadcast_in_dim3A_131 = arith.constant 0.000000e+00 : f32
    %broadcast_in_dim3A_132 = vector.broadcast %broadcast_in_dim3A_131 : f32 to vector<16xf32>
    %swap3A_133 = arith.constant 224 : index
    %swap3A_134 = tpu.vector_load %arg6[%swap3A_133] {strides = array<i32>} : memref<640xf32, #tpu.memory_space<vmem>>, vector<16xf32>,
    %swap3A_135 = vector.shape_cast %swap3A_134 : vector<16xf32> to vector<16xf32>
    %swap3A_136 = vector.shape_cast %broadcast_in_dim3A_132 : vector<16xf32> to vector<16xf32>
    tpu.vector_store %arg6[%swap3A_133], %swap3A_136 {strides = array<i32>} : memref<640xf32, #tpu.memory_space<vmem>>, vector<16xf32>,
    %broadcast_in_dim3A_137 = arith.constant 0.000000e+00 : f32
    %broadcast_in_dim3A_138 = vector.broadcast %broadcast_in_dim3A_137 : f32 to vector<16xf32>
    %swap3A_139 = arith.constant 240 : index
    %swap3A_140 = tpu.vector_load %arg6[%swap3A_139] {strides = array<i32>} : memref<640xf32, #tpu.memory_space<vmem>>, vector<16xf32>,
    %swap3A_141 = vector.shape_cast %swap3A_140 : vector<16xf32> to vector<16xf32>
    %swap3A_142 = vector.shape_cast %broadcast_in_dim3A_138 : vector<16xf32> to vector<16xf32>
    tpu.vector_store %arg6[%swap3A_139], %swap3A_142 {strides = array<i32>} : memref<640xf32, #tpu.memory_space<vmem>>, vector<16xf32>,
    %broadcast_in_dim3A_143 = arith.constant 0.000000e+00 : f32
    %broadcast_in_dim3A_144 = vector.broadcast %broadcast_in_dim3A_143 : f32 to vector<16xf32>
    %swap3A_145 = arith.constant 256 : index
    %swap3A_146 = tpu.vector_load %arg6[%swap3A_145] {strides = array<i32>} : memref<640xf32, #tpu.memory_space<vmem>>, vector<16xf32>,
    %swap3A_147 = vector.shape_cast %swap3A_146 : vector<16xf32> to vector<16xf32>
    %swap3A_148 = vector.shape_cast %broadcast_in_dim3A_144 : vector<16xf32> to vector<16xf32>
    tpu.vector_store %arg6[%swap3A_145], %swap3A_148 {strides = array<i32>} : memref<640xf32, #tpu.memory_space<vmem>>, vector<16xf32>,
    %broadcast_in_dim3A_149 = arith.constant 0.000000e+00 : f32
    %broadcast_in_dim3A_150 = vector.broadcast %broadcast_in_dim3A_149 : f32 to vector<16xf32>
    %swap3A_151 = arith.constant 272 : index
    %swap3A_152 = tpu.vector_load %arg6[%swap3A_151] {strides = array<i32>} : memref<640xf32, #tpu.memory_space<vmem>>, vector<16xf32>,
    %swap3A_153 = vector.shape_cast %swap3A_152 : vector<16xf32> to vector<16xf32>
    %swap3A_154 = vector.shape_cast %broadcast_in_dim3A_150 : vector<16xf32> to vector<16xf32>
    tpu.vector_store %arg6[%swap3A_151], %swap3A_154 {strides = array<i32>} : memref<640xf32, #tpu.memory_space<vmem>>, vector<16xf32>,
    %broadcast_in_dim3A_155 = arith.constant 0.000000e+00 : f32
    %broadcast_in_dim3A_156 = vector.broadcast %broadcast_in_dim3A_155 : f32 to vector<16xf32>
    %swap3A_157 = arith.constant 288 : index
    %swap3A_158 = tpu.vector_load %arg6[%swap3A_157] {strides = array<i32>} : memref<640xf32, #tpu.memory_space<vmem>>, vector<16xf32>,
    %swap3A_159 = vector.shape_cast %swap3A_158 : vector<16xf32> to vector<16xf32>
    %swap3A_160 = vector.shape_cast %broadcast_in_dim3A_156 : vector<16xf32> to vector<16xf32>
    tpu.vector_store %arg6[%swap3A_157], %swap3A_160 {strides = array<i32>} : memref<640xf32, #tpu.memory_space<vmem>>, vector<16xf32>,
    %broadcast_in_dim3A_161 = arith.constant 0.000000e+00 : f32
    %broadcast_in_dim3A_162 = vector.broadcast %broadcast_in_dim3A_161 : f32 to vector<16xf32>
    %swap3A_163 = arith.constant 304 : index
    %swap3A_164 = tpu.vector_load %arg6[%swap3A_163] {strides = array<i32>} : memref<640xf32, #tpu.memory_space<vmem>>, vector<16xf32>,
    %swap3A_165 = vector.shape_cast %swap3A_164 : vector<16xf32> to vector<16xf32>
    %swap3A_166 = vector.shape_cast %broadcast_in_dim3A_162 : vector<16xf32> to vector<16xf32>
    tpu.vector_store %arg6[%swap3A_163], %swap3A_166 {strides = array<i32>} : memref<640xf32, #tpu.memory_space<vmem>>, vector<16xf32>,
    %broadcast_in_dim3A_167 = arith.constant 0.000000e+00 : f32
    %broadcast_in_dim3A_168 = vector.broadcast %broadcast_in_dim3A_167 : f32 to vector<16xf32>
    %swap3A_169 = arith.constant 320 : index
    %swap3A_170 = tpu.vector_load %arg6[%swap3A_169] {strides = array<i32>} : memref<640xf32, #tpu.memory_space<vmem>>, vector<16xf32>,
    %swap3A_171 = vector.shape_cast %swap3A_170 : vector<16xf32> to vector<16xf32>
    %swap3A_172 = vector.shape_cast %broadcast_in_dim3A_168 : vector<16xf32> to vector<16xf32>
    tpu.vector_store %arg6[%swap3A_169], %swap3A_172 {strides = array<i32>} : memref<640xf32, #tpu.memory_space<vmem>>, vector<16xf32>,
    %broadcast_in_dim3A_173 = arith.constant 0.000000e+00 : f32
    %broadcast_in_dim3A_174 = vector.broadcast %broadcast_in_dim3A_173 : f32 to vector<16xf32>
    %swap3A_175 = arith.constant 336 : index
    %swap3A_176 = tpu.vector_load %arg6[%swap3A_175] {strides = array<i32>} : memref<640xf32, #tpu.memory_space<vmem>>, vector<16xf32>,
    %swap3A_177 = vector.shape_cast %swap3A_176 : vector<16xf32> to vector<16xf32>
    %swap3A_178 = vector.shape_cast %broadcast_in_dim3A_174 : vector<16xf32> to vector<16xf32>
    tpu.vector_store %arg6[%swap3A_175], %swap3A_178 {strides = array<i32>} : memref<640xf32, #tpu.memory_space<vmem>>, vector<16xf32>,
    %broadcast_in_dim3A_179 = arith.constant 0.000000e+00 : f32
    %broadcast_in_dim3A_180 = vector.broadcast %broadcast_in_dim3A_179 : f32 to vector<16xf32>
    %swap3A_181 = arith.constant 352 : index
    %swap3A_182 = tpu.vector_load %arg6[%swap3A_181] {strides = array<i32>} : memref<640xf32, #tpu.memory_space<vmem>>, vector<16xf32>,
    %swap3A_183 = vector.shape_cast %swap3A_182 : vector<16xf32> to vector<16xf32>
    %swap3A_184 = vector.shape_cast %broadcast_in_dim3A_180 : vector<16xf32> to vector<16xf32>
    tpu.vector_store %arg6[%swap3A_181], %swap3A_184 {strides = array<i32>} : memref<640xf32, #tpu.memory_space<vmem>>, vector<16xf32>,
    %broadcast_in_dim3A_185 = arith.constant 0.000000e+00 : f32
    %broadcast_in_dim3A_186 = vector.broadcast %broadcast_in_dim3A_185 : f32 to vector<16xf32>
    %swap3A_187 = arith.constant 368 : index
    %swap3A_188 = tpu.vector_load %arg6[%swap3A_187] {strides = array<i32>} : memref<640xf32, #tpu.memory_space<vmem>>, vector<16xf32>,
    %swap3A_189 = vector.shape_cast %swap3A_188 : vector<16xf32> to vector<16xf32>
    %swap3A_190 = vector.shape_cast %broadcast_in_dim3A_186 : vector<16xf32> to vector<16xf32>
    tpu.vector_store %arg6[%swap3A_187], %swap3A_190 {strides = array<i32>} : memref<640xf32, #tpu.memory_space<vmem>>, vector<16xf32>,
    %broadcast_in_dim3A_191 = arith.constant 0.000000e+00 : f32
    %broadcast_in_dim3A_192 = vector.broadcast %broadcast_in_dim3A_191 : f32 to vector<16xf32>
    %swap3A_193 = arith.constant 384 : index
    %swap3A_194 = tpu.vector_load %arg6[%swap3A_193] {strides = array<i32>} : memref<640xf32, #tpu.memory_space<vmem>>, vector<16xf32>,
    %swap3A_195 = vector.shape_cast %swap3A_194 : vector<16xf32> to vector<16xf32>
    %swap3A_196 = vector.shape_cast %broadcast_in_dim3A_192 : vector<16xf32> to vector<16xf32>
    tpu.vector_store %arg6[%swap3A_193], %swap3A_196 {strides = array<i32>} : memref<640xf32, #tpu.memory_space<vmem>>, vector<16xf32>,
    %broadcast_in_dim3A_197 = arith.constant 0.000000e+00 : f32
    %broadcast_in_dim3A_198 = vector.broadcast %broadcast_in_dim3A_197 : f32 to vector<16xf32>
    %swap3A_199 = arith.constant 400 : index
    %swap3A_200 = tpu.vector_load %arg6[%swap3A_199] {strides = array<i32>} : memref<640xf32, #tpu.memory_space<vmem>>, vector<16xf32>,
    %swap3A_201 = vector.shape_cast %swap3A_200 : vector<16xf32> to vector<16xf32>
    %swap3A_202 = vector.shape_cast %broadcast_in_dim3A_198 : vector<16xf32> to vector<16xf32>
    tpu.vector_store %arg6[%swap3A_199], %swap3A_202 {strides = array<i32>} : memref<640xf32, #tpu.memory_space<vmem>>, vector<16xf32>,
    %broadcast_in_dim3A_203 = arith.constant 0.000000e+00 : f32
    %broadcast_in_dim3A_204 = vector.broadcast %broadcast_in_dim3A_203 : f32 to vector<16xf32>
    %swap3A_205 = arith.constant 416 : index
    %swap3A_206 = tpu.vector_load %arg6[%swap3A_205] {strides = array<i32>} : memref<640xf32, #tpu.memory_space<vmem>>, vector<16xf32>,
    %swap3A_207 = vector.shape_cast %swap3A_206 : vector<16xf32> to vector<16xf32>
    %swap3A_208 = vector.shape_cast %broadcast_in_dim3A_204 : vector<16xf32> to vector<16xf32>
    tpu.vector_store %arg6[%swap3A_205], %swap3A_208 {strides = array<i32>} : memref<640xf32, #tpu.memory_space<vmem>>, vector<16xf32>,
    %broadcast_in_dim3A_209 = arith.constant 0.000000e+00 : f32
    %broadcast_in_dim3A_210 = vector.broadcast %broadcast_in_dim3A_209 : f32 to vector<16xf32>
    %swap3A_211 = arith.constant 432 : index
    %swap3A_212 = tpu.vector_load %arg6[%swap3A_211] {strides = array<i32>} : memref<640xf32, #tpu.memory_space<vmem>>, vector<16xf32>,
    %swap3A_213 = vector.shape_cast %swap3A_212 : vector<16xf32> to vector<16xf32>
    %swap3A_214 = vector.shape_cast %broadcast_in_dim3A_210 : vector<16xf32> to vector<16xf32>
    tpu.vector_store %arg6[%swap3A_211], %swap3A_214 {strides = array<i32>} : memref<640xf32, #tpu.memory_space<vmem>>, vector<16xf32>,
    %broadcast_in_dim3A_215 = arith.constant 0.000000e+00 : f32
    %broadcast_in_dim3A_216 = vector.broadcast %broadcast_in_dim3A_215 : f32 to vector<16xf32>
    %swap3A_217 = arith.constant 448 : index
    %swap3A_218 = tpu.vector_load %arg6[%swap3A_217] {strides = array<i32>} : memref<640xf32, #tpu.memory_space<vmem>>, vector<16xf32>,
    %swap3A_219 = vector.shape_cast %swap3A_218 : vector<16xf32> to vector<16xf32>
    %swap3A_220 = vector.shape_cast %broadcast_in_dim3A_216 : vector<16xf32> to vector<16xf32>
    tpu.vector_store %arg6[%swap3A_217], %swap3A_220 {strides = array<i32>} : memref<640xf32, #tpu.memory_space<vmem>>, vector<16xf32>,
    %broadcast_in_dim3A_221 = arith.constant 0.000000e+00 : f32
    %broadcast_in_dim3A_222 = vector.broadcast %broadcast_in_dim3A_221 : f32 to vector<16xf32>
    %swap3A_223 = arith.constant 464 : index
    %swap3A_224 = tpu.vector_load %arg6[%swap3A_223] {strides = array<i32>} : memref<640xf32, #tpu.memory_space<vmem>>, vector<16xf32>,
    %swap3A_225 = vector.shape_cast %swap3A_224 : vector<16xf32> to vector<16xf32>
    %swap3A_226 = vector.shape_cast %broadcast_in_dim3A_222 : vector<16xf32> to vector<16xf32>
    tpu.vector_store %arg6[%swap3A_223], %swap3A_226 {strides = array<i32>} : memref<640xf32, #tpu.memory_space<vmem>>, vector<16xf32>,
    %broadcast_in_dim3A_227 = arith.constant 0.000000e+00 : f32
    %broadcast_in_dim3A_228 = vector.broadcast %broadcast_in_dim3A_227 : f32 to vector<16xf32>
    %swap3A_229 = arith.constant 480 : index
    %swap3A_230 = tpu.vector_load %arg6[%swap3A_229] {strides = array<i32>} : memref<640xf32, #tpu.memory_space<vmem>>, vector<16xf32>,
    %swap3A_231 = vector.shape_cast %swap3A_230 : vector<16xf32> to vector<16xf32>
    %swap3A_232 = vector.shape_cast %broadcast_in_dim3A_228 : vector<16xf32> to vector<16xf32>
    tpu.vector_store %arg6[%swap3A_229], %swap3A_232 {strides = array<i32>} : memref<640xf32, #tpu.memory_space<vmem>>, vector<16xf32>,
    %broadcast_in_dim3A_233 = arith.constant 0.000000e+00 : f32
    %broadcast_in_dim3A_234 = vector.broadcast %broadcast_in_dim3A_233 : f32 to vector<16xf32>
    %swap3A_235 = arith.constant 496 : index
    %swap3A_236 = tpu.vector_load %arg6[%swap3A_235] {strides = array<i32>} : memref<640xf32, #tpu.memory_space<vmem>>, vector<16xf32>,
    %swap3A_237 = vector.shape_cast %swap3A_236 : vector<16xf32> to vector<16xf32>
    %swap3A_238 = vector.shape_cast %broadcast_in_dim3A_234 : vector<16xf32> to vector<16xf32>
    tpu.vector_store %arg6[%swap3A_235], %swap3A_238 {strides = array<i32>} : memref<640xf32, #tpu.memory_space<vmem>>, vector<16xf32>,
    %broadcast_in_dim3A_239 = arith.constant 0.000000e+00 : f32
    %broadcast_in_dim3A_240 = vector.broadcast %broadcast_in_dim3A_239 : f32 to vector<16xf32>
    %swap3A_241 = arith.constant 512 : index
    %swap3A_242 = tpu.vector_load %arg6[%swap3A_241] {strides = array<i32>} : memref<640xf32, #tpu.memory_space<vmem>>, vector<16xf32>,
    %swap3A_243 = vector.shape_cast %swap3A_242 : vector<16xf32> to vector<16xf32>
    %swap3A_244 = vector.shape_cast %broadcast_in_dim3A_240 : vector<16xf32> to vector<16xf32>
    tpu.vector_store %arg6[%swap3A_241], %swap3A_244 {strides = array<i32>} : memref<640xf32, #tpu.memory_space<vmem>>, vector<16xf32>,
    %broadcast_in_dim3A_245 = arith.constant 0.000000e+00 : f32
    %broadcast_in_dim3A_246 = vector.broadcast %broadcast_in_dim3A_245 : f32 to vector<16xf32>
    %swap3A_247 = arith.constant 528 : index
    %swap3A_248 = tpu.vector_load %arg6[%swap3A_247] {strides = array<i32>} : memref<640xf32, #tpu.memory_space<vmem>>, vector<16xf32>,
    %swap3A_249 = vector.shape_cast %swap3A_248 : vector<16xf32> to vector<16xf32>
    %swap3A_250 = vector.shape_cast %broadcast_in_dim3A_246 : vector<16xf32> to vector<16xf32>
    tpu.vector_store %arg6[%swap3A_247], %swap3A_250 {strides = array<i32>} : memref<640xf32, #tpu.memory_space<vmem>>, vector<16xf32>,
    %broadcast_in_dim3A_251 = arith.constant 0.000000e+00 : f32
    %broadcast_in_dim3A_252 = vector.broadcast %broadcast_in_dim3A_251 : f32 to vector<16xf32>
    %swap3A_253 = arith.constant 544 : index
    %swap3A_254 = tpu.vector_load %arg6[%swap3A_253] {strides = array<i32>} : memref<640xf32, #tpu.memory_space<vmem>>, vector<16xf32>,
    %swap3A_255 = vector.shape_cast %swap3A_254 : vector<16xf32> to vector<16xf32>
    %swap3A_256 = vector.shape_cast %broadcast_in_dim3A_252 : vector<16xf32> to vector<16xf32>
    tpu.vector_store %arg6[%swap3A_253], %swap3A_256 {strides = array<i32>} : memref<640xf32, #tpu.memory_space<vmem>>, vector<16xf32>,
    %broadcast_in_dim3A_257 = arith.constant 0.000000e+00 : f32
    %broadcast_in_dim3A_258 = vector.broadcast %broadcast_in_dim3A_257 : f32 to vector<16xf32>
    %swap3A_259 = arith.constant 560 : index
    %swap3A_260 = tpu.vector_load %arg6[%swap3A_259] {strides = array<i32>} : memref<640xf32, #tpu.memory_space<vmem>>, vector<16xf32>,
    %swap3A_261 = vector.shape_cast %swap3A_260 : vector<16xf32> to vector<16xf32>
    %swap3A_262 = vector.shape_cast %broadcast_in_dim3A_258 : vector<16xf32> to vector<16xf32>
    tpu.vector_store %arg6[%swap3A_259], %swap3A_262 {strides = array<i32>} : memref<640xf32, #tpu.memory_space<vmem>>, vector<16xf32>,
    %broadcast_in_dim3A_263 = arith.constant 0.000000e+00 : f32
    %broadcast_in_dim3A_264 = vector.broadcast %broadcast_in_dim3A_263 : f32 to vector<16xf32>
    %swap3A_265 = arith.constant 576 : index
    %swap3A_266 = tpu.vector_load %arg6[%swap3A_265] {strides = array<i32>} : memref<640xf32, #tpu.memory_space<vmem>>, vector<16xf32>,
    %swap3A_267 = vector.shape_cast %swap3A_266 : vector<16xf32> to vector<16xf32>
    %swap3A_268 = vector.shape_cast %broadcast_in_dim3A_264 : vector<16xf32> to vector<16xf32>
    tpu.vector_store %arg6[%swap3A_265], %swap3A_268 {strides = array<i32>} : memref<640xf32, #tpu.memory_space<vmem>>, vector<16xf32>,
    %broadcast_in_dim3A_269 = arith.constant 0.000000e+00 : f32
    %broadcast_in_dim3A_270 = vector.broadcast %broadcast_in_dim3A_269 : f32 to vector<16xf32>
    %swap3A_271 = arith.constant 592 : index
    %swap3A_272 = tpu.vector_load %arg6[%swap3A_271] {strides = array<i32>} : memref<640xf32, #tpu.memory_space<vmem>>, vector<16xf32>,
    %swap3A_273 = vector.shape_cast %swap3A_272 : vector<16xf32> to vector<16xf32>
    %swap3A_274 = vector.shape_cast %broadcast_in_dim3A_270 : vector<16xf32> to vector<16xf32>
    tpu.vector_store %arg6[%swap3A_271], %swap3A_274 {strides = array<i32>} : memref<640xf32, #tpu.memory_space<vmem>>, vector<16xf32>,
    %broadcast_in_dim3A_275 = arith.constant 0.000000e+00 : f32
    %broadcast_in_dim3A_276 = vector.broadcast %broadcast_in_dim3A_275 : f32 to vector<16xf32>
    %swap3A_277 = arith.constant 608 : index
    %swap3A_278 = tpu.vector_load %arg6[%swap3A_277] {strides = array<i32>} : memref<640xf32, #tpu.memory_space<vmem>>, vector<16xf32>,
    %swap3A_279 = vector.shape_cast %swap3A_278 : vector<16xf32> to vector<16xf32>
    %swap3A_280 = vector.shape_cast %broadcast_in_dim3A_276 : vector<16xf32> to vector<16xf32>
    tpu.vector_store %arg6[%swap3A_277], %swap3A_280 {strides = array<i32>} : memref<640xf32, #tpu.memory_space<vmem>>, vector<16xf32>,
    %broadcast_in_dim3A_281 = arith.constant 0.000000e+00 : f32
    %broadcast_in_dim3A_282 = vector.broadcast %broadcast_in_dim3A_281 : f32 to vector<16xf32>
    %swap3A_283 = arith.constant 624 : index
    %swap3A_284 = tpu.vector_load %arg6[%swap3A_283] {strides = array<i32>} : memref<640xf32, #tpu.memory_space<vmem>>, vector<16xf32>,
    %swap3A_285 = vector.shape_cast %swap3A_284 : vector<16xf32> to vector<16xf32>
    %swap3A_286 = vector.shape_cast %broadcast_in_dim3A_282 : vector<16xf32> to vector<16xf32>
    tpu.vector_store %arg6[%swap3A_283], %swap3A_286 {strides = array<i32>} : memref<640xf32, #tpu.memory_space<vmem>>, vector<16xf32>,
    %mul3A_287 = arith.constant 640 : i32
    %mul3A_288 = arith.muli %arg1, %mul3A_287 : i32
    "tpu.region"() ({
      %run_scoped3A = tpu.sem_alloc : memref<!tpu.dma_semaphore, #tpu.memory_space<semaphore_mem>>
      %dma_start3A_387 = tpu.memref_slice %arg7[%mul3A_288] : memref<10240xf32, #tpu.memory_space<vmem_shared>> -> memref<640xf32, #tpu.memory_space<vmem_shared>>
      %dma_start3A_388 = tpu.memref_slice %arg7[%mul3A_288] : memref<10240xf32, #tpu.memory_space<vmem_shared>> -> memref<640xf32, #tpu.memory_space<vmem_shared>>
      tpu.enqueue_dma source(%arg6 : memref<640xf32, #tpu.memory_space<vmem>>) target(%dma_start3A_388 : memref<640xf32, #tpu.memory_space<vmem_shared>>) target_semaphore(%run_scoped3A : memref<!tpu.dma_semaphore, #tpu.memory_space<semaphore_mem>>)
      %dma_wait3A = tpu.memref_slice %arg7[%mul3A_288] : memref<10240xf32, #tpu.memory_space<vmem_shared>> -> memref<640xf32, #tpu.memory_space<vmem_shared>>
      %dma_wait3A_389 = tpu.memref_slice %arg7[%mul3A_288] : memref<10240xf32, #tpu.memory_space<vmem_shared>> -> memref<640xf32, #tpu.memory_space<vmem_shared>>
      tpu.wait_dma2 semaphore(%run_scoped3A : memref<!tpu.dma_semaphore, #tpu.memory_space<semaphore_mem>>) src(%arg6 : memref<640xf32, #tpu.memory_space<vmem>>) dst(%dma_wait3A_389 : memref<640xf32, #tpu.memory_space<vmem_shared>>)
      tpu.yield
    }) : () -> ()
    %barrier3A = arith.constant 0 : index
    tpu.barrier barrier_id(%barrier3A)
    %add3A_289 = arith.constant 0 : i32
    %add3A_290 = arith.addi %add3A_289, %add3A : i32
    %mul3A_291 = arith.constant 128 : i32
    %mul3A_292 = arith.muli %add3A_290, %mul3A_291 : i32
    %dma_start3A = arith.constant 1 : i32
    %dma_start3A_293 = arith.constant 0 : i32
    %dma_start3A_294 = arith.constant 0 : i32
    %dma_start3A_295 = tpu.memref_slice %arg4[%dma_start3A_293, %dma_start3A_294] : memref<8x128xi32, #tpu.memory_space<vmem>> -> memref<1x128xi32, #tpu.memory_space<vmem>>
    %dma_start3A_296 = tpu.memref_squeeze %dma_start3A_295 : memref<1x128xi32, #tpu.memory_space<vmem>> -> memref<128xi32, #tpu.memory_space<vmem>>
    %dma_start3A_297 = tpu.memref_slice %arg2[%dma_start3A, %mul3A_292] : memref<2x320000xi32, #tpu.memory_space<hbm>> -> memref<1x128xi32, #tpu.memory_space<hbm>>
    %dma_start3A_298 = tpu.memref_squeeze %dma_start3A_297 : memref<1x128xi32, #tpu.memory_space<hbm>> -> memref<128xi32, #tpu.memory_space<hbm>>
    %dma_start3A_299 = arith.constant 0 : i32
    %dma_start3A_300 = tpu.memref_slice %arg4[%dma_start3A_293, %dma_start3A_299] : memref<8x128xi32, #tpu.memory_space<vmem>> -> memref<1x128xi32, #tpu.memory_space<vmem>>
    %dma_start3A_301 = tpu.memref_squeeze %dma_start3A_300 : memref<1x128xi32, #tpu.memory_space<vmem>> -> memref<128xi32, #tpu.memory_space<vmem>>
    %dma_start3A_302 = tpu.memref_slice %arg2[%dma_start3A, %mul3A_292] : memref<2x320000xi32, #tpu.memory_space<hbm>> -> memref<1x128xi32, #tpu.memory_space<hbm>>
    %dma_start3A_303 = tpu.memref_squeeze %dma_start3A_302 : memref<1x128xi32, #tpu.memory_space<hbm>> -> memref<128xi32, #tpu.memory_space<hbm>>
    tpu.enqueue_dma source(%dma_start3A_303 : memref<128xi32, #tpu.memory_space<hbm>>) target(%dma_start3A_301 : memref<128xi32, #tpu.memory_space<vmem>>) target_semaphore(%arg8 : memref<!tpu.dma_semaphore, #tpu.memory_space<semaphore_mem>>)
    %add3A_304 = arith.constant 32 : i32
    %add3A_305 = arith.addi %add3A_304, %add3A : i32
    %mul3A_306 = arith.constant 128 : i32
    %mul3A_307 = arith.muli %add3A_305, %mul3A_306 : i32
    %dma_start3A_308 = arith.constant 1 : i32
    %dma_start3A_309 = arith.constant 1 : i32
    %dma_start3A_310 = arith.constant 0 : i32
    %dma_start3A_311 = tpu.memref_slice %arg4[%dma_start3A_309, %dma_start3A_310] : memref<8x128xi32, #tpu.memory_space<vmem>> -> memref<1x128xi32, #tpu.memory_space<vmem>>
    %dma_start3A_312 = tpu.memref_squeeze %dma_start3A_311 : memref<1x128xi32, #tpu.memory_space<vmem>> -> memref<128xi32, #tpu.memory_space<vmem>>
    %dma_start3A_313 = tpu.memref_slice %arg2[%dma_start3A_308, %mul3A_307] : memref<2x320000xi32, #tpu.memory_space<hbm>> -> memref<1x128xi32, #tpu.memory_space<hbm>>
    %dma_start3A_314 = tpu.memref_squeeze %dma_start3A_313 : memref<1x128xi32, #tpu.memory_space<hbm>> -> memref<128xi32, #tpu.memory_space<hbm>>
    %dma_start3A_315 = arith.constant 0 : i32
    %dma_start3A_316 = tpu.memref_slice %arg4[%dma_start3A_309, %dma_start3A_315] : memref<8x128xi32, #tpu.memory_space<vmem>> -> memref<1x128xi32, #tpu.memory_space<vmem>>
    %dma_start3A_317 = tpu.memref_squeeze %dma_start3A_316 : memref<1x128xi32, #tpu.memory_space<vmem>> -> memref<128xi32, #tpu.memory_space<vmem>>
    %dma_start3A_318 = tpu.memref_slice %arg2[%dma_start3A_308, %mul3A_307] : memref<2x320000xi32, #tpu.memory_space<hbm>> -> memref<1x128xi32, #tpu.memory_space<hbm>>
    %dma_start3A_319 = tpu.memref_squeeze %dma_start3A_318 : memref<1x128xi32, #tpu.memory_space<hbm>> -> memref<128xi32, #tpu.memory_space<hbm>>
    tpu.enqueue_dma source(%dma_start3A_319 : memref<128xi32, #tpu.memory_space<hbm>>) target(%dma_start3A_317 : memref<128xi32, #tpu.memory_space<vmem>>) target_semaphore(%arg9 : memref<!tpu.dma_semaphore, #tpu.memory_space<semaphore_mem>>)
    %add3A_320 = arith.constant 64 : i32
    %add3A_321 = arith.addi %add3A_320, %add3A : i32
    %mul3A_322 = arith.constant 128 : i32
    %mul3A_323 = arith.muli %add3A_321, %mul3A_322 : i32
    %dma_start3A_324 = arith.constant 1 : i32
    %dma_start3A_325 = arith.constant 2 : i32
    %dma_start3A_326 = arith.constant 0 : i32
    %dma_start3A_327 = tpu.memref_slice %arg4[%dma_start3A_325, %dma_start3A_326] : memref<8x128xi32, #tpu.memory_space<vmem>> -> memref<1x128xi32, #tpu.memory_space<vmem>>
    %dma_start3A_328 = tpu.memref_squeeze %dma_start3A_327 : memref<1x128xi32, #tpu.memory_space<vmem>> -> memref<128xi32, #tpu.memory_space<vmem>>
    %dma_start3A_329 = tpu.memref_slice %arg2[%dma_start3A_324, %mul3A_323] : memref<2x320000xi32, #tpu.memory_space<hbm>> -> memref<1x128xi32, #tpu.memory_space<hbm>>
    %dma_start3A_330 = tpu.memref_squeeze %dma_start3A_329 : memref<1x128xi32, #tpu.memory_space<hbm>> -> memref<128xi32, #tpu.memory_space<hbm>>
    %dma_start3A_331 = arith.constant 0 : i32
    %dma_start3A_332 = tpu.memref_slice %arg4[%dma_start3A_325, %dma_start3A_331] : memref<8x128xi32, #tpu.memory_space<vmem>> -> memref<1x128xi32, #tpu.memory_space<vmem>>
    %dma_start3A_333 = tpu.memref_squeeze %dma_start3A_332 : memref<1x128xi32, #tpu.memory_space<vmem>> -> memref<128xi32, #tpu.memory_space<vmem>>
    %dma_start3A_334 = tpu.memref_slice %arg2[%dma_start3A_324, %mul3A_323] : memref<2x320000xi32, #tpu.memory_space<hbm>> -> memref<1x128xi32, #tpu.memory_space<hbm>>
    %dma_start3A_335 = tpu.memref_squeeze %dma_start3A_334 : memref<1x128xi32, #tpu.memory_space<hbm>> -> memref<128xi32, #tpu.memory_space<hbm>>
    tpu.enqueue_dma source(%dma_start3A_335 : memref<128xi32, #tpu.memory_space<hbm>>) target(%dma_start3A_333 : memref<128xi32, #tpu.memory_space<vmem>>) target_semaphore(%arg10 : memref<!tpu.dma_semaphore, #tpu.memory_space<semaphore_mem>>)
    %add3A_336 = arith.constant 96 : i32
    %add3A_337 = arith.addi %add3A_336, %add3A : i32
    %mul3A_338 = arith.constant 128 : i32
    %mul3A_339 = arith.muli %add3A_337, %mul3A_338 : i32
    %dma_start3A_340 = arith.constant 1 : i32
    %dma_start3A_341 = arith.constant 3 : i32
    %dma_start3A_342 = arith.constant 0 : i32
    %dma_start3A_343 = tpu.memref_slice %arg4[%dma_start3A_341, %dma_start3A_342] : memref<8x128xi32, #tpu.memory_space<vmem>> -> memref<1x128xi32, #tpu.memory_space<vmem>>
    %dma_start3A_344 = tpu.memref_squeeze %dma_start3A_343 : memref<1x128xi32, #tpu.memory_space<vmem>> -> memref<128xi32, #tpu.memory_space<vmem>>
    %dma_start3A_345 = tpu.memref_slice %arg2[%dma_start3A_340, %mul3A_339] : memref<2x320000xi32, #tpu.memory_space<hbm>> -> memref<1x128xi32, #tpu.memory_space<hbm>>
    %dma_start3A_346 = tpu.memref_squeeze %dma_start3A_345 : memref<1x128xi32, #tpu.memory_space<hbm>> -> memref<128xi32, #tpu.memory_space<hbm>>
    %dma_start3A_347 = arith.constant 0 : i32
    %dma_start3A_348 = tpu.memref_slice %arg4[%dma_start3A_341, %dma_start3A_347] : memref<8x128xi32, #tpu.memory_space<vmem>> -> memref<1x128xi32, #tpu.memory_space<vmem>>
    %dma_start3A_349 = tpu.memref_squeeze %dma_start3A_348 : memref<1x128xi32, #tpu.memory_space<vmem>> -> memref<128xi32, #tpu.memory_space<vmem>>
    %dma_start3A_350 = tpu.memref_slice %arg2[%dma_start3A_340, %mul3A_339] : memref<2x320000xi32, #tpu.memory_space<hbm>> -> memref<1x128xi32, #tpu.memory_space<hbm>>
    %dma_start3A_351 = tpu.memref_squeeze %dma_start3A_350 : memref<1x128xi32, #tpu.memory_space<hbm>> -> memref<128xi32, #tpu.memory_space<hbm>>
    tpu.enqueue_dma source(%dma_start3A_351 : memref<128xi32, #tpu.memory_space<hbm>>) target(%dma_start3A_349 : memref<128xi32, #tpu.memory_space<vmem>>) target_semaphore(%arg11 : memref<!tpu.dma_semaphore, #tpu.memory_space<semaphore_mem>>)
    %scan3A = arith.constant 0 : i32
    %scan3A_352 = arith.constant 0 : i32
    %scan3A_353 = arith.constant 10 : i32
    %scan3A_354 = arith.addi %scan3A_352, %scan3A_353 : i32
    %scan3A_355 = arith.constant 1 : i32
    scf.for %scan3A_387 = %scan3A_352 to %scan3A_354 step %scan3A_355  : i32 {
      %mul3A_388 = arith.constant 2 : i32
      %mul3A_389 = arith.muli %scan3A_387, %mul3A_388 : i32
      %add3A_390 = arith.constant 0 : i32
      %add3A_391 = arith.addi %mul3A_389, %add3A_390 : i32
      %mul3A_392 = arith.constant 4 : i32
      %mul3A_393 = arith.muli %add3A_391, %mul3A_392 : i32
      %add3A_394 = arith.constant 0 : i32
      %add3A_395 = arith.addi %mul3A_393, %add3A_394 : i32
      %mul3A_396 = arith.constant 32 : i32
      %mul3A_397 = arith.muli %add3A_395, %mul3A_396 : i32
      %add3A_398 = arith.addi %mul3A_397, %add3A : i32
      %gt3A = arith.constant 0 : i32
      %gt3A_399 = arith.cmpi sgt, %add3A_391, %gt3A : i32
      %sub3A = arith.constant 128 : i32
      %sub3A_400 = arith.subi %add3A_398, %sub3A : i32
      %lt3A_401 = arith.constant 2500 : i32
      %lt3A_402 = arith.cmpi slt, %sub3A_400, %lt3A_401 : i32
      %and3A = arith.andi %gt3A_399, %lt3A_402 : i1
      %convert_element_type3A_403 = arith.extui %and3A : i1 to i32
      %cond3A_404 = arith.constant 0 : i32
      %cond3A_405 = arith.cmpi ne, %convert_element_type3A_403, %cond3A_404 : i32
      scf.if %cond3A_405 {
        %dma_wait3A = arith.constant 4 : i32
        %dma_wait3A_649 = arith.constant 0 : i32
        %dma_wait3A_650 = tpu.memref_slice %arg4[%dma_wait3A, %dma_wait3A_649] : memref<8x128xi32, #tpu.memory_space<vmem>> -> memref<1x128xi32, #tpu.memory_space<vmem>>
        %dma_wait3A_651 = tpu.memref_squeeze %dma_wait3A_650 : memref<1x128xi32, #tpu.memory_space<vmem>> -> memref<128xi32, #tpu.memory_space<vmem>>
        %dma_wait3A_652 = arith.constant 0 : i32
        %dma_wait3A_653 = tpu.memref_slice %arg7[%dma_wait3A_652] : memref<10240xf32, #tpu.memory_space<vmem_shared>> -> memref<10240xf32, #tpu.memory_space<vmem_shared>>
        tpu.wait_indirect_dma semaphore(%arg16 : memref<!tpu.dma_semaphore, #tpu.memory_space<semaphore_mem>>) src(%arg5 : memref<128xf32, #tpu.memory_space<vmem>>) dst(%dma_wait3A_653 : memref<10240xf32, #tpu.memory_space<vmem_shared>>)
      } else {
      }
      %lt3A_406 = arith.constant 2500 : i32
      %lt3A_407 = arith.cmpi slt, %add3A_398, %lt3A_406 : i32
      %convert_element_type3A_408 = arith.extui %lt3A_407 : i1 to i32
      %cond3A_409 = arith.constant 0 : i32
      %cond3A_410 = arith.cmpi ne, %convert_element_type3A_408, %cond3A_409 : i32
      scf.if %cond3A_410 {
        %mul3A_649 = arith.constant 32 : i32
        %mul3A_650 = arith.muli %add3A_395, %mul3A_649 : i32
        %add3A_651 = arith.addi %mul3A_650, %add3A : i32
        %mul3A_652 = arith.constant 128 : i32
        %mul3A_653 = arith.muli %add3A_651, %mul3A_652 : i32
        %dma_wait3A = arith.constant 1 : i32
        %dma_wait3A_654 = arith.constant 0 : i32
        %dma_wait3A_655 = arith.constant 0 : i32
        %dma_wait3A_656 = tpu.memref_slice %arg4[%dma_wait3A_654, %dma_wait3A_655] : memref<8x128xi32, #tpu.memory_space<vmem>> -> memref<1x128xi32, #tpu.memory_space<vmem>>
        %dma_wait3A_657 = tpu.memref_squeeze %dma_wait3A_656 : memref<1x128xi32, #tpu.memory_space<vmem>> -> memref<128xi32, #tpu.memory_space<vmem>>
        %dma_wait3A_658 = tpu.memref_slice %arg2[%dma_wait3A, %mul3A_653] : memref<2x320000xi32, #tpu.memory_space<hbm>> -> memref<1x128xi32, #tpu.memory_space<hbm>>
        %dma_wait3A_659 = tpu.memref_squeeze %dma_wait3A_658 : memref<1x128xi32, #tpu.memory_space<hbm>> -> memref<128xi32, #tpu.memory_space<hbm>>
        %dma_wait3A_660 = arith.constant 0 : i32
        %dma_wait3A_661 = tpu.memref_slice %arg4[%dma_wait3A_654, %dma_wait3A_660] : memref<8x128xi32, #tpu.memory_space<vmem>> -> memref<1x128xi32, #tpu.memory_space<vmem>>
        %dma_wait3A_662 = tpu.memref_squeeze %dma_wait3A_661 : memref<1x128xi32, #tpu.memory_space<vmem>> -> memref<128xi32, #tpu.memory_space<vmem>>
        %dma_wait3A_663 = tpu.memref_slice %arg2[%dma_wait3A, %mul3A_653] : memref<2x320000xi32, #tpu.memory_space<hbm>> -> memref<1x128xi32, #tpu.memory_space<hbm>>
        %dma_wait3A_664 = tpu.memref_squeeze %dma_wait3A_663 : memref<1x128xi32, #tpu.memory_space<hbm>> -> memref<128xi32, #tpu.memory_space<hbm>>
        tpu.wait_dma2 semaphore(%arg8 : memref<!tpu.dma_semaphore, #tpu.memory_space<semaphore_mem>>) src(%dma_wait3A_664 : memref<128xi32, #tpu.memory_space<hbm>>) dst(%dma_wait3A_662 : memref<128xi32, #tpu.memory_space<vmem>>)
        %dma_start3A_665 = arith.constant 0 : i32
        %dma_start3A_666 = arith.constant 0 : i32
        %dma_start3A_667 = tpu.memref_slice %arg4[%dma_start3A_665, %dma_start3A_666] : memref<8x128xi32, #tpu.memory_space<vmem>> -> memref<1x128xi32, #tpu.memory_space<vmem>>
        %dma_start3A_668 = tpu.memref_squeeze %dma_start3A_667 : memref<1x128xi32, #tpu.memory_space<vmem>> -> memref<128xi32, #tpu.memory_space<vmem>>
        %dma_start3A_669 = arith.constant 0 : i32
        %dma_start3A_670 = tpu.memref_slice %arg7[%dma_start3A_669] : memref<10240xf32, #tpu.memory_space<vmem_shared>> -> memref<10240xf32, #tpu.memory_space<vmem_shared>>
        tpu.enqueue_indirect_dma source(%arg5 : memref<128xf32, #tpu.memory_space<vmem>>) target(%dma_start3A_670 : memref<10240xf32, #tpu.memory_space<vmem_shared>>) offsets(%dma_start3A_668 : memref<128xi32, #tpu.memory_space<vmem>>) semaphore(%arg16 : memref<!tpu.dma_semaphore, #tpu.memory_space<semaphore_mem>>) {add = true}
      } else {
      }
      %add3A_411 = arith.constant 4 : i32
      %add3A_412 = arith.addi %add3A_395, %add3A_411 : i32
      %mul3A_413 = arith.constant 32 : i32
      %mul3A_414 = arith.muli %add3A_412, %mul3A_413 : i32
      %add3A_415 = arith.addi %mul3A_414, %add3A : i32
      %lt3A_416 = arith.constant 2500 : i32
      %lt3A_417 = arith.cmpi slt, %add3A_415, %lt3A_416 : i32
      %convert_element_type3A_418 = arith.extui %lt3A_417 : i1 to i32
      %cond3A_419 = arith.constant 0 : i32
      %cond3A_420 = arith.cmpi ne, %convert_element_type3A_418, %cond3A_419 : i32
      scf.if %cond3A_420 {
        %add3A_649 = arith.constant 4 : i32
        %add3A_650 = arith.addi %add3A_395, %add3A_649 : i32
        %mul3A_651 = arith.constant 32 : i32
        %mul3A_652 = arith.muli %add3A_650, %mul3A_651 : i32
        %add3A_653 = arith.addi %mul3A_652, %add3A : i32
        %mul3A_654 = arith.constant 128 : i32
        %mul3A_655 = arith.muli %add3A_653, %mul3A_654 : i32
        %dma_start3A_656 = arith.constant 1 : i32
        %dma_start3A_657 = arith.constant 4 : i32
        %dma_start3A_658 = arith.constant 0 : i32
        %dma_start3A_659 = tpu.memref_slice %arg4[%dma_start3A_657, %dma_start3A_658] : memref<8x128xi32, #tpu.memory_space<vmem>> -> memref<1x128xi32, #tpu.memory_space<vmem>>
        %dma_start3A_660 = tpu.memref_squeeze %dma_start3A_659 : memref<1x128xi32, #tpu.memory_space<vmem>> -> memref<128xi32, #tpu.memory_space<vmem>>
        %dma_start3A_661 = tpu.memref_slice %arg2[%dma_start3A_656, %mul3A_655] : memref<2x320000xi32, #tpu.memory_space<hbm>> -> memref<1x128xi32, #tpu.memory_space<hbm>>
        %dma_start3A_662 = tpu.memref_squeeze %dma_start3A_661 : memref<1x128xi32, #tpu.memory_space<hbm>> -> memref<128xi32, #tpu.memory_space<hbm>>
        %dma_start3A_663 = arith.constant 0 : i32
        %dma_start3A_664 = tpu.memref_slice %arg4[%dma_start3A_657, %dma_start3A_663] : memref<8x128xi32, #tpu.memory_space<vmem>> -> memref<1x128xi32, #tpu.memory_space<vmem>>
        %dma_start3A_665 = tpu.memref_squeeze %dma_start3A_664 : memref<1x128xi32, #tpu.memory_space<vmem>> -> memref<128xi32, #tpu.memory_space<vmem>>
        %dma_start3A_666 = tpu.memref_slice %arg2[%dma_start3A_656, %mul3A_655] : memref<2x320000xi32, #tpu.memory_space<hbm>> -> memref<1x128xi32, #tpu.memory_space<hbm>>
        %dma_start3A_667 = tpu.memref_squeeze %dma_start3A_666 : memref<1x128xi32, #tpu.memory_space<hbm>> -> memref<128xi32, #tpu.memory_space<hbm>>
        tpu.enqueue_dma source(%dma_start3A_667 : memref<128xi32, #tpu.memory_space<hbm>>) target(%dma_start3A_665 : memref<128xi32, #tpu.memory_space<vmem>>) target_semaphore(%arg12 : memref<!tpu.dma_semaphore, #tpu.memory_space<semaphore_mem>>)
      } else {
      }
      %mul3A_421 = arith.constant 4 : i32
      %mul3A_422 = arith.muli %add3A_391, %mul3A_421 : i32
      %add3A_423 = arith.constant 1 : i32
      %add3A_424 = arith.addi %mul3A_422, %add3A_423 : i32
      %mul3A_425 = arith.constant 32 : i32
      %mul3A_426 = arith.muli %add3A_424, %mul3A_425 : i32
      %add3A_427 = arith.addi %mul3A_426, %add3A : i32
      %gt3A_428 = arith.constant 0 : i32
      %gt3A_429 = arith.cmpi sgt, %add3A_391, %gt3A_428 : i32
      %sub3A_430 = arith.constant 128 : i32
      %sub3A_431 = arith.subi %add3A_427, %sub3A_430 : i32
      %lt3A_432 = arith.constant 2500 : i32
      %lt3A_433 = arith.cmpi slt, %sub3A_431, %lt3A_432 : i32
      %and3A_434 = arith.andi %gt3A_429, %lt3A_433 : i1
      %convert_element_type3A_435 = arith.extui %and3A_434 : i1 to i32
      %cond3A_436 = arith.constant 0 : i32
      %cond3A_437 = arith.cmpi ne, %convert_element_type3A_435, %cond3A_436 : i32
      scf.if %cond3A_437 {
        %dma_wait3A = arith.constant 5 : i32
        %dma_wait3A_649 = arith.constant 0 : i32
        %dma_wait3A_650 = tpu.memref_slice %arg4[%dma_wait3A, %dma_wait3A_649] : memref<8x128xi32, #tpu.memory_space<vmem>> -> memref<1x128xi32, #tpu.memory_space<vmem>>
        %dma_wait3A_651 = tpu.memref_squeeze %dma_wait3A_650 : memref<1x128xi32, #tpu.memory_space<vmem>> -> memref<128xi32, #tpu.memory_space<vmem>>
        %dma_wait3A_652 = arith.constant 0 : i32
        %dma_wait3A_653 = tpu.memref_slice %arg7[%dma_wait3A_652] : memref<10240xf32, #tpu.memory_space<vmem_shared>> -> memref<10240xf32, #tpu.memory_space<vmem_shared>>
        tpu.wait_indirect_dma semaphore(%arg17 : memref<!tpu.dma_semaphore, #tpu.memory_space<semaphore_mem>>) src(%arg5 : memref<128xf32, #tpu.memory_space<vmem>>) dst(%dma_wait3A_653 : memref<10240xf32, #tpu.memory_space<vmem_shared>>)
      } else {
      }
      %lt3A_438 = arith.constant 2500 : i32
      %lt3A_439 = arith.cmpi slt, %add3A_427, %lt3A_438 : i32
      %convert_element_type3A_440 = arith.extui %lt3A_439 : i1 to i32
      %cond3A_441 = arith.constant 0 : i32
      %cond3A_442 = arith.cmpi ne, %convert_element_type3A_440, %cond3A_441 : i32
      scf.if %cond3A_442 {
        %mul3A_649 = arith.constant 32 : i32
        %mul3A_650 = arith.muli %add3A_424, %mul3A_649 : i32
        %add3A_651 = arith.addi %mul3A_650, %add3A : i32
        %mul3A_652 = arith.constant 128 : i32
        %mul3A_653 = arith.muli %add3A_651, %mul3A_652 : i32
        %dma_wait3A = arith.constant 1 : i32
        %dma_wait3A_654 = arith.constant 1 : i32
        %dma_wait3A_655 = arith.constant 0 : i32
        %dma_wait3A_656 = tpu.memref_slice %arg4[%dma_wait3A_654, %dma_wait3A_655] : memref<8x128xi32, #tpu.memory_space<vmem>> -> memref<1x128xi32, #tpu.memory_space<vmem>>
        %dma_wait3A_657 = tpu.memref_squeeze %dma_wait3A_656 : memref<1x128xi32, #tpu.memory_space<vmem>> -> memref<128xi32, #tpu.memory_space<vmem>>
        %dma_wait3A_658 = tpu.memref_slice %arg2[%dma_wait3A, %mul3A_653] : memref<2x320000xi32, #tpu.memory_space<hbm>> -> memref<1x128xi32, #tpu.memory_space<hbm>>
        %dma_wait3A_659 = tpu.memref_squeeze %dma_wait3A_658 : memref<1x128xi32, #tpu.memory_space<hbm>> -> memref<128xi32, #tpu.memory_space<hbm>>
        %dma_wait3A_660 = arith.constant 0 : i32
        %dma_wait3A_661 = tpu.memref_slice %arg4[%dma_wait3A_654, %dma_wait3A_660] : memref<8x128xi32, #tpu.memory_space<vmem>> -> memref<1x128xi32, #tpu.memory_space<vmem>>
        %dma_wait3A_662 = tpu.memref_squeeze %dma_wait3A_661 : memref<1x128xi32, #tpu.memory_space<vmem>> -> memref<128xi32, #tpu.memory_space<vmem>>
        %dma_wait3A_663 = tpu.memref_slice %arg2[%dma_wait3A, %mul3A_653] : memref<2x320000xi32, #tpu.memory_space<hbm>> -> memref<1x128xi32, #tpu.memory_space<hbm>>
        %dma_wait3A_664 = tpu.memref_squeeze %dma_wait3A_663 : memref<1x128xi32, #tpu.memory_space<hbm>> -> memref<128xi32, #tpu.memory_space<hbm>>
        tpu.wait_dma2 semaphore(%arg9 : memref<!tpu.dma_semaphore, #tpu.memory_space<semaphore_mem>>) src(%dma_wait3A_664 : memref<128xi32, #tpu.memory_space<hbm>>) dst(%dma_wait3A_662 : memref<128xi32, #tpu.memory_space<vmem>>)
        %dma_start3A_665 = arith.constant 1 : i32
        %dma_start3A_666 = arith.constant 0 : i32
        %dma_start3A_667 = tpu.memref_slice %arg4[%dma_start3A_665, %dma_start3A_666] : memref<8x128xi32, #tpu.memory_space<vmem>> -> memref<1x128xi32, #tpu.memory_space<vmem>>
        %dma_start3A_668 = tpu.memref_squeeze %dma_start3A_667 : memref<1x128xi32, #tpu.memory_space<vmem>> -> memref<128xi32, #tpu.memory_space<vmem>>
        %dma_start3A_669 = arith.constant 0 : i32
        %dma_start3A_670 = tpu.memref_slice %arg7[%dma_start3A_669] : memref<10240xf32, #tpu.memory_space<vmem_shared>> -> memref<10240xf32, #tpu.memory_space<vmem_shared>>
        tpu.enqueue_indirect_dma source(%arg5 : memref<128xf32, #tpu.memory_space<vmem>>) target(%dma_start3A_670 : memref<10240xf32, #tpu.memory_space<vmem_shared>>) offsets(%dma_start3A_668 : memref<128xi32, #tpu.memory_space<vmem>>) semaphore(%arg17 : memref<!tpu.dma_semaphore, #tpu.memory_space<semaphore_mem>>) {add = true}
      } else {
      }
      %add3A_443 = arith.constant 4 : i32
      %add3A_444 = arith.addi %add3A_424, %add3A_443 : i32
      %mul3A_445 = arith.constant 32 : i32
      %mul3A_446 = arith.muli %add3A_444, %mul3A_445 : i32
      %add3A_447 = arith.addi %mul3A_446, %add3A : i32
      %lt3A_448 = arith.constant 2500 : i32
      %lt3A_449 = arith.cmpi slt, %add3A_447, %lt3A_448 : i32
      %convert_element_type3A_450 = arith.extui %lt3A_449 : i1 to i32
      %cond3A_451 = arith.constant 0 : i32
      %cond3A_452 = arith.cmpi ne, %convert_element_type3A_450, %cond3A_451 : i32
      scf.if %cond3A_452 {
        %add3A_649 = arith.constant 4 : i32
        %add3A_650 = arith.addi %add3A_424, %add3A_649 : i32
        %mul3A_651 = arith.constant 32 : i32
        %mul3A_652 = arith.muli %add3A_650, %mul3A_651 : i32
        %add3A_653 = arith.addi %mul3A_652, %add3A : i32
        %mul3A_654 = arith.constant 128 : i32
        %mul3A_655 = arith.muli %add3A_653, %mul3A_654 : i32
        %dma_start3A_656 = arith.constant 1 : i32
        %dma_start3A_657 = arith.constant 5 : i32
        %dma_start3A_658 = arith.constant 0 : i32
        %dma_start3A_659 = tpu.memref_slice %arg4[%dma_start3A_657, %dma_start3A_658] : memref<8x128xi32, #tpu.memory_space<vmem>> -> memref<1x128xi32, #tpu.memory_space<vmem>>
        %dma_start3A_660 = tpu.memref_squeeze %dma_start3A_659 : memref<1x128xi32, #tpu.memory_space<vmem>> -> memref<128xi32, #tpu.memory_space<vmem>>
        %dma_start3A_661 = tpu.memref_slice %arg2[%dma_start3A_656, %mul3A_655] : memref<2x320000xi32, #tpu.memory_space<hbm>> -> memref<1x128xi32, #tpu.memory_space<hbm>>
        %dma_start3A_662 = tpu.memref_squeeze %dma_start3A_661 : memref<1x128xi32, #tpu.memory_space<hbm>> -> memref<128xi32, #tpu.memory_space<hbm>>
        %dma_start3A_663 = arith.constant 0 : i32
        %dma_start3A_664 = tpu.memref_slice %arg4[%dma_start3A_657, %dma_start3A_663] : memref<8x128xi32, #tpu.memory_space<vmem>> -> memref<1x128xi32, #tpu.memory_space<vmem>>
        %dma_start3A_665 = tpu.memref_squeeze %dma_start3A_664 : memref<1x128xi32, #tpu.memory_space<vmem>> -> memref<128xi32, #tpu.memory_space<vmem>>
        %dma_start3A_666 = tpu.memref_slice %arg2[%dma_start3A_656, %mul3A_655] : memref<2x320000xi32, #tpu.memory_space<hbm>> -> memref<1x128xi32, #tpu.memory_space<hbm>>
        %dma_start3A_667 = tpu.memref_squeeze %dma_start3A_666 : memref<1x128xi32, #tpu.memory_space<hbm>> -> memref<128xi32, #tpu.memory_space<hbm>>
        tpu.enqueue_dma source(%dma_start3A_667 : memref<128xi32, #tpu.memory_space<hbm>>) target(%dma_start3A_665 : memref<128xi32, #tpu.memory_space<vmem>>) target_semaphore(%arg13 : memref<!tpu.dma_semaphore, #tpu.memory_space<semaphore_mem>>)
      } else {
      }
      %mul3A_453 = arith.constant 4 : i32
      %mul3A_454 = arith.muli %add3A_391, %mul3A_453 : i32
      %add3A_455 = arith.constant 2 : i32
      %add3A_456 = arith.addi %mul3A_454, %add3A_455 : i32
      %mul3A_457 = arith.constant 32 : i32
      %mul3A_458 = arith.muli %add3A_456, %mul3A_457 : i32
      %add3A_459 = arith.addi %mul3A_458, %add3A : i32
      %gt3A_460 = arith.constant 0 : i32
      %gt3A_461 = arith.cmpi sgt, %add3A_391, %gt3A_460 : i32
      %sub3A_462 = arith.constant 128 : i32
      %sub3A_463 = arith.subi %add3A_459, %sub3A_462 : i32
      %lt3A_464 = arith.constant 2500 : i32
      %lt3A_465 = arith.cmpi slt, %sub3A_463, %lt3A_464 : i32
      %and3A_466 = arith.andi %gt3A_461, %lt3A_465 : i1
      %convert_element_type3A_467 = arith.extui %and3A_466 : i1 to i32
      %cond3A_468 = arith.constant 0 : i32
      %cond3A_469 = arith.cmpi ne, %convert_element_type3A_467, %cond3A_468 : i32
      scf.if %cond3A_469 {
        %dma_wait3A = arith.constant 6 : i32
        %dma_wait3A_649 = arith.constant 0 : i32
        %dma_wait3A_650 = tpu.memref_slice %arg4[%dma_wait3A, %dma_wait3A_649] : memref<8x128xi32, #tpu.memory_space<vmem>> -> memref<1x128xi32, #tpu.memory_space<vmem>>
        %dma_wait3A_651 = tpu.memref_squeeze %dma_wait3A_650 : memref<1x128xi32, #tpu.memory_space<vmem>> -> memref<128xi32, #tpu.memory_space<vmem>>
        %dma_wait3A_652 = arith.constant 0 : i32
        %dma_wait3A_653 = tpu.memref_slice %arg7[%dma_wait3A_652] : memref<10240xf32, #tpu.memory_space<vmem_shared>> -> memref<10240xf32, #tpu.memory_space<vmem_shared>>
        tpu.wait_indirect_dma semaphore(%arg18 : memref<!tpu.dma_semaphore, #tpu.memory_space<semaphore_mem>>) src(%arg5 : memref<128xf32, #tpu.memory_space<vmem>>) dst(%dma_wait3A_653 : memref<10240xf32, #tpu.memory_space<vmem_shared>>)
      } else {
      }
      %lt3A_470 = arith.constant 2500 : i32
      %lt3A_471 = arith.cmpi slt, %add3A_459, %lt3A_470 : i32
      %convert_element_type3A_472 = arith.extui %lt3A_471 : i1 to i32
      %cond3A_473 = arith.constant 0 : i32
      %cond3A_474 = arith.cmpi ne, %convert_element_type3A_472, %cond3A_473 : i32
      scf.if %cond3A_474 {
        %mul3A_649 = arith.constant 32 : i32
        %mul3A_650 = arith.muli %add3A_456, %mul3A_649 : i32
        %add3A_651 = arith.addi %mul3A_650, %add3A : i32
        %mul3A_652 = arith.constant 128 : i32
        %mul3A_653 = arith.muli %add3A_651, %mul3A_652 : i32
        %dma_wait3A = arith.constant 1 : i32
        %dma_wait3A_654 = arith.constant 2 : i32
        %dma_wait3A_655 = arith.constant 0 : i32
        %dma_wait3A_656 = tpu.memref_slice %arg4[%dma_wait3A_654, %dma_wait3A_655] : memref<8x128xi32, #tpu.memory_space<vmem>> -> memref<1x128xi32, #tpu.memory_space<vmem>>
        %dma_wait3A_657 = tpu.memref_squeeze %dma_wait3A_656 : memref<1x128xi32, #tpu.memory_space<vmem>> -> memref<128xi32, #tpu.memory_space<vmem>>
        %dma_wait3A_658 = tpu.memref_slice %arg2[%dma_wait3A, %mul3A_653] : memref<2x320000xi32, #tpu.memory_space<hbm>> -> memref<1x128xi32, #tpu.memory_space<hbm>>
        %dma_wait3A_659 = tpu.memref_squeeze %dma_wait3A_658 : memref<1x128xi32, #tpu.memory_space<hbm>> -> memref<128xi32, #tpu.memory_space<hbm>>
        %dma_wait3A_660 = arith.constant 0 : i32
        %dma_wait3A_661 = tpu.memref_slice %arg4[%dma_wait3A_654, %dma_wait3A_660] : memref<8x128xi32, #tpu.memory_space<vmem>> -> memref<1x128xi32, #tpu.memory_space<vmem>>
        %dma_wait3A_662 = tpu.memref_squeeze %dma_wait3A_661 : memref<1x128xi32, #tpu.memory_space<vmem>> -> memref<128xi32, #tpu.memory_space<vmem>>
        %dma_wait3A_663 = tpu.memref_slice %arg2[%dma_wait3A, %mul3A_653] : memref<2x320000xi32, #tpu.memory_space<hbm>> -> memref<1x128xi32, #tpu.memory_space<hbm>>
        %dma_wait3A_664 = tpu.memref_squeeze %dma_wait3A_663 : memref<1x128xi32, #tpu.memory_space<hbm>> -> memref<128xi32, #tpu.memory_space<hbm>>
        tpu.wait_dma2 semaphore(%arg10 : memref<!tpu.dma_semaphore, #tpu.memory_space<semaphore_mem>>) src(%dma_wait3A_664 : memref<128xi32, #tpu.memory_space<hbm>>) dst(%dma_wait3A_662 : memref<128xi32, #tpu.memory_space<vmem>>)
        %dma_start3A_665 = arith.constant 2 : i32
        %dma_start3A_666 = arith.constant 0 : i32
        %dma_start3A_667 = tpu.memref_slice %arg4[%dma_start3A_665, %dma_start3A_666] : memref<8x128xi32, #tpu.memory_space<vmem>> -> memref<1x128xi32, #tpu.memory_space<vmem>>
        %dma_start3A_668 = tpu.memref_squeeze %dma_start3A_667 : memref<1x128xi32, #tpu.memory_space<vmem>> -> memref<128xi32, #tpu.memory_space<vmem>>
        %dma_start3A_669 = arith.constant 0 : i32
        %dma_start3A_670 = tpu.memref_slice %arg7[%dma_start3A_669] : memref<10240xf32, #tpu.memory_space<vmem_shared>> -> memref<10240xf32, #tpu.memory_space<vmem_shared>>
        tpu.enqueue_indirect_dma source(%arg5 : memref<128xf32, #tpu.memory_space<vmem>>) target(%dma_start3A_670 : memref<10240xf32, #tpu.memory_space<vmem_shared>>) offsets(%dma_start3A_668 : memref<128xi32, #tpu.memory_space<vmem>>) semaphore(%arg18 : memref<!tpu.dma_semaphore, #tpu.memory_space<semaphore_mem>>) {add = true}
      } else {
      }
      %add3A_475 = arith.constant 4 : i32
      %add3A_476 = arith.addi %add3A_456, %add3A_475 : i32
      %mul3A_477 = arith.constant 32 : i32
      %mul3A_478 = arith.muli %add3A_476, %mul3A_477 : i32
      %add3A_479 = arith.addi %mul3A_478, %add3A : i32
      %lt3A_480 = arith.constant 2500 : i32
      %lt3A_481 = arith.cmpi slt, %add3A_479, %lt3A_480 : i32
      %convert_element_type3A_482 = arith.extui %lt3A_481 : i1 to i32
      %cond3A_483 = arith.constant 0 : i32
      %cond3A_484 = arith.cmpi ne, %convert_element_type3A_482, %cond3A_483 : i32
      scf.if %cond3A_484 {
        %add3A_649 = arith.constant 4 : i32
        %add3A_650 = arith.addi %add3A_456, %add3A_649 : i32
        %mul3A_651 = arith.constant 32 : i32
        %mul3A_652 = arith.muli %add3A_650, %mul3A_651 : i32
        %add3A_653 = arith.addi %mul3A_652, %add3A : i32
        %mul3A_654 = arith.constant 128 : i32
        %mul3A_655 = arith.muli %add3A_653, %mul3A_654 : i32
        %dma_start3A_656 = arith.constant 1 : i32
        %dma_start3A_657 = arith.constant 6 : i32
        %dma_start3A_658 = arith.constant 0 : i32
        %dma_start3A_659 = tpu.memref_slice %arg4[%dma_start3A_657, %dma_start3A_658] : memref<8x128xi32, #tpu.memory_space<vmem>> -> memref<1x128xi32, #tpu.memory_space<vmem>>
        %dma_start3A_660 = tpu.memref_squeeze %dma_start3A_659 : memref<1x128xi32, #tpu.memory_space<vmem>> -> memref<128xi32, #tpu.memory_space<vmem>>
        %dma_start3A_661 = tpu.memref_slice %arg2[%dma_start3A_656, %mul3A_655] : memref<2x320000xi32, #tpu.memory_space<hbm>> -> memref<1x128xi32, #tpu.memory_space<hbm>>
        %dma_start3A_662 = tpu.memref_squeeze %dma_start3A_661 : memref<1x128xi32, #tpu.memory_space<hbm>> -> memref<128xi32, #tpu.memory_space<hbm>>
        %dma_start3A_663 = arith.constant 0 : i32
        %dma_start3A_664 = tpu.memref_slice %arg4[%dma_start3A_657, %dma_start3A_663] : memref<8x128xi32, #tpu.memory_space<vmem>> -> memref<1x128xi32, #tpu.memory_space<vmem>>
        %dma_start3A_665 = tpu.memref_squeeze %dma_start3A_664 : memref<1x128xi32, #tpu.memory_space<vmem>> -> memref<128xi32, #tpu.memory_space<vmem>>
        %dma_start3A_666 = tpu.memref_slice %arg2[%dma_start3A_656, %mul3A_655] : memref<2x320000xi32, #tpu.memory_space<hbm>> -> memref<1x128xi32, #tpu.memory_space<hbm>>
        %dma_start3A_667 = tpu.memref_squeeze %dma_start3A_666 : memref<1x128xi32, #tpu.memory_space<hbm>> -> memref<128xi32, #tpu.memory_space<hbm>>
        tpu.enqueue_dma source(%dma_start3A_667 : memref<128xi32, #tpu.memory_space<hbm>>) target(%dma_start3A_665 : memref<128xi32, #tpu.memory_space<vmem>>) target_semaphore(%arg14 : memref<!tpu.dma_semaphore, #tpu.memory_space<semaphore_mem>>)
      } else {
      }
      %mul3A_485 = arith.constant 4 : i32
      %mul3A_486 = arith.muli %add3A_391, %mul3A_485 : i32
      %add3A_487 = arith.constant 3 : i32
      %add3A_488 = arith.addi %mul3A_486, %add3A_487 : i32
      %mul3A_489 = arith.constant 32 : i32
      %mul3A_490 = arith.muli %add3A_488, %mul3A_489 : i32
      %add3A_491 = arith.addi %mul3A_490, %add3A : i32
      %gt3A_492 = arith.constant 0 : i32
      %gt3A_493 = arith.cmpi sgt, %add3A_391, %gt3A_492 : i32
      %sub3A_494 = arith.constant 128 : i32
      %sub3A_495 = arith.subi %add3A_491, %sub3A_494 : i32
      %lt3A_496 = arith.constant 2500 : i32
      %lt3A_497 = arith.cmpi slt, %sub3A_495, %lt3A_496 : i32
      %and3A_498 = arith.andi %gt3A_493, %lt3A_497 : i1
      %convert_element_type3A_499 = arith.extui %and3A_498 : i1 to i32
      %cond3A_500 = arith.constant 0 : i32
      %cond3A_501 = arith.cmpi ne, %convert_element_type3A_499, %cond3A_500 : i32
      scf.if %cond3A_501 {
        %dma_wait3A = arith.constant 7 : i32
        %dma_wait3A_649 = arith.constant 0 : i32
        %dma_wait3A_650 = tpu.memref_slice %arg4[%dma_wait3A, %dma_wait3A_649] : memref<8x128xi32, #tpu.memory_space<vmem>> -> memref<1x128xi32, #tpu.memory_space<vmem>>
        %dma_wait3A_651 = tpu.memref_squeeze %dma_wait3A_650 : memref<1x128xi32, #tpu.memory_space<vmem>> -> memref<128xi32, #tpu.memory_space<vmem>>
        %dma_wait3A_652 = arith.constant 0 : i32
        %dma_wait3A_653 = tpu.memref_slice %arg7[%dma_wait3A_652] : memref<10240xf32, #tpu.memory_space<vmem_shared>> -> memref<10240xf32, #tpu.memory_space<vmem_shared>>
        tpu.wait_indirect_dma semaphore(%arg19 : memref<!tpu.dma_semaphore, #tpu.memory_space<semaphore_mem>>) src(%arg5 : memref<128xf32, #tpu.memory_space<vmem>>) dst(%dma_wait3A_653 : memref<10240xf32, #tpu.memory_space<vmem_shared>>)
      } else {
      }
      %lt3A_502 = arith.constant 2500 : i32
      %lt3A_503 = arith.cmpi slt, %add3A_491, %lt3A_502 : i32
      %convert_element_type3A_504 = arith.extui %lt3A_503 : i1 to i32
      %cond3A_505 = arith.constant 0 : i32
      %cond3A_506 = arith.cmpi ne, %convert_element_type3A_504, %cond3A_505 : i32
      scf.if %cond3A_506 {
        %mul3A_649 = arith.constant 32 : i32
        %mul3A_650 = arith.muli %add3A_488, %mul3A_649 : i32
        %add3A_651 = arith.addi %mul3A_650, %add3A : i32
        %mul3A_652 = arith.constant 128 : i32
        %mul3A_653 = arith.muli %add3A_651, %mul3A_652 : i32
        %dma_wait3A = arith.constant 1 : i32
        %dma_wait3A_654 = arith.constant 3 : i32
        %dma_wait3A_655 = arith.constant 0 : i32
        %dma_wait3A_656 = tpu.memref_slice %arg4[%dma_wait3A_654, %dma_wait3A_655] : memref<8x128xi32, #tpu.memory_space<vmem>> -> memref<1x128xi32, #tpu.memory_space<vmem>>
        %dma_wait3A_657 = tpu.memref_squeeze %dma_wait3A_656 : memref<1x128xi32, #tpu.memory_space<vmem>> -> memref<128xi32, #tpu.memory_space<vmem>>
        %dma_wait3A_658 = tpu.memref_slice %arg2[%dma_wait3A, %mul3A_653] : memref<2x320000xi32, #tpu.memory_space<hbm>> -> memref<1x128xi32, #tpu.memory_space<hbm>>
        %dma_wait3A_659 = tpu.memref_squeeze %dma_wait3A_658 : memref<1x128xi32, #tpu.memory_space<hbm>> -> memref<128xi32, #tpu.memory_space<hbm>>
        %dma_wait3A_660 = arith.constant 0 : i32
        %dma_wait3A_661 = tpu.memref_slice %arg4[%dma_wait3A_654, %dma_wait3A_660] : memref<8x128xi32, #tpu.memory_space<vmem>> -> memref<1x128xi32, #tpu.memory_space<vmem>>
        %dma_wait3A_662 = tpu.memref_squeeze %dma_wait3A_661 : memref<1x128xi32, #tpu.memory_space<vmem>> -> memref<128xi32, #tpu.memory_space<vmem>>
        %dma_wait3A_663 = tpu.memref_slice %arg2[%dma_wait3A, %mul3A_653] : memref<2x320000xi32, #tpu.memory_space<hbm>> -> memref<1x128xi32, #tpu.memory_space<hbm>>
        %dma_wait3A_664 = tpu.memref_squeeze %dma_wait3A_663 : memref<1x128xi32, #tpu.memory_space<hbm>> -> memref<128xi32, #tpu.memory_space<hbm>>
        tpu.wait_dma2 semaphore(%arg11 : memref<!tpu.dma_semaphore, #tpu.memory_space<semaphore_mem>>) src(%dma_wait3A_664 : memref<128xi32, #tpu.memory_space<hbm>>) dst(%dma_wait3A_662 : memref<128xi32, #tpu.memory_space<vmem>>)
        %dma_start3A_665 = arith.constant 3 : i32
        %dma_start3A_666 = arith.constant 0 : i32
        %dma_start3A_667 = tpu.memref_slice %arg4[%dma_start3A_665, %dma_start3A_666] : memref<8x128xi32, #tpu.memory_space<vmem>> -> memref<1x128xi32, #tpu.memory_space<vmem>>
        %dma_start3A_668 = tpu.memref_squeeze %dma_start3A_667 : memref<1x128xi32, #tpu.memory_space<vmem>> -> memref<128xi32, #tpu.memory_space<vmem>>
        %dma_start3A_669 = arith.constant 0 : i32
        %dma_start3A_670 = tpu.memref_slice %arg7[%dma_start3A_669] : memref<10240xf32, #tpu.memory_space<vmem_shared>> -> memref<10240xf32, #tpu.memory_space<vmem_shared>>
        tpu.enqueue_indirect_dma source(%arg5 : memref<128xf32, #tpu.memory_space<vmem>>) target(%dma_start3A_670 : memref<10240xf32, #tpu.memory_space<vmem_shared>>) offsets(%dma_start3A_668 : memref<128xi32, #tpu.memory_space<vmem>>) semaphore(%arg19 : memref<!tpu.dma_semaphore, #tpu.memory_space<semaphore_mem>>) {add = true}
      } else {
      }
      %add3A_507 = arith.constant 4 : i32
      %add3A_508 = arith.addi %add3A_488, %add3A_507 : i32
      %mul3A_509 = arith.constant 32 : i32
      %mul3A_510 = arith.muli %add3A_508, %mul3A_509 : i32
      %add3A_511 = arith.addi %mul3A_510, %add3A : i32
      %lt3A_512 = arith.constant 2500 : i32
      %lt3A_513 = arith.cmpi slt, %add3A_511, %lt3A_512 : i32
      %convert_element_type3A_514 = arith.extui %lt3A_513 : i1 to i32
      %cond3A_515 = arith.constant 0 : i32
      %cond3A_516 = arith.cmpi ne, %convert_element_type3A_514, %cond3A_515 : i32
      scf.if %cond3A_516 {
        %add3A_649 = arith.constant 4 : i32
        %add3A_650 = arith.addi %add3A_488, %add3A_649 : i32
        %mul3A_651 = arith.constant 32 : i32
        %mul3A_652 = arith.muli %add3A_650, %mul3A_651 : i32
        %add3A_653 = arith.addi %mul3A_652, %add3A : i32
        %mul3A_654 = arith.constant 128 : i32
        %mul3A_655 = arith.muli %add3A_653, %mul3A_654 : i32
        %dma_start3A_656 = arith.constant 1 : i32
        %dma_start3A_657 = arith.constant 7 : i32
        %dma_start3A_658 = arith.constant 0 : i32
        %dma_start3A_659 = tpu.memref_slice %arg4[%dma_start3A_657, %dma_start3A_658] : memref<8x128xi32, #tpu.memory_space<vmem>> -> memref<1x128xi32, #tpu.memory_space<vmem>>
        %dma_start3A_660 = tpu.memref_squeeze %dma_start3A_659 : memref<1x128xi32, #tpu.memory_space<vmem>> -> memref<128xi32, #tpu.memory_space<vmem>>
        %dma_start3A_661 = tpu.memref_slice %arg2[%dma_start3A_656, %mul3A_655] : memref<2x320000xi32, #tpu.memory_space<hbm>> -> memref<1x128xi32, #tpu.memory_space<hbm>>
        %dma_start3A_662 = tpu.memref_squeeze %dma_start3A_661 : memref<1x128xi32, #tpu.memory_space<hbm>> -> memref<128xi32, #tpu.memory_space<hbm>>
        %dma_start3A_663 = arith.constant 0 : i32
        %dma_start3A_664 = tpu.memref_slice %arg4[%dma_start3A_657, %dma_start3A_663] : memref<8x128xi32, #tpu.memory_space<vmem>> -> memref<1x128xi32, #tpu.memory_space<vmem>>
        %dma_start3A_665 = tpu.memref_squeeze %dma_start3A_664 : memref<1x128xi32, #tpu.memory_space<vmem>> -> memref<128xi32, #tpu.memory_space<vmem>>
        %dma_start3A_666 = tpu.memref_slice %arg2[%dma_start3A_656, %mul3A_655] : memref<2x320000xi32, #tpu.memory_space<hbm>> -> memref<1x128xi32, #tpu.memory_space<hbm>>
        %dma_start3A_667 = tpu.memref_squeeze %dma_start3A_666 : memref<1x128xi32, #tpu.memory_space<hbm>> -> memref<128xi32, #tpu.memory_space<hbm>>
        tpu.enqueue_dma source(%dma_start3A_667 : memref<128xi32, #tpu.memory_space<hbm>>) target(%dma_start3A_665 : memref<128xi32, #tpu.memory_space<vmem>>) target_semaphore(%arg15 : memref<!tpu.dma_semaphore, #tpu.memory_space<semaphore_mem>>)
      } else {
      }
      %mul3A_517 = arith.constant 2 : i32
      %mul3A_518 = arith.muli %scan3A_387, %mul3A_517 : i32
      %add3A_519 = arith.constant 1 : i32
      %add3A_520 = arith.addi %mul3A_518, %add3A_519 : i32
      %mul3A_521 = arith.constant 4 : i32
      %mul3A_522 = arith.muli %add3A_520, %mul3A_521 : i32
      %add3A_523 = arith.constant 0 : i32
      %add3A_524 = arith.addi %mul3A_522, %add3A_523 : i32
      %mul3A_525 = arith.constant 32 : i32
      %mul3A_526 = arith.muli %add3A_524, %mul3A_525 : i32
      %add3A_527 = arith.addi %mul3A_526, %add3A : i32
      %gt3A_528 = arith.constant 0 : i32
      %gt3A_529 = arith.cmpi sgt, %add3A_520, %gt3A_528 : i32
      %sub3A_530 = arith.constant 128 : i32
      %sub3A_531 = arith.subi %add3A_527, %sub3A_530 : i32
      %lt3A_532 = arith.constant 2500 : i32
      %lt3A_533 = arith.cmpi slt, %sub3A_531, %lt3A_532 : i32
      %and3A_534 = arith.andi %gt3A_529, %lt3A_533 : i1
      %convert_element_type3A_535 = arith.extui %and3A_534 : i1 to i32
      %cond3A_536 = arith.constant 0 : i32
      %cond3A_537 = arith.cmpi ne, %convert_element_type3A_535, %cond3A_536 : i32
      scf.if %cond3A_537 {
        %dma_wait3A = arith.constant 0 : i32
        %dma_wait3A_649 = arith.constant 0 : i32
        %dma_wait3A_650 = tpu.memref_slice %arg4[%dma_wait3A, %dma_wait3A_649] : memref<8x128xi32, #tpu.memory_space<vmem>> -> memref<1x128xi32, #tpu.memory_space<vmem>>
        %dma_wait3A_651 = tpu.memref_squeeze %dma_wait3A_650 : memref<1x128xi32, #tpu.memory_space<vmem>> -> memref<128xi32, #tpu.memory_space<vmem>>
        %dma_wait3A_652 = arith.constant 0 : i32
        %dma_wait3A_653 = tpu.memref_slice %arg7[%dma_wait3A_652] : memref<10240xf32, #tpu.memory_space<vmem_shared>> -> memref<10240xf32, #tpu.memory_space<vmem_shared>>
        tpu.wait_indirect_dma semaphore(%arg16 : memref<!tpu.dma_semaphore, #tpu.memory_space<semaphore_mem>>) src(%arg5 : memref<128xf32, #tpu.memory_space<vmem>>) dst(%dma_wait3A_653 : memref<10240xf32, #tpu.memory_space<vmem_shared>>)
      } else {
      }
      %lt3A_538 = arith.constant 2500 : i32
      %lt3A_539 = arith.cmpi slt, %add3A_527, %lt3A_538 : i32
      %convert_element_type3A_540 = arith.extui %lt3A_539 : i1 to i32
      %cond3A_541 = arith.constant 0 : i32
      %cond3A_542 = arith.cmpi ne, %convert_element_type3A_540, %cond3A_541 : i32
      scf.if %cond3A_542 {
        %mul3A_649 = arith.constant 32 : i32
        %mul3A_650 = arith.muli %add3A_524, %mul3A_649 : i32
        %add3A_651 = arith.addi %mul3A_650, %add3A : i32
        %mul3A_652 = arith.constant 128 : i32
        %mul3A_653 = arith.muli %add3A_651, %mul3A_652 : i32
        %dma_wait3A = arith.constant 1 : i32
        %dma_wait3A_654 = arith.constant 4 : i32
        %dma_wait3A_655 = arith.constant 0 : i32
        %dma_wait3A_656 = tpu.memref_slice %arg4[%dma_wait3A_654, %dma_wait3A_655] : memref<8x128xi32, #tpu.memory_space<vmem>> -> memref<1x128xi32, #tpu.memory_space<vmem>>
        %dma_wait3A_657 = tpu.memref_squeeze %dma_wait3A_656 : memref<1x128xi32, #tpu.memory_space<vmem>> -> memref<128xi32, #tpu.memory_space<vmem>>
        %dma_wait3A_658 = tpu.memref_slice %arg2[%dma_wait3A, %mul3A_653] : memref<2x320000xi32, #tpu.memory_space<hbm>> -> memref<1x128xi32, #tpu.memory_space<hbm>>
        %dma_wait3A_659 = tpu.memref_squeeze %dma_wait3A_658 : memref<1x128xi32, #tpu.memory_space<hbm>> -> memref<128xi32, #tpu.memory_space<hbm>>
        %dma_wait3A_660 = arith.constant 0 : i32
        %dma_wait3A_661 = tpu.memref_slice %arg4[%dma_wait3A_654, %dma_wait3A_660] : memref<8x128xi32, #tpu.memory_space<vmem>> -> memref<1x128xi32, #tpu.memory_space<vmem>>
        %dma_wait3A_662 = tpu.memref_squeeze %dma_wait3A_661 : memref<1x128xi32, #tpu.memory_space<vmem>> -> memref<128xi32, #tpu.memory_space<vmem>>
        %dma_wait3A_663 = tpu.memref_slice %arg2[%dma_wait3A, %mul3A_653] : memref<2x320000xi32, #tpu.memory_space<hbm>> -> memref<1x128xi32, #tpu.memory_space<hbm>>
        %dma_wait3A_664 = tpu.memref_squeeze %dma_wait3A_663 : memref<1x128xi32, #tpu.memory_space<hbm>> -> memref<128xi32, #tpu.memory_space<hbm>>
        tpu.wait_dma2 semaphore(%arg12 : memref<!tpu.dma_semaphore, #tpu.memory_space<semaphore_mem>>) src(%dma_wait3A_664 : memref<128xi32, #tpu.memory_space<hbm>>) dst(%dma_wait3A_662 : memref<128xi32, #tpu.memory_space<vmem>>)
        %dma_start3A_665 = arith.constant 4 : i32
        %dma_start3A_666 = arith.constant 0 : i32
        %dma_start3A_667 = tpu.memref_slice %arg4[%dma_start3A_665, %dma_start3A_666] : memref<8x128xi32, #tpu.memory_space<vmem>> -> memref<1x128xi32, #tpu.memory_space<vmem>>
        %dma_start3A_668 = tpu.memref_squeeze %dma_start3A_667 : memref<1x128xi32, #tpu.memory_space<vmem>> -> memref<128xi32, #tpu.memory_space<vmem>>
        %dma_start3A_669 = arith.constant 0 : i32
        %dma_start3A_670 = tpu.memref_slice %arg7[%dma_start3A_669] : memref<10240xf32, #tpu.memory_space<vmem_shared>> -> memref<10240xf32, #tpu.memory_space<vmem_shared>>
        tpu.enqueue_indirect_dma source(%arg5 : memref<128xf32, #tpu.memory_space<vmem>>) target(%dma_start3A_670 : memref<10240xf32, #tpu.memory_space<vmem_shared>>) offsets(%dma_start3A_668 : memref<128xi32, #tpu.memory_space<vmem>>) semaphore(%arg16 : memref<!tpu.dma_semaphore, #tpu.memory_space<semaphore_mem>>) {add = true}
      } else {
      }
      %add3A_543 = arith.constant 4 : i32
      %add3A_544 = arith.addi %add3A_524, %add3A_543 : i32
      %mul3A_545 = arith.constant 32 : i32
      %mul3A_546 = arith.muli %add3A_544, %mul3A_545 : i32
      %add3A_547 = arith.addi %mul3A_546, %add3A : i32
      %lt3A_548 = arith.constant 2500 : i32
      %lt3A_549 = arith.cmpi slt, %add3A_547, %lt3A_548 : i32
      %convert_element_type3A_550 = arith.extui %lt3A_549 : i1 to i32
      %cond3A_551 = arith.constant 0 : i32
      %cond3A_552 = arith.cmpi ne, %convert_element_type3A_550, %cond3A_551 : i32
      scf.if %cond3A_552 {
        %add3A_649 = arith.constant 4 : i32
        %add3A_650 = arith.addi %add3A_524, %add3A_649 : i32
        %mul3A_651 = arith.constant 32 : i32
        %mul3A_652 = arith.muli %add3A_650, %mul3A_651 : i32
        %add3A_653 = arith.addi %mul3A_652, %add3A : i32
        %mul3A_654 = arith.constant 128 : i32
        %mul3A_655 = arith.muli %add3A_653, %mul3A_654 : i32
        %dma_start3A_656 = arith.constant 1 : i32
        %dma_start3A_657 = arith.constant 0 : i32
        %dma_start3A_658 = arith.constant 0 : i32
        %dma_start3A_659 = tpu.memref_slice %arg4[%dma_start3A_657, %dma_start3A_658] : memref<8x128xi32, #tpu.memory_space<vmem>> -> memref<1x128xi32, #tpu.memory_space<vmem>>
        %dma_start3A_660 = tpu.memref_squeeze %dma_start3A_659 : memref<1x128xi32, #tpu.memory_space<vmem>> -> memref<128xi32, #tpu.memory_space<vmem>>
        %dma_start3A_661 = tpu.memref_slice %arg2[%dma_start3A_656, %mul3A_655] : memref<2x320000xi32, #tpu.memory_space<hbm>> -> memref<1x128xi32, #tpu.memory_space<hbm>>
        %dma_start3A_662 = tpu.memref_squeeze %dma_start3A_661 : memref<1x128xi32, #tpu.memory_space<hbm>> -> memref<128xi32, #tpu.memory_space<hbm>>
        %dma_start3A_663 = arith.constant 0 : i32
        %dma_start3A_664 = tpu.memref_slice %arg4[%dma_start3A_657, %dma_start3A_663] : memref<8x128xi32, #tpu.memory_space<vmem>> -> memref<1x128xi32, #tpu.memory_space<vmem>>
        %dma_start3A_665 = tpu.memref_squeeze %dma_start3A_664 : memref<1x128xi32, #tpu.memory_space<vmem>> -> memref<128xi32, #tpu.memory_space<vmem>>
        %dma_start3A_666 = tpu.memref_slice %arg2[%dma_start3A_656, %mul3A_655] : memref<2x320000xi32, #tpu.memory_space<hbm>> -> memref<1x128xi32, #tpu.memory_space<hbm>>
        %dma_start3A_667 = tpu.memref_squeeze %dma_start3A_666 : memref<1x128xi32, #tpu.memory_space<hbm>> -> memref<128xi32, #tpu.memory_space<hbm>>
        tpu.enqueue_dma source(%dma_start3A_667 : memref<128xi32, #tpu.memory_space<hbm>>) target(%dma_start3A_665 : memref<128xi32, #tpu.memory_space<vmem>>) target_semaphore(%arg8 : memref<!tpu.dma_semaphore, #tpu.memory_space<semaphore_mem>>)
      } else {
      }
      %mul3A_553 = arith.constant 4 : i32
      %mul3A_554 = arith.muli %add3A_520, %mul3A_553 : i32
      %add3A_555 = arith.constant 1 : i32
      %add3A_556 = arith.addi %mul3A_554, %add3A_555 : i32
      %mul3A_557 = arith.constant 32 : i32
      %mul3A_558 = arith.muli %add3A_556, %mul3A_557 : i32
      %add3A_559 = arith.addi %mul3A_558, %add3A : i32
      %gt3A_560 = arith.constant 0 : i32
      %gt3A_561 = arith.cmpi sgt, %add3A_520, %gt3A_560 : i32
      %sub3A_562 = arith.constant 128 : i32
      %sub3A_563 = arith.subi %add3A_559, %sub3A_562 : i32
      %lt3A_564 = arith.constant 2500 : i32
      %lt3A_565 = arith.cmpi slt, %sub3A_563, %lt3A_564 : i32
      %and3A_566 = arith.andi %gt3A_561, %lt3A_565 : i1
      %convert_element_type3A_567 = arith.extui %and3A_566 : i1 to i32
      %cond3A_568 = arith.constant 0 : i32
      %cond3A_569 = arith.cmpi ne, %convert_element_type3A_567, %cond3A_568 : i32
      scf.if %cond3A_569 {
        %dma_wait3A = arith.constant 1 : i32
        %dma_wait3A_649 = arith.constant 0 : i32
        %dma_wait3A_650 = tpu.memref_slice %arg4[%dma_wait3A, %dma_wait3A_649] : memref<8x128xi32, #tpu.memory_space<vmem>> -> memref<1x128xi32, #tpu.memory_space<vmem>>
        %dma_wait3A_651 = tpu.memref_squeeze %dma_wait3A_650 : memref<1x128xi32, #tpu.memory_space<vmem>> -> memref<128xi32, #tpu.memory_space<vmem>>
        %dma_wait3A_652 = arith.constant 0 : i32
        %dma_wait3A_653 = tpu.memref_slice %arg7[%dma_wait3A_652] : memref<10240xf32, #tpu.memory_space<vmem_shared>> -> memref<10240xf32, #tpu.memory_space<vmem_shared>>
        tpu.wait_indirect_dma semaphore(%arg17 : memref<!tpu.dma_semaphore, #tpu.memory_space<semaphore_mem>>) src(%arg5 : memref<128xf32, #tpu.memory_space<vmem>>) dst(%dma_wait3A_653 : memref<10240xf32, #tpu.memory_space<vmem_shared>>)
      } else {
      }
      %lt3A_570 = arith.constant 2500 : i32
      %lt3A_571 = arith.cmpi slt, %add3A_559, %lt3A_570 : i32
      %convert_element_type3A_572 = arith.extui %lt3A_571 : i1 to i32
      %cond3A_573 = arith.constant 0 : i32
      %cond3A_574 = arith.cmpi ne, %convert_element_type3A_572, %cond3A_573 : i32
      scf.if %cond3A_574 {
        %mul3A_649 = arith.constant 32 : i32
        %mul3A_650 = arith.muli %add3A_556, %mul3A_649 : i32
        %add3A_651 = arith.addi %mul3A_650, %add3A : i32
        %mul3A_652 = arith.constant 128 : i32
        %mul3A_653 = arith.muli %add3A_651, %mul3A_652 : i32
        %dma_wait3A = arith.constant 1 : i32
        %dma_wait3A_654 = arith.constant 5 : i32
        %dma_wait3A_655 = arith.constant 0 : i32
        %dma_wait3A_656 = tpu.memref_slice %arg4[%dma_wait3A_654, %dma_wait3A_655] : memref<8x128xi32, #tpu.memory_space<vmem>> -> memref<1x128xi32, #tpu.memory_space<vmem>>
        %dma_wait3A_657 = tpu.memref_squeeze %dma_wait3A_656 : memref<1x128xi32, #tpu.memory_space<vmem>> -> memref<128xi32, #tpu.memory_space<vmem>>
        %dma_wait3A_658 = tpu.memref_slice %arg2[%dma_wait3A, %mul3A_653] : memref<2x320000xi32, #tpu.memory_space<hbm>> -> memref<1x128xi32, #tpu.memory_space<hbm>>
        %dma_wait3A_659 = tpu.memref_squeeze %dma_wait3A_658 : memref<1x128xi32, #tpu.memory_space<hbm>> -> memref<128xi32, #tpu.memory_space<hbm>>
        %dma_wait3A_660 = arith.constant 0 : i32
        %dma_wait3A_661 = tpu.memref_slice %arg4[%dma_wait3A_654, %dma_wait3A_660] : memref<8x128xi32, #tpu.memory_space<vmem>> -> memref<1x128xi32, #tpu.memory_space<vmem>>
        %dma_wait3A_662 = tpu.memref_squeeze %dma_wait3A_661 : memref<1x128xi32, #tpu.memory_space<vmem>> -> memref<128xi32, #tpu.memory_space<vmem>>
        %dma_wait3A_663 = tpu.memref_slice %arg2[%dma_wait3A, %mul3A_653] : memref<2x320000xi32, #tpu.memory_space<hbm>> -> memref<1x128xi32, #tpu.memory_space<hbm>>
        %dma_wait3A_664 = tpu.memref_squeeze %dma_wait3A_663 : memref<1x128xi32, #tpu.memory_space<hbm>> -> memref<128xi32, #tpu.memory_space<hbm>>
        tpu.wait_dma2 semaphore(%arg13 : memref<!tpu.dma_semaphore, #tpu.memory_space<semaphore_mem>>) src(%dma_wait3A_664 : memref<128xi32, #tpu.memory_space<hbm>>) dst(%dma_wait3A_662 : memref<128xi32, #tpu.memory_space<vmem>>)
        %dma_start3A_665 = arith.constant 5 : i32
        %dma_start3A_666 = arith.constant 0 : i32
        %dma_start3A_667 = tpu.memref_slice %arg4[%dma_start3A_665, %dma_start3A_666] : memref<8x128xi32, #tpu.memory_space<vmem>> -> memref<1x128xi32, #tpu.memory_space<vmem>>
        %dma_start3A_668 = tpu.memref_squeeze %dma_start3A_667 : memref<1x128xi32, #tpu.memory_space<vmem>> -> memref<128xi32, #tpu.memory_space<vmem>>
        %dma_start3A_669 = arith.constant 0 : i32
        %dma_start3A_670 = tpu.memref_slice %arg7[%dma_start3A_669] : memref<10240xf32, #tpu.memory_space<vmem_shared>> -> memref<10240xf32, #tpu.memory_space<vmem_shared>>
        tpu.enqueue_indirect_dma source(%arg5 : memref<128xf32, #tpu.memory_space<vmem>>) target(%dma_start3A_670 : memref<10240xf32, #tpu.memory_space<vmem_shared>>) offsets(%dma_start3A_668 : memref<128xi32, #tpu.memory_space<vmem>>) semaphore(%arg17 : memref<!tpu.dma_semaphore, #tpu.memory_space<semaphore_mem>>) {add = true}
      } else {
      }
      %add3A_575 = arith.constant 4 : i32
      %add3A_576 = arith.addi %add3A_556, %add3A_575 : i32
      %mul3A_577 = arith.constant 32 : i32
      %mul3A_578 = arith.muli %add3A_576, %mul3A_577 : i32
      %add3A_579 = arith.addi %mul3A_578, %add3A : i32
      %lt3A_580 = arith.constant 2500 : i32
      %lt3A_581 = arith.cmpi slt, %add3A_579, %lt3A_580 : i32
      %convert_element_type3A_582 = arith.extui %lt3A_581 : i1 to i32
      %cond3A_583 = arith.constant 0 : i32
      %cond3A_584 = arith.cmpi ne, %convert_element_type3A_582, %cond3A_583 : i32
      scf.if %cond3A_584 {
        %add3A_649 = arith.constant 4 : i32
        %add3A_650 = arith.addi %add3A_556, %add3A_649 : i32
        %mul3A_651 = arith.constant 32 : i32
        %mul3A_652 = arith.muli %add3A_650, %mul3A_651 : i32
        %add3A_653 = arith.addi %mul3A_652, %add3A : i32
        %mul3A_654 = arith.constant 128 : i32
        %mul3A_655 = arith.muli %add3A_653, %mul3A_654 : i32
        %dma_start3A_656 = arith.constant 1 : i32
        %dma_start3A_657 = arith.constant 1 : i32
        %dma_start3A_658 = arith.constant 0 : i32
        %dma_start3A_659 = tpu.memref_slice %arg4[%dma_start3A_657, %dma_start3A_658] : memref<8x128xi32, #tpu.memory_space<vmem>> -> memref<1x128xi32, #tpu.memory_space<vmem>>
        %dma_start3A_660 = tpu.memref_squeeze %dma_start3A_659 : memref<1x128xi32, #tpu.memory_space<vmem>> -> memref<128xi32, #tpu.memory_space<vmem>>
        %dma_start3A_661 = tpu.memref_slice %arg2[%dma_start3A_656, %mul3A_655] : memref<2x320000xi32, #tpu.memory_space<hbm>> -> memref<1x128xi32, #tpu.memory_space<hbm>>
        %dma_start3A_662 = tpu.memref_squeeze %dma_start3A_661 : memref<1x128xi32, #tpu.memory_space<hbm>> -> memref<128xi32, #tpu.memory_space<hbm>>
        %dma_start3A_663 = arith.constant 0 : i32
        %dma_start3A_664 = tpu.memref_slice %arg4[%dma_start3A_657, %dma_start3A_663] : memref<8x128xi32, #tpu.memory_space<vmem>> -> memref<1x128xi32, #tpu.memory_space<vmem>>
        %dma_start3A_665 = tpu.memref_squeeze %dma_start3A_664 : memref<1x128xi32, #tpu.memory_space<vmem>> -> memref<128xi32, #tpu.memory_space<vmem>>
        %dma_start3A_666 = tpu.memref_slice %arg2[%dma_start3A_656, %mul3A_655] : memref<2x320000xi32, #tpu.memory_space<hbm>> -> memref<1x128xi32, #tpu.memory_space<hbm>>
        %dma_start3A_667 = tpu.memref_squeeze %dma_start3A_666 : memref<1x128xi32, #tpu.memory_space<hbm>> -> memref<128xi32, #tpu.memory_space<hbm>>
        tpu.enqueue_dma source(%dma_start3A_667 : memref<128xi32, #tpu.memory_space<hbm>>) target(%dma_start3A_665 : memref<128xi32, #tpu.memory_space<vmem>>) target_semaphore(%arg9 : memref<!tpu.dma_semaphore, #tpu.memory_space<semaphore_mem>>)
      } else {
      }
      %mul3A_585 = arith.constant 4 : i32
      %mul3A_586 = arith.muli %add3A_520, %mul3A_585 : i32
      %add3A_587 = arith.constant 2 : i32
      %add3A_588 = arith.addi %mul3A_586, %add3A_587 : i32
      %mul3A_589 = arith.constant 32 : i32
      %mul3A_590 = arith.muli %add3A_588, %mul3A_589 : i32
      %add3A_591 = arith.addi %mul3A_590, %add3A : i32
      %gt3A_592 = arith.constant 0 : i32
      %gt3A_593 = arith.cmpi sgt, %add3A_520, %gt3A_592 : i32
      %sub3A_594 = arith.constant 128 : i32
      %sub3A_595 = arith.subi %add3A_591, %sub3A_594 : i32
      %lt3A_596 = arith.constant 2500 : i32
      %lt3A_597 = arith.cmpi slt, %sub3A_595, %lt3A_596 : i32
      %and3A_598 = arith.andi %gt3A_593, %lt3A_597 : i1
      %convert_element_type3A_599 = arith.extui %and3A_598 : i1 to i32
      %cond3A_600 = arith.constant 0 : i32
      %cond3A_601 = arith.cmpi ne, %convert_element_type3A_599, %cond3A_600 : i32
      scf.if %cond3A_601 {
        %dma_wait3A = arith.constant 2 : i32
        %dma_wait3A_649 = arith.constant 0 : i32
        %dma_wait3A_650 = tpu.memref_slice %arg4[%dma_wait3A, %dma_wait3A_649] : memref<8x128xi32, #tpu.memory_space<vmem>> -> memref<1x128xi32, #tpu.memory_space<vmem>>
        %dma_wait3A_651 = tpu.memref_squeeze %dma_wait3A_650 : memref<1x128xi32, #tpu.memory_space<vmem>> -> memref<128xi32, #tpu.memory_space<vmem>>
        %dma_wait3A_652 = arith.constant 0 : i32
        %dma_wait3A_653 = tpu.memref_slice %arg7[%dma_wait3A_652] : memref<10240xf32, #tpu.memory_space<vmem_shared>> -> memref<10240xf32, #tpu.memory_space<vmem_shared>>
        tpu.wait_indirect_dma semaphore(%arg18 : memref<!tpu.dma_semaphore, #tpu.memory_space<semaphore_mem>>) src(%arg5 : memref<128xf32, #tpu.memory_space<vmem>>) dst(%dma_wait3A_653 : memref<10240xf32, #tpu.memory_space<vmem_shared>>)
      } else {
      }
      %lt3A_602 = arith.constant 2500 : i32
      %lt3A_603 = arith.cmpi slt, %add3A_591, %lt3A_602 : i32
      %convert_element_type3A_604 = arith.extui %lt3A_603 : i1 to i32
      %cond3A_605 = arith.constant 0 : i32
      %cond3A_606 = arith.cmpi ne, %convert_element_type3A_604, %cond3A_605 : i32
      scf.if %cond3A_606 {
        %mul3A_649 = arith.constant 32 : i32
        %mul3A_650 = arith.muli %add3A_588, %mul3A_649 : i32
        %add3A_651 = arith.addi %mul3A_650, %add3A : i32
        %mul3A_652 = arith.constant 128 : i32
        %mul3A_653 = arith.muli %add3A_651, %mul3A_652 : i32
        %dma_wait3A = arith.constant 1 : i32
        %dma_wait3A_654 = arith.constant 6 : i32
        %dma_wait3A_655 = arith.constant 0 : i32
        %dma_wait3A_656 = tpu.memref_slice %arg4[%dma_wait3A_654, %dma_wait3A_655] : memref<8x128xi32, #tpu.memory_space<vmem>> -> memref<1x128xi32, #tpu.memory_space<vmem>>
        %dma_wait3A_657 = tpu.memref_squeeze %dma_wait3A_656 : memref<1x128xi32, #tpu.memory_space<vmem>> -> memref<128xi32, #tpu.memory_space<vmem>>
        %dma_wait3A_658 = tpu.memref_slice %arg2[%dma_wait3A, %mul3A_653] : memref<2x320000xi32, #tpu.memory_space<hbm>> -> memref<1x128xi32, #tpu.memory_space<hbm>>
        %dma_wait3A_659 = tpu.memref_squeeze %dma_wait3A_658 : memref<1x128xi32, #tpu.memory_space<hbm>> -> memref<128xi32, #tpu.memory_space<hbm>>
        %dma_wait3A_660 = arith.constant 0 : i32
        %dma_wait3A_661 = tpu.memref_slice %arg4[%dma_wait3A_654, %dma_wait3A_660] : memref<8x128xi32, #tpu.memory_space<vmem>> -> memref<1x128xi32, #tpu.memory_space<vmem>>
        %dma_wait3A_662 = tpu.memref_squeeze %dma_wait3A_661 : memref<1x128xi32, #tpu.memory_space<vmem>> -> memref<128xi32, #tpu.memory_space<vmem>>
        %dma_wait3A_663 = tpu.memref_slice %arg2[%dma_wait3A, %mul3A_653] : memref<2x320000xi32, #tpu.memory_space<hbm>> -> memref<1x128xi32, #tpu.memory_space<hbm>>
        %dma_wait3A_664 = tpu.memref_squeeze %dma_wait3A_663 : memref<1x128xi32, #tpu.memory_space<hbm>> -> memref<128xi32, #tpu.memory_space<hbm>>
        tpu.wait_dma2 semaphore(%arg14 : memref<!tpu.dma_semaphore, #tpu.memory_space<semaphore_mem>>) src(%dma_wait3A_664 : memref<128xi32, #tpu.memory_space<hbm>>) dst(%dma_wait3A_662 : memref<128xi32, #tpu.memory_space<vmem>>)
        %dma_start3A_665 = arith.constant 6 : i32
        %dma_start3A_666 = arith.constant 0 : i32
        %dma_start3A_667 = tpu.memref_slice %arg4[%dma_start3A_665, %dma_start3A_666] : memref<8x128xi32, #tpu.memory_space<vmem>> -> memref<1x128xi32, #tpu.memory_space<vmem>>
        %dma_start3A_668 = tpu.memref_squeeze %dma_start3A_667 : memref<1x128xi32, #tpu.memory_space<vmem>> -> memref<128xi32, #tpu.memory_space<vmem>>
        %dma_start3A_669 = arith.constant 0 : i32
        %dma_start3A_670 = tpu.memref_slice %arg7[%dma_start3A_669] : memref<10240xf32, #tpu.memory_space<vmem_shared>> -> memref<10240xf32, #tpu.memory_space<vmem_shared>>
        tpu.enqueue_indirect_dma source(%arg5 : memref<128xf32, #tpu.memory_space<vmem>>) target(%dma_start3A_670 : memref<10240xf32, #tpu.memory_space<vmem_shared>>) offsets(%dma_start3A_668 : memref<128xi32, #tpu.memory_space<vmem>>) semaphore(%arg18 : memref<!tpu.dma_semaphore, #tpu.memory_space<semaphore_mem>>) {add = true}
      } else {
      }
      %add3A_607 = arith.constant 4 : i32
      %add3A_608 = arith.addi %add3A_588, %add3A_607 : i32
      %mul3A_609 = arith.constant 32 : i32
      %mul3A_610 = arith.muli %add3A_608, %mul3A_609 : i32
      %add3A_611 = arith.addi %mul3A_610, %add3A : i32
      %lt3A_612 = arith.constant 2500 : i32
      %lt3A_613 = arith.cmpi slt, %add3A_611, %lt3A_612 : i32
      %convert_element_type3A_614 = arith.extui %lt3A_613 : i1 to i32
      %cond3A_615 = arith.constant 0 : i32
      %cond3A_616 = arith.cmpi ne, %convert_element_type3A_614, %cond3A_615 : i32
      scf.if %cond3A_616 {
        %add3A_649 = arith.constant 4 : i32
        %add3A_650 = arith.addi %add3A_588, %add3A_649 : i32
        %mul3A_651 = arith.constant 32 : i32
        %mul3A_652 = arith.muli %add3A_650, %mul3A_651 : i32
        %add3A_653 = arith.addi %mul3A_652, %add3A : i32
        %mul3A_654 = arith.constant 128 : i32
        %mul3A_655 = arith.muli %add3A_653, %mul3A_654 : i32
        %dma_start3A_656 = arith.constant 1 : i32
        %dma_start3A_657 = arith.constant 2 : i32
        %dma_start3A_658 = arith.constant 0 : i32
        %dma_start3A_659 = tpu.memref_slice %arg4[%dma_start3A_657, %dma_start3A_658] : memref<8x128xi32, #tpu.memory_space<vmem>> -> memref<1x128xi32, #tpu.memory_space<vmem>>
        %dma_start3A_660 = tpu.memref_squeeze %dma_start3A_659 : memref<1x128xi32, #tpu.memory_space<vmem>> -> memref<128xi32, #tpu.memory_space<vmem>>
        %dma_start3A_661 = tpu.memref_slice %arg2[%dma_start3A_656, %mul3A_655] : memref<2x320000xi32, #tpu.memory_space<hbm>> -> memref<1x128xi32, #tpu.memory_space<hbm>>
        %dma_start3A_662 = tpu.memref_squeeze %dma_start3A_661 : memref<1x128xi32, #tpu.memory_space<hbm>> -> memref<128xi32, #tpu.memory_space<hbm>>
        %dma_start3A_663 = arith.constant 0 : i32
        %dma_start3A_664 = tpu.memref_slice %arg4[%dma_start3A_657, %dma_start3A_663] : memref<8x128xi32, #tpu.memory_space<vmem>> -> memref<1x128xi32, #tpu.memory_space<vmem>>
        %dma_start3A_665 = tpu.memref_squeeze %dma_start3A_664 : memref<1x128xi32, #tpu.memory_space<vmem>> -> memref<128xi32, #tpu.memory_space<vmem>>
        %dma_start3A_666 = tpu.memref_slice %arg2[%dma_start3A_656, %mul3A_655] : memref<2x320000xi32, #tpu.memory_space<hbm>> -> memref<1x128xi32, #tpu.memory_space<hbm>>
        %dma_start3A_667 = tpu.memref_squeeze %dma_start3A_666 : memref<1x128xi32, #tpu.memory_space<hbm>> -> memref<128xi32, #tpu.memory_space<hbm>>
        tpu.enqueue_dma source(%dma_start3A_667 : memref<128xi32, #tpu.memory_space<hbm>>) target(%dma_start3A_665 : memref<128xi32, #tpu.memory_space<vmem>>) target_semaphore(%arg10 : memref<!tpu.dma_semaphore, #tpu.memory_space<semaphore_mem>>)
      } else {
      }
      %mul3A_617 = arith.constant 4 : i32
      %mul3A_618 = arith.muli %add3A_520, %mul3A_617 : i32
      %add3A_619 = arith.constant 3 : i32
      %add3A_620 = arith.addi %mul3A_618, %add3A_619 : i32
      %mul3A_621 = arith.constant 32 : i32
      %mul3A_622 = arith.muli %add3A_620, %mul3A_621 : i32
      %add3A_623 = arith.addi %mul3A_622, %add3A : i32
      %gt3A_624 = arith.constant 0 : i32
      %gt3A_625 = arith.cmpi sgt, %add3A_520, %gt3A_624 : i32
      %sub3A_626 = arith.constant 128 : i32
      %sub3A_627 = arith.subi %add3A_623, %sub3A_626 : i32
      %lt3A_628 = arith.constant 2500 : i32
      %lt3A_629 = arith.cmpi slt, %sub3A_627, %lt3A_628 : i32
      %and3A_630 = arith.andi %gt3A_625, %lt3A_629 : i1
      %convert_element_type3A_631 = arith.extui %and3A_630 : i1 to i32
      %cond3A_632 = arith.constant 0 : i32
      %cond3A_633 = arith.cmpi ne, %convert_element_type3A_631, %cond3A_632 : i32
      scf.if %cond3A_633 {
        %dma_wait3A = arith.constant 3 : i32
        %dma_wait3A_649 = arith.constant 0 : i32
        %dma_wait3A_650 = tpu.memref_slice %arg4[%dma_wait3A, %dma_wait3A_649] : memref<8x128xi32, #tpu.memory_space<vmem>> -> memref<1x128xi32, #tpu.memory_space<vmem>>
        %dma_wait3A_651 = tpu.memref_squeeze %dma_wait3A_650 : memref<1x128xi32, #tpu.memory_space<vmem>> -> memref<128xi32, #tpu.memory_space<vmem>>
        %dma_wait3A_652 = arith.constant 0 : i32
        %dma_wait3A_653 = tpu.memref_slice %arg7[%dma_wait3A_652] : memref<10240xf32, #tpu.memory_space<vmem_shared>> -> memref<10240xf32, #tpu.memory_space<vmem_shared>>
        tpu.wait_indirect_dma semaphore(%arg19 : memref<!tpu.dma_semaphore, #tpu.memory_space<semaphore_mem>>) src(%arg5 : memref<128xf32, #tpu.memory_space<vmem>>) dst(%dma_wait3A_653 : memref<10240xf32, #tpu.memory_space<vmem_shared>>)
      } else {
      }
      %lt3A_634 = arith.constant 2500 : i32
      %lt3A_635 = arith.cmpi slt, %add3A_623, %lt3A_634 : i32
      %convert_element_type3A_636 = arith.extui %lt3A_635 : i1 to i32
      %cond3A_637 = arith.constant 0 : i32
      %cond3A_638 = arith.cmpi ne, %convert_element_type3A_636, %cond3A_637 : i32
      scf.if %cond3A_638 {
        %mul3A_649 = arith.constant 32 : i32
        %mul3A_650 = arith.muli %add3A_620, %mul3A_649 : i32
        %add3A_651 = arith.addi %mul3A_650, %add3A : i32
        %mul3A_652 = arith.constant 128 : i32
        %mul3A_653 = arith.muli %add3A_651, %mul3A_652 : i32
        %dma_wait3A = arith.constant 1 : i32
        %dma_wait3A_654 = arith.constant 7 : i32
        %dma_wait3A_655 = arith.constant 0 : i32
        %dma_wait3A_656 = tpu.memref_slice %arg4[%dma_wait3A_654, %dma_wait3A_655] : memref<8x128xi32, #tpu.memory_space<vmem>> -> memref<1x128xi32, #tpu.memory_space<vmem>>
        %dma_wait3A_657 = tpu.memref_squeeze %dma_wait3A_656 : memref<1x128xi32, #tpu.memory_space<vmem>> -> memref<128xi32, #tpu.memory_space<vmem>>
        %dma_wait3A_658 = tpu.memref_slice %arg2[%dma_wait3A, %mul3A_653] : memref<2x320000xi32, #tpu.memory_space<hbm>> -> memref<1x128xi32, #tpu.memory_space<hbm>>
        %dma_wait3A_659 = tpu.memref_squeeze %dma_wait3A_658 : memref<1x128xi32, #tpu.memory_space<hbm>> -> memref<128xi32, #tpu.memory_space<hbm>>
        %dma_wait3A_660 = arith.constant 0 : i32
        %dma_wait3A_661 = tpu.memref_slice %arg4[%dma_wait3A_654, %dma_wait3A_660] : memref<8x128xi32, #tpu.memory_space<vmem>> -> memref<1x128xi32, #tpu.memory_space<vmem>>
        %dma_wait3A_662 = tpu.memref_squeeze %dma_wait3A_661 : memref<1x128xi32, #tpu.memory_space<vmem>> -> memref<128xi32, #tpu.memory_space<vmem>>
        %dma_wait3A_663 = tpu.memref_slice %arg2[%dma_wait3A, %mul3A_653] : memref<2x320000xi32, #tpu.memory_space<hbm>> -> memref<1x128xi32, #tpu.memory_space<hbm>>
        %dma_wait3A_664 = tpu.memref_squeeze %dma_wait3A_663 : memref<1x128xi32, #tpu.memory_space<hbm>> -> memref<128xi32, #tpu.memory_space<hbm>>
        tpu.wait_dma2 semaphore(%arg15 : memref<!tpu.dma_semaphore, #tpu.memory_space<semaphore_mem>>) src(%dma_wait3A_664 : memref<128xi32, #tpu.memory_space<hbm>>) dst(%dma_wait3A_662 : memref<128xi32, #tpu.memory_space<vmem>>)
        %dma_start3A_665 = arith.constant 7 : i32
        %dma_start3A_666 = arith.constant 0 : i32
        %dma_start3A_667 = tpu.memref_slice %arg4[%dma_start3A_665, %dma_start3A_666] : memref<8x128xi32, #tpu.memory_space<vmem>> -> memref<1x128xi32, #tpu.memory_space<vmem>>
        %dma_start3A_668 = tpu.memref_squeeze %dma_start3A_667 : memref<1x128xi32, #tpu.memory_space<vmem>> -> memref<128xi32, #tpu.memory_space<vmem>>
        %dma_start3A_669 = arith.constant 0 : i32
        %dma_start3A_670 = tpu.memref_slice %arg7[%dma_start3A_669] : memref<10240xf32, #tpu.memory_space<vmem_shared>> -> memref<10240xf32, #tpu.memory_space<vmem_shared>>
        tpu.enqueue_indirect_dma source(%arg5 : memref<128xf32, #tpu.memory_space<vmem>>) target(%dma_start3A_670 : memref<10240xf32, #tpu.memory_space<vmem_shared>>) offsets(%dma_start3A_668 : memref<128xi32, #tpu.memory_space<vmem>>) semaphore(%arg19 : memref<!tpu.dma_semaphore, #tpu.memory_space<semaphore_mem>>) {add = true}
      } else {
      }
      %add3A_639 = arith.constant 4 : i32
      %add3A_640 = arith.addi %add3A_620, %add3A_639 : i32
      %mul3A_641 = arith.constant 32 : i32
      %mul3A_642 = arith.muli %add3A_640, %mul3A_641 : i32
      %add3A_643 = arith.addi %mul3A_642, %add3A : i32
      %lt3A_644 = arith.constant 2500 : i32
      %lt3A_645 = arith.cmpi slt, %add3A_643, %lt3A_644 : i32
      %convert_element_type3A_646 = arith.extui %lt3A_645 : i1 to i32
      %cond3A_647 = arith.constant 0 : i32
      %cond3A_648 = arith.cmpi ne, %convert_element_type3A_646, %cond3A_647 : i32
      scf.if %cond3A_648 {
        %add3A_649 = arith.constant 4 : i32
        %add3A_650 = arith.addi %add3A_620, %add3A_649 : i32
        %mul3A_651 = arith.constant 32 : i32
        %mul3A_652 = arith.muli %add3A_650, %mul3A_651 : i32
        %add3A_653 = arith.addi %mul3A_652, %add3A : i32
        %mul3A_654 = arith.constant 128 : i32
        %mul3A_655 = arith.muli %add3A_653, %mul3A_654 : i32
        %dma_start3A_656 = arith.constant 1 : i32
        %dma_start3A_657 = arith.constant 3 : i32
        %dma_start3A_658 = arith.constant 0 : i32
        %dma_start3A_659 = tpu.memref_slice %arg4[%dma_start3A_657, %dma_start3A_658] : memref<8x128xi32, #tpu.memory_space<vmem>> -> memref<1x128xi32, #tpu.memory_space<vmem>>
        %dma_start3A_660 = tpu.memref_squeeze %dma_start3A_659 : memref<1x128xi32, #tpu.memory_space<vmem>> -> memref<128xi32, #tpu.memory_space<vmem>>
        %dma_start3A_661 = tpu.memref_slice %arg2[%dma_start3A_656, %mul3A_655] : memref<2x320000xi32, #tpu.memory_space<hbm>> -> memref<1x128xi32, #tpu.memory_space<hbm>>
        %dma_start3A_662 = tpu.memref_squeeze %dma_start3A_661 : memref<1x128xi32, #tpu.memory_space<hbm>> -> memref<128xi32, #tpu.memory_space<hbm>>
        %dma_start3A_663 = arith.constant 0 : i32
        %dma_start3A_664 = tpu.memref_slice %arg4[%dma_start3A_657, %dma_start3A_663] : memref<8x128xi32, #tpu.memory_space<vmem>> -> memref<1x128xi32, #tpu.memory_space<vmem>>
        %dma_start3A_665 = tpu.memref_squeeze %dma_start3A_664 : memref<1x128xi32, #tpu.memory_space<vmem>> -> memref<128xi32, #tpu.memory_space<vmem>>
        %dma_start3A_666 = tpu.memref_slice %arg2[%dma_start3A_656, %mul3A_655] : memref<2x320000xi32, #tpu.memory_space<hbm>> -> memref<1x128xi32, #tpu.memory_space<hbm>>
        %dma_start3A_667 = tpu.memref_squeeze %dma_start3A_666 : memref<1x128xi32, #tpu.memory_space<hbm>> -> memref<128xi32, #tpu.memory_space<hbm>>
        tpu.enqueue_dma source(%dma_start3A_667 : memref<128xi32, #tpu.memory_space<hbm>>) target(%dma_start3A_665 : memref<128xi32, #tpu.memory_space<vmem>>) target_semaphore(%arg11 : memref<!tpu.dma_semaphore, #tpu.memory_space<semaphore_mem>>)
      } else {
      }
    }
    %scan3A_356 = arith.constant 10 : i32
    %add3A_357 = arith.constant 2432 : i32
    %add3A_358 = arith.addi %add3A_357, %add3A : i32
    %lt3A = arith.constant 2500 : i32
    %lt3A_359 = arith.cmpi slt, %add3A_358, %lt3A : i32
    %convert_element_type3A = arith.extui %lt3A_359 : i1 to i32
    %cond3A = arith.constant 0 : i32
    %cond3A_360 = arith.cmpi ne, %convert_element_type3A, %cond3A : i32
    scf.if %cond3A_360 {
      %dma_wait3A = arith.constant 4 : i32
      %dma_wait3A_387 = arith.constant 0 : i32
      %dma_wait3A_388 = tpu.memref_slice %arg4[%dma_wait3A, %dma_wait3A_387] : memref<8x128xi32, #tpu.memory_space<vmem>> -> memref<1x128xi32, #tpu.memory_space<vmem>>
      %dma_wait3A_389 = tpu.memref_squeeze %dma_wait3A_388 : memref<1x128xi32, #tpu.memory_space<vmem>> -> memref<128xi32, #tpu.memory_space<vmem>>
      %dma_wait3A_390 = arith.constant 0 : i32
      %dma_wait3A_391 = tpu.memref_slice %arg7[%dma_wait3A_390] : memref<10240xf32, #tpu.memory_space<vmem_shared>> -> memref<10240xf32, #tpu.memory_space<vmem_shared>>
      tpu.wait_indirect_dma semaphore(%arg16 : memref<!tpu.dma_semaphore, #tpu.memory_space<semaphore_mem>>) src(%arg5 : memref<128xf32, #tpu.memory_space<vmem>>) dst(%dma_wait3A_391 : memref<10240xf32, #tpu.memory_space<vmem_shared>>)
    } else {
    }
    %add3A_361 = arith.constant 2464 : i32
    %add3A_362 = arith.addi %add3A_361, %add3A : i32
    %lt3A_363 = arith.constant 2500 : i32
    %lt3A_364 = arith.cmpi slt, %add3A_362, %lt3A_363 : i32
    %convert_element_type3A_365 = arith.extui %lt3A_364 : i1 to i32
    %cond3A_366 = arith.constant 0 : i32
    %cond3A_367 = arith.cmpi ne, %convert_element_type3A_365, %cond3A_366 : i32
    scf.if %cond3A_367 {
      %dma_wait3A = arith.constant 5 : i32
      %dma_wait3A_387 = arith.constant 0 : i32
      %dma_wait3A_388 = tpu.memref_slice %arg4[%dma_wait3A, %dma_wait3A_387] : memref<8x128xi32, #tpu.memory_space<vmem>> -> memref<1x128xi32, #tpu.memory_space<vmem>>
      %dma_wait3A_389 = tpu.memref_squeeze %dma_wait3A_388 : memref<1x128xi32, #tpu.memory_space<vmem>> -> memref<128xi32, #tpu.memory_space<vmem>>
      %dma_wait3A_390 = arith.constant 0 : i32
      %dma_wait3A_391 = tpu.memref_slice %arg7[%dma_wait3A_390] : memref<10240xf32, #tpu.memory_space<vmem_shared>> -> memref<10240xf32, #tpu.memory_space<vmem_shared>>
      tpu.wait_indirect_dma semaphore(%arg17 : memref<!tpu.dma_semaphore, #tpu.memory_space<semaphore_mem>>) src(%arg5 : memref<128xf32, #tpu.memory_space<vmem>>) dst(%dma_wait3A_391 : memref<10240xf32, #tpu.memory_space<vmem_shared>>)
    } else {
    }
    %add3A_368 = arith.constant 2496 : i32
    %add3A_369 = arith.addi %add3A_368, %add3A : i32
    %lt3A_370 = arith.constant 2500 : i32
    %lt3A_371 = arith.cmpi slt, %add3A_369, %lt3A_370 : i32
    %convert_element_type3A_372 = arith.extui %lt3A_371 : i1 to i32
    %cond3A_373 = arith.constant 0 : i32
    %cond3A_374 = arith.cmpi ne, %convert_element_type3A_372, %cond3A_373 : i32
    scf.if %cond3A_374 {
      %dma_wait3A = arith.constant 6 : i32
      %dma_wait3A_387 = arith.constant 0 : i32
      %dma_wait3A_388 = tpu.memref_slice %arg4[%dma_wait3A, %dma_wait3A_387] : memref<8x128xi32, #tpu.memory_space<vmem>> -> memref<1x128xi32, #tpu.memory_space<vmem>>
      %dma_wait3A_389 = tpu.memref_squeeze %dma_wait3A_388 : memref<1x128xi32, #tpu.memory_space<vmem>> -> memref<128xi32, #tpu.memory_space<vmem>>
      %dma_wait3A_390 = arith.constant 0 : i32
      %dma_wait3A_391 = tpu.memref_slice %arg7[%dma_wait3A_390] : memref<10240xf32, #tpu.memory_space<vmem_shared>> -> memref<10240xf32, #tpu.memory_space<vmem_shared>>
      tpu.wait_indirect_dma semaphore(%arg18 : memref<!tpu.dma_semaphore, #tpu.memory_space<semaphore_mem>>) src(%arg5 : memref<128xf32, #tpu.memory_space<vmem>>) dst(%dma_wait3A_391 : memref<10240xf32, #tpu.memory_space<vmem_shared>>)
    } else {
    }
    %add3A_375 = arith.constant 2528 : i32
    %add3A_376 = arith.addi %add3A_375, %add3A : i32
    %lt3A_377 = arith.constant 2500 : i32
    %lt3A_378 = arith.cmpi slt, %add3A_376, %lt3A_377 : i32
    %convert_element_type3A_379 = arith.extui %lt3A_378 : i1 to i32
    %cond3A_380 = arith.constant 0 : i32
    %cond3A_381 = arith.cmpi ne, %convert_element_type3A_379, %cond3A_380 : i32
    scf.if %cond3A_381 {
      %dma_wait3A = arith.constant 7 : i32
      %dma_wait3A_387 = arith.constant 0 : i32
      %dma_wait3A_388 = tpu.memref_slice %arg4[%dma_wait3A, %dma_wait3A_387] : memref<8x128xi32, #tpu.memory_space<vmem>> -> memref<1x128xi32, #tpu.memory_space<vmem>>
      %dma_wait3A_389 = tpu.memref_squeeze %dma_wait3A_388 : memref<1x128xi32, #tpu.memory_space<vmem>> -> memref<128xi32, #tpu.memory_space<vmem>>
      %dma_wait3A_390 = arith.constant 0 : i32
      %dma_wait3A_391 = tpu.memref_slice %arg7[%dma_wait3A_390] : memref<10240xf32, #tpu.memory_space<vmem_shared>> -> memref<10240xf32, #tpu.memory_space<vmem_shared>>
      tpu.wait_indirect_dma semaphore(%arg19 : memref<!tpu.dma_semaphore, #tpu.memory_space<semaphore_mem>>) src(%arg5 : memref<128xf32, #tpu.memory_space<vmem>>) dst(%dma_wait3A_391 : memref<10240xf32, #tpu.memory_space<vmem_shared>>)
    } else {
    }
    %barrier3A_382 = arith.constant 0 : index
    tpu.barrier barrier_id(%barrier3A_382)
    %mul3A_383 = arith.constant 640 : i32
    %mul3A_384 = arith.muli %arg1, %mul3A_383 : i32
    %mul3A_385 = arith.constant 640 : i32
    %mul3A_386 = arith.muli %arg1, %mul3A_385 : i32
    "tpu.region"() ({
      %run_scoped3A = tpu.sem_alloc : memref<!tpu.dma_semaphore, #tpu.memory_space<semaphore_mem>>
      %dma_start3A_387 = tpu.memref_slice %arg3[%arg0, %mul3A_386] : memref<2x10240xf32, #tpu.memory_space<hbm>> -> memref<1x640xf32, #tpu.memory_space<hbm>>
      %dma_start3A_388 = tpu.memref_squeeze %dma_start3A_387 : memref<1x640xf32, #tpu.memory_space<hbm>> -> memref<640xf32, #tpu.memory_space<hbm>>
      %dma_start3A_389 = tpu.memref_slice %arg7[%mul3A_384] : memref<10240xf32, #tpu.memory_space<vmem_shared>> -> memref<640xf32, #tpu.memory_space<vmem_shared>>
      tpu.enqueue_dma source(%dma_start3A_389 : memref<640xf32, #tpu.memory_space<vmem_shared>>) target(%dma_start3A_388 : memref<640xf32, #tpu.memory_space<hbm>>) target_semaphore(%run_scoped3A : memref<!tpu.dma_semaphore, #tpu.memory_space<semaphore_mem>>)
      %dma_wait3A = tpu.memref_slice %arg3[%arg0, %mul3A_386] : memref<2x10240xf32, #tpu.memory_space<hbm>> -> memref<1x640xf32, #tpu.memory_space<hbm>>
      %dma_wait3A_390 = tpu.memref_squeeze %dma_wait3A : memref<1x640xf32, #tpu.memory_space<hbm>> -> memref<640xf32, #tpu.memory_space<hbm>>
      %dma_wait3A_391 = tpu.memref_slice %arg7[%mul3A_384] : memref<10240xf32, #tpu.memory_space<vmem_shared>> -> memref<640xf32, #tpu.memory_space<vmem_shared>>
      tpu.wait_dma2 semaphore(%run_scoped3A : memref<!tpu.dma_semaphore, #tpu.memory_space<semaphore_mem>>) src(%dma_wait3A_391 : memref<640xf32, #tpu.memory_space<vmem_shared>>) dst(%dma_wait3A_390 : memref<640xf32, #tpu.memory_space<hbm>>)
      tpu.yield
    }) : () -> ()
    return
  }
}

module attributes {stable_mosaic.version = 14 : i64} {
  func.func @_prep1_body(%arg0: i32, %arg1: memref<2000x128xf32, #tpu.memory_space<vmem>>, %arg2: memref<128x128xf32, #tpu.memory_space<vmem>>, %arg3: memref<2000x1xf32, #tpu.memory_space<vmem>>, %arg4: memref<2000x1xf32, #tpu.memory_space<vmem>>, %arg5: memref<2000x128xf32, #tpu.memory_space<vmem>>, %arg6: memref<2000x1xf32, #tpu.memory_space<vmem>>) attributes {dimension_semantics = [#tpu.dimension_semantics<arbitrary>], iteration_bounds = array<i64: 5>, scalar_prefetch = 0 : i64, scratch_operands = 0 : i64, tpu.core_type = #tpu.core_type<tc>, window_params = [{transform_indices = @transform_0, window_bounds = array<i64: 2000, 128>}, {pipeline_mode = #tpu.pipeline_mode<synchronous>, transform_indices = @transform_1, window_bounds = array<i64: 128, 128>}, {transform_indices = @transform_2, window_bounds = array<i64: 2000, 1>}, {transform_indices = @transform_3, window_bounds = array<i64: 2000, 1>}, {transform_indices = @transform_4, window_bounds = array<i64: 2000, 128>}, {transform_indices = @transform_5, window_bounds = array<i64: 2000, 1>}]} {
    %get3A = arith.constant 0 : index
    %get3A_0 = arith.constant 0 : index
    %get3A_1 = vector.load %arg3[%get3A, %get3A_0] : memref<2000x1xf32, #tpu.memory_space<vmem>>, vector<2000x1xf32>
    %get3A_2 = arith.constant 0 : index
    %get3A_3 = arith.constant 0 : index
    %get3A_4 = vector.load %arg4[%get3A_2, %get3A_3] : memref<2000x1xf32, #tpu.memory_space<vmem>>, vector<2000x1xf32>
    %add3A = arith.addf %get3A_1, %get3A_4 : vector<2000x1xf32>
    %add3A_5 = arith.constant 1.000000e+00 : f32
    %add3A_6 = vector.broadcast %add3A_5 : f32 to vector<2000x1xf32>
    %add3A_7 = arith.addf %add3A, %add3A_6 : vector<2000x1xf32>
    %rsqrt3A = math.rsqrt %add3A_7 : vector<2000x1xf32>
    %swap3A = arith.constant 0 : index
    %swap3A_8 = arith.constant 0 : index
    %swap3A_9 = vector.load %arg6[%swap3A, %swap3A_8] : memref<2000x1xf32, #tpu.memory_space<vmem>>, vector<2000x1xf32>
    tpu.vector_store %arg6[%swap3A, %swap3A_8], %rsqrt3A {strides = array<i32>} : memref<2000x1xf32, #tpu.memory_space<vmem>>, vector<2000x1xf32>,
    %get3A_10 = arith.constant 0 : index
    %get3A_11 = arith.constant 0 : index
    %get3A_12 = vector.load %arg1[%get3A_10, %get3A_11] : memref<2000x128xf32, #tpu.memory_space<vmem>>, vector<2000x128xf32>
    %get3A_13 = arith.constant 0 : index
    %get3A_14 = arith.constant 0 : index
    %get3A_15 = vector.load %arg2[%get3A_13, %get3A_14] : memref<128x128xf32, #tpu.memory_space<vmem>>, vector<128x128xf32>
    %dot_general3A = arith.constant dense<0.000000e+00> : vector<2000x128xf32>
    %dot_general3A_16 = tpu.matmul %get3A_12, %get3A_15, %dot_general3A {dimension_numbers = #tpu.dot_dimension_numbers<[1], [0], [0], [1], [0, 0, 1, 1], [], []>, transpose_lhs_hint = false} : vector<2000x128xf32>, vector<128x128xf32>, vector<2000x128xf32> -> vector<2000x128xf32>
    %mul3A = vector.broadcast %rsqrt3A : vector<2000x1xf32> to vector<2000x128xf32>
    %mul3A_17 = arith.mulf %dot_general3A_16, %mul3A : vector<2000x128xf32>
    %swap3A_18 = arith.constant 0 : index
    %swap3A_19 = arith.constant 0 : index
    %swap3A_20 = vector.load %arg5[%swap3A_18, %swap3A_19] : memref<2000x128xf32, #tpu.memory_space<vmem>>, vector<2000x128xf32>
    tpu.vector_store %arg5[%swap3A_18, %swap3A_19], %mul3A_17 {strides = array<i32>} : memref<2000x128xf32, #tpu.memory_space<vmem>>, vector<2000x128xf32>,
    return
  }
  func.func @transform_0(%arg0: i32) -> (i32, i32) {
    %c0_i32 = arith.constant 0 : i32
    %c0_i32_0 = arith.constant 0 : i32
    return %arg0, %c0_i32 : i32, i32
  }
  func.func @transform_1(%arg0: i32) -> (i32, i32) {
    %c0_i32 = arith.constant 0 : i32
    %c0_i32_0 = arith.constant 0 : i32
    %c0_i32_1 = arith.constant 0 : i32
    return %c0_i32, %c0_i32_0 : i32, i32
  }
  func.func @transform_2(%arg0: i32) -> (i32, i32) {
    %c0_i32 = arith.constant 0 : i32
    %c0_i32_0 = arith.constant 0 : i32
    return %arg0, %c0_i32 : i32, i32
  }
  func.func @transform_3(%arg0: i32) -> (i32, i32) {
    %c0_i32 = arith.constant 0 : i32
    %c0_i32_0 = arith.constant 0 : i32
    return %arg0, %c0_i32 : i32, i32
  }
  func.func @transform_4(%arg0: i32) -> (i32, i32) {
    %c0_i32 = arith.constant 0 : i32
    %c0_i32_0 = arith.constant 0 : i32
    return %arg0, %c0_i32 : i32, i32
  }
  func.func @transform_5(%arg0: i32) -> (i32, i32) {
    %c0_i32 = arith.constant 0 : i32
    %c0_i32_0 = arith.constant 0 : i32
    return %arg0, %c0_i32 : i32, i32
  }
}

module attributes {stable_mosaic.version = 14 : i64} {
  func.func @_stats_body(%arg0: i32, %arg1: memref<2000x128xf32, #tpu.memory_space<vmem>>, %arg2: memref<2000x128xf32, #tpu.memory_space<vmem>>, %arg3: memref<2000x128xf32, #tpu.memory_space<vmem>>, %arg4: memref<2000x1xf32, #tpu.memory_space<vmem>>, %arg5: memref<1x128xf32, #tpu.memory_space<vmem>>, %arg6: memref<2000x128xf32, #tpu.memory_space<vmem>>, %arg7: memref<2x128xf32, #tpu.memory_space<vmem>>) attributes {dimension_semantics = [#tpu.dimension_semantics<arbitrary>], iteration_bounds = array<i64: 5>, scalar_prefetch = 0 : i64, scratch_operands = 0 : i64, tpu.core_type = #tpu.core_type<tc>, window_params = [{transform_indices = @transform_0, window_bounds = array<i64: 2000, 128>}, {transform_indices = @transform_1, window_bounds = array<i64: 2000, 128>}, {transform_indices = @transform_2, window_bounds = array<i64: 2000, 128>}, {transform_indices = @transform_3, window_bounds = array<i64: 2000, 1>}, {pipeline_mode = #tpu.pipeline_mode<synchronous>, transform_indices = @transform_4, window_bounds = array<i64: 1, 128>}, {transform_indices = @transform_5, window_bounds = array<i64: 2000, 128>}, {pipeline_mode = #tpu.pipeline_mode<synchronous>, transform_indices = @transform_6, window_bounds = array<i64: 2, 128>}]} {
    %get3A = arith.constant 0 : index
    %get3A_0 = arith.constant 0 : index
    %get3A_1 = vector.load %arg4[%get3A, %get3A_0] : memref<2000x1xf32, #tpu.memory_space<vmem>>, vector<2000x1xf32>
    %get3A_2 = arith.constant 0 : index
    %get3A_3 = arith.constant 0 : index
    %get3A_4 = vector.load %arg1[%get3A_2, %get3A_3] : memref<2000x128xf32, #tpu.memory_space<vmem>>, vector<2000x128xf32>
    %get3A_5 = arith.constant 0 : index
    %get3A_6 = arith.constant 0 : index
    %get3A_7 = vector.load %arg2[%get3A_5, %get3A_6] : memref<2000x128xf32, #tpu.memory_space<vmem>>, vector<2000x128xf32>
    %add3A = arith.addf %get3A_4, %get3A_7 : vector<2000x128xf32>
    %get3A_8 = arith.constant 0 : index
    %get3A_9 = arith.constant 0 : index
    %get3A_10 = vector.load %arg3[%get3A_8, %get3A_9] : memref<2000x128xf32, #tpu.memory_space<vmem>>, vector<2000x128xf32>
    %sub3A = arith.subf %add3A, %get3A_10 : vector<2000x128xf32>
    %mul3A = vector.broadcast %get3A_1 : vector<2000x1xf32> to vector<2000x128xf32>
    %mul3A_11 = arith.mulf %mul3A, %sub3A : vector<2000x128xf32>
    %get3A_12 = arith.constant 0 : index
    %get3A_13 = arith.constant 0 : index
    %get3A_14 = vector.load %arg5[%get3A_12, %get3A_13] : memref<1x128xf32, #tpu.memory_space<vmem>>, vector<1x128xf32>
    %add3A_15 = vector.broadcast %get3A_14 : vector<1x128xf32> to vector<2000x128xf32>
    %add3A_16 = arith.addf %mul3A_11, %add3A_15 : vector<2000x128xf32>
    %swap3A = arith.constant 0 : index
    %swap3A_17 = arith.constant 0 : index
    %swap3A_18 = vector.load %arg6[%swap3A, %swap3A_17] : memref<2000x128xf32, #tpu.memory_space<vmem>>, vector<2000x128xf32>
    tpu.vector_store %arg6[%swap3A, %swap3A_17], %add3A_16 {strides = array<i32>} : memref<2000x128xf32, #tpu.memory_space<vmem>>, vector<2000x128xf32>,
    %eq3A = arith.constant 0 : i32
    %eq3A_19 = arith.cmpi eq, %arg0, %eq3A : i32
    %convert_element_type3A = arith.extui %eq3A_19 : i1 to i32
    %cond3A = arith.constant 0 : i32
    %cond3A_20 = arith.cmpi ne, %convert_element_type3A, %cond3A : i32
    scf.if %cond3A_20 {
      %broadcast_in_dim3A_40 = arith.constant 0.000000e+00 : f32
      %broadcast_in_dim3A_41 = vector.broadcast %broadcast_in_dim3A_40 : f32 to vector<2x128xf32>
      %swap3A_42 = arith.constant 0 : index
      %swap3A_43 = arith.constant 0 : index
      %swap3A_44 = vector.load %arg7[%swap3A_42, %swap3A_43] : memref<2x128xf32, #tpu.memory_space<vmem>>, vector<2x128xf32>
      tpu.vector_store %arg7[%swap3A_42, %swap3A_43], %broadcast_in_dim3A_41 {strides = array<i32>} : memref<2x128xf32, #tpu.memory_space<vmem>>, vector<2x128xf32>,
    } else {
    }
    %get3A_21 = arith.constant 0 : index
    %get3A_22 = arith.constant 0 : index
    %get3A_23 = vector.load %arg7[%get3A_21, %get3A_22] : memref<2x128xf32, #tpu.memory_space<vmem>>, vector<1x128xf32>
    %reduce_sum3A = arith.constant dense<0.000000e+00> : vector<128xf32>
    %reduce_sum3A_24 = vector.multi_reduction <add>, %add3A_16, %reduce_sum3A [0] : vector<2000x128xf32> to vector<128xf32>
    %broadcast_in_dim3A = vector.shape_cast %reduce_sum3A_24 : vector<128xf32> to vector<1x128xf32>
    %add3A_25 = arith.addf %get3A_23, %broadcast_in_dim3A : vector<1x128xf32>
    %swap3A_26 = arith.constant 0 : index
    %swap3A_27 = arith.constant 0 : index
    %swap3A_28 = vector.load %arg7[%swap3A_26, %swap3A_27] : memref<2x128xf32, #tpu.memory_space<vmem>>, vector<1x128xf32>
    tpu.vector_store %arg7[%swap3A_26, %swap3A_27], %add3A_25 {strides = array<i32>} : memref<2x128xf32, #tpu.memory_space<vmem>>, vector<1x128xf32>,
    %get3A_29 = arith.constant 1 : index
    %get3A_30 = arith.constant 0 : index
    %get3A_31 = vector.load %arg7[%get3A_29, %get3A_30] : memref<2x128xf32, #tpu.memory_space<vmem>>, vector<1x128xf32>
    %mul3A_32 = arith.mulf %add3A_16, %add3A_16 : vector<2000x128xf32>
    %reduce_sum3A_33 = arith.constant dense<0.000000e+00> : vector<128xf32>
    %reduce_sum3A_34 = vector.multi_reduction <add>, %mul3A_32, %reduce_sum3A_33 [0] : vector<2000x128xf32> to vector<128xf32>
    %broadcast_in_dim3A_35 = vector.shape_cast %reduce_sum3A_34 : vector<128xf32> to vector<1x128xf32>
    %add3A_36 = arith.addf %get3A_31, %broadcast_in_dim3A_35 : vector<1x128xf32>
    %swap3A_37 = arith.constant 1 : index
    %swap3A_38 = arith.constant 0 : index
    %swap3A_39 = vector.load %arg7[%swap3A_37, %swap3A_38] : memref<2x128xf32, #tpu.memory_space<vmem>>, vector<1x128xf32>
    tpu.vector_store %arg7[%swap3A_37, %swap3A_38], %add3A_36 {strides = array<i32>} : memref<2x128xf32, #tpu.memory_space<vmem>>, vector<1x128xf32>,
    return
  }
  func.func @transform_0(%arg0: i32) -> (i32, i32) {
    %c0_i32 = arith.constant 0 : i32
    %c0_i32_0 = arith.constant 0 : i32
    return %arg0, %c0_i32 : i32, i32
  }
  func.func @transform_1(%arg0: i32) -> (i32, i32) {
    %c0_i32 = arith.constant 0 : i32
    %c0_i32_0 = arith.constant 0 : i32
    return %arg0, %c0_i32 : i32, i32
  }
  func.func @transform_2(%arg0: i32) -> (i32, i32) {
    %c0_i32 = arith.constant 0 : i32
    %c0_i32_0 = arith.constant 0 : i32
    return %arg0, %c0_i32 : i32, i32
  }
  func.func @transform_3(%arg0: i32) -> (i32, i32) {
    %c0_i32 = arith.constant 0 : i32
    %c0_i32_0 = arith.constant 0 : i32
    return %arg0, %c0_i32 : i32, i32
  }
  func.func @transform_4(%arg0: i32) -> (i32, i32) {
    %c0_i32 = arith.constant 0 : i32
    %c0_i32_0 = arith.constant 0 : i32
    %c0_i32_1 = arith.constant 0 : i32
    return %c0_i32, %c0_i32_0 : i32, i32
  }
  func.func @transform_5(%arg0: i32) -> (i32, i32) {
    %c0_i32 = arith.constant 0 : i32
    %c0_i32_0 = arith.constant 0 : i32
    return %arg0, %c0_i32 : i32, i32
  }
  func.func @transform_6(%arg0: i32) -> (i32, i32) {
    %c0_i32 = arith.constant 0 : i32
    %c0_i32_0 = arith.constant 0 : i32
    %c0_i32_1 = arith.constant 0 : i32
    return %c0_i32, %c0_i32_0 : i32, i32
  }
}

module attributes {stable_mosaic.version = 14 : i64} {
  func.func @_mid_body(%arg0: i32, %arg1: memref<2000x128xf32, #tpu.memory_space<vmem>>, %arg2: memref<2x128xf32, #tpu.memory_space<vmem>>, %arg3: memref<1x128xf32, #tpu.memory_space<vmem>>, %arg4: memref<1x128xf32, #tpu.memory_space<vmem>>, %arg5: memref<128x128xf32, #tpu.memory_space<vmem>>, %arg6: memref<2000x1xf32, #tpu.memory_space<vmem>>, %arg7: memref<2000x128xf32, #tpu.memory_space<vmem>>) attributes {dimension_semantics = [#tpu.dimension_semantics<arbitrary>], iteration_bounds = array<i64: 5>, scalar_prefetch = 0 : i64, scratch_operands = 0 : i64, tpu.core_type = #tpu.core_type<tc>, window_params = [{transform_indices = @transform_0, window_bounds = array<i64: 2000, 128>}, {pipeline_mode = #tpu.pipeline_mode<synchronous>, transform_indices = @transform_1, window_bounds = array<i64: 2, 128>}, {pipeline_mode = #tpu.pipeline_mode<synchronous>, transform_indices = @transform_2, window_bounds = array<i64: 1, 128>}, {pipeline_mode = #tpu.pipeline_mode<synchronous>, transform_indices = @transform_3, window_bounds = array<i64: 1, 128>}, {pipeline_mode = #tpu.pipeline_mode<synchronous>, transform_indices = @transform_4, window_bounds = array<i64: 128, 128>}, {transform_indices = @transform_5, window_bounds = array<i64: 2000, 1>}, {transform_indices = @transform_6, window_bounds = array<i64: 2000, 128>}]} {
    %get3A = arith.constant 0 : index
    %get3A_0 = arith.constant 0 : index
    %get3A_1 = vector.load %arg2[%get3A, %get3A_0] : memref<2x128xf32, #tpu.memory_space<vmem>>, vector<1x128xf32>
    %mul3A = arith.constant 9.99999974E-5 : f32
    %mul3A_2 = vector.broadcast %mul3A : f32 to vector<1x128xf32>
    %mul3A_3 = arith.mulf %get3A_1, %mul3A_2 : vector<1x128xf32>
    %get3A_4 = arith.constant 1 : index
    %get3A_5 = arith.constant 0 : index
    %get3A_6 = vector.load %arg2[%get3A_4, %get3A_5] : memref<2x128xf32, #tpu.memory_space<vmem>>, vector<1x128xf32>
    %mul3A_7 = arith.constant 9.99999974E-5 : f32
    %mul3A_8 = vector.broadcast %mul3A_7 : f32 to vector<1x128xf32>
    %mul3A_9 = arith.mulf %get3A_6, %mul3A_8 : vector<1x128xf32>
    %mul3A_10 = arith.mulf %mul3A_3, %mul3A_3 : vector<1x128xf32>
    %sub3A = arith.subf %mul3A_9, %mul3A_10 : vector<1x128xf32>
    %get3A_11 = arith.constant 0 : index
    %get3A_12 = arith.constant 0 : index
    %get3A_13 = vector.load %arg1[%get3A_11, %get3A_12] : memref<2000x128xf32, #tpu.memory_space<vmem>>, vector<2000x128xf32>
    %sub3A_14 = vector.broadcast %mul3A_3 : vector<1x128xf32> to vector<2000x128xf32>
    %sub3A_15 = arith.subf %get3A_13, %sub3A_14 : vector<2000x128xf32>
    %add3A = arith.constant 9.99999974E-6 : f32
    %add3A_16 = vector.broadcast %add3A : f32 to vector<1x128xf32>
    %add3A_17 = arith.addf %sub3A, %add3A_16 : vector<1x128xf32>
    %rsqrt3A = math.rsqrt %add3A_17 : vector<1x128xf32>
    %mul3A_18 = vector.broadcast %rsqrt3A : vector<1x128xf32> to vector<2000x128xf32>
    %mul3A_19 = arith.mulf %sub3A_15, %mul3A_18 : vector<2000x128xf32>
    %get3A_20 = arith.constant 0 : index
    %get3A_21 = arith.constant 0 : index
    %get3A_22 = vector.load %arg3[%get3A_20, %get3A_21] : memref<1x128xf32, #tpu.memory_space<vmem>>, vector<1x128xf32>
    %mul3A_23 = vector.broadcast %get3A_22 : vector<1x128xf32> to vector<2000x128xf32>
    %mul3A_24 = arith.mulf %mul3A_19, %mul3A_23 : vector<2000x128xf32>
    %get3A_25 = arith.constant 0 : index
    %get3A_26 = arith.constant 0 : index
    %get3A_27 = vector.load %arg4[%get3A_25, %get3A_26] : memref<1x128xf32, #tpu.memory_space<vmem>>, vector<1x128xf32>
    %add3A_28 = vector.broadcast %get3A_27 : vector<1x128xf32> to vector<2000x128xf32>
    %add3A_29 = arith.addf %mul3A_24, %add3A_28 : vector<2000x128xf32>
    %max3A = arith.constant 0.000000e+00 : f32
    %max3A_30 = vector.broadcast %max3A : f32 to vector<2000x128xf32>
    %max3A_31 = arith.maximumf %add3A_29, %max3A_30 : vector<2000x128xf32>
    %get3A_32 = arith.constant 0 : index
    %get3A_33 = arith.constant 0 : index
    %get3A_34 = vector.load %arg5[%get3A_32, %get3A_33] : memref<128x128xf32, #tpu.memory_space<vmem>>, vector<128x128xf32>
    %dot_general3A = arith.constant dense<0.000000e+00> : vector<2000x128xf32>
    %dot_general3A_35 = tpu.matmul %max3A_31, %get3A_34, %dot_general3A {dimension_numbers = #tpu.dot_dimension_numbers<[1], [0], [0], [1], [0, 0, 1, 1], [], []>, transpose_lhs_hint = false} : vector<2000x128xf32>, vector<128x128xf32>, vector<2000x128xf32> -> vector<2000x128xf32>
    %get3A_36 = arith.constant 0 : index
    %get3A_37 = arith.constant 0 : index
    %get3A_38 = vector.load %arg6[%get3A_36, %get3A_37] : memref<2000x1xf32, #tpu.memory_space<vmem>>, vector<2000x1xf32>
    %mul3A_39 = vector.broadcast %get3A_38 : vector<2000x1xf32> to vector<2000x128xf32>
    %mul3A_40 = arith.mulf %dot_general3A_35, %mul3A_39 : vector<2000x128xf32>
    %swap3A = arith.constant 0 : index
    %swap3A_41 = arith.constant 0 : index
    %swap3A_42 = vector.load %arg7[%swap3A, %swap3A_41] : memref<2000x128xf32, #tpu.memory_space<vmem>>, vector<2000x128xf32>
    tpu.vector_store %arg7[%swap3A, %swap3A_41], %mul3A_40 {strides = array<i32>} : memref<2000x128xf32, #tpu.memory_space<vmem>>, vector<2000x128xf32>,
    return
  }
  func.func @transform_0(%arg0: i32) -> (i32, i32) {
    %c0_i32 = arith.constant 0 : i32
    %c0_i32_0 = arith.constant 0 : i32
    return %arg0, %c0_i32 : i32, i32
  }
  func.func @transform_1(%arg0: i32) -> (i32, i32) {
    %c0_i32 = arith.constant 0 : i32
    %c0_i32_0 = arith.constant 0 : i32
    %c0_i32_1 = arith.constant 0 : i32
    return %c0_i32, %c0_i32_0 : i32, i32
  }
  func.func @transform_2(%arg0: i32) -> (i32, i32) {
    %c0_i32 = arith.constant 0 : i32
    %c0_i32_0 = arith.constant 0 : i32
    %c0_i32_1 = arith.constant 0 : i32
    return %c0_i32, %c0_i32_0 : i32, i32
  }
  func.func @transform_3(%arg0: i32) -> (i32, i32) {
    %c0_i32 = arith.constant 0 : i32
    %c0_i32_0 = arith.constant 0 : i32
    %c0_i32_1 = arith.constant 0 : i32
    return %c0_i32, %c0_i32_0 : i32, i32
  }
  func.func @transform_4(%arg0: i32) -> (i32, i32) {
    %c0_i32 = arith.constant 0 : i32
    %c0_i32_0 = arith.constant 0 : i32
    %c0_i32_1 = arith.constant 0 : i32
    return %c0_i32, %c0_i32_0 : i32, i32
  }
  func.func @transform_5(%arg0: i32) -> (i32, i32) {
    %c0_i32 = arith.constant 0 : i32
    %c0_i32_0 = arith.constant 0 : i32
    return %arg0, %c0_i32 : i32, i32
  }
  func.func @transform_6(%arg0: i32) -> (i32, i32) {
    %c0_i32 = arith.constant 0 : i32
    %c0_i32_0 = arith.constant 0 : i32
    return %arg0, %c0_i32 : i32, i32
  }
}

module attributes {stable_mosaic.version = 14 : i64} {
  func.func @_head_body(%arg0: i32, %arg1: memref<2000x128xf32, #tpu.memory_space<vmem>>, %arg2: memref<2000x128xf32, #tpu.memory_space<vmem>>, %arg3: memref<2000x128xf32, #tpu.memory_space<vmem>>, %arg4: memref<2000x1xf32, #tpu.memory_space<vmem>>, %arg5: memref<1x128xf32, #tpu.memory_space<vmem>>, %arg6: memref<128x40xf32, #tpu.memory_space<vmem>>, %arg7: memref<1x40xf32, #tpu.memory_space<vmem>>, %arg8: memref<128x40xf32, #tpu.memory_space<vmem>>, %arg9: memref<1x40xf32, #tpu.memory_space<vmem>>, %arg10: memref<128x1xf32, #tpu.memory_space<vmem>>, %arg11: memref<1x1xf32, #tpu.memory_space<vmem>>, %arg12: memref<128x1xf32, #tpu.memory_space<vmem>>, %arg13: memref<1x1xf32, #tpu.memory_space<vmem>>, %arg14: memref<2000x40xf32, #tpu.memory_space<vmem>>, %arg15: memref<2000x40xf32, #tpu.memory_space<vmem>>, %arg16: memref<2000x1xf32, #tpu.memory_space<vmem>>, %arg17: memref<2000x1xf32, #tpu.memory_space<vmem>>) attributes {dimension_semantics = [#tpu.dimension_semantics<arbitrary>], iteration_bounds = array<i64: 5>, scalar_prefetch = 0 : i64, scratch_operands = 0 : i64, tpu.core_type = #tpu.core_type<tc>, window_params = [{transform_indices = @transform_0, window_bounds = array<i64: 2000, 128>}, {transform_indices = @transform_1, window_bounds = array<i64: 2000, 128>}, {transform_indices = @transform_2, window_bounds = array<i64: 2000, 128>}, {transform_indices = @transform_3, window_bounds = array<i64: 2000, 1>}, {pipeline_mode = #tpu.pipeline_mode<synchronous>, transform_indices = @transform_4, window_bounds = array<i64: 1, 128>}, {pipeline_mode = #tpu.pipeline_mode<synchronous>, transform_indices = @transform_5, window_bounds = array<i64: 128, 40>}, {pipeline_mode = #tpu.pipeline_mode<synchronous>, transform_indices = @transform_6, window_bounds = array<i64: 1, 40>}, {pipeline_mode = #tpu.pipeline_mode<synchronous>, transform_indices = @transform_7, window_bounds = array<i64: 128, 40>}, {pipeline_mode = #tpu.pipeline_mode<synchronous>, transform_indices = @transform_8, window_bounds = array<i64: 1, 40>}, {pipeline_mode = #tpu.pipeline_mode<synchronous>, transform_indices = @transform_9, window_bounds = array<i64: 128, 1>}, {pipeline_mode = #tpu.pipeline_mode<synchronous>, transform_indices = @transform_10, window_bounds = array<i64: 1, 1>}, {pipeline_mode = #tpu.pipeline_mode<synchronous>, transform_indices = @transform_11, window_bounds = array<i64: 128, 1>}, {pipeline_mode = #tpu.pipeline_mode<synchronous>, transform_indices = @transform_12, window_bounds = array<i64: 1, 1>}, {transform_indices = @transform_13, window_bounds = array<i64: 2000, 40>}, {transform_indices = @transform_14, window_bounds = array<i64: 2000, 40>}, {transform_indices = @transform_15, window_bounds = array<i64: 2000, 1>}, {transform_indices = @transform_16, window_bounds = array<i64: 2000, 1>}]} {
    %get3A = arith.constant 0 : index
    %get3A_0 = arith.constant 0 : index
    %get3A_1 = vector.load %arg4[%get3A, %get3A_0] : memref<2000x1xf32, #tpu.memory_space<vmem>>, vector<2000x1xf32>
    %get3A_2 = arith.constant 0 : index
    %get3A_3 = arith.constant 0 : index
    %get3A_4 = vector.load %arg1[%get3A_2, %get3A_3] : memref<2000x128xf32, #tpu.memory_space<vmem>>, vector<2000x128xf32>
    %get3A_5 = arith.constant 0 : index
    %get3A_6 = arith.constant 0 : index
    %get3A_7 = vector.load %arg2[%get3A_5, %get3A_6] : memref<2000x128xf32, #tpu.memory_space<vmem>>, vector<2000x128xf32>
    %add3A = arith.addf %get3A_4, %get3A_7 : vector<2000x128xf32>
    %get3A_8 = arith.constant 0 : index
    %get3A_9 = arith.constant 0 : index
    %get3A_10 = vector.load %arg3[%get3A_8, %get3A_9] : memref<2000x128xf32, #tpu.memory_space<vmem>>, vector<2000x128xf32>
    %sub3A = arith.subf %add3A, %get3A_10 : vector<2000x128xf32>
    %mul3A = vector.broadcast %get3A_1 : vector<2000x1xf32> to vector<2000x128xf32>
    %mul3A_11 = arith.mulf %mul3A, %sub3A : vector<2000x128xf32>
    %get3A_12 = arith.constant 0 : index
    %get3A_13 = arith.constant 0 : index
    %get3A_14 = vector.load %arg5[%get3A_12, %get3A_13] : memref<1x128xf32, #tpu.memory_space<vmem>>, vector<1x128xf32>
    %add3A_15 = vector.broadcast %get3A_14 : vector<1x128xf32> to vector<2000x128xf32>
    %add3A_16 = arith.addf %mul3A_11, %add3A_15 : vector<2000x128xf32>
    %get3A_17 = arith.constant 0 : index
    %get3A_18 = arith.constant 0 : index
    %get3A_19 = vector.load %arg6[%get3A_17, %get3A_18] : memref<128x40xf32, #tpu.memory_space<vmem>>, vector<128x40xf32>
    %dot_general3A = arith.constant dense<0.000000e+00> : vector<2000x40xf32>
    %dot_general3A_20 = tpu.matmul %add3A_16, %get3A_19, %dot_general3A {dimension_numbers = #tpu.dot_dimension_numbers<[1], [0], [0], [1], [0, 0, 1, 1], [], []>, transpose_lhs_hint = false} : vector<2000x128xf32>, vector<128x40xf32>, vector<2000x40xf32> -> vector<2000x40xf32>
    %get3A_21 = arith.constant 0 : index
    %get3A_22 = arith.constant 0 : index
    %get3A_23 = vector.load %arg7[%get3A_21, %get3A_22] : memref<1x40xf32, #tpu.memory_space<vmem>>, vector<1x40xf32>
    %add3A_24 = vector.broadcast %get3A_23 : vector<1x40xf32> to vector<2000x40xf32>
    %add3A_25 = arith.addf %dot_general3A_20, %add3A_24 : vector<2000x40xf32>
    %reduce_max3A = arith.constant dense<0xFF800000> : vector<2000xf32>
    %reduce_max3A_26 = vector.multi_reduction <maximumf>, %add3A_25, %reduce_max3A [1] : vector<2000x40xf32> to vector<2000xf32>
    %broadcast_in_dim3A = vector.shape_cast %reduce_max3A_26 : vector<2000xf32> to vector<2000x1xf32>
    %sub3A_27 = vector.broadcast %broadcast_in_dim3A : vector<2000x1xf32> to vector<2000x40xf32>
    %sub3A_28 = arith.subf %add3A_25, %sub3A_27 : vector<2000x40xf32>
    %exp3A = math.exp %sub3A_28 : vector<2000x40xf32>
    %reduce_sum3A = arith.constant dense<0.000000e+00> : vector<2000xf32>
    %reduce_sum3A_29 = vector.multi_reduction <add>, %exp3A, %reduce_sum3A [1] : vector<2000x40xf32> to vector<2000xf32>
    %broadcast_in_dim3A_30 = vector.shape_cast %reduce_sum3A_29 : vector<2000xf32> to vector<2000x1xf32>
    %log3A = math.log %broadcast_in_dim3A_30 : vector<2000x1xf32>
    %sub3A_31 = vector.broadcast %log3A : vector<2000x1xf32> to vector<2000x40xf32>
    %sub3A_32 = arith.subf %sub3A_28, %sub3A_31 : vector<2000x40xf32>
    %swap3A = arith.constant 0 : index
    %swap3A_33 = arith.constant 0 : index
    %swap3A_34 = vector.load %arg14[%swap3A, %swap3A_33] : memref<2000x40xf32, #tpu.memory_space<vmem>>, vector<2000x40xf32>
    tpu.vector_store %arg14[%swap3A, %swap3A_33], %sub3A_32 {strides = array<i32>} : memref<2000x40xf32, #tpu.memory_space<vmem>>, vector<2000x40xf32>,
    %get3A_35 = arith.constant 0 : index
    %get3A_36 = arith.constant 0 : index
    %get3A_37 = vector.load %arg8[%get3A_35, %get3A_36] : memref<128x40xf32, #tpu.memory_space<vmem>>, vector<128x40xf32>
    %dot_general3A_38 = arith.constant dense<0.000000e+00> : vector<2000x40xf32>
    %dot_general3A_39 = tpu.matmul %add3A_16, %get3A_37, %dot_general3A_38 {dimension_numbers = #tpu.dot_dimension_numbers<[1], [0], [0], [1], [0, 0, 1, 1], [], []>, transpose_lhs_hint = false} : vector<2000x128xf32>, vector<128x40xf32>, vector<2000x40xf32> -> vector<2000x40xf32>
    %get3A_40 = arith.constant 0 : index
    %get3A_41 = arith.constant 0 : index
    %get3A_42 = vector.load %arg9[%get3A_40, %get3A_41] : memref<1x40xf32, #tpu.memory_space<vmem>>, vector<1x40xf32>
    %add3A_43 = vector.broadcast %get3A_42 : vector<1x40xf32> to vector<2000x40xf32>
    %add3A_44 = arith.addf %dot_general3A_39, %add3A_43 : vector<2000x40xf32>
    %reduce_max3A_45 = arith.constant dense<0xFF800000> : vector<2000xf32>
    %reduce_max3A_46 = vector.multi_reduction <maximumf>, %add3A_44, %reduce_max3A_45 [1] : vector<2000x40xf32> to vector<2000xf32>
    %broadcast_in_dim3A_47 = vector.shape_cast %reduce_max3A_46 : vector<2000xf32> to vector<2000x1xf32>
    %sub3A_48 = vector.broadcast %broadcast_in_dim3A_47 : vector<2000x1xf32> to vector<2000x40xf32>
    %sub3A_49 = arith.subf %add3A_44, %sub3A_48 : vector<2000x40xf32>
    %exp3A_50 = math.exp %sub3A_49 : vector<2000x40xf32>
    %reduce_sum3A_51 = arith.constant dense<0.000000e+00> : vector<2000xf32>
    %reduce_sum3A_52 = vector.multi_reduction <add>, %exp3A_50, %reduce_sum3A_51 [1] : vector<2000x40xf32> to vector<2000xf32>
    %broadcast_in_dim3A_53 = vector.shape_cast %reduce_sum3A_52 : vector<2000xf32> to vector<2000x1xf32>
    %div3A = vector.broadcast %broadcast_in_dim3A_53 : vector<2000x1xf32> to vector<2000x40xf32>
    %div3A_54 = arith.divf %exp3A_50, %div3A : vector<2000x40xf32>
    %swap3A_55 = arith.constant 0 : index
    %swap3A_56 = arith.constant 0 : index
    %swap3A_57 = vector.load %arg15[%swap3A_55, %swap3A_56] : memref<2000x40xf32, #tpu.memory_space<vmem>>, vector<2000x40xf32>
    tpu.vector_store %arg15[%swap3A_55, %swap3A_56], %div3A_54 {strides = array<i32>} : memref<2000x40xf32, #tpu.memory_space<vmem>>, vector<2000x40xf32>,
    %get3A_58 = arith.constant 0 : index
    %get3A_59 = arith.constant 0 : index
    %get3A_60 = vector.load %arg10[%get3A_58, %get3A_59] : memref<128x1xf32, #tpu.memory_space<vmem>>, vector<128x1xf32>
    %dot_general3A_61 = arith.constant dense<0.000000e+00> : vector<2000x1xf32>
    %dot_general3A_62 = tpu.matmul %add3A_16, %get3A_60, %dot_general3A_61 {dimension_numbers = #tpu.dot_dimension_numbers<[1], [0], [0], [1], [0, 0, 1, 1], [], []>, transpose_lhs_hint = false} : vector<2000x128xf32>, vector<128x1xf32>, vector<2000x1xf32> -> vector<2000x1xf32>
    %get3A_63 = arith.constant 0 : index
    %get3A_64 = arith.constant 0 : index
    %get3A_65 = vector.load %arg11[%get3A_63, %get3A_64] : memref<1x1xf32, #tpu.memory_space<vmem>>, vector<1x1xf32>
    %add3A_66 = vector.broadcast %get3A_65 : vector<1x1xf32> to vector<2000x1xf32>
    %add3A_67 = arith.addf %dot_general3A_62, %add3A_66 : vector<2000x1xf32>
    %neg3A = arith.constant 0.000000e+00 : f32
    %neg3A_68 = vector.broadcast %neg3A : f32 to vector<2000x1xf32>
    %neg3A_69 = arith.subf %neg3A_68, %add3A_67 : vector<2000x1xf32>
    %exp3A_70 = math.exp %neg3A_69 : vector<2000x1xf32>
    %add3A_71 = arith.constant 1.000000e+00 : f32
    %add3A_72 = vector.broadcast %add3A_71 : f32 to vector<2000x1xf32>
    %add3A_73 = arith.addf %add3A_72, %exp3A_70 : vector<2000x1xf32>
    %div3A_74 = arith.constant 1.000000e+00 : f32
    %div3A_75 = vector.broadcast %div3A_74 : f32 to vector<2000x1xf32>
    %div3A_76 = arith.divf %div3A_75, %add3A_73 : vector<2000x1xf32>
    %swap3A_77 = arith.constant 0 : index
    %swap3A_78 = arith.constant 0 : index
    %swap3A_79 = vector.load %arg16[%swap3A_77, %swap3A_78] : memref<2000x1xf32, #tpu.memory_space<vmem>>, vector<2000x1xf32>
    tpu.vector_store %arg16[%swap3A_77, %swap3A_78], %div3A_76 {strides = array<i32>} : memref<2000x1xf32, #tpu.memory_space<vmem>>, vector<2000x1xf32>,
    %get3A_80 = arith.constant 0 : index
    %get3A_81 = arith.constant 0 : index
    %get3A_82 = vector.load %arg12[%get3A_80, %get3A_81] : memref<128x1xf32, #tpu.memory_space<vmem>>, vector<128x1xf32>
    %dot_general3A_83 = arith.constant dense<0.000000e+00> : vector<2000x1xf32>
    %dot_general3A_84 = tpu.matmul %add3A_16, %get3A_82, %dot_general3A_83 {dimension_numbers = #tpu.dot_dimension_numbers<[1], [0], [0], [1], [0, 0, 1, 1], [], []>, transpose_lhs_hint = false} : vector<2000x128xf32>, vector<128x1xf32>, vector<2000x1xf32> -> vector<2000x1xf32>
    %get3A_85 = arith.constant 0 : index
    %get3A_86 = arith.constant 0 : index
    %get3A_87 = vector.load %arg13[%get3A_85, %get3A_86] : memref<1x1xf32, #tpu.memory_space<vmem>>, vector<1x1xf32>
    %add3A_88 = vector.broadcast %get3A_87 : vector<1x1xf32> to vector<2000x1xf32>
    %add3A_89 = arith.addf %dot_general3A_84, %add3A_88 : vector<2000x1xf32>
    %neg3A_90 = arith.constant 0.000000e+00 : f32
    %neg3A_91 = vector.broadcast %neg3A_90 : f32 to vector<2000x1xf32>
    %neg3A_92 = arith.subf %neg3A_91, %add3A_89 : vector<2000x1xf32>
    %exp3A_93 = math.exp %neg3A_92 : vector<2000x1xf32>
    %add3A_94 = arith.constant 1.000000e+00 : f32
    %add3A_95 = vector.broadcast %add3A_94 : f32 to vector<2000x1xf32>
    %add3A_96 = arith.addf %add3A_95, %exp3A_93 : vector<2000x1xf32>
    %div3A_97 = arith.constant 1.000000e+00 : f32
    %div3A_98 = vector.broadcast %div3A_97 : f32 to vector<2000x1xf32>
    %div3A_99 = arith.divf %div3A_98, %add3A_96 : vector<2000x1xf32>
    %swap3A_100 = arith.constant 0 : index
    %swap3A_101 = arith.constant 0 : index
    %swap3A_102 = vector.load %arg17[%swap3A_100, %swap3A_101] : memref<2000x1xf32, #tpu.memory_space<vmem>>, vector<2000x1xf32>
    tpu.vector_store %arg17[%swap3A_100, %swap3A_101], %div3A_99 {strides = array<i32>} : memref<2000x1xf32, #tpu.memory_space<vmem>>, vector<2000x1xf32>,
    return
  }
  func.func @transform_0(%arg0: i32) -> (i32, i32) {
    %c0_i32 = arith.constant 0 : i32
    %c0_i32_0 = arith.constant 0 : i32
    return %arg0, %c0_i32 : i32, i32
  }
  func.func @transform_1(%arg0: i32) -> (i32, i32) {
    %c0_i32 = arith.constant 0 : i32
    %c0_i32_0 = arith.constant 0 : i32
    return %arg0, %c0_i32 : i32, i32
  }
  func.func @transform_2(%arg0: i32) -> (i32, i32) {
    %c0_i32 = arith.constant 0 : i32
    %c0_i32_0 = arith.constant 0 : i32
    return %arg0, %c0_i32 : i32, i32
  }
  func.func @transform_3(%arg0: i32) -> (i32, i32) {
    %c0_i32 = arith.constant 0 : i32
    %c0_i32_0 = arith.constant 0 : i32
    return %arg0, %c0_i32 : i32, i32
  }
  func.func @transform_4(%arg0: i32) -> (i32, i32) {
    %c0_i32 = arith.constant 0 : i32
    %c0_i32_0 = arith.constant 0 : i32
    %c0_i32_1 = arith.constant 0 : i32
    return %c0_i32, %c0_i32_0 : i32, i32
  }
  func.func @transform_5(%arg0: i32) -> (i32, i32) {
    %c0_i32 = arith.constant 0 : i32
    %c0_i32_0 = arith.constant 0 : i32
    %c0_i32_1 = arith.constant 0 : i32
    return %c0_i32, %c0_i32_0 : i32, i32
  }
  func.func @transform_6(%arg0: i32) -> (i32, i32) {
    %c0_i32 = arith.constant 0 : i32
    %c0_i32_0 = arith.constant 0 : i32
    %c0_i32_1 = arith.constant 0 : i32
    return %c0_i32, %c0_i32_0 : i32, i32
  }
  func.func @transform_7(%arg0: i32) -> (i32, i32) {
    %c0_i32 = arith.constant 0 : i32
    %c0_i32_0 = arith.constant 0 : i32
    %c0_i32_1 = arith.constant 0 : i32
    return %c0_i32, %c0_i32_0 : i32, i32
  }
  func.func @transform_8(%arg0: i32) -> (i32, i32) {
    %c0_i32 = arith.constant 0 : i32
    %c0_i32_0 = arith.constant 0 : i32
    %c0_i32_1 = arith.constant 0 : i32
    return %c0_i32, %c0_i32_0 : i32, i32
  }
  func.func @transform_9(%arg0: i32) -> (i32, i32) {
    %c0_i32 = arith.constant 0 : i32
    %c0_i32_0 = arith.constant 0 : i32
    %c0_i32_1 = arith.constant 0 : i32
    return %c0_i32, %c0_i32_0 : i32, i32
  }
  func.func @transform_10(%arg0: i32) -> (i32, i32) {
    %c0_i32 = arith.constant 0 : i32
    %c0_i32_0 = arith.constant 0 : i32
    %c0_i32_1 = arith.constant 0 : i32
    return %c0_i32, %c0_i32_0 : i32, i32
  }
  func.func @transform_11(%arg0: i32) -> (i32, i32) {
    %c0_i32 = arith.constant 0 : i32
    %c0_i32_0 = arith.constant 0 : i32
    %c0_i32_1 = arith.constant 0 : i32
    return %c0_i32, %c0_i32_0 : i32, i32
  }
  func.func @transform_12(%arg0: i32) -> (i32, i32) {
    %c0_i32 = arith.constant 0 : i32
    %c0_i32_0 = arith.constant 0 : i32
    %c0_i32_1 = arith.constant 0 : i32
    return %c0_i32, %c0_i32_0 : i32, i32
  }
  func.func @transform_13(%arg0: i32) -> (i32, i32) {
    %c0_i32 = arith.constant 0 : i32
    %c0_i32_0 = arith.constant 0 : i32
    return %arg0, %c0_i32 : i32, i32
  }
  func.func @transform_14(%arg0: i32) -> (i32, i32) {
    %c0_i32 = arith.constant 0 : i32
    %c0_i32_0 = arith.constant 0 : i32
    return %arg0, %c0_i32 : i32, i32
  }
  func.func @transform_15(%arg0: i32) -> (i32, i32) {
    %c0_i32 = arith.constant 0 : i32
    %c0_i32_0 = arith.constant 0 : i32
    return %arg0, %c0_i32 : i32, i32
  }
  func.func @transform_16(%arg0: i32) -> (i32, i32) {
    %c0_i32 = arith.constant 0 : i32
    %c0_i32_0 = arith.constant 0 : i32
    return %arg0, %c0_i32 : i32, i32
  }
}

</mosaic_0001>

<sc_bundles>
// kernel: kernel.12.cloned.1.call-start
scs
__scs_entry_jumppad:
0x0: {  	(pc) =	sbr.rel $0x88, $3  }
0x1: {  	(tag) =	ssettag $0x0;
	lr =	simm.s32 $0x1  }
0x2: {  	[smem:$0x3F91] =	sst lr;
	_ =	strace $0xD0000000  }
0x3: {  	_ = 	snop  }
0x4: {  	_ = 	snop  }
0x5: {  	_ = 	snop  }
0x6: {  	_ = 	snop  }
0x7: {  	_ = 	snop  }
__scs_overlays_trampoline_lowered:
0x8: {  	[smem:$0x3FA0] =	sst s0  }
0x9: {  	[smem:$0x3FA1] =	sst s1  }
0xa: {  	[smem:$0x3FA2] =	sst s2  }
0xb: {  	[smem:$0x3FA3] =	sst s3  }
0xc: {  	[smem:$0x3FA4] =	sst s4  }
0xd: {  	[smem:$0x3FA5] =	sst s5  }
0xe: {  	[smem:$0x3FA6] =	sst s6  }
0xf: {  	[smem:$0x3FA7] =	sst s7  }
0x10: {  	[smem:$0x3FA8] =	sst s8  }
0x11: {  	[smem:$0x3FA9] =	sst s9;
	s0 =	simm.s32 @!p0 $0x0  }
0x12: {  	s1 =	sld [smem:$0x3F8F];
	s0 =	simm.s32 @p0 $0x1  }
0x13: {  	[smem:$0x3FAA] =	sst s0;
	s0 =	simm.s32 @!p1 $0x0  }
0x14: {  	s2 =	sld [smem:$0x3F8E];
	s0 =	simm.s32 @p1 $0x1  }
0x15: {  	[smem:$0x3FAB] =	sst s0;
	s0 =	simm.s32 @!p2 $0x0  }
0x16: {  	s3 =	sld [smem:$0x3FDB];
	s0 =	simm.s32 @p2 $0x1  }
0x17: {  	s4 =	simm.s32 $0x1BF5;
	[smem:$0x3FAD] =	sst s0  }
0x18: {  	s0 =	sld [smem:$0x3F90];
	_ =	swait.ge [sflag:s4], $0x0  }
0x19: {  	s7 =	sld [smem:$0x3F91]  }
0x1a: {  	s8 =	sadd.s32 $0xFFFFE003, lr  }
0x1b: {  	s9 =	sadd.s32 $0xFFFFFEF7, lr;
	s5 =	simm.s32 $0xFFFFFFFF;
	p2 =	slt.u32 s8, $0xFFFFF086  }
0x1c: {  	p1 =	slt.u32 s9, $0xF7A;
	s5 =	simm.s32 @!p2 $0x0  }
0x1d: {  	s5 =	simm.s32 @p1 $0x1;
	p0 =	seq.s32 s7, s2  }
0x1e: {  	s7 =	smul.u32 @!p0 $0xF7A, s2;
	p2 =	seq.s32 @!p0 s5, $0x0  }
0x1f: {  	s9 =	smul.u32 $0xF7A, s1;
	s8 =	simm.s32 @!p0 $0x1BF5;
	p2 =	por !p2, p0  }
0x20: {  	[sflag:s8] =	ssyncset.s32 @!p0 $0xFFFFF086;
	s6 =	sadd.s32 @!p0 s3, s7;
	s7 =	simm.s32 @!p0 $0x108  }
0x21: {  	s3 =	sadd.s32 s3, s9;
	s6 =	sadd.s32 @!p0 $0x88, s6;
	s7 =	simm.s32 @p2 $0x1082  }
0x22: {  	[simem:s7], [sflag:s8] =	dma.local @!p0 [hbm:s6], $0xF7A  }
0x23: {  	s9 =	sor.u32 $0xD0000000, s2;
	s6 =	simm.s32 $0x108;
	_ =	swait.ge @!p0 [sflag:s8], $0x0  }
0x24: {  	s3 =	sadd.s32 $0x88, s3;
	s6 =	simm.s32 @!p1 $0x1082;
	[sflag:s4] =	ssyncset.s32 $0xFFFFF086  }
0x25: {  	[simem:s6], [sflag:s4] =	dma.local [hbm:s3], $0xF7A  }
0x26: {  	[smem:$0x3F91] =	sst s1;
	(tag) =	ssettag s2;
	_ =	strace s9  }
0x27: {  	s1 =	sld [smem:$0x3FA1]  }
0x28: {  	s2 =	sld [smem:$0x3FA2]  }
0x29: {  	s4 =	sld [smem:$0x3FA4]  }
0x2a: {  	p0 =	seq.s32 s5, $0x0;
	s5 =	sld [smem:$0x3FA5]  }
0x2b: {  	s6 =	sld [smem:$0x3FA6]  }
0x2c: {  	s7 =	sld [smem:$0x3FA7]  }
0x2d: {  	s3 =	simm.s32 $0x108;
	s8 =	sld [smem:$0x3FA8]  }
0x2e: {  	s3 =	simm.s32 @!p0 $0x1082;
	s9 =	sld [smem:$0x3FA9]  }
0x2f: {  	lr =	sadd.s32 s0, s3;
	s0 =	sld [smem:$0x3FA0]  }
0x30: {  	s3 =	sld [smem:$0x3FA3]  }
0x31: {  	[smem:$0x3FAC] =	sst s10  }
0x32: {  	s10 =	sld [smem:$0x3FAA];
	_ =	sdelay $0x3  }
0x33: {  	p0 =	seq.s32 s10, $0x1;
	s10 =	sld [smem:$0x3FAC];
	_ =	sdelay $0x3  }
0x34: {  	[smem:$0x3FAC] =	sst s10  }
0x35: {  	s10 =	sld [smem:$0x3FAB];
	_ =	sdelay $0x3  }
0x36: {  	p1 =	seq.s32 s10, $0x1;
	s10 =	sld [smem:$0x3FAC];
	_ =	sdelay $0x3  }
0x37: {  	[smem:$0x3FAC] =	sst s10  }
0x38: {  	s10 =	sld [smem:$0x3FAD]  }
0x39: {  	_ = 	snop;
	(pc) =	sbr.ind lr, $3  }
0x3a: {  	_ = 	snop  }
0x3b: {  	_ = 	snop  }
0x3c: {  	p2 =	seq.s32 s10, $0x1;
	s10 =	sld [smem:$0x3FAC]  }
0x3d: {  	_ =	shalt  }
0x3e: {  	_ =	shalt  }
0x3f: {  	_ =	shalt  }
0x40: {  	_ =	shalt  }
0x41: {  	_ =	shalt  }
0x42: {  	_ =	shalt  }
0x43: {  	_ =	shalt  }
0x44: {  	_ =	shalt  }
0x45: {  	_ =	shalt  }
0x46: {  	_ =	shalt  }
0x47: {  	_ =	shalt  }
0x48: {  	_ =	shalt  }
0x49: {  	_ =	shalt  }
0x4a: {  	_ =	shalt  }
0x4b: {  	_ =	shalt  }
0x4c: {  	_ =	shalt  }
0x4d: {  	_ =	shalt  }
0x4e: {  	_ =	shalt  }
0x4f: {  	_ =	shalt  }
0x50: {  	_ =	shalt  }
0x51: {  	_ =	shalt  }
0x52: {  	_ =	shalt  }
0x53: {  	_ =	shalt  }
0x54: {  	_ =	shalt  }
0x55: {  	_ =	shalt  }
0x56: {  	_ =	shalt  }
0x57: {  	_ =	shalt  }
0x58: {  	_ =	shalt  }
0x59: {  	_ =	shalt  }
0x5a: {  	_ =	shalt  }
0x5b: {  	_ =	shalt  }
0x5c: {  	_ =	shalt  }
0x5d: {  	_ =	shalt  }
0x5e: {  	_ =	shalt  }
0x5f: {  	_ =	shalt  }
0x60: {  	_ =	shalt  }
0x61: {  	_ =	shalt  }
0x62: {  	_ =	shalt  }
0x63: {  	_ =	shalt  }
0x64: {  	_ =	shalt  }
0x65: {  	_ =	shalt  }
0x66: {  	_ =	shalt  }
0x67: {  	_ =	shalt  }
0x68: {  	_ =	shalt  }
0x69: {  	_ =	shalt  }
0x6a: {  	_ =	shalt  }
0x6b: {  	_ =	shalt  }
0x6c: {  	_ =	shalt  }
0x6d: {  	_ =	shalt  }
0x6e: {  	_ =	shalt  }
0x6f: {  	_ =	shalt  }
0x70: {  	_ =	shalt  }
0x71: {  	_ =	shalt  }
0x72: {  	_ =	shalt  }
0x73: {  	_ =	shalt  }
0x74: {  	_ =	shalt  }
0x75: {  	_ =	shalt  }
0x76: {  	_ =	shalt  }
0x77: {  	_ =	shalt  }
0x78: {  	_ =	shalt  }
0x79: {  	_ =	shalt  }
0x7a: {  	_ =	shalt  }
0x7b: {  	_ =	shalt  }
0x7c: {  	_ =	shalt  }
0x7d: {  	_ =	shalt  }
0x7e: {  	_ =	shalt  }
0x7f: {  	_ =	shalt  }
0x80: {  	_ =	shalt  }
0x81: {  	_ =	shalt  }
0x82: {  	_ =	shalt  }
0x83: {  	_ =	shalt  }
0x84: {  	_ =	shalt  }
0x85: {  	_ =	shalt  }
0x86: {  	_ =	shalt  }
0x87: {  	_ =	shalt  }
.Lfunc_end0:
.L_simem_size_0:
called_computation.1_lowered:
.L_overlay_start_0:
0x88: {  	s2 =	sld [smem:$0x3FD9]  }
0x89: {  	s3 =	sld [smem:$0x3FFE];
	_ =	sdelay $0x1  }
0x8a: {  	s1 =	srdreg.scid  }
0x8b: {  	s0 =	sand.u32 $0x1, s1  }
0x8c: {  	s17 =	sshll.u32 s0, $0xA;
	s2 =	sadd.s32 s3, s2  }
0x8d: {  	s2 =	sadd.s32 s2, s17  }
0x8e: {  	[smem:$0x3FB8] =	sst s2  }
0x8f: {  	_ = 	snop  }
0x90: {  	s2 =	sld [smem:$0x3FC8];
	(tm) =	ssettm $0x1  }
0x91: {  	s18 =	sld [smem:$0x3FFB];
	_ =	sdelay $0x3  }
0x92: {  	_ =	strace s18  }
0x93: {  	s3 =	sld [smem:$0x3FFC];
	_ =	sdelay $0x3  }
0x94: {  	_ =	strace s3  }
0x95: {  	s3 =	sld [smem:$0x3FFD];
	_ =	sdelay $0x3  }
0x96: {  	_ =	strace s3  }
0x97: {  	_ =	strace $0x8FFFFFFF  }
0x98: {  	s19 =	sld [smem:$0x3FDB];
	_ =	sdelay $0x1  }
0x99: {  	s4 =	simm.s32 $_scs_section_size  }
0x9a: {  	s5 =	simm.s32 $_size__tile_overlayer_lowered;
	s6 =	simm.s32 $_tile_overlayer_lowered  }
0x9b: {  	s22 =	simm.s32 $0x1BFF;
	s21 =	sshll.u32 s6, $0x1;
	s3 =	sadd.s32 s4, s19  }
0x9c: {  	s7 =	simm.s32 $0x0;
	s20 =	sshll.u32 s5, $0x1;
	s5 =	sadd.s32 s21, s3  }
0x9d: {  	[timem:s7], [sflag:s22] =	dma.local [hbm:s5], s20  }
0x9e: {  	_ =	swait.ge [sflag:s22], s20  }
0x9f: {  	s4 =	ssub.s32 $0x0, s20;
	[sflag:s22] =	ssyncset.done $0x0  }
0xa0: {  	[sflag:s22] =	ssyncadd.s32 s4;
	_ =	sdelay $0x1  }
0xa1: {  	s23 =	simm.s32 $0x1B8B  }
0xa2: {  	_ =	swait.ge [sflag:s23], $0x1  }
0xa3: {  	[sflag:s23] =	ssyncset.done $0x0  }
0xa4: {  	s25 =	simm.s32 $0x1B8E;
	s24 =	sld [smem:$0x3FFE];
	[sflag:s23] =	ssyncadd.s32 $0xFFFFFFFF  }
0xa5: {  	s26 =	simm.s32 $execute0_lowered;
	[smem:$0x3FD2] =	sst s25  }
0xa6: {  	s5 =	sshll.u32 s26, $0x1;
	_ =	strace $0x80000049;
	[dreg:$0x1] =	wrdreg $0xFFFFFFFF  }
0xa7: {  	s28 =	simm.s32 $_size_execute0_lowered;
	s3 =	sadd.s32 s3, s5;
	[dreg:$0x0] =	wrdreg $0x0  }
0xa8: {  	s5 =	sshll.u32 s28, $0x1;
	[dreg:$0x2] =	wrdreg s3  }
0xa9: {  	[dreg:$0x3] =	wrdreg s5  }
0xaa: {  	[dreg:$0x4] =	wrdreg $0xC0  }
0xab: {  	_ =	task [dreg:s7], $0x5FFFF  }
0xac: {  	[dreg:$0x1] =	wrdreg $0xFFFFFFFF  }
0xad: {  	[dreg:$0x0] =	wrdreg $0x60  }
0xae: {  	[dreg:$0x2] =	wrdreg s24  }
0xaf: {  	[dreg:$0x3] =	wrdreg s2  }
0xb0: {  	[dreg:$0x4] =	wrdreg $0xC6000  }
0xb1: {  	[dreg:$0x5] =	wrdreg $0x9  }
0xb2: {  	_ =	task.clear_ibuf [dreg:s7], $0x6FFFF;
	_ =	strace $0x90000049  }
0xb3: {  	s29 =	simm.s32 $0x9;
	_ =	strace $0x8000004B  }
0xb4: {  	_ =	swait.ge [sflag:s29], $0x1  }
0xb5: {  	[sflag:s29] =	ssyncadd.s32 $0xFFFFFFFF  }
0xb6: {  	_ =	strace $0x9000004B  }
0xb7: {  	_ =	sfence  }
0xb8: {  	s30 =	sld [smem:$0x0];
	_ =	sdelay $0x2  }
0xb9: {  	s31 =	sshll.u32 s1, $0xD;
	s1 =	sshrl.u32 s1, $0x2  }
0xba: {  	s3 =	sand.u32 $0x4000, s31;
	s1 =	sadd.s32 s1, s30  }
0xbb: {  	s0 =	sor.u32 s3, s0;
	s1 =	sshll.u32 s1, $0x11  }
0xbc: {  	s0 =	sor.u32 s1, s0  }
0xbd: {  	s0 =	sadd.s32 $0x8F2B, s0  }
0xbe: {  	[sflag:s0] =	ssyncadd.remote.s32 $0x1  }
0xbf: {  	_ =	sfence.sel $0xFFFF  }
0xc0: {  	[dreg:$0x0] =	wrdreg $0xFFFFFFFF;
	(pc) =	sbr.abs _section_cstart, $3  }
0xc1: {  	[dreg:$0x1] =	wrdreg $0xFFFFFFFF  }
0xc2: {  	_ =	task.clear_ibuf [dreg:s7], $0x2FFFF;
	_ =	strace $0x9FFFFFFF  }
0xc3: {  	(tm) =	ssettm $0x7FFFFFFF  }
tec
execute0_lowered:
.L_overlay_start_1:
0x0: {  	(tag) =	ssettag $0x1  }
0x1: {  	s0 =	rddreg [dreg:$0x0]  }
0x2: {  	s12 =	rddreg [dreg:$0x1]  }
0x3: {  	s2 =	rddreg [dreg:$0x2]  }
0x4: {  	s3 =	simm.s32 $0x0;
	s4 =	srdreg.scid;
	s1 =	stileid.u32  }
0x5: {  	s17 =	simm.s32 $0x79600;
	s18 =	simm.s32 $0x0;
	[smem:$0x7FF] =	sst s3  }
0x6: {  	s13 =	sand.u32 $0x1, s4;
	s5 =	smul.u32 $0x278, s1;
	s4 =	sadd.s32 $0x4000, s0  }
0x7: {  	s26 =	sshll.u32 s1, $0x1;
	s16 =	sshll.u32 s1, $0x6;
	s6 =	ssub.s32 $0x2, s13  }
0x8: {  	_ =	strace $0x8000004A;
	p0 =	seq.s32 s13, $0x1;
	s7 =	sshrl.u32 s6, $0x1  }
0x9: {  	s8 =	smin.u32 s5, $0x2498;
	s5 =	sor.u32 s13, s26;
	s17 =	simm.s32 @!p0 $0x52400  }
0xa: {  	s13 =	sshll.u32 s13, $0x5;
	s11 =	ssub.s32 s6, s7;
	s28 =	sshll.u32 s8, $0x7  }
0xb: {  	s15 =	sshll.u32 s8, $0x4;
	s29 =	sshll.u32 s5, $0x5;
	s8 =	sor.u32 $0x1C0D, s16  }
0xc: {  	s0 =	sadd.s32 s17, s0;
	s30 =	ssub.s32 $0x984, s5;
	s16 =	sadd.s32 s16, s12  }
0xd: {  	s14 =	sadd.s32 s28, s2;
	s6 =	sadd.s32 s4, s15;
	s7 =	sadd.s32 s12, s29  }
0xe: {  	s11 =	smax.u32 s11, $0x1;
	[dreg:$0x4] =	wrdreg s30;
	s12 =	sadd.s32 s0, s15  }
0xf: {  	s31 =	sadd.s32 s13, s16;
	s15 =	simm.s32 $0xD;
	s9 =	sadd.s32 $0x400, s7  }
0x10: {  	s10 =	sadd.s32 $0x800, s7;
	s13 =	sadd.s32 $0x2000, s31;
	s14 =	sshrl.u32 s14, $0x3  }
.LBB2_1:
0x11: {  	[spmem:s14], [sflag:s8] =	dma.local [hbm:s6], $0x2780  }
0x12: {  	_ =	swait.ge [sflag:s15], $0x2780  }
0x13: {  	[sflag:s15] =	ssyncset.done $0x0  }
0x14: {  	[sflag:s15] =	ssyncadd.s32 $0xFFFFD880  }
0x15: {  	[bflag:$0x0] =	sbarrier.arrive $0xFFFF  }
0x16: {  	[tilespmem:s3], [sflag:$0x1] =	stream.linear.gather [hbm4b:s7+s3], $0x100, $0x38;
	[tilespmem:$0x1FE80] =	vst v63  }
0x17: {  	s0 =	simm.s32 $0x100;
	p2 =	por $0x1, $0x1  }
0x18: {  	[tilespmem:s0], [sflag:$0x2] =	stream.linear.gather [hbm4b:s9+s3], $0x100, $0x38;
	[tilespmem:$0x1FE80] =	vst v63  }
0x19: {  	s29 =	simm.s32 $0x200;
	s0 =	simm.s32 @!p2 $0xA  }
0x1a: {  	[tilespmem:s29], [sflag:$0x3] =	stream.linear.gather [hbm4b:s10+s3], $0x100, $0x38;
	[tilespmem:$0x1FE80] =	vst v63  }
0x1b: {  	s21 =	sadd.s32 $0x0, s5;
	_ =	swait.ge @!p2 [sflag:s0], $0x4000  }
0x1c: {  	p1 =	sgt.u32 s21, $0x9C3;
	[sflag:s0] =	ssyncset.done @!p2 $0x0  }
0x1d: {  	[sflag:s0] =	ssyncadd.s32 @!p2 $0xFFFFC000;
	s0 =	simm.s32 @!p1 $0x1  }
0x1e: {  	s25 =	sadd.s32 $0x60, s21;
	s20 =	simm.s32 @!p2 $0xB;
	_ =	swait.ge @!p1 [sflag:s0], $0x100  }
0x1f: {  	s19 =	simm.s32 @!p1 $0x0;
	s23 =	simm.s32 @!p1 $0x80;
	[sflag:s0] =	ssyncset.done @!p1 $0x0  }
0x20: {  	p0 =	sgt.u32 s25, $0x9C3;
	[sflag:s0] =	ssyncadd.s32 @!p1 $0xFFFFFF00;
	s0 =	simm.s32 @!p1 $0x600  }
0x21: {  	[tilespmem:s0], [sflag:$0x7] =	stream.indirect.gather @!p1 [hbm4b:s4+s23], $0x80, s19, s23, $0xb8;
	[tilespmem:$0x1FE80] =	vst v63  }
0x22: {  	s22 =	simm.s32 @!p0 $0x0;
	s24 =	simm.s32 @!p0 $0x300;
	s19 =	sadd.s32 @!p0 $0xFFFFEC00, s13  }
0x23: {  	[tilespmem:s24], [sflag:$0x4] =	stream.linear.gather @!p0 [hbm4b:s19+s22], $0x100, $0x38;
	[tilespmem:$0x1FE80] =	vst v63  }
0x24: {  	_ =	swait.ge @!p2 [sflag:s20], $0x4000  }
0x25: {  	p0 =	sgt.u32 s21, $0x9A3;
	[sflag:s20] =	ssyncset.done @!p2 $0x0  }
0x26: {  	s19 =	sadd.s32 $0x80, s21;
	s22 =	simm.s32 @!p0 $0x2;
	[sflag:s20] =	ssyncadd.s32 @!p2 $0xFFFFC000  }
0x27: {  	p3 =	sgt.u32 s19, $0x9C3;
	_ =	swait.ge @!p0 [sflag:s22], $0x100  }
0x28: {  	s26 =	simm.s32 @!p0 $0x4600;
	s24 =	simm.s32 @!p3 $0x400;
	[sflag:s22] =	ssyncset.done @!p0 $0x0  }
0x29: {  	s20 =	simm.s32 @!p0 $0x80;
	[sflag:s22] =	ssyncadd.s32 @!p0 $0xFFFFFF00;
	s22 =	simm.s32 @!p0 $0x100  }
0x2a: {  	[tilespmem:s26], [sflag:$0x8] =	stream.indirect.gather @!p0 [hbm4b:s4+s20], $0x80, s22, s20, $0xb8;
	[tilespmem:$0x1FE80] =	vst v63  }
0x2b: {  	s20 =	sadd.s32 @!p3 $0xFFFFF000, s13;
	s22 =	simm.s32 @!p3 $0x0;
	s26 =	simm.s32 @!p2 $0xC  }
0x2c: {  	[tilespmem:s24], [sflag:$0x5] =	stream.linear.gather @!p3 [hbm4b:s20+s22], $0x100, $0x38;
	[tilespmem:$0x1FE80] =	vst v63  }
0x2d: {  	_ =	swait.ge @!p2 [sflag:s26], $0x4000  }
0x2e: {  	s16 =	sadd.s32 $0xE0, s21;
	s17 =	sadd.s32 $0xC0, s21;
	s1 =	rddreg [dreg:$0x4]  }
0x2f: {  	s30 =	simm.s32 @!p1 $0x7;
	[sflag:s26] =	ssyncset.done @!p2 $0x0;
	p0 =	sle.u32 s1, $0x0  }
0x30: {  	p4 =	sgt.u32 s25, $0xA23;
	[sflag:s26] =	ssyncadd.s32 @!p2 $0xFFFFC000;
	s20 =	simm.s32 @!p0 $0x3  }
0x31: {  	p5 =	sgt.u32 s17, $0x9C3;
	s24 =	sadd.s32 $0xA0, s21;
	_ =	swait.ge @!p0 [sflag:s20], $0x100  }
0x32: {  	p2 =	sgt.u32 s24, $0x9C3;
	s26 =	simm.s32 @!p0 $0x8600;
	[sflag:s20] =	ssyncset.done @!p0 $0x0  }
0x33: {  	s28 =	simm.s32 @!p0 $0x80;
	[sflag:s20] =	ssyncadd.s32 @!p0 $0xFFFFFF00;
	s20 =	simm.s32 @!p0 $0x200  }
0x34: {  	[tilespmem:s26], [sflag:$0x9] =	stream.indirect.gather @!p0 [hbm4b:s4+s28], $0x80, s20, s28, $0xb8;
	[tilespmem:$0x1FE80] =	vst v63  }
0x35: {  	s22 =	simm.s32 @!p2 $0x500;
	s29 =	sadd.s32 @!p2 $0xFFFFF400, s13;
	s20 =	simm.s32 @!p2 $0x0  }
0x36: {  	[tilespmem:s22], [sflag:$0x6] =	stream.linear.gather @!p2 [hbm4b:s29+s20], $0x100, $0x38;
	[tilespmem:$0x1FE80] =	vst v63  }
0x37: {  	s20 =	simm.s32 $0xC0;
	p2 =	sgt.u32 @!p1 s21, $0x9A3;
	_ =	swait.ge @!p1 [sflag:s30], $0x4000  }
0x38: {  	s22 =	simm.s32 $0x180;
	p2 =	por p2, p1;
	[sflag:s30] =	ssyncset.done @!p1 $0x0  }
0x39: {  	s29 =	simm.s32 @!p2 $0x8;
	[sflag:s30] =	ssyncadd.s32 @!p1 $0xFFFFC000;
	s30 =	simm.s32 @!p4 $0xA  }
0x3a: {  	[spmem:s2] =	stream.indirect.scatter.add.f32 @!p1 [tilespmem:s0], [sflag:$0xA], $0x80, s23, s23, $0xb8;
	[tilespmem:$0x1FE80] =	vst v63  }
0x3b: {  	p1 =	sgt.u32 @!p4 s25, $0x9C3;
	s23 =	simm.s32 @!p2 $0x4600;
	_ =	swait.ge @!p2 [sflag:s29], $0x4000  }
0x3c: {  	s25 =	simm.s32 @!p2 $0x180;
	p3 =	por !p1, p4;
	[sflag:s29] =	ssyncset.done @!p2 $0x0  }
0x3d: {  	p6 =	por p1, p4;
	[sflag:s29] =	ssyncadd.s32 @!p2 $0xFFFFC000;
	s29 =	simm.s32 @!p2 $0x80  }
0x3e: {  	[spmem:s2] =	stream.indirect.scatter.add.f32 @!p2 [tilespmem:s23], [sflag:$0xB], $0x80, s25, s29, $0xb8;
	[tilespmem:$0x1FE80] =	vst v63  }
0x3f: {  	p1 =	por @!p4 $0x0, $0x0;
	s31 =	simm.s32 @!p6 $0x300;
	s25 =	simm.s32 @!p0 $0x9  }
0x40: {  	p2 =	por @!p6 $0x1, $0x1;
	s29 =	simm.s32 @!p6 $0x4;
	s23 =	smov.u32 s13  }
0x41: {  	_ =	swait.ge @!p0 [sflag:s25], $0x4000;
	p2 =	por @!p3 p1, p1;
	p1 =	sgt.u32 s16, $0x9C3  }
0x42: {  	p3 =	sgt.u32 s24, $0xA23;
	s1 =	simm.s32 @!p2 $0x0;
	[sflag:s25] =	ssyncset.done @!p0 $0x0  }
0x43: {  	s0 =	simm.s32 @!p1 $0x0;
	s1 =	simm.s32 @p2 $0x1;
	[sflag:s25] =	ssyncadd.s32 @!p0 $0xFFFFC000  }
0x44: {  	s25 =	simm.s32 @!p0 $0x280;
	p2 =	sgt.u32 s19, $0xA23;
	s0 =	simm.s32 @p1 $0x1  }
0x45: {  	[spmem:s2] =	stream.indirect.scatter.add.f32 @!p0 [tilespmem:s26], [sflag:$0xC], $0x80, s25, s28, $0xb8;
	[tilespmem:$0x1FE80] =	vst v63  }
0x46: {  	[smem:$0x7FA] =	sst s1;
	p0 =	sgt.u32 @!p2 s19, $0x9C3;
	s25 =	simm.s32 @!p1 $0x100  }
0x47: {  	s26 =	sadd.s32 @!p5 $0xFFFFF800, s13;
	s28 =	simm.s32 @!p5 $0x0;
	_ =	swait.ge @!p4 [sflag:s30], $0x4000  }
0x48: {  	s19 =	sadd.s32 $0x1800, s13;
	[smem:$0x7FB] =	sst s0;
	s0 =	simm.s32 @!p4 $0x0  }
0x49: {  	p1 =	por p0, p2;
	[sflag:s30] =	ssyncset.done @!p4 $0x0;
	s0 =	simm.s32 @p4 $0x1  }
0x4a: {  	p0 =	por !p0, p2;
	[sflag:s30] =	ssyncadd.s32 @!p4 $0xFFFFC000;
	[smem:$0x7FC] =	sst s0  }
0x4b: {  	s1 =	simm.s32 @!p0 $0x0;
	s30 =	simm.s32 @!p6 $0x80;
	_ =	swait.ge @!p6 [sflag:s29], $0x100  }
0x4c: {  	s1 =	simm.s32 @p0 $0x1;
	p4 =	sgt.u32 @!p3 s24, $0x9C3;
	[sflag:s29] =	ssyncset.done @!p6 $0x0  }
0x4d: {  	s0 =	simm.s32 @!p6 $0x600;
	[smem:$0x7FD] =	sst s1;
	[sflag:s29] =	ssyncadd.s32 @!p6 $0xFFFFFF00  }
.LBB2_2:
0x4e: {  	[tilespmem:s0], [sflag:$0x7] =	stream.indirect.gather @!p6 [hbm4b:s4+s30], $0x80, s31, s30, $0xb8;
	[tilespmem:$0x1FE80] =	vst v63  }
0x4f: {  	p0 =	por @!p2 $0x0, $0x0  }
0x50: {  	s24 =	smov.u32 s22;
	s1 =	simm.s32 @!p0 $0x0  }
0x51: {  	s0 =	simm.s32 @!p2 $0xB;
	p6 =	por p2, p2;
	s1 =	simm.s32 @p0 $0x1  }
0x52: {  	[tilespmem:s28], [sflag:$0x1] =	stream.linear.gather @!p5 [hbm4b:s26+s28], $0x100, $0x38;
	[tilespmem:$0x1FE80] =	vst v63  }
0x53: {  	s21 =	sadd.s32 $0x100, s21;
	p0 =	por p4, p3;
	[smem:$0x7F3] =	sst s1  }
0x54: {  	s1 =	simm.s32 @!p2 $0x0;
	p5 =	por @!p0 $0x1, $0x1;
	_ =	swait.ge @!p2 [sflag:s0], $0x4000  }
0x55: {  	s1 =	simm.s32 @p2 $0x1;
	p2 =	por !p4, p3;
	p4 =	por @!p3 $0x0, $0x0  }
0x56: {  	s26 =	simm.s32 @!p1 $0x5;
	[sflag:s0] =	ssyncset.done @!p6 $0x0;
	p5 =	por @!p2 p4, p4  }
0x57: {  	[smem:$0x7F4] =	sst s1;
	[sflag:s0] =	ssyncadd.s32 @!p6 $0xFFFFC000;
	s1 =	simm.s32 @!p5 $0x0  }
0x58: {  	s22 =	sadd.s32 $0xC0, s22;
	_ =	swait.ge @!p1 [sflag:s26], $0x100;
	s1 =	simm.s32 @p5 $0x1  }
0x59: {  	s28 =	simm.s32 @!p1 $0x400;
	s30 =	simm.s32 @!p0 $0x8600;
	[smem:$0x7F5] =	sst s1  }
0x5a: {  	s0 =	simm.s32 @!p1 $0x80;
	p6 =	por @!p1 $0x1, $0x1;
	s16 =	sld [smem:$0x7FD]  }
0x5b: {  	p5 =	por p3, p3;
	[sflag:s26] =	ssyncset.done @!p1 $0x0;
	s17 =	sld [smem:$0x7F3]  }
0x5c: {  	s29 =	sld [smem:$0x7FB];
	[sflag:s26] =	ssyncadd.s32 @!p1 $0xFFFFFF00;
	s26 =	simm.s32 @!p1 $0x4600  }
0x5d: {  	[tilespmem:s26], [sflag:$0x8] =	stream.indirect.gather @!p1 [hbm4b:s4+s0], $0x80, s28, s0, $0xb8;
	[tilespmem:$0x1FE80] =	vst v63  }
0x5e: {  	p1 =	por $0x0, $0x0;
	s26 =	simm.s32 @!p5 $0xC;
	p2 =	seq.s32 s16, $0x1  }
0x5f: {  	p4 =	seq.s32 s17, $0x1;
	p3 =	seq.s32 s29, $0x1;
	s16 =	sld [smem:$0x7FC]  }
0x60: {  	s17 =	sld [smem:$0x7FA];
	s29 =	sadd.s32 @!p3 $0xFFFFFC00, s23;
	s0 =	simm.s32 @!p3 $0x0  }
0x61: {  	[tilespmem:s25], [sflag:$0x2] =	stream.linear.gather @!p3 [hbm4b:s29+s0], $0x100, $0x38;
	[tilespmem:$0x1FE80] =	vst v63  }
0x62: {  	p6 =	por @!p2 p4, p4;
	s0 =	simm.s32 @!p0 $0x6;
	_ =	swait.ge @!p5 [sflag:s26], $0x4000  }
0x63: {  	s25 =	simm.s32 @!p0 $0x80;
	s29 =	simm.s32 @!p0 $0x500;
	[sflag:s26] =	ssyncset.done @!p5 $0x0  }
0x64: {  	p2 =	seq.s32 s16, $0x1;
	p4 =	seq.s32 s17, $0x1;
	[sflag:s26] =	ssyncadd.s32 @!p5 $0xFFFFC000  }
0x65: {  	p1 =	por @!p2 p4, p4;
	p2 =	sgt.u32 s21, $0x9C3;
	_ =	swait.ge @!p0 [sflag:s0], $0x100  }
0x66: {  	p4 =	sne.s32 s22, $0xA80;
	s21 =	simm.s32 @p1 $0x7;
	[sflag:s0] =	ssyncset.done @!p0 $0x0  }
0x67: {  	s26 =	simm.s32 @!p2 $0x0;
	s1 =	simm.s32 @!p4 $0x0;
	[sflag:s0] =	ssyncadd.s32 @!p0 $0xFFFFFF00  }
0x68: {  	[tilespmem:s30], [sflag:$0x9] =	stream.indirect.gather @!p0 [hbm4b:s4+s25], $0x80, s29, s25, $0xb8;
	[tilespmem:$0x1FE80] =	vst v63  }
0x69: {  	s28 =	simm.s32 @!p2 $0x200;
	s1 =	simm.s32 @p4 $0x1;
	s25 =	sld [smem:$0x7F4]  }
0x6a: {  	p4 =	por $0x0, $0x0;
	[smem:$0x7F9] =	sst s1;
	s0 =	simm.s32 @p1 $0x80  }
0x6b: {  	[tilespmem:s28], [sflag:$0x3] =	stream.linear.gather @!p2 [hbm4b:s23+s26], $0x100, $0x38;
	[tilespmem:$0x1FE80] =	vst v63  }
0x6c: {  	s23 =	simm.s32 @p1 $0x380;
	p0 =	seq.s32 s25, $0x1;
	_ =	swait.ge @p1 [sflag:s21], $0x4000  }
0x6d: {  	p4 =	por @!p0 p6, p6;
	[sflag:s21] =	ssyncset.done @p1 $0x0;
	p0 =	por $0x0, $0x0  }
0x6e: {  	s29 =	sld [smem:$0x7F5];
	s25 =	simm.s32 @p4 $0x4600;
	s26 =	simm.s32 @p4 $0x8  }
0x6f: {  	[sflag:s21] =	ssyncadd.s32 @p1 $0xFFFFC000;
	s21 =	simm.s32 @p1 $0x600;
	s28 =	simm.s32 @p4 $0x480  }
0x70: {  	[spmem:s2] =	stream.indirect.scatter.add.f32 @p1 [tilespmem:s21], [sflag:$0xA], $0x80, s23, s0, $0xb8;
	[tilespmem:$0x1FE80] =	vst v63  }
0x71: {  	s21 =	sadd.s32 s20, s5;
	p2 =	seq.s32 s29, $0x1;
	_ =	swait.ge @p4 [sflag:s26], $0x4000  }
0x72: {  	p0 =	por @!p5 p2, p2;
	[sflag:s26] =	ssyncset.done @p4 $0x0;
	p2 =	sgt.u32 s21, $0x9C3  }
0x73: {  	s0 =	simm.s32 @p0 $0x9;
	[sflag:s26] =	ssyncadd.s32 @p4 $0xFFFFC000;
	s26 =	simm.s32 @p4 $0x80  }
0x74: {  	[spmem:s2] =	stream.indirect.scatter.add.f32 @p4 [tilespmem:s25], [sflag:$0xB], $0x80, s28, s26, $0xb8;
	[tilespmem:$0x1FE80] =	vst v63  }
0x75: {  	p1 =	sgt.u32 @!p2 s21, $0x9A3;
	s25 =	simm.s32 @p0 $0x80;
	_ =	swait.ge @p0 [sflag:s0], $0x4000  }
0x76: {  	s26 =	simm.s32 @p0 $0x580;
	p4 =	seq.s32 s20, $0x0;
	[sflag:s0] =	ssyncset.done @p0 $0x0  }
0x77: {  	s28 =	simm.s32 @p0 $0x8600;
	s29 =	simm.s32 @!p4 $0xA;
	[sflag:s0] =	ssyncadd.s32 @p0 $0xFFFFC000  }
0x78: {  	[spmem:s2] =	stream.indirect.scatter.add.f32 @p0 [tilespmem:s28], [sflag:$0xC], $0x80, s26, s25, $0xb8;
	[tilespmem:$0x1FE80] =	vst v63  }
0x79: {  	s1 =	simm.s32 @!p1 $0x0;
	_ =	swait.ge @!p4 [sflag:s29], $0x4000  }
0x7a: {  	s1 =	simm.s32 @p1 $0x1;
	[sflag:s29] =	ssyncset.done @!p4 $0x0  }
0x7b: {  	s26 =	simm.s32 @!p2 $0x1;
	[smem:$0x7F7] =	sst s1;
	[sflag:s29] =	ssyncadd.s32 @!p4 $0xFFFFC000  }
0x7c: {  	s30 =	simm.s32 @!p2 $0x600;
	_ =	swait.ge @!p2 [sflag:s26], $0x100  }
0x7d: {  	s0 =	simm.s32 @!p2 $0x0;
	s29 =	sadd.s32 $0x60, s21;
	[sflag:s26] =	ssyncset.done @!p2 $0x0  }
0x7e: {  	s28 =	simm.s32 @!p2 $0x80;
	p1 =	sgt.u32 s29, $0x9C3;
	[sflag:s26] =	ssyncadd.s32 @!p2 $0xFFFFFF00  }
0x7f: {  	[tilespmem:s30], [sflag:$0x7] =	stream.indirect.gather @!p2 [hbm4b:s4+s28], $0x80, s0, s28, $0xb8;
	[tilespmem:$0x1FE80] =	vst v63  }
0x80: {  	s1 =	sadd.s32 @!p1 $0xFFFFEC00, s19;
	s16 =	simm.s32 @!p1 $0x0;
	s17 =	simm.s32 @!p1 $0x300  }
0x81: {  	[tilespmem:s17], [sflag:$0x4] =	stream.linear.gather @!p1 [hbm4b:s1+s16], $0x100, $0x38;
	[tilespmem:$0x1FE80] =	vst v63  }
0x82: {  	p1 =	sgt.u32 s29, $0xA23  }
0x83: {  	p5 =	sgt.u32 @!p1 s29, $0x9C3  }
0x84: {  	s31 =	simm.s32 @!p4 $0xB;
	p3 =	por !p5, p1  }
0x85: {  	p0 =	sgt.u32 s21, $0x9A3;
	_ =	swait.ge @!p4 [sflag:s31], $0x4000;
	s17 =	simm.s32 @!p3 $0x0  }
0x86: {  	s26 =	sadd.s32 $0x80, s21;
	[sflag:s31] =	ssyncset.done @!p4 $0x0;
	s17 =	simm.s32 @p3 $0x1  }
0x87: {  	s0 =	simm.s32 @!p0 $0x2;
	[sflag:s31] =	ssyncadd.s32 @!p4 $0xFFFFC000;
	[smem:$0x7F8] =	sst s17  }
0x88: {  	p6 =	sgt.u32 s26, $0x9C3;
	_ =	swait.ge @!p0 [sflag:s0], $0x100  }
0x89: {  	s1 =	simm.s32 @!p0 $0x80;
	s16 =	simm.s32 @!p6 $0x400;
	[sflag:s0] =	ssyncset.done @!p0 $0x0  }
0x8a: {  	s17 =	simm.s32 @!p0 $0x4600;
	[sflag:s0] =	ssyncadd.s32 @!p0 $0xFFFFFF00;
	s0 =	simm.s32 @!p0 $0x100  }
0x8b: {  	[tilespmem:s17], [sflag:$0x8] =	stream.indirect.gather @!p0 [hbm4b:s4+s1], $0x80, s0, s1, $0xb8;
	[tilespmem:$0x1FE80] =	vst v63  }
0x8c: {  	s0 =	sadd.s32 @!p6 $0xFFFFF000, s19;
	s1 =	simm.s32 @!p6 $0x0;
	s17 =	simm.s32 @!p4 $0xC  }
0x8d: {  	[tilespmem:s16], [sflag:$0x5] =	stream.linear.gather @!p6 [hbm4b:s0+s1], $0x100, $0x38;
	[tilespmem:$0x1FE80] =	vst v63  }
0x8e: {  	_ =	swait.ge @!p4 [sflag:s17], $0x4000  }
0x8f: {  	s16 =	rddreg [dreg:$0x4]  }
0x90: {  	[sflag:s17] =	ssyncset.done @!p4 $0x0;
	p0 =	sge.u32 s20, s16  }
0x91: {  	[sflag:s17] =	ssyncadd.s32 @!p4 $0xFFFFC000;
	s0 =	simm.s32 @!p0 $0x3  }
0x92: {  	_ =	swait.ge @!p0 [sflag:s0], $0x100  }
0x93: {  	s20 =	smov.u32 s24;
	s16 =	simm.s32 @!p0 $0x8600;
	[sflag:s0] =	ssyncset.done @!p0 $0x0  }
0x94: {  	s24 =	simm.s32 @!p0 $0x200;
	[sflag:s0] =	ssyncadd.s32 @!p0 $0xFFFFFF00;
	s0 =	simm.s32 @!p0 $0x80  }
0x95: {  	[tilespmem:s16], [sflag:$0x9] =	stream.indirect.gather @!p0 [hbm4b:s4+s0], $0x80, s24, s0, $0xb8;
	[tilespmem:$0x1FE80] =	vst v63  }
0x96: {  	[smem:$0x7F6] =	sst s2  }
0x97: {  	s29 =	sadd.s32 $0xA0, s21;
	s2 =	sld [smem:$0x7F7]  }
0x98: {  	p4 =	sgt.u32 s29, $0x9C3  }
0x99: {  	s31 =	simm.s32 @!p2 $0x7;
	s1 =	simm.s32 @!p4 $0x500;
	s17 =	simm.s32 @!p4 $0x0  }
0x9a: {  	s24 =	sadd.s32 @!p4 $0xFFFFF400, s19;
	p6 =	seq.s32 s2, $0x1;
	s2 =	sld [smem:$0x7F6]  }
0x9b: {  	[tilespmem:s1], [sflag:$0x6] =	stream.linear.gather @!p4 [hbm4b:s24+s17], $0x100, $0x38;
	[tilespmem:$0x1FE80] =	vst v63  }
0x9c: {  	_ =	swait.ge @!p2 [sflag:s31], $0x4000  }
0x9d: {  	p3 =	por p6, p2;
	[sflag:s31] =	ssyncset.done @!p2 $0x0  }
0x9e: {  	s24 =	simm.s32 @!p3 $0x8;
	[sflag:s31] =	ssyncadd.s32 @!p2 $0xFFFFC000  }
0x9f: {  	[spmem:s2] =	stream.indirect.scatter.add.f32 @!p2 [tilespmem:s30], [sflag:$0xA], $0x80, s28, s28, $0xb8;
	[tilespmem:$0x1FE80] =	vst v63  }
0xa0: {  	p6 =	por p5, p1;
	_ =	swait.ge @!p3 [sflag:s24], $0x4000  }
0xa1: {  	s1 =	simm.s32 @!p3 $0x4600;
	[sflag:s24] =	ssyncset.done @!p3 $0x0;
	s30 =	sld [smem:$0x7F8]  }
0xa2: {  	s28 =	simm.s32 @!p3 $0x180;
	[sflag:s24] =	ssyncadd.s32 @!p3 $0xFFFFC000;
	s24 =	simm.s32 @!p3 $0x80  }
0xa3: {  	[spmem:s2] =	stream.indirect.scatter.add.f32 @!p3 [tilespmem:s1], [sflag:$0xB], $0x80, s28, s24, $0xb8;
	[tilespmem:$0x1FE80] =	vst v63  }
0xa4: {  	p4 =	por @!p6 $0x1, $0x1;
	p2 =	por @!p1 $0x0, $0x0;
	p5 =	seq.s32 s30, $0x1  }
0xa5: {  	p4 =	por @!p5 p2, p2  }
0xa6: {  	s30 =	simm.s32 @!p4 $0x0  }
0xa7: {  	s30 =	simm.s32 @p4 $0x1  }
0xa8: {  	[smem:$0x7FA] =	sst s30;
	s30 =	simm.s32 @!p0 $0x9  }
0xa9: {  	_ =	swait.ge @!p0 [sflag:s30], $0x4000  }
0xaa: {  	s25 =	sadd.s32 $0xE0, s21;
	[sflag:s30] =	ssyncset.done @!p0 $0x0  }
0xab: {  	p3 =	sgt.u32 s25, $0x9C3;
	s25 =	simm.s32 @!p0 $0x280;
	[sflag:s30] =	ssyncadd.s32 @!p0 $0xFFFFC000  }
0xac: {  	[spmem:s2] =	stream.indirect.scatter.add.f32 @!p0 [tilespmem:s16], [sflag:$0xC], $0x80, s25, s0, $0xb8;
	[tilespmem:$0x1FE80] =	vst v63  }
0xad: {  	s24 =	simm.s32 @!p1 $0xA;
	s0 =	simm.s32 @!p3 $0x0  }
0xae: {  	s1 =	simm.s32 @!p6 $0x4;
	_ =	swait.ge @!p1 [sflag:s24], $0x4000;
	s0 =	simm.s32 @p3 $0x1  }
0xaf: {  	p2 =	sgt.u32 s26, $0xA23;
	[smem:$0x7FB] =	sst s0;
	s0 =	simm.s32 @!p1 $0x0  }
0xb0: {  	p4 =	sgt.u32 @!p2 s26, $0x9C3;
	[sflag:s24] =	ssyncset.done @!p1 $0x0;
	s0 =	simm.s32 @p1 $0x1  }
0xb1: {  	s25 =	simm.s32 @!p3 $0x100;
	[sflag:s24] =	ssyncadd.s32 @!p1 $0xFFFFC000;
	[smem:$0x7FC] =	sst s0  }
0xb2: {  	p0 =	por p4, p4;
	p3 =	sgt.u32 s29, $0xA23;
	_ =	swait.ge @!p6 [sflag:s1], $0x100  }
0xb3: {  	p1 =	por p4, p2;
	p4 =	sgt.u32 @!p3 s29, $0x9C3;
	s29 =	sld [smem:$0x7F9]  }
0xb4: {  	p0 =	por !p0, p2;
	[sflag:s1] =	ssyncset.done @!p6 $0x0  }
0xb5: {  	[sflag:s1] =	ssyncadd.s32 @!p6 $0xFFFFFF00;
	s1 =	simm.s32 @!p0 $0x0  }
0xb6: {  	s1 =	simm.s32 @p0 $0x1;
	p0 =	seq.s32 s29, $0x1  }
.Ltmp0:
0xb7: {  	_ = 	snop;
	(pc) =	sbr.rel @p0 .LBB2_2-.Ltmp0, $4  }
0xb8: {  	s17 =	sadd.s32 $0xC0, s21  }
0xb9: {  	s23 =	smov.u32 s19;
	s31 =	simm.s32 @!p6 $0x300;
	p5 =	sgt.u32 s17, $0x9C3  }
0xba: {  	s28 =	simm.s32 @!p5 $0x0;
	s26 =	sadd.s32 @!p5 $0xFFFFF800, s19;
	s19 =	sadd.s32 $0x1800, s19  }
0xbb: {  	s30 =	simm.s32 @!p6 $0x80;
	s0 =	simm.s32 @!p6 $0x600;
	[smem:$0x7FD] =	sst s1  }
0xbc: {  	[tilespmem:s0], [sflag:$0x7] =	stream.indirect.gather @!p6 [hbm4b:s4+s30], $0x80, s31, s30, $0xb8;
	[tilespmem:$0x1FE80] =	vst v63  }
0xbd: {  	s0 =	simm.s32 @!p2 $0xB  }
0xbe: {  	[tilespmem:s28], [sflag:$0x1] =	stream.linear.gather @!p5 [hbm4b:s26+s28], $0x100, $0x38;
	[tilespmem:$0x1FE80] =	vst v63  }
0xbf: {  	_ =	swait.ge @!p2 [sflag:s0], $0x4000  }
0xc0: {  	[sflag:s0] =	ssyncset.done @!p2 $0x0  }
0xc1: {  	s1 =	simm.s32 @!p1 $0x5;
	[sflag:s0] =	ssyncadd.s32 @!p2 $0xFFFFC000  }
0xc2: {  	_ =	swait.ge @!p1 [sflag:s1], $0x100  }
0xc3: {  	s16 =	simm.s32 @!p1 $0x400;
	[sflag:s1] =	ssyncset.done @!p1 $0x0;
	s24 =	sld [smem:$0x7FB]  }
0xc4: {  	s0 =	simm.s32 @!p1 $0x80;
	[sflag:s1] =	ssyncadd.s32 @!p1 $0xFFFFFF00;
	s1 =	simm.s32 @!p1 $0x4600  }
0xc5: {  	[tilespmem:s1], [sflag:$0x8] =	stream.indirect.gather @!p1 [hbm4b:s4+s0], $0x80, s16, s0, $0xb8;
	[tilespmem:$0x1FE80] =	vst v63  }
0xc6: {  	p0 =	seq.s32 s24, $0x1  }
0xc7: {  	p6 =	por p2, p2;
	s0 =	sadd.s32 @!p0 $0xFFFFFC00, s23;
	s1 =	simm.s32 @!p0 $0x0  }
0xc8: {  	[tilespmem:s25], [sflag:$0x2] =	stream.linear.gather @!p0 [hbm4b:s0+s1], $0x100, $0x38;
	[tilespmem:$0x1FE80] =	vst v63  }
0xc9: {  	s29 =	sadd.s32 $0x100, s21;
	p5 =	por p4, p3;
	s0 =	simm.s32 @!p2 $0x0  }
0xca: {  	s17 =	simm.s32 @!p5 $0x500;
	s21 =	simm.s32 @!p5 $0x8600;
	s0 =	simm.s32 @p2 $0x1  }
0xcb: {  	s16 =	simm.s32 @!p5 $0x80;
	[smem:$0x7F4] =	sst s0;
	s0 =	simm.s32 @!p3 $0xC  }
0xcc: {  	p0 =	por @!p5 $0x1, $0x1;
	s1 =	simm.s32 @!p5 $0x6;
	_ =	swait.ge @!p3 [sflag:s0], $0x4000  }
0xcd: {  	p2 =	por !p4, p3;
	p4 =	por @!p3 $0x0, $0x0;
	s25 =	sld [smem:$0x7FD]  }
0xce: {  	p0 =	por @!p2 p4, p4;
	[sflag:s0] =	ssyncset.done @!p3 $0x0;
	s28 =	sld [smem:$0x7FA]  }
0xcf: {  	p4 =	por @!p1 $0x1, $0x1;
	s26 =	sld [smem:$0x7FC];
	[sflag:s0] =	ssyncadd.s32 @!p3 $0xFFFFC000  }
0xd0: {  	p1 =	por @!p6 $0x0, $0x0;
	_ =	swait.ge @!p5 [sflag:s1], $0x100;
	p2 =	seq.s32 s25, $0x1  }
0xd1: {  	p6 =	seq.s32 s28, $0x1;
	[sflag:s1] =	ssyncset.done @!p5 $0x0;
	s30 =	sld [smem:$0x7F4]  }
0xd2: {  	p4 =	por @!p2 p1, p1;
	p1 =	por $0x0, $0x0;
	p2 =	seq.s32 s26, $0x1  }
0xd3: {  	[sflag:s1] =	ssyncadd.s32 @!p5 $0xFFFFFF00;
	p1 =	por @!p2 p6, p6;
	p2 =	sgt.u32 s29, $0x9C3  }
0xd4: {  	[tilespmem:s21], [sflag:$0x9] =	stream.indirect.gather @!p5 [hbm4b:s4+s16], $0x80, s17, s16, $0xb8;
	[tilespmem:$0x1FE80] =	vst v63  }
0xd5: {  	s1 =	simm.s32 @!p2 $0x0;
	s16 =	simm.s32 @!p2 $0x200  }
0xd6: {  	[tilespmem:s16], [sflag:$0x3] =	stream.linear.gather @!p2 [hbm4b:s23+s1], $0x100, $0x38;
	[tilespmem:$0x1FE80] =	vst v63  }
0xd7: {  	p5 =	por $0x0, $0x0;
	s0 =	simm.s32 @p1 $0x7;
	p2 =	seq.s32 s30, $0x1  }
0xd8: {  	s1 =	simm.s32 @p1 $0x80;
	s16 =	simm.s32 @p1 $0x380;
	_ =	swait.ge @p1 [sflag:s0], $0x4000  }
0xd9: {  	p5 =	por @!p2 p4, p4;
	p2 =	por $0x0, $0x0;
	[sflag:s0] =	ssyncset.done @p1 $0x0  }
0xda: {  	s17 =	simm.s32 @p5 $0x8;
	[sflag:s0] =	ssyncadd.s32 @p1 $0xFFFFC000;
	s0 =	simm.s32 @p1 $0x600  }
0xdb: {  	[spmem:s2] =	stream.indirect.scatter.add.f32 @p1 [tilespmem:s0], [sflag:$0xA], $0x80, s16, s1, $0xb8;
	[tilespmem:$0x1FE80] =	vst v63  }
0xdc: {  	p2 =	por @!p3 p0, p0;
	_ =	swait.ge @p5 [sflag:s17], $0x4000  }
0xdd: {  	s0 =	simm.s32 @p5 $0x4600;
	s1 =	simm.s32 @p2 $0x9;
	[sflag:s17] =	ssyncset.done @p5 $0x0  }
0xde: {  	s16 =	simm.s32 @p5 $0x80;
	[sflag:s17] =	ssyncadd.s32 @p5 $0xFFFFC000;
	s17 =	simm.s32 @p5 $0x480  }
0xdf: {  	[spmem:s2] =	stream.indirect.scatter.add.f32 @p5 [tilespmem:s0], [sflag:$0xB], $0x80, s17, s16, $0xb8;
	[tilespmem:$0x1FE80] =	vst v63  }
0xe0: {  	p1 =	seq.s32 s20, $0x0;
	_ =	swait.ge @p2 [sflag:s1], $0x4000  }
0xe1: {  	s22 =	simm.s32 @!p1 $0xA;
	s0 =	simm.s32 @p2 $0x80;
	[sflag:s1] =	ssyncset.done @p2 $0x0  }
0xe2: {  	s16 =	simm.s32 @p2 $0x580;
	s17 =	simm.s32 @p2 $0x8600;
	[sflag:s1] =	ssyncadd.s32 @p2 $0xFFFFC000  }
0xe3: {  	[spmem:s2] =	stream.indirect.scatter.add.f32 @p2 [tilespmem:s17], [sflag:$0xC], $0x80, s16, s0, $0xb8;
	[tilespmem:$0x1FE80] =	vst v63  }
0xe4: {  	s21 =	sadd.s32 s20, s5;
	_ =	swait.ge @!p1 [sflag:s22], $0x4000  }
0xe5: {  	p0 =	sgt.u32 s21, $0x9C3;
	[sflag:s22] =	ssyncset.done @!p1 $0x0  }
0xe6: {  	s0 =	simm.s32 @!p0 $0x1;
	[sflag:s22] =	ssyncadd.s32 @!p1 $0xFFFFC000  }
0xe7: {  	s23 =	sadd.s32 $0x60, s21;
	s1 =	simm.s32 @!p0 $0x0;
	_ =	swait.ge @!p0 [sflag:s0], $0x100  }
0xe8: {  	s16 =	simm.s32 @!p0 $0x80;
	p2 =	sgt.u32 s23, $0x9C3;
	[sflag:s0] =	ssyncset.done @!p0 $0x0  }
0xe9: {  	s17 =	sadd.s32 @!p2 $0xFFFFEC00, s19;
	[sflag:s0] =	ssyncadd.s32 @!p0 $0xFFFFFF00;
	s0 =	simm.s32 @!p0 $0x600  }
0xea: {  	[tilespmem:s0], [sflag:$0x7] =	stream.indirect.gather @!p0 [hbm4b:s4+s16], $0x80, s1, s16, $0xb8;
	[tilespmem:$0x1FE80] =	vst v63  }
0xeb: {  	s24 =	simm.s32 @!p2 $0x300;
	s22 =	simm.s32 @!p2 $0x0;
	s1 =	simm.s32 @!p1 $0xB  }
0xec: {  	[tilespmem:s24], [sflag:$0x4] =	stream.linear.gather @!p2 [hbm4b:s17+s22], $0x100, $0x38;
	[tilespmem:$0x1FE80] =	vst v63  }
0xed: {  	_ =	swait.ge @!p1 [sflag:s1], $0x4000  }
0xee: {  	p2 =	sgt.u32 s21, $0x9A3;
	[sflag:s1] =	ssyncset.done @!p1 $0x0  }
0xef: {  	s22 =	sadd.s32 $0x80, s21;
	s17 =	simm.s32 @!p2 $0x2;
	[sflag:s1] =	ssyncadd.s32 @!p1 $0xFFFFC000  }
0xf0: {  	p3 =	sgt.u32 s22, $0x9C3;
	_ =	swait.ge @!p2 [sflag:s17], $0x100  }
0xf1: {  	s25 =	simm.s32 @!p2 $0x4600;
	s24 =	simm.s32 @!p3 $0x400;
	[sflag:s17] =	ssyncset.done @!p2 $0x0  }
0xf2: {  	s1 =	simm.s32 @!p2 $0x80;
	[sflag:s17] =	ssyncadd.s32 @!p2 $0xFFFFFF00;
	s17 =	simm.s32 @!p2 $0x100  }
0xf3: {  	[tilespmem:s25], [sflag:$0x8] =	stream.indirect.gather @!p2 [hbm4b:s4+s1], $0x80, s17, s1, $0xb8;
	[tilespmem:$0x1FE80] =	vst v63  }
0xf4: {  	s1 =	sadd.s32 @!p3 $0xFFFFF000, s19;
	s17 =	simm.s32 @!p3 $0x0;
	s25 =	simm.s32 @!p1 $0xC  }
0xf5: {  	[tilespmem:s24], [sflag:$0x5] =	stream.linear.gather @!p3 [hbm4b:s1+s17], $0x100, $0x38;
	[tilespmem:$0x1FE80] =	vst v63  }
0xf6: {  	_ =	swait.ge @!p1 [sflag:s25], $0x4000  }
0xf7: {  	s31 =	rddreg [dreg:$0x4]  }
0xf8: {  	[sflag:s25] =	ssyncset.done @!p1 $0x0;
	p2 =	sge.u32 s20, s31  }
0xf9: {  	[sflag:s25] =	ssyncadd.s32 @!p1 $0xFFFFC000;
	s1 =	simm.s32 @!p2 $0x3  }
0xfa: {  	s28 =	simm.s32 @!p0 $0x7;
	s20 =	sadd.s32 $0xA0, s21;
	_ =	swait.ge @!p2 [sflag:s1], $0x100  }
0xfb: {  	p1 =	sgt.u32 s20, $0x9C3;
	s24 =	simm.s32 @!p2 $0x8600;
	[sflag:s1] =	ssyncset.done @!p2 $0x0  }
0xfc: {  	s25 =	simm.s32 @!p2 $0x200;
	[sflag:s1] =	ssyncadd.s32 @!p2 $0xFFFFFF00;
	s1 =	simm.s32 @!p2 $0x80  }
0xfd: {  	[tilespmem:s24], [sflag:$0x9] =	stream.indirect.gather @!p2 [hbm4b:s4+s1], $0x80, s25, s1, $0xb8;
	[tilespmem:$0x1FE80] =	vst v63  }
0xfe: {  	s17 =	simm.s32 @!p1 $0x500;
	s26 =	sadd.s32 @!p1 $0xFFFFF400, s19;
	s25 =	simm.s32 @!p1 $0x0  }
0xff: {  	[tilespmem:s17], [sflag:$0x6] =	stream.linear.gather @!p1 [hbm4b:s26+s25], $0x100, $0x38;
	[tilespmem:$0x1FE80] =	vst v63  }
0x100: {  	p1 =	sgt.u32 @!p0 s21, $0x9A3;
	_ =	swait.ge @!p0 [sflag:s28], $0x4000  }
0x101: {  	p1 =	por p1, p0;
	[sflag:s28] =	ssyncset.done @!p0 $0x0  }
0x102: {  	s17 =	simm.s32 @!p1 $0x8;
	[sflag:s28] =	ssyncadd.s32 @!p0 $0xFFFFC000  }
0x103: {  	[spmem:s2] =	stream.indirect.scatter.add.f32 @!p0 [tilespmem:s0], [sflag:$0xA], $0x80, s16, s16, $0xb8;
	[tilespmem:$0x1FE80] =	vst v63  }
0x104: {  	_ =	swait.ge @!p1 [sflag:s17], $0x4000  }
0x105: {  	s25 =	simm.s32 @!p2 $0x9;
	s0 =	simm.s32 @!p1 $0x4600;
	[sflag:s17] =	ssyncset.done @!p1 $0x0  }
0x106: {  	s16 =	simm.s32 @!p1 $0x180;
	[sflag:s17] =	ssyncadd.s32 @!p1 $0xFFFFC000;
	s17 =	simm.s32 @!p1 $0x80  }
0x107: {  	[spmem:s2] =	stream.indirect.scatter.add.f32 @!p1 [tilespmem:s0], [sflag:$0xB], $0x80, s16, s17, $0xb8;
	[tilespmem:$0x1FE80] =	vst v63  }
0x108: {  	_ =	swait.ge @!p2 [sflag:s25], $0x4000  }
0x109: {  	p3 =	sgt.u32 s23, $0xA23;
	[sflag:s25] =	ssyncset.done @!p2 $0x0  }
0x10a: {  	s16 =	simm.s32 @!p2 $0x280;
	p1 =	sgt.u32 @!p3 s23, $0x9C3;
	[sflag:s25] =	ssyncadd.s32 @!p2 $0xFFFFC000  }
0x10b: {  	[spmem:s2] =	stream.indirect.scatter.add.f32 @!p2 [tilespmem:s24], [sflag:$0xC], $0x80, s16, s1, $0xb8;
	[tilespmem:$0x1FE80] =	vst v63  }
0x10c: {  	s1 =	simm.s32 @!p1 $0x0  }
0x10d: {  	s1 =	simm.s32 @p1 $0x1  }
0x10e: {  	s0 =	simm.s32 @!p3 $0xA;
	[smem:$0x7EE] =	sst s1  }
0x10f: {  	p2 =	por p1, p3;
	p1 =	sgt.u32 s22, $0xA23;
	_ =	swait.ge @!p3 [sflag:s0], $0x4000  }
0x110: {  	s16 =	simm.s32 @!p1 $0x0;
	[sflag:s0] =	ssyncset.done @!p3 $0x0  }
0x111: {  	s16 =	simm.s32 @p1 $0x1;
	[sflag:s0] =	ssyncadd.s32 @!p3 $0xFFFFC000;
	s0 =	simm.s32 @!p3 $0x0  }
0x112: {  	[smem:$0x7F1] =	sst s16;
	s0 =	simm.s32 @p3 $0x1  }
0x113: {  	s1 =	simm.s32 @!p2 $0x4;
	[smem:$0x7EF] =	sst s0  }
0x114: {  	s17 =	sadd.s32 $0xC0, s21;
	_ =	swait.ge @!p2 [sflag:s1], $0x100  }
0x115: {  	p0 =	sgt.u32 s17, $0x9C3;
	s17 =	simm.s32 @!p2 $0x600;
	[sflag:s1] =	ssyncset.done @!p2 $0x0  }
0x116: {  	s16 =	simm.s32 @!p2 $0x300;
	s0 =	simm.s32 @!p2 $0x80;
	[sflag:s1] =	ssyncadd.s32 @!p2 $0xFFFFFF00  }
0x117: {  	[tilespmem:s17], [sflag:$0x7] =	stream.indirect.gather @!p2 [hbm4b:s4+s0], $0x80, s16, s0, $0xb8;
	[tilespmem:$0x1FE80] =	vst v63  }
0x118: {  	s1 =	simm.s32 @!p0 $0x0;
	s0 =	sadd.s32 @!p0 $0xFFFFF800, s19  }
0x119: {  	[tilespmem:s1], [sflag:$0x1] =	stream.linear.gather @!p0 [hbm4b:s0+s1], $0x100, $0x38;
	[tilespmem:$0x1FE80] =	vst v63  }
0x11a: {  	p0 =	sgt.u32 @!p1 s22, $0x9C3  }
0x11b: {  	s0 =	simm.s32 @!p0 $0x0  }
0x11c: {  	s0 =	simm.s32 @p0 $0x1  }
0x11d: {  	s16 =	simm.s32 @!p1 $0xB;
	[smem:$0x7F0] =	sst s0  }
0x11e: {  	_ =	swait.ge @!p1 [sflag:s16], $0x4000  }
0x11f: {  	p6 =	por p0, p1;
	[sflag:s16] =	ssyncset.done @!p1 $0x0  }
0x120: {  	s0 =	simm.s32 @!p6 $0x5;
	[sflag:s16] =	ssyncadd.s32 @!p1 $0xFFFFC000  }
0x121: {  	p4 =	sgt.u32 s20, $0xA23;
	s23 =	sadd.s32 $0xE0, s21;
	_ =	swait.ge @!p6 [sflag:s0], $0x100  }
0x122: {  	p0 =	sgt.u32 s23, $0x9C3;
	s1 =	simm.s32 @!p6 $0x80;
	[sflag:s0] =	ssyncset.done @!p6 $0x0  }
0x123: {  	s16 =	simm.s32 @!p6 $0x400;
	[sflag:s0] =	ssyncadd.s32 @!p6 $0xFFFFFF00;
	s0 =	simm.s32 @!p6 $0x4600  }
0x124: {  	[tilespmem:s0], [sflag:$0x8] =	stream.indirect.gather @!p6 [hbm4b:s4+s1], $0x80, s16, s1, $0xb8;
	[tilespmem:$0x1FE80] =	vst v63  }
0x125: {  	s0 =	simm.s32 @!p0 $0x100;
	s1 =	sadd.s32 @!p0 $0xFFFFFC00, s19;
	s16 =	simm.s32 @!p0 $0x0  }
0x126: {  	[tilespmem:s0], [sflag:$0x2] =	stream.linear.gather @!p0 [hbm4b:s1+s16], $0x100, $0x38;
	[tilespmem:$0x1FE80] =	vst v63  }
0x127: {  	s0 =	simm.s32 @!p4 $0xC;
	p0 =	sgt.u32 @!p4 s20, $0x9C3  }
0x128: {  	_ =	swait.ge @!p4 [sflag:s0], $0x4000;
	s1 =	simm.s32 @!p0 $0x0  }
0x129: {  	p1 =	por p0, p4;
	s1 =	simm.s32 @p0 $0x1;
	[sflag:s0] =	ssyncset.done @!p4 $0x0  }
0x12a: {  	[smem:$0x7F2] =	sst s1;
	s1 =	simm.s32 @!p1 $0x6;
	[sflag:s0] =	ssyncadd.s32 @!p4 $0xFFFFC000  }
0x12b: {  	_ =	swait.ge @!p1 [sflag:s1], $0x100  }
0x12c: {  	s24 =	sld [smem:$0x7EE]  }
0x12d: {  	s25 =	sadd.s32 $0x100, s21;
	s16 =	simm.s32 @!p1 $0x500;
	s26 =	sld [smem:$0x7EF]  }
0x12e: {  	s17 =	simm.s32 @!p1 $0x8600;
	[sflag:s1] =	ssyncset.done @!p1 $0x0;
	s28 =	sld [smem:$0x7EF]  }
0x12f: {  	s0 =	simm.s32 @!p1 $0x80;
	s29 =	sld [smem:$0x7F0];
	[sflag:s1] =	ssyncadd.s32 @!p1 $0xFFFFFF00  }
0x130: {  	[tilespmem:s17], [sflag:$0x9] =	stream.indirect.gather @!p1 [hbm4b:s4+s0], $0x80, s16, s0, $0xb8;
	[tilespmem:$0x1FE80] =	vst v63  }
0x131: {  	s30 =	sld [smem:$0x7F1];
	p5 =	seq.s32 s24, $0x1;
	p0 =	seq.s32 s26, $0x1  }
0x132: {  	p5 =	por !p5, p3;
	p3 =	por @!p2 $0x1, $0x1;
	p0 =	por @!p0 $0x0, $0x0  }
0x133: {  	p2 =	sgt.u32 s25, $0x9C3;
	p3 =	por @!p5 p0, p0;
	p0 =	por $0x0, $0x0  }
0x134: {  	p5 =	seq.s32 s28, $0x1;
	s0 =	simm.s32 @!p2 $0x0;
	s1 =	simm.s32 @!p2 $0x200  }
0x135: {  	[tilespmem:s1], [sflag:$0x3] =	stream.linear.gather @!p2 [hbm4b:s19+s0], $0x100, $0x38;
	[tilespmem:$0x1FE80] =	vst v63  }
0x136: {  	p0 =	por @!p5 p3, p3;
	p3 =	seq.s32 s29, $0x1;
	p5 =	seq.s32 s30, $0x1  }
0x137: {  	p2 =	por !p3, p5  }
0x138: {  	p3 =	por @!p6 $0x1, $0x1;
	p6 =	por @!p5 $0x0, $0x0;
	s0 =	simm.s32 @p0 $0x7  }
0x139: {  	s1 =	simm.s32 @p0 $0x80;
	s16 =	simm.s32 @p0 $0x380;
	_ =	swait.ge @p0 [sflag:s0], $0x4000  }
0x13a: {  	p3 =	por @!p2 p6, p6;
	p2 =	por $0x0, $0x0;
	[sflag:s0] =	ssyncset.done @p0 $0x0  }
0x13b: {  	s31 =	sld [smem:$0x7F2];
	[sflag:s0] =	ssyncadd.s32 @p0 $0xFFFFC000;
	s0 =	simm.s32 @p0 $0x600  }
0x13c: {  	[spmem:s2] =	stream.indirect.scatter.add.f32 @p0 [tilespmem:s0], [sflag:$0xA], $0x80, s16, s1, $0xb8;
	[tilespmem:$0x1FE80] =	vst v63  }
0x13d: {  	p1 =	por @!p1 $0x1, $0x1;
	p2 =	por @!p5 p3, p3;
	p0 =	por @!p4 $0x0, $0x0  }
0x13e: {  	s0 =	simm.s32 @p2 $0x8;
	s1 =	simm.s32 @p2 $0x4600;
	p6 =	seq.s32 s31, $0x1  }
0x13f: {  	s16 =	simm.s32 @p2 $0x480;
	_ =	swait.ge @p2 [sflag:s0], $0x4000;
	p3 =	por !p6, p4  }
0x140: {  	[sflag:s0] =	ssyncset.done @p2 $0x0;
	p1 =	por @!p3 p0, p0;
	p0 =	por $0x0, $0x0  }
0x141: {  	[sflag:s0] =	ssyncadd.s32 @p2 $0xFFFFC000;
	s0 =	simm.s32 @p2 $0x80;
	p0 =	por @!p4 p1, p1  }
0x142: {  	[spmem:s2] =	stream.indirect.scatter.add.f32 @p2 [tilespmem:s1], [sflag:$0xB], $0x80, s16, s0, $0xb8;
	[tilespmem:$0x1FE80] =	vst v63  }
0x143: {  	s0 =	simm.s32 @p0 $0x9  }
0x144: {  	_ =	swait.ge @p0 [sflag:s0], $0x4000  }
0x145: {  	s18 =	sadd.s32 $0x1, s18;
	s1 =	simm.s32 @p0 $0x80;
	[sflag:s0] =	ssyncset.done @p0 $0x0  }
0x146: {  	s16 =	simm.s32 @p0 $0x580;
	s17 =	simm.s32 @p0 $0x8600;
	[sflag:s0] =	ssyncadd.s32 @p0 $0xFFFFC000  }
0x147: {  	[spmem:s2] =	stream.indirect.scatter.add.f32 @p0 [tilespmem:s17], [sflag:$0xC], $0x80, s16, s1, $0xb8;
	[tilespmem:$0x1FE80] =	vst v63  }
0x148: {  	p0 =	sne.s32 s18, s11  }
.Ltmp1:
0x149: {  	[bflag:$0x0] =	sbarrier.arrive $0xFFFF;
	(pc) =	sbr.rel @p0 .LBB2_1-.Ltmp1, $4  }
0x14a: {  	[hbm:s12], [sflag:s8] =	dma.local [spmem:s14], $0x2780  }
0x14b: {  	_ =	swait.ge [sflag:s15], $0x2780  }
0x14c: {  	[sflag:s15] =	ssyncset.done $0x0  }
0x14d: {  	[sflag:s15] =	ssyncadd.s32 $0xFFFFD880  }
0x14e: {  	_ =	sfence.sel $0x180000  }
0x14f: {  	[bflag:$0x0] =	sbarrier.arrive $0xFFFF  }
0x150: {  	_ =	strace $0x9000004A  }
0x151: {  	s0 =	stileid.u32;
	[bflag:$0x2] =	sbarrier.arrive $0xFFFF  }
0x152: {  	p0 =	sne.s32 s0, $0x0;
	s0 =	rddreg [dreg:$0x3]  }
0x153: {  	s0 =	sadd.s32 @!p0 $0x100000, s0  }
0x154: {  	[sflag:s0] =	ssyncadd.tile.s32 @!p0 $0x1;
	_ =	shalt  }
.Lfunc_end2:
_tile_overlayer_lowered:
.L_overlay_start_2:
0x155: {  	(tag) =	ssettag $0x2  }
0x156: {  	s0 =	rddreg [dreg:$0x0];
	s2 =	stileid.u32  }
0x157: {  	s1 =	rddreg [dreg:$0x1];
	p0 =	sne.s32 s2, $0x0  }
0x158: {  	s3 =	rddreg [dreg:$0x2];
	[bflag:$0x3] =	sbarrier.arrive $0xFFFF;
	s2 =	simm.s32 @!p0 $0x1C0D  }
0x159: {  	[timem:s3], [sflag:s2] =	dma.local @!p0 [hbm:s0], s1  }
0x15a: {  	s0 =	simm.s32 @!p0 $0xD  }
0x15b: {  	_ =	swait.ge @!p0 [sflag:s0], s1  }
0x15c: {  	s1 =	ssub.s32 @!p0 $0x0, s1;
	[sflag:s0] =	ssyncset.done @!p0 $0x0  }
0x15d: {  	[sflag:s0] =	ssyncadd.s32 @!p0 s1  }
0x15e: {  	[bflag:$0x3] =	sbarrier.arrive $0xFFFF  }
0x15f: {  	_ =	shalt  }

// kernel: kernel.15.cloned.1.call-start
scs
__scs_entry_jumppad:
0x0: {  	(pc) =	sbr.rel $0x88, $3  }
0x1: {  	(tag) =	ssettag $0x0;
	lr =	simm.s32 $0x1  }
0x2: {  	[smem:$0x3F91] =	sst lr;
	_ =	strace $0xD0000000  }
0x3: {  	_ = 	snop  }
0x4: {  	_ = 	snop  }
0x5: {  	_ = 	snop  }
0x6: {  	_ = 	snop  }
0x7: {  	_ = 	snop  }
__scs_overlays_trampoline_lowered:
0x8: {  	[smem:$0x3FA0] =	sst s0  }
0x9: {  	[smem:$0x3FA1] =	sst s1  }
0xa: {  	[smem:$0x3FA2] =	sst s2  }
0xb: {  	[smem:$0x3FA3] =	sst s3  }
0xc: {  	[smem:$0x3FA4] =	sst s4  }
0xd: {  	[smem:$0x3FA5] =	sst s5  }
0xe: {  	[smem:$0x3FA6] =	sst s6  }
0xf: {  	[smem:$0x3FA7] =	sst s7  }
0x10: {  	[smem:$0x3FA8] =	sst s8  }
0x11: {  	[smem:$0x3FA9] =	sst s9;
	s0 =	simm.s32 @!p0 $0x0  }
0x12: {  	s1 =	sld [smem:$0x3F8F];
	s0 =	simm.s32 @p0 $0x1  }
0x13: {  	[smem:$0x3FAA] =	sst s0;
	s0 =	simm.s32 @!p1 $0x0  }
0x14: {  	s2 =	sld [smem:$0x3F8E];
	s0 =	simm.s32 @p1 $0x1  }
0x15: {  	[smem:$0x3FAB] =	sst s0;
	s0 =	simm.s32 @!p2 $0x0  }
0x16: {  	s3 =	sld [smem:$0x3FDB];
	s0 =	simm.s32 @p2 $0x1  }
0x17: {  	s4 =	simm.s32 $0x1BF5;
	[smem:$0x3FAD] =	sst s0  }
0x18: {  	s0 =	sld [smem:$0x3F90];
	_ =	swait.ge [sflag:s4], $0x0  }
0x19: {  	s7 =	sld [smem:$0x3F91]  }
0x1a: {  	s8 =	sadd.s32 $0xFFFFE003, lr  }
0x1b: {  	s9 =	sadd.s32 $0xFFFFFEF7, lr;
	s5 =	simm.s32 $0xFFFFFFFF;
	p2 =	slt.u32 s8, $0xFFFFF086  }
0x1c: {  	p1 =	slt.u32 s9, $0xF7A;
	s5 =	simm.s32 @!p2 $0x0  }
0x1d: {  	s5 =	simm.s32 @p1 $0x1;
	p0 =	seq.s32 s7, s2  }
0x1e: {  	s7 =	smul.u32 @!p0 $0xF7A, s2;
	p2 =	seq.s32 @!p0 s5, $0x0  }
0x1f: {  	s9 =	smul.u32 $0xF7A, s1;
	s8 =	simm.s32 @!p0 $0x1BF5;
	p2 =	por !p2, p0  }
0x20: {  	[sflag:s8] =	ssyncset.s32 @!p0 $0xFFFFF086;
	s6 =	sadd.s32 @!p0 s3, s7;
	s7 =	simm.s32 @!p0 $0x108  }
0x21: {  	s3 =	sadd.s32 s3, s9;
	s6 =	sadd.s32 @!p0 $0x88, s6;
	s7 =	simm.s32 @p2 $0x1082  }
0x22: {  	[simem:s7], [sflag:s8] =	dma.local @!p0 [hbm:s6], $0xF7A  }
0x23: {  	s9 =	sor.u32 $0xD0000000, s2;
	s6 =	simm.s32 $0x108;
	_ =	swait.ge @!p0 [sflag:s8], $0x0  }
0x24: {  	s3 =	sadd.s32 $0x88, s3;
	s6 =	simm.s32 @!p1 $0x1082;
	[sflag:s4] =	ssyncset.s32 $0xFFFFF086  }
0x25: {  	[simem:s6], [sflag:s4] =	dma.local [hbm:s3], $0xF7A  }
0x26: {  	[smem:$0x3F91] =	sst s1;
	(tag) =	ssettag s2;
	_ =	strace s9  }
0x27: {  	s1 =	sld [smem:$0x3FA1]  }
0x28: {  	s2 =	sld [smem:$0x3FA2]  }
0x29: {  	s4 =	sld [smem:$0x3FA4]  }
0x2a: {  	p0 =	seq.s32 s5, $0x0;
	s5 =	sld [smem:$0x3FA5]  }
0x2b: {  	s6 =	sld [smem:$0x3FA6]  }
0x2c: {  	s7 =	sld [smem:$0x3FA7]  }
0x2d: {  	s3 =	simm.s32 $0x108;
	s8 =	sld [smem:$0x3FA8]  }
0x2e: {  	s3 =	simm.s32 @!p0 $0x1082;
	s9 =	sld [smem:$0x3FA9]  }
0x2f: {  	lr =	sadd.s32 s0, s3;
	s0 =	sld [smem:$0x3FA0]  }
0x30: {  	s3 =	sld [smem:$0x3FA3]  }
0x31: {  	[smem:$0x3FAC] =	sst s10  }
0x32: {  	s10 =	sld [smem:$0x3FAA];
	_ =	sdelay $0x3  }
0x33: {  	p0 =	seq.s32 s10, $0x1;
	s10 =	sld [smem:$0x3FAC];
	_ =	sdelay $0x3  }
0x34: {  	[smem:$0x3FAC] =	sst s10  }
0x35: {  	s10 =	sld [smem:$0x3FAB];
	_ =	sdelay $0x3  }
0x36: {  	p1 =	seq.s32 s10, $0x1;
	s10 =	sld [smem:$0x3FAC];
	_ =	sdelay $0x3  }
0x37: {  	[smem:$0x3FAC] =	sst s10  }
0x38: {  	s10 =	sld [smem:$0x3FAD]  }
0x39: {  	_ = 	snop;
	(pc) =	sbr.ind lr, $3  }
0x3a: {  	_ = 	snop  }
0x3b: {  	_ = 	snop  }
0x3c: {  	p2 =	seq.s32 s10, $0x1;
	s10 =	sld [smem:$0x3FAC]  }
0x3d: {  	_ =	shalt  }
0x3e: {  	_ =	shalt  }
0x3f: {  	_ =	shalt  }
0x40: {  	_ =	shalt  }
0x41: {  	_ =	shalt  }
0x42: {  	_ =	shalt  }
0x43: {  	_ =	shalt  }
0x44: {  	_ =	shalt  }
0x45: {  	_ =	shalt  }
0x46: {  	_ =	shalt  }
0x47: {  	_ =	shalt  }
0x48: {  	_ =	shalt  }
0x49: {  	_ =	shalt  }
0x4a: {  	_ =	shalt  }
0x4b: {  	_ =	shalt  }
0x4c: {  	_ =	shalt  }
0x4d: {  	_ =	shalt  }
0x4e: {  	_ =	shalt  }
0x4f: {  	_ =	shalt  }
0x50: {  	_ =	shalt  }
0x51: {  	_ =	shalt  }
0x52: {  	_ =	shalt  }
0x53: {  	_ =	shalt  }
0x54: {  	_ =	shalt  }
0x55: {  	_ =	shalt  }
0x56: {  	_ =	shalt  }
0x57: {  	_ =	shalt  }
0x58: {  	_ =	shalt  }
0x59: {  	_ =	shalt  }
0x5a: {  	_ =	shalt  }
0x5b: {  	_ =	shalt  }
0x5c: {  	_ =	shalt  }
0x5d: {  	_ =	shalt  }
0x5e: {  	_ =	shalt  }
0x5f: {  	_ =	shalt  }
0x60: {  	_ =	shalt  }
0x61: {  	_ =	shalt  }
0x62: {  	_ =	shalt  }
0x63: {  	_ =	shalt  }
0x64: {  	_ =	shalt  }
0x65: {  	_ =	shalt  }
0x66: {  	_ =	shalt  }
0x67: {  	_ =	shalt  }
0x68: {  	_ =	shalt  }
0x69: {  	_ =	shalt  }
0x6a: {  	_ =	shalt  }
0x6b: {  	_ =	shalt  }
0x6c: {  	_ =	shalt  }
0x6d: {  	_ =	shalt  }
0x6e: {  	_ =	shalt  }
0x6f: {  	_ =	shalt  }
0x70: {  	_ =	shalt  }
0x71: {  	_ =	shalt  }
0x72: {  	_ =	shalt  }
0x73: {  	_ =	shalt  }
0x74: {  	_ =	shalt  }
0x75: {  	_ =	shalt  }
0x76: {  	_ =	shalt  }
0x77: {  	_ =	shalt  }
0x78: {  	_ =	shalt  }
0x79: {  	_ =	shalt  }
0x7a: {  	_ =	shalt  }
0x7b: {  	_ =	shalt  }
0x7c: {  	_ =	shalt  }
0x7d: {  	_ =	shalt  }
0x7e: {  	_ =	shalt  }
0x7f: {  	_ =	shalt  }
0x80: {  	_ =	shalt  }
0x81: {  	_ =	shalt  }
0x82: {  	_ =	shalt  }
0x83: {  	_ =	shalt  }
0x84: {  	_ =	shalt  }
0x85: {  	_ =	shalt  }
0x86: {  	_ =	shalt  }
0x87: {  	_ =	shalt  }
.Lfunc_end0:
.L_simem_size_0:
called_computation.2_lowered:
.L_overlay_start_0:
0x88: {  	s2 =	sld [smem:$0x3FD9]  }
0x89: {  	s3 =	sld [smem:$0x3FFE];
	_ =	sdelay $0x1  }
0x8a: {  	s1 =	srdreg.scid  }
0x8b: {  	s0 =	sand.u32 $0x1, s1  }
0x8c: {  	s17 =	sshll.u32 s0, $0xA;
	s2 =	sadd.s32 s3, s2  }
0x8d: {  	s2 =	sadd.s32 s2, s17  }
0x8e: {  	[smem:$0x3FB8] =	sst s2  }
0x8f: {  	_ = 	snop  }
0x90: {  	s2 =	sld [smem:$0x3FC8];
	(tm) =	ssettm $0x1  }
0x91: {  	s18 =	sld [smem:$0x3FFB];
	_ =	sdelay $0x3  }
0x92: {  	_ =	strace s18  }
0x93: {  	s3 =	sld [smem:$0x3FFC];
	_ =	sdelay $0x3  }
0x94: {  	_ =	strace s3  }
0x95: {  	s3 =	sld [smem:$0x3FFD];
	_ =	sdelay $0x3  }
0x96: {  	_ =	strace s3  }
0x97: {  	_ =	strace $0x8FFFFFFF  }
0x98: {  	s19 =	sld [smem:$0x3FDB];
	_ =	sdelay $0x1  }
0x99: {  	s4 =	simm.s32 $_scs_section_size  }
0x9a: {  	s5 =	simm.s32 $_size__tile_overlayer_lowered;
	s6 =	simm.s32 $_tile_overlayer_lowered  }
0x9b: {  	s22 =	simm.s32 $0x1BFF;
	s21 =	sshll.u32 s6, $0x1;
	s3 =	sadd.s32 s4, s19  }
0x9c: {  	s7 =	simm.s32 $0x0;
	s20 =	sshll.u32 s5, $0x1;
	s5 =	sadd.s32 s21, s3  }
0x9d: {  	[timem:s7], [sflag:s22] =	dma.local [hbm:s5], s20  }
0x9e: {  	_ =	swait.ge [sflag:s22], s20  }
0x9f: {  	s4 =	ssub.s32 $0x0, s20;
	[sflag:s22] =	ssyncset.done $0x0  }
0xa0: {  	[sflag:s22] =	ssyncadd.s32 s4;
	_ =	sdelay $0x1  }
0xa1: {  	s23 =	simm.s32 $0x1B8B  }
0xa2: {  	_ =	swait.ge [sflag:s23], $0x1  }
0xa3: {  	[sflag:s23] =	ssyncset.done $0x0  }
0xa4: {  	s25 =	simm.s32 $0x1B8E;
	s24 =	sld [smem:$0x3FFE];
	[sflag:s23] =	ssyncadd.s32 $0xFFFFFFFF  }
0xa5: {  	s26 =	simm.s32 $execute0_lowered;
	[smem:$0x3FD2] =	sst s25  }
0xa6: {  	s5 =	sshll.u32 s26, $0x1;
	_ =	strace $0x8000004C;
	[dreg:$0x1] =	wrdreg $0xFFFFFFFF  }
0xa7: {  	s28 =	simm.s32 $_size_execute0_lowered;
	s3 =	sadd.s32 s3, s5;
	[dreg:$0x0] =	wrdreg $0x0  }
0xa8: {  	s5 =	sshll.u32 s28, $0x1;
	[dreg:$0x2] =	wrdreg s3  }
0xa9: {  	[dreg:$0x3] =	wrdreg s5  }
0xaa: {  	[dreg:$0x4] =	wrdreg $0xC0  }
0xab: {  	_ =	task [dreg:s7], $0x5FFFF  }
0xac: {  	[dreg:$0x1] =	wrdreg $0xFFFFFFFF  }
0xad: {  	[dreg:$0x0] =	wrdreg $0x60  }
0xae: {  	[dreg:$0x2] =	wrdreg s24  }
0xaf: {  	[dreg:$0x3] =	wrdreg s2  }
0xb0: {  	[dreg:$0x4] =	wrdreg $0xC6000  }
0xb1: {  	[dreg:$0x5] =	wrdreg $0x9  }
0xb2: {  	_ =	task.clear_ibuf [dreg:s7], $0x6FFFF;
	_ =	strace $0x9000004C  }
0xb3: {  	s29 =	simm.s32 $0x9;
	_ =	strace $0x8000004E  }
0xb4: {  	_ =	swait.ge [sflag:s29], $0x1  }
0xb5: {  	[sflag:s29] =	ssyncadd.s32 $0xFFFFFFFF  }
0xb6: {  	_ =	strace $0x9000004E  }
0xb7: {  	_ =	sfence  }
0xb8: {  	s30 =	sld [smem:$0x0];
	_ =	sdelay $0x2  }
0xb9: {  	s31 =	sshll.u32 s1, $0xD;
	s1 =	sshrl.u32 s1, $0x2  }
0xba: {  	s3 =	sand.u32 $0x4000, s31;
	s1 =	sadd.s32 s1, s30  }
0xbb: {  	s0 =	sor.u32 s3, s0;
	s1 =	sshll.u32 s1, $0x11  }
0xbc: {  	s0 =	sor.u32 s1, s0  }
0xbd: {  	s0 =	sadd.s32 $0x8F2B, s0  }
0xbe: {  	[sflag:s0] =	ssyncadd.remote.s32 $0x1  }
0xbf: {  	_ =	sfence.sel $0xFFFF  }
0xc0: {  	[dreg:$0x0] =	wrdreg $0xFFFFFFFF;
	(pc) =	sbr.abs _section_cstart, $3  }
0xc1: {  	[dreg:$0x1] =	wrdreg $0xFFFFFFFF  }
0xc2: {  	_ =	task.clear_ibuf [dreg:s7], $0x2FFFF;
	_ =	strace $0x9FFFFFFF  }
0xc3: {  	(tm) =	ssettm $0x7FFFFFFF  }
tec
execute0_lowered:
.L_overlay_start_1:
0x0: {  	(tag) =	ssettag $0x1  }
0x1: {  	s0 =	rddreg [dreg:$0x0]  }
0x2: {  	s12 =	rddreg [dreg:$0x1]  }
0x3: {  	s2 =	rddreg [dreg:$0x2]  }
0x4: {  	s3 =	simm.s32 $0x0;
	s4 =	srdreg.scid;
	s1 =	stileid.u32  }
0x5: {  	s17 =	simm.s32 $0x79600;
	s18 =	simm.s32 $0x0;
	[smem:$0x7FF] =	sst s3  }
0x6: {  	s13 =	sand.u32 $0x1, s4;
	s5 =	smul.u32 $0x278, s1;
	s4 =	sadd.s32 $0x4000, s0  }
0x7: {  	s26 =	sshll.u32 s1, $0x1;
	s16 =	sshll.u32 s1, $0x6;
	s6 =	ssub.s32 $0x2, s13  }
0x8: {  	_ =	strace $0x8000004D;
	p0 =	seq.s32 s13, $0x1;
	s7 =	sshrl.u32 s6, $0x1  }
0x9: {  	s8 =	smin.u32 s5, $0x2498;
	s5 =	sor.u32 s13, s26;
	s17 =	simm.s32 @!p0 $0x52400  }
0xa: {  	s13 =	sshll.u32 s13, $0x5;
	s11 =	ssub.s32 s6, s7;
	s28 =	sshll.u32 s8, $0x7  }
0xb: {  	s15 =	sshll.u32 s8, $0x4;
	s29 =	sshll.u32 s5, $0x5;
	s8 =	sor.u32 $0x1C0D, s16  }
0xc: {  	s0 =	sadd.s32 s17, s0;
	s30 =	ssub.s32 $0x984, s5;
	s16 =	sadd.s32 s16, s12  }
0xd: {  	s14 =	sadd.s32 s28, s2;
	s6 =	sadd.s32 s4, s15;
	s7 =	sadd.s32 s12, s29  }
0xe: {  	s11 =	smax.u32 s11, $0x1;
	[dreg:$0x4] =	wrdreg s30;
	s12 =	sadd.s32 s0, s15  }
0xf: {  	s31 =	sadd.s32 s13, s16;
	s15 =	simm.s32 $0xD;
	s9 =	sadd.s32 $0x400, s7  }
0x10: {  	s10 =	sadd.s32 $0x800, s7;
	s13 =	sadd.s32 $0x2000, s31;
	s14 =	sshrl.u32 s14, $0x3  }
.LBB2_1:
0x11: {  	[spmem:s14], [sflag:s8] =	dma.local [hbm:s6], $0x2780  }
0x12: {  	_ =	swait.ge [sflag:s15], $0x2780  }
0x13: {  	[sflag:s15] =	ssyncset.done $0x0  }
0x14: {  	[sflag:s15] =	ssyncadd.s32 $0xFFFFD880  }
0x15: {  	[bflag:$0x0] =	sbarrier.arrive $0xFFFF  }
0x16: {  	[tilespmem:s3], [sflag:$0x1] =	stream.linear.gather [hbm4b:s7+s3], $0x100, $0x38;
	[tilespmem:$0x1FE80] =	vst v63  }
0x17: {  	s0 =	simm.s32 $0x100;
	p2 =	por $0x1, $0x1  }
0x18: {  	[tilespmem:s0], [sflag:$0x2] =	stream.linear.gather [hbm4b:s9+s3], $0x100, $0x38;
	[tilespmem:$0x1FE80] =	vst v63  }
0x19: {  	s29 =	simm.s32 $0x200;
	s0 =	simm.s32 @!p2 $0xA  }
0x1a: {  	[tilespmem:s29], [sflag:$0x3] =	stream.linear.gather [hbm4b:s10+s3], $0x100, $0x38;
	[tilespmem:$0x1FE80] =	vst v63  }
0x1b: {  	s21 =	sadd.s32 $0x0, s5;
	_ =	swait.ge @!p2 [sflag:s0], $0x4000  }
0x1c: {  	p1 =	sgt.u32 s21, $0x9C3;
	[sflag:s0] =	ssyncset.done @!p2 $0x0  }
0x1d: {  	[sflag:s0] =	ssyncadd.s32 @!p2 $0xFFFFC000;
	s0 =	simm.s32 @!p1 $0x1  }
0x1e: {  	s25 =	sadd.s32 $0x60, s21;
	s20 =	simm.s32 @!p2 $0xB;
	_ =	swait.ge @!p1 [sflag:s0], $0x100  }
0x1f: {  	s19 =	simm.s32 @!p1 $0x0;
	s23 =	simm.s32 @!p1 $0x80;
	[sflag:s0] =	ssyncset.done @!p1 $0x0  }
0x20: {  	p0 =	sgt.u32 s25, $0x9C3;
	[sflag:s0] =	ssyncadd.s32 @!p1 $0xFFFFFF00;
	s0 =	simm.s32 @!p1 $0x600  }
0x21: {  	[tilespmem:s0], [sflag:$0x7] =	stream.indirect.gather @!p1 [hbm4b:s4+s23], $0x80, s19, s23, $0xb8;
	[tilespmem:$0x1FE80] =	vst v63  }
0x22: {  	s22 =	simm.s32 @!p0 $0x0;
	s24 =	simm.s32 @!p0 $0x300;
	s19 =	sadd.s32 @!p0 $0xFFFFEC00, s13  }
0x23: {  	[tilespmem:s24], [sflag:$0x4] =	stream.linear.gather @!p0 [hbm4b:s19+s22], $0x100, $0x38;
	[tilespmem:$0x1FE80] =	vst v63  }
0x24: {  	_ =	swait.ge @!p2 [sflag:s20], $0x4000  }
0x25: {  	p0 =	sgt.u32 s21, $0x9A3;
	[sflag:s20] =	ssyncset.done @!p2 $0x0  }
0x26: {  	s19 =	sadd.s32 $0x80, s21;
	s22 =	simm.s32 @!p0 $0x2;
	[sflag:s20] =	ssyncadd.s32 @!p2 $0xFFFFC000  }
0x27: {  	p3 =	sgt.u32 s19, $0x9C3;
	_ =	swait.ge @!p0 [sflag:s22], $0x100  }
0x28: {  	s26 =	simm.s32 @!p0 $0x4600;
	s24 =	simm.s32 @!p3 $0x400;
	[sflag:s22] =	ssyncset.done @!p0 $0x0  }
0x29: {  	s20 =	simm.s32 @!p0 $0x80;
	[sflag:s22] =	ssyncadd.s32 @!p0 $0xFFFFFF00;
	s22 =	simm.s32 @!p0 $0x100  }
0x2a: {  	[tilespmem:s26], [sflag:$0x8] =	stream.indirect.gather @!p0 [hbm4b:s4+s20], $0x80, s22, s20, $0xb8;
	[tilespmem:$0x1FE80] =	vst v63  }
0x2b: {  	s20 =	sadd.s32 @!p3 $0xFFFFF000, s13;
	s22 =	simm.s32 @!p3 $0x0;
	s26 =	simm.s32 @!p2 $0xC  }
0x2c: {  	[tilespmem:s24], [sflag:$0x5] =	stream.linear.gather @!p3 [hbm4b:s20+s22], $0x100, $0x38;
	[tilespmem:$0x1FE80] =	vst v63  }
0x2d: {  	_ =	swait.ge @!p2 [sflag:s26], $0x4000  }
0x2e: {  	s16 =	sadd.s32 $0xE0, s21;
	s17 =	sadd.s32 $0xC0, s21;
	s1 =	rddreg [dreg:$0x4]  }
0x2f: {  	s30 =	simm.s32 @!p1 $0x7;
	[sflag:s26] =	ssyncset.done @!p2 $0x0;
	p0 =	sle.u32 s1, $0x0  }
0x30: {  	p4 =	sgt.u32 s25, $0xA23;
	[sflag:s26] =	ssyncadd.s32 @!p2 $0xFFFFC000;
	s20 =	simm.s32 @!p0 $0x3  }
0x31: {  	p5 =	sgt.u32 s17, $0x9C3;
	s24 =	sadd.s32 $0xA0, s21;
	_ =	swait.ge @!p0 [sflag:s20], $0x100  }
0x32: {  	p2 =	sgt.u32 s24, $0x9C3;
	s26 =	simm.s32 @!p0 $0x8600;
	[sflag:s20] =	ssyncset.done @!p0 $0x0  }
0x33: {  	s28 =	simm.s32 @!p0 $0x80;
	[sflag:s20] =	ssyncadd.s32 @!p0 $0xFFFFFF00;
	s20 =	simm.s32 @!p0 $0x200  }
0x34: {  	[tilespmem:s26], [sflag:$0x9] =	stream.indirect.gather @!p0 [hbm4b:s4+s28], $0x80, s20, s28, $0xb8;
	[tilespmem:$0x1FE80] =	vst v63  }
0x35: {  	s22 =	simm.s32 @!p2 $0x500;
	s29 =	sadd.s32 @!p2 $0xFFFFF400, s13;
	s20 =	simm.s32 @!p2 $0x0  }
0x36: {  	[tilespmem:s22], [sflag:$0x6] =	stream.linear.gather @!p2 [hbm4b:s29+s20], $0x100, $0x38;
	[tilespmem:$0x1FE80] =	vst v63  }
0x37: {  	s20 =	simm.s32 $0xC0;
	p2 =	sgt.u32 @!p1 s21, $0x9A3;
	_ =	swait.ge @!p1 [sflag:s30], $0x4000  }
0x38: {  	s22 =	simm.s32 $0x180;
	p2 =	por p2, p1;
	[sflag:s30] =	ssyncset.done @!p1 $0x0  }
0x39: {  	s29 =	simm.s32 @!p2 $0x8;
	[sflag:s30] =	ssyncadd.s32 @!p1 $0xFFFFC000;
	s30 =	simm.s32 @!p4 $0xA  }
0x3a: {  	[spmem:s2] =	stream.indirect.scatter.add.f32 @!p1 [tilespmem:s0], [sflag:$0xA], $0x80, s23, s23, $0xb8;
	[tilespmem:$0x1FE80] =	vst v63  }
0x3b: {  	p1 =	sgt.u32 @!p4 s25, $0x9C3;
	s23 =	simm.s32 @!p2 $0x4600;
	_ =	swait.ge @!p2 [sflag:s29], $0x4000  }
0x3c: {  	s25 =	simm.s32 @!p2 $0x180;
	p3 =	por !p1, p4;
	[sflag:s29] =	ssyncset.done @!p2 $0x0  }
0x3d: {  	p6 =	por p1, p4;
	[sflag:s29] =	ssyncadd.s32 @!p2 $0xFFFFC000;
	s29 =	simm.s32 @!p2 $0x80  }
0x3e: {  	[spmem:s2] =	stream.indirect.scatter.add.f32 @!p2 [tilespmem:s23], [sflag:$0xB], $0x80, s25, s29, $0xb8;
	[tilespmem:$0x1FE80] =	vst v63  }
0x3f: {  	p1 =	por @!p4 $0x0, $0x0;
	s31 =	simm.s32 @!p6 $0x300;
	s25 =	simm.s32 @!p0 $0x9  }
0x40: {  	p2 =	por @!p6 $0x1, $0x1;
	s29 =	simm.s32 @!p6 $0x4;
	s23 =	smov.u32 s13  }
0x41: {  	_ =	swait.ge @!p0 [sflag:s25], $0x4000;
	p2 =	por @!p3 p1, p1;
	p1 =	sgt.u32 s16, $0x9C3  }
0x42: {  	p3 =	sgt.u32 s24, $0xA23;
	s1 =	simm.s32 @!p2 $0x0;
	[sflag:s25] =	ssyncset.done @!p0 $0x0  }
0x43: {  	s0 =	simm.s32 @!p1 $0x0;
	s1 =	simm.s32 @p2 $0x1;
	[sflag:s25] =	ssyncadd.s32 @!p0 $0xFFFFC000  }
0x44: {  	s25 =	simm.s32 @!p0 $0x280;
	p2 =	sgt.u32 s19, $0xA23;
	s0 =	simm.s32 @p1 $0x1  }
0x45: {  	[spmem:s2] =	stream.indirect.scatter.add.f32 @!p0 [tilespmem:s26], [sflag:$0xC], $0x80, s25, s28, $0xb8;
	[tilespmem:$0x1FE80] =	vst v63  }
0x46: {  	[smem:$0x7FA] =	sst s1;
	p0 =	sgt.u32 @!p2 s19, $0x9C3;
	s25 =	simm.s32 @!p1 $0x100  }
0x47: {  	s26 =	sadd.s32 @!p5 $0xFFFFF800, s13;
	s28 =	simm.s32 @!p5 $0x0;
	_ =	swait.ge @!p4 [sflag:s30], $0x4000  }
0x48: {  	s19 =	sadd.s32 $0x1800, s13;
	[smem:$0x7FB] =	sst s0;
	s0 =	simm.s32 @!p4 $0x0  }
0x49: {  	p1 =	por p0, p2;
	[sflag:s30] =	ssyncset.done @!p4 $0x0;
	s0 =	simm.s32 @p4 $0x1  }
0x4a: {  	p0 =	por !p0, p2;
	[sflag:s30] =	ssyncadd.s32 @!p4 $0xFFFFC000;
	[smem:$0x7FC] =	sst s0  }
0x4b: {  	s1 =	simm.s32 @!p0 $0x0;
	s30 =	simm.s32 @!p6 $0x80;
	_ =	swait.ge @!p6 [sflag:s29], $0x100  }
0x4c: {  	s1 =	simm.s32 @p0 $0x1;
	p4 =	sgt.u32 @!p3 s24, $0x9C3;
	[sflag:s29] =	ssyncset.done @!p6 $0x0  }
0x4d: {  	s0 =	simm.s32 @!p6 $0x600;
	[smem:$0x7FD] =	sst s1;
	[sflag:s29] =	ssyncadd.s32 @!p6 $0xFFFFFF00  }
.LBB2_2:
0x4e: {  	[tilespmem:s0], [sflag:$0x7] =	stream.indirect.gather @!p6 [hbm4b:s4+s30], $0x80, s31, s30, $0xb8;
	[tilespmem:$0x1FE80] =	vst v63  }
0x4f: {  	p0 =	por @!p2 $0x0, $0x0  }
0x50: {  	s24 =	smov.u32 s22;
	s1 =	simm.s32 @!p0 $0x0  }
0x51: {  	s0 =	simm.s32 @!p2 $0xB;
	p6 =	por p2, p2;
	s1 =	simm.s32 @p0 $0x1  }
0x52: {  	[tilespmem:s28], [sflag:$0x1] =	stream.linear.gather @!p5 [hbm4b:s26+s28], $0x100, $0x38;
	[tilespmem:$0x1FE80] =	vst v63  }
0x53: {  	s21 =	sadd.s32 $0x100, s21;
	p0 =	por p4, p3;
	[smem:$0x7F3] =	sst s1  }
0x54: {  	s1 =	simm.s32 @!p2 $0x0;
	p5 =	por @!p0 $0x1, $0x1;
	_ =	swait.ge @!p2 [sflag:s0], $0x4000  }
0x55: {  	s1 =	simm.s32 @p2 $0x1;
	p2 =	por !p4, p3;
	p4 =	por @!p3 $0x0, $0x0  }
0x56: {  	s26 =	simm.s32 @!p1 $0x5;
	[sflag:s0] =	ssyncset.done @!p6 $0x0;
	p5 =	por @!p2 p4, p4  }
0x57: {  	[smem:$0x7F4] =	sst s1;
	[sflag:s0] =	ssyncadd.s32 @!p6 $0xFFFFC000;
	s1 =	simm.s32 @!p5 $0x0  }
0x58: {  	s22 =	sadd.s32 $0xC0, s22;
	_ =	swait.ge @!p1 [sflag:s26], $0x100;
	s1 =	simm.s32 @p5 $0x1  }
0x59: {  	s28 =	simm.s32 @!p1 $0x400;
	s30 =	simm.s32 @!p0 $0x8600;
	[smem:$0x7F5] =	sst s1  }
0x5a: {  	s0 =	simm.s32 @!p1 $0x80;
	p6 =	por @!p1 $0x1, $0x1;
	s16 =	sld [smem:$0x7FD]  }
0x5b: {  	p5 =	por p3, p3;
	[sflag:s26] =	ssyncset.done @!p1 $0x0;
	s17 =	sld [smem:$0x7F3]  }
0x5c: {  	s29 =	sld [smem:$0x7FB];
	[sflag:s26] =	ssyncadd.s32 @!p1 $0xFFFFFF00;
	s26 =	simm.s32 @!p1 $0x4600  }
0x5d: {  	[tilespmem:s26], [sflag:$0x8] =	stream.indirect.gather @!p1 [hbm4b:s4+s0], $0x80, s28, s0, $0xb8;
	[tilespmem:$0x1FE80] =	vst v63  }
0x5e: {  	p1 =	por $0x0, $0x0;
	s26 =	simm.s32 @!p5 $0xC;
	p2 =	seq.s32 s16, $0x1  }
0x5f: {  	p4 =	seq.s32 s17, $0x1;
	p3 =	seq.s32 s29, $0x1;
	s16 =	sld [smem:$0x7FC]  }
0x60: {  	s17 =	sld [smem:$0x7FA];
	s29 =	sadd.s32 @!p3 $0xFFFFFC00, s23;
	s0 =	simm.s32 @!p3 $0x0  }
0x61: {  	[tilespmem:s25], [sflag:$0x2] =	stream.linear.gather @!p3 [hbm4b:s29+s0], $0x100, $0x38;
	[tilespmem:$0x1FE80] =	vst v63  }
0x62: {  	p6 =	por @!p2 p4, p4;
	s0 =	simm.s32 @!p0 $0x6;
	_ =	swait.ge @!p5 [sflag:s26], $0x4000  }
0x63: {  	s25 =	simm.s32 @!p0 $0x80;
	s29 =	simm.s32 @!p0 $0x500;
	[sflag:s26] =	ssyncset.done @!p5 $0x0  }
0x64: {  	p2 =	seq.s32 s16, $0x1;
	p4 =	seq.s32 s17, $0x1;
	[sflag:s26] =	ssyncadd.s32 @!p5 $0xFFFFC000  }
0x65: {  	p1 =	por @!p2 p4, p4;
	p2 =	sgt.u32 s21, $0x9C3;
	_ =	swait.ge @!p0 [sflag:s0], $0x100  }
0x66: {  	p4 =	sne.s32 s22, $0xA80;
	s21 =	simm.s32 @p1 $0x7;
	[sflag:s0] =	ssyncset.done @!p0 $0x0  }
0x67: {  	s26 =	simm.s32 @!p2 $0x0;
	s1 =	simm.s32 @!p4 $0x0;
	[sflag:s0] =	ssyncadd.s32 @!p0 $0xFFFFFF00  }
0x68: {  	[tilespmem:s30], [sflag:$0x9] =	stream.indirect.gather @!p0 [hbm4b:s4+s25], $0x80, s29, s25, $0xb8;
	[tilespmem:$0x1FE80] =	vst v63  }
0x69: {  	s28 =	simm.s32 @!p2 $0x200;
	s1 =	simm.s32 @p4 $0x1;
	s25 =	sld [smem:$0x7F4]  }
0x6a: {  	p4 =	por $0x0, $0x0;
	[smem:$0x7F9] =	sst s1;
	s0 =	simm.s32 @p1 $0x80  }
0x6b: {  	[tilespmem:s28], [sflag:$0x3] =	stream.linear.gather @!p2 [hbm4b:s23+s26], $0x100, $0x38;
	[tilespmem:$0x1FE80] =	vst v63  }
0x6c: {  	s23 =	simm.s32 @p1 $0x380;
	p0 =	seq.s32 s25, $0x1;
	_ =	swait.ge @p1 [sflag:s21], $0x4000  }
0x6d: {  	p4 =	por @!p0 p6, p6;
	[sflag:s21] =	ssyncset.done @p1 $0x0;
	p0 =	por $0x0, $0x0  }
0x6e: {  	s29 =	sld [smem:$0x7F5];
	s25 =	simm.s32 @p4 $0x4600;
	s26 =	simm.s32 @p4 $0x8  }
0x6f: {  	[sflag:s21] =	ssyncadd.s32 @p1 $0xFFFFC000;
	s21 =	simm.s32 @p1 $0x600;
	s28 =	simm.s32 @p4 $0x480  }
0x70: {  	[spmem:s2] =	stream.indirect.scatter.add.f32 @p1 [tilespmem:s21], [sflag:$0xA], $0x80, s23, s0, $0xb8;
	[tilespmem:$0x1FE80] =	vst v63  }
0x71: {  	s21 =	sadd.s32 s20, s5;
	p2 =	seq.s32 s29, $0x1;
	_ =	swait.ge @p4 [sflag:s26], $0x4000  }
0x72: {  	p0 =	por @!p5 p2, p2;
	[sflag:s26] =	ssyncset.done @p4 $0x0;
	p2 =	sgt.u32 s21, $0x9C3  }
0x73: {  	s0 =	simm.s32 @p0 $0x9;
	[sflag:s26] =	ssyncadd.s32 @p4 $0xFFFFC000;
	s26 =	simm.s32 @p4 $0x80  }
0x74: {  	[spmem:s2] =	stream.indirect.scatter.add.f32 @p4 [tilespmem:s25], [sflag:$0xB], $0x80, s28, s26, $0xb8;
	[tilespmem:$0x1FE80] =	vst v63  }
0x75: {  	p1 =	sgt.u32 @!p2 s21, $0x9A3;
	s25 =	simm.s32 @p0 $0x80;
	_ =	swait.ge @p0 [sflag:s0], $0x4000  }
0x76: {  	s26 =	simm.s32 @p0 $0x580;
	p4 =	seq.s32 s20, $0x0;
	[sflag:s0] =	ssyncset.done @p0 $0x0  }
0x77: {  	s28 =	simm.s32 @p0 $0x8600;
	s29 =	simm.s32 @!p4 $0xA;
	[sflag:s0] =	ssyncadd.s32 @p0 $0xFFFFC000  }
0x78: {  	[spmem:s2] =	stream.indirect.scatter.add.f32 @p0 [tilespmem:s28], [sflag:$0xC], $0x80, s26, s25, $0xb8;
	[tilespmem:$0x1FE80] =	vst v63  }
0x79: {  	s1 =	simm.s32 @!p1 $0x0;
	_ =	swait.ge @!p4 [sflag:s29], $0x4000  }
0x7a: {  	s1 =	simm.s32 @p1 $0x1;
	[sflag:s29] =	ssyncset.done @!p4 $0x0  }
0x7b: {  	s26 =	simm.s32 @!p2 $0x1;
	[smem:$0x7F7] =	sst s1;
	[sflag:s29] =	ssyncadd.s32 @!p4 $0xFFFFC000  }
0x7c: {  	s30 =	simm.s32 @!p2 $0x600;
	_ =	swait.ge @!p2 [sflag:s26], $0x100  }
0x7d: {  	s0 =	simm.s32 @!p2 $0x0;
	s29 =	sadd.s32 $0x60, s21;
	[sflag:s26] =	ssyncset.done @!p2 $0x0  }
0x7e: {  	s28 =	simm.s32 @!p2 $0x80;
	p1 =	sgt.u32 s29, $0x9C3;
	[sflag:s26] =	ssyncadd.s32 @!p2 $0xFFFFFF00  }
0x7f: {  	[tilespmem:s30], [sflag:$0x7] =	stream.indirect.gather @!p2 [hbm4b:s4+s28], $0x80, s0, s28, $0xb8;
	[tilespmem:$0x1FE80] =	vst v63  }
0x80: {  	s1 =	sadd.s32 @!p1 $0xFFFFEC00, s19;
	s16 =	simm.s32 @!p1 $0x0;
	s17 =	simm.s32 @!p1 $0x300  }
0x81: {  	[tilespmem:s17], [sflag:$0x4] =	stream.linear.gather @!p1 [hbm4b:s1+s16], $0x100, $0x38;
	[tilespmem:$0x1FE80] =	vst v63  }
0x82: {  	p1 =	sgt.u32 s29, $0xA23  }
0x83: {  	p5 =	sgt.u32 @!p1 s29, $0x9C3  }
0x84: {  	s31 =	simm.s32 @!p4 $0xB;
	p3 =	por !p5, p1  }
0x85: {  	p0 =	sgt.u32 s21, $0x9A3;
	_ =	swait.ge @!p4 [sflag:s31], $0x4000;
	s17 =	simm.s32 @!p3 $0x0  }
0x86: {  	s26 =	sadd.s32 $0x80, s21;
	[sflag:s31] =	ssyncset.done @!p4 $0x0;
	s17 =	simm.s32 @p3 $0x1  }
0x87: {  	s0 =	simm.s32 @!p0 $0x2;
	[sflag:s31] =	ssyncadd.s32 @!p4 $0xFFFFC000;
	[smem:$0x7F8] =	sst s17  }
0x88: {  	p6 =	sgt.u32 s26, $0x9C3;
	_ =	swait.ge @!p0 [sflag:s0], $0x100  }
0x89: {  	s1 =	simm.s32 @!p0 $0x80;
	s16 =	simm.s32 @!p6 $0x400;
	[sflag:s0] =	ssyncset.done @!p0 $0x0  }
0x8a: {  	s17 =	simm.s32 @!p0 $0x4600;
	[sflag:s0] =	ssyncadd.s32 @!p0 $0xFFFFFF00;
	s0 =	simm.s32 @!p0 $0x100  }
0x8b: {  	[tilespmem:s17], [sflag:$0x8] =	stream.indirect.gather @!p0 [hbm4b:s4+s1], $0x80, s0, s1, $0xb8;
	[tilespmem:$0x1FE80] =	vst v63  }
0x8c: {  	s0 =	sadd.s32 @!p6 $0xFFFFF000, s19;
	s1 =	simm.s32 @!p6 $0x0;
	s17 =	simm.s32 @!p4 $0xC  }
0x8d: {  	[tilespmem:s16], [sflag:$0x5] =	stream.linear.gather @!p6 [hbm4b:s0+s1], $0x100, $0x38;
	[tilespmem:$0x1FE80] =	vst v63  }
0x8e: {  	_ =	swait.ge @!p4 [sflag:s17], $0x4000  }
0x8f: {  	s16 =	rddreg [dreg:$0x4]  }
0x90: {  	[sflag:s17] =	ssyncset.done @!p4 $0x0;
	p0 =	sge.u32 s20, s16  }
0x91: {  	[sflag:s17] =	ssyncadd.s32 @!p4 $0xFFFFC000;
	s0 =	simm.s32 @!p0 $0x3  }
0x92: {  	_ =	swait.ge @!p0 [sflag:s0], $0x100  }
0x93: {  	s20 =	smov.u32 s24;
	s16 =	simm.s32 @!p0 $0x8600;
	[sflag:s0] =	ssyncset.done @!p0 $0x0  }
0x94: {  	s24 =	simm.s32 @!p0 $0x200;
	[sflag:s0] =	ssyncadd.s32 @!p0 $0xFFFFFF00;
	s0 =	simm.s32 @!p0 $0x80  }
0x95: {  	[tilespmem:s16], [sflag:$0x9] =	stream.indirect.gather @!p0 [hbm4b:s4+s0], $0x80, s24, s0, $0xb8;
	[tilespmem:$0x1FE80] =	vst v63  }
0x96: {  	[smem:$0x7F6] =	sst s2  }
0x97: {  	s29 =	sadd.s32 $0xA0, s21;
	s2 =	sld [smem:$0x7F7]  }
0x98: {  	p4 =	sgt.u32 s29, $0x9C3  }
0x99: {  	s31 =	simm.s32 @!p2 $0x7;
	s1 =	simm.s32 @!p4 $0x500;
	s17 =	simm.s32 @!p4 $0x0  }
0x9a: {  	s24 =	sadd.s32 @!p4 $0xFFFFF400, s19;
	p6 =	seq.s32 s2, $0x1;
	s2 =	sld [smem:$0x7F6]  }
0x9b: {  	[tilespmem:s1], [sflag:$0x6] =	stream.linear.gather @!p4 [hbm4b:s24+s17], $0x100, $0x38;
	[tilespmem:$0x1FE80] =	vst v63  }
0x9c: {  	_ =	swait.ge @!p2 [sflag:s31], $0x4000  }
0x9d: {  	p3 =	por p6, p2;
	[sflag:s31] =	ssyncset.done @!p2 $0x0  }
0x9e: {  	s24 =	simm.s32 @!p3 $0x8;
	[sflag:s31] =	ssyncadd.s32 @!p2 $0xFFFFC000  }
0x9f: {  	[spmem:s2] =	stream.indirect.scatter.add.f32 @!p2 [tilespmem:s30], [sflag:$0xA], $0x80, s28, s28, $0xb8;
	[tilespmem:$0x1FE80] =	vst v63  }
0xa0: {  	p6 =	por p5, p1;
	_ =	swait.ge @!p3 [sflag:s24], $0x4000  }
0xa1: {  	s1 =	simm.s32 @!p3 $0x4600;
	[sflag:s24] =	ssyncset.done @!p3 $0x0;
	s30 =	sld [smem:$0x7F8]  }
0xa2: {  	s28 =	simm.s32 @!p3 $0x180;
	[sflag:s24] =	ssyncadd.s32 @!p3 $0xFFFFC000;
	s24 =	simm.s32 @!p3 $0x80  }
0xa3: {  	[spmem:s2] =	stream.indirect.scatter.add.f32 @!p3 [tilespmem:s1], [sflag:$0xB], $0x80, s28, s24, $0xb8;
	[tilespmem:$0x1FE80] =	vst v63  }
0xa4: {  	p4 =	por @!p6 $0x1, $0x1;
	p2 =	por @!p1 $0x0, $0x0;
	p5 =	seq.s32 s30, $0x1  }
0xa5: {  	p4 =	por @!p5 p2, p2  }
0xa6: {  	s30 =	simm.s32 @!p4 $0x0  }
0xa7: {  	s30 =	simm.s32 @p4 $0x1  }
0xa8: {  	[smem:$0x7FA] =	sst s30;
	s30 =	simm.s32 @!p0 $0x9  }
0xa9: {  	_ =	swait.ge @!p0 [sflag:s30], $0x4000  }
0xaa: {  	s25 =	sadd.s32 $0xE0, s21;
	[sflag:s30] =	ssyncset.done @!p0 $0x0  }
0xab: {  	p3 =	sgt.u32 s25, $0x9C3;
	s25 =	simm.s32 @!p0 $0x280;
	[sflag:s30] =	ssyncadd.s32 @!p0 $0xFFFFC000  }
0xac: {  	[spmem:s2] =	stream.indirect.scatter.add.f32 @!p0 [tilespmem:s16], [sflag:$0xC], $0x80, s25, s0, $0xb8;
	[tilespmem:$0x1FE80] =	vst v63  }
0xad: {  	s24 =	simm.s32 @!p1 $0xA;
	s0 =	simm.s32 @!p3 $0x0  }
0xae: {  	s1 =	simm.s32 @!p6 $0x4;
	_ =	swait.ge @!p1 [sflag:s24], $0x4000;
	s0 =	simm.s32 @p3 $0x1  }
0xaf: {  	p2 =	sgt.u32 s26, $0xA23;
	[smem:$0x7FB] =	sst s0;
	s0 =	simm.s32 @!p1 $0x0  }
0xb0: {  	p4 =	sgt.u32 @!p2 s26, $0x9C3;
	[sflag:s24] =	ssyncset.done @!p1 $0x0;
	s0 =	simm.s32 @p1 $0x1  }
0xb1: {  	s25 =	simm.s32 @!p3 $0x100;
	[sflag:s24] =	ssyncadd.s32 @!p1 $0xFFFFC000;
	[smem:$0x7FC] =	sst s0  }
0xb2: {  	p0 =	por p4, p4;
	p3 =	sgt.u32 s29, $0xA23;
	_ =	swait.ge @!p6 [sflag:s1], $0x100  }
0xb3: {  	p1 =	por p4, p2;
	p4 =	sgt.u32 @!p3 s29, $0x9C3;
	s29 =	sld [smem:$0x7F9]  }
0xb4: {  	p0 =	por !p0, p2;
	[sflag:s1] =	ssyncset.done @!p6 $0x0  }
0xb5: {  	[sflag:s1] =	ssyncadd.s32 @!p6 $0xFFFFFF00;
	s1 =	simm.s32 @!p0 $0x0  }
0xb6: {  	s1 =	simm.s32 @p0 $0x1;
	p0 =	seq.s32 s29, $0x1  }
.Ltmp0:
0xb7: {  	_ = 	snop;
	(pc) =	sbr.rel @p0 .LBB2_2-.Ltmp0, $4  }
0xb8: {  	s17 =	sadd.s32 $0xC0, s21  }
0xb9: {  	s23 =	smov.u32 s19;
	s31 =	simm.s32 @!p6 $0x300;
	p5 =	sgt.u32 s17, $0x9C3  }
0xba: {  	s28 =	simm.s32 @!p5 $0x0;
	s26 =	sadd.s32 @!p5 $0xFFFFF800, s19;
	s19 =	sadd.s32 $0x1800, s19  }
0xbb: {  	s30 =	simm.s32 @!p6 $0x80;
	s0 =	simm.s32 @!p6 $0x600;
	[smem:$0x7FD] =	sst s1  }
0xbc: {  	[tilespmem:s0], [sflag:$0x7] =	stream.indirect.gather @!p6 [hbm4b:s4+s30], $0x80, s31, s30, $0xb8;
	[tilespmem:$0x1FE80] =	vst v63  }
0xbd: {  	s0 =	simm.s32 @!p2 $0xB  }
0xbe: {  	[tilespmem:s28], [sflag:$0x1] =	stream.linear.gather @!p5 [hbm4b:s26+s28], $0x100, $0x38;
	[tilespmem:$0x1FE80] =	vst v63  }
0xbf: {  	_ =	swait.ge @!p2 [sflag:s0], $0x4000  }
0xc0: {  	[sflag:s0] =	ssyncset.done @!p2 $0x0  }
0xc1: {  	s1 =	simm.s32 @!p1 $0x5;
	[sflag:s0] =	ssyncadd.s32 @!p2 $0xFFFFC000  }
0xc2: {  	_ =	swait.ge @!p1 [sflag:s1], $0x100  }
0xc3: {  	s16 =	simm.s32 @!p1 $0x400;
	[sflag:s1] =	ssyncset.done @!p1 $0x0;
	s24 =	sld [smem:$0x7FB]  }
0xc4: {  	s0 =	simm.s32 @!p1 $0x80;
	[sflag:s1] =	ssyncadd.s32 @!p1 $0xFFFFFF00;
	s1 =	simm.s32 @!p1 $0x4600  }
0xc5: {  	[tilespmem:s1], [sflag:$0x8] =	stream.indirect.gather @!p1 [hbm4b:s4+s0], $0x80, s16, s0, $0xb8;
	[tilespmem:$0x1FE80] =	vst v63  }
0xc6: {  	p0 =	seq.s32 s24, $0x1  }
0xc7: {  	p6 =	por p2, p2;
	s0 =	sadd.s32 @!p0 $0xFFFFFC00, s23;
	s1 =	simm.s32 @!p0 $0x0  }
0xc8: {  	[tilespmem:s25], [sflag:$0x2] =	stream.linear.gather @!p0 [hbm4b:s0+s1], $0x100, $0x38;
	[tilespmem:$0x1FE80] =	vst v63  }
0xc9: {  	s29 =	sadd.s32 $0x100, s21;
	p5 =	por p4, p3;
	s0 =	simm.s32 @!p2 $0x0  }
0xca: {  	s17 =	simm.s32 @!p5 $0x500;
	s21 =	simm.s32 @!p5 $0x8600;
	s0 =	simm.s32 @p2 $0x1  }
0xcb: {  	s16 =	simm.s32 @!p5 $0x80;
	[smem:$0x7F4] =	sst s0;
	s0 =	simm.s32 @!p3 $0xC  }
0xcc: {  	p0 =	por @!p5 $0x1, $0x1;
	s1 =	simm.s32 @!p5 $0x6;
	_ =	swait.ge @!p3 [sflag:s0], $0x4000  }
0xcd: {  	p2 =	por !p4, p3;
	p4 =	por @!p3 $0x0, $0x0;
	s25 =	sld [smem:$0x7FD]  }
0xce: {  	p0 =	por @!p2 p4, p4;
	[sflag:s0] =	ssyncset.done @!p3 $0x0;
	s28 =	sld [smem:$0x7FA]  }
0xcf: {  	p4 =	por @!p1 $0x1, $0x1;
	s26 =	sld [smem:$0x7FC];
	[sflag:s0] =	ssyncadd.s32 @!p3 $0xFFFFC000  }
0xd0: {  	p1 =	por @!p6 $0x0, $0x0;
	_ =	swait.ge @!p5 [sflag:s1], $0x100;
	p2 =	seq.s32 s25, $0x1  }
0xd1: {  	p6 =	seq.s32 s28, $0x1;
	[sflag:s1] =	ssyncset.done @!p5 $0x0;
	s30 =	sld [smem:$0x7F4]  }
0xd2: {  	p4 =	por @!p2 p1, p1;
	p1 =	por $0x0, $0x0;
	p2 =	seq.s32 s26, $0x1  }
0xd3: {  	[sflag:s1] =	ssyncadd.s32 @!p5 $0xFFFFFF00;
	p1 =	por @!p2 p6, p6;
	p2 =	sgt.u32 s29, $0x9C3  }
0xd4: {  	[tilespmem:s21], [sflag:$0x9] =	stream.indirect.gather @!p5 [hbm4b:s4+s16], $0x80, s17, s16, $0xb8;
	[tilespmem:$0x1FE80] =	vst v63  }
0xd5: {  	s1 =	simm.s32 @!p2 $0x0;
	s16 =	simm.s32 @!p2 $0x200  }
0xd6: {  	[tilespmem:s16], [sflag:$0x3] =	stream.linear.gather @!p2 [hbm4b:s23+s1], $0x100, $0x38;
	[tilespmem:$0x1FE80] =	vst v63  }
0xd7: {  	p5 =	por $0x0, $0x0;
	s0 =	simm.s32 @p1 $0x7;
	p2 =	seq.s32 s30, $0x1  }
0xd8: {  	s1 =	simm.s32 @p1 $0x80;
	s16 =	simm.s32 @p1 $0x380;
	_ =	swait.ge @p1 [sflag:s0], $0x4000  }
0xd9: {  	p5 =	por @!p2 p4, p4;
	p2 =	por $0x0, $0x0;
	[sflag:s0] =	ssyncset.done @p1 $0x0  }
0xda: {  	s17 =	simm.s32 @p5 $0x8;
	[sflag:s0] =	ssyncadd.s32 @p1 $0xFFFFC000;
	s0 =	simm.s32 @p1 $0x600  }
0xdb: {  	[spmem:s2] =	stream.indirect.scatter.add.f32 @p1 [tilespmem:s0], [sflag:$0xA], $0x80, s16, s1, $0xb8;
	[tilespmem:$0x1FE80] =	vst v63  }
0xdc: {  	p2 =	por @!p3 p0, p0;
	_ =	swait.ge @p5 [sflag:s17], $0x4000  }
0xdd: {  	s0 =	simm.s32 @p5 $0x4600;
	s1 =	simm.s32 @p2 $0x9;
	[sflag:s17] =	ssyncset.done @p5 $0x0  }
0xde: {  	s16 =	simm.s32 @p5 $0x80;
	[sflag:s17] =	ssyncadd.s32 @p5 $0xFFFFC000;
	s17 =	simm.s32 @p5 $0x480  }
0xdf: {  	[spmem:s2] =	stream.indirect.scatter.add.f32 @p5 [tilespmem:s0], [sflag:$0xB], $0x80, s17, s16, $0xb8;
	[tilespmem:$0x1FE80] =	vst v63  }
0xe0: {  	p1 =	seq.s32 s20, $0x0;
	_ =	swait.ge @p2 [sflag:s1], $0x4000  }
0xe1: {  	s22 =	simm.s32 @!p1 $0xA;
	s0 =	simm.s32 @p2 $0x80;
	[sflag:s1] =	ssyncset.done @p2 $0x0  }
0xe2: {  	s16 =	simm.s32 @p2 $0x580;
	s17 =	simm.s32 @p2 $0x8600;
	[sflag:s1] =	ssyncadd.s32 @p2 $0xFFFFC000  }
0xe3: {  	[spmem:s2] =	stream.indirect.scatter.add.f32 @p2 [tilespmem:s17], [sflag:$0xC], $0x80, s16, s0, $0xb8;
	[tilespmem:$0x1FE80] =	vst v63  }
0xe4: {  	s21 =	sadd.s32 s20, s5;
	_ =	swait.ge @!p1 [sflag:s22], $0x4000  }
0xe5: {  	p0 =	sgt.u32 s21, $0x9C3;
	[sflag:s22] =	ssyncset.done @!p1 $0x0  }
0xe6: {  	s0 =	simm.s32 @!p0 $0x1;
	[sflag:s22] =	ssyncadd.s32 @!p1 $0xFFFFC000  }
0xe7: {  	s23 =	sadd.s32 $0x60, s21;
	s1 =	simm.s32 @!p0 $0x0;
	_ =	swait.ge @!p0 [sflag:s0], $0x100  }
0xe8: {  	s16 =	simm.s32 @!p0 $0x80;
	p2 =	sgt.u32 s23, $0x9C3;
	[sflag:s0] =	ssyncset.done @!p0 $0x0  }
0xe9: {  	s17 =	sadd.s32 @!p2 $0xFFFFEC00, s19;
	[sflag:s0] =	ssyncadd.s32 @!p0 $0xFFFFFF00;
	s0 =	simm.s32 @!p0 $0x600  }
0xea: {  	[tilespmem:s0], [sflag:$0x7] =	stream.indirect.gather @!p0 [hbm4b:s4+s16], $0x80, s1, s16, $0xb8;
	[tilespmem:$0x1FE80] =	vst v63  }
0xeb: {  	s24 =	simm.s32 @!p2 $0x300;
	s22 =	simm.s32 @!p2 $0x0;
	s1 =	simm.s32 @!p1 $0xB  }
0xec: {  	[tilespmem:s24], [sflag:$0x4] =	stream.linear.gather @!p2 [hbm4b:s17+s22], $0x100, $0x38;
	[tilespmem:$0x1FE80] =	vst v63  }
0xed: {  	_ =	swait.ge @!p1 [sflag:s1], $0x4000  }
0xee: {  	p2 =	sgt.u32 s21, $0x9A3;
	[sflag:s1] =	ssyncset.done @!p1 $0x0  }
0xef: {  	s22 =	sadd.s32 $0x80, s21;
	s17 =	simm.s32 @!p2 $0x2;
	[sflag:s1] =	ssyncadd.s32 @!p1 $0xFFFFC000  }
0xf0: {  	p3 =	sgt.u32 s22, $0x9C3;
	_ =	swait.ge @!p2 [sflag:s17], $0x100  }
0xf1: {  	s25 =	simm.s32 @!p2 $0x4600;
	s24 =	simm.s32 @!p3 $0x400;
	[sflag:s17] =	ssyncset.done @!p2 $0x0  }
0xf2: {  	s1 =	simm.s32 @!p2 $0x80;
	[sflag:s17] =	ssyncadd.s32 @!p2 $0xFFFFFF00;
	s17 =	simm.s32 @!p2 $0x100  }
0xf3: {  	[tilespmem:s25], [sflag:$0x8] =	stream.indirect.gather @!p2 [hbm4b:s4+s1], $0x80, s17, s1, $0xb8;
	[tilespmem:$0x1FE80] =	vst v63  }
0xf4: {  	s1 =	sadd.s32 @!p3 $0xFFFFF000, s19;
	s17 =	simm.s32 @!p3 $0x0;
	s25 =	simm.s32 @!p1 $0xC  }
0xf5: {  	[tilespmem:s24], [sflag:$0x5] =	stream.linear.gather @!p3 [hbm4b:s1+s17], $0x100, $0x38;
	[tilespmem:$0x1FE80] =	vst v63  }
0xf6: {  	_ =	swait.ge @!p1 [sflag:s25], $0x4000  }
0xf7: {  	s31 =	rddreg [dreg:$0x4]  }
0xf8: {  	[sflag:s25] =	ssyncset.done @!p1 $0x0;
	p2 =	sge.u32 s20, s31  }
0xf9: {  	[sflag:s25] =	ssyncadd.s32 @!p1 $0xFFFFC000;
	s1 =	simm.s32 @!p2 $0x3  }
0xfa: {  	s28 =	simm.s32 @!p0 $0x7;
	s20 =	sadd.s32 $0xA0, s21;
	_ =	swait.ge @!p2 [sflag:s1], $0x100  }
0xfb: {  	p1 =	sgt.u32 s20, $0x9C3;
	s24 =	simm.s32 @!p2 $0x8600;
	[sflag:s1] =	ssyncset.done @!p2 $0x0  }
0xfc: {  	s25 =	simm.s32 @!p2 $0x200;
	[sflag:s1] =	ssyncadd.s32 @!p2 $0xFFFFFF00;
	s1 =	simm.s32 @!p2 $0x80  }
0xfd: {  	[tilespmem:s24], [sflag:$0x9] =	stream.indirect.gather @!p2 [hbm4b:s4+s1], $0x80, s25, s1, $0xb8;
	[tilespmem:$0x1FE80] =	vst v63  }
0xfe: {  	s17 =	simm.s32 @!p1 $0x500;
	s26 =	sadd.s32 @!p1 $0xFFFFF400, s19;
	s25 =	simm.s32 @!p1 $0x0  }
0xff: {  	[tilespmem:s17], [sflag:$0x6] =	stream.linear.gather @!p1 [hbm4b:s26+s25], $0x100, $0x38;
	[tilespmem:$0x1FE80] =	vst v63  }
0x100: {  	p1 =	sgt.u32 @!p0 s21, $0x9A3;
	_ =	swait.ge @!p0 [sflag:s28], $0x4000  }
0x101: {  	p1 =	por p1, p0;
	[sflag:s28] =	ssyncset.done @!p0 $0x0  }
0x102: {  	s17 =	simm.s32 @!p1 $0x8;
	[sflag:s28] =	ssyncadd.s32 @!p0 $0xFFFFC000  }
0x103: {  	[spmem:s2] =	stream.indirect.scatter.add.f32 @!p0 [tilespmem:s0], [sflag:$0xA], $0x80, s16, s16, $0xb8;
	[tilespmem:$0x1FE80] =	vst v63  }
0x104: {  	_ =	swait.ge @!p1 [sflag:s17], $0x4000  }
0x105: {  	s25 =	simm.s32 @!p2 $0x9;
	s0 =	simm.s32 @!p1 $0x4600;
	[sflag:s17] =	ssyncset.done @!p1 $0x0  }
0x106: {  	s16 =	simm.s32 @!p1 $0x180;
	[sflag:s17] =	ssyncadd.s32 @!p1 $0xFFFFC000;
	s17 =	simm.s32 @!p1 $0x80  }
0x107: {  	[spmem:s2] =	stream.indirect.scatter.add.f32 @!p1 [tilespmem:s0], [sflag:$0xB], $0x80, s16, s17, $0xb8;
	[tilespmem:$0x1FE80] =	vst v63  }
0x108: {  	_ =	swait.ge @!p2 [sflag:s25], $0x4000  }
0x109: {  	p3 =	sgt.u32 s23, $0xA23;
	[sflag:s25] =	ssyncset.done @!p2 $0x0  }
0x10a: {  	s16 =	simm.s32 @!p2 $0x280;
	p1 =	sgt.u32 @!p3 s23, $0x9C3;
	[sflag:s25] =	ssyncadd.s32 @!p2 $0xFFFFC000  }
0x10b: {  	[spmem:s2] =	stream.indirect.scatter.add.f32 @!p2 [tilespmem:s24], [sflag:$0xC], $0x80, s16, s1, $0xb8;
	[tilespmem:$0x1FE80] =	vst v63  }
0x10c: {  	s1 =	simm.s32 @!p1 $0x0  }
0x10d: {  	s1 =	simm.s32 @p1 $0x1  }
0x10e: {  	s0 =	simm.s32 @!p3 $0xA;
	[smem:$0x7EE] =	sst s1  }
0x10f: {  	p2 =	por p1, p3;
	p1 =	sgt.u32 s22, $0xA23;
	_ =	swait.ge @!p3 [sflag:s0], $0x4000  }
0x110: {  	s16 =	simm.s32 @!p1 $0x0;
	[sflag:s0] =	ssyncset.done @!p3 $0x0  }
0x111: {  	s16 =	simm.s32 @p1 $0x1;
	[sflag:s0] =	ssyncadd.s32 @!p3 $0xFFFFC000;
	s0 =	simm.s32 @!p3 $0x0  }
0x112: {  	[smem:$0x7F1] =	sst s16;
	s0 =	simm.s32 @p3 $0x1  }
0x113: {  	s1 =	simm.s32 @!p2 $0x4;
	[smem:$0x7EF] =	sst s0  }
0x114: {  	s17 =	sadd.s32 $0xC0, s21;
	_ =	swait.ge @!p2 [sflag:s1], $0x100  }
0x115: {  	p0 =	sgt.u32 s17, $0x9C3;
	s17 =	simm.s32 @!p2 $0x600;
	[sflag:s1] =	ssyncset.done @!p2 $0x0  }
0x116: {  	s16 =	simm.s32 @!p2 $0x300;
	s0 =	simm.s32 @!p2 $0x80;
	[sflag:s1] =	ssyncadd.s32 @!p2 $0xFFFFFF00  }
0x117: {  	[tilespmem:s17], [sflag:$0x7] =	stream.indirect.gather @!p2 [hbm4b:s4+s0], $0x80, s16, s0, $0xb8;
	[tilespmem:$0x1FE80] =	vst v63  }
0x118: {  	s1 =	simm.s32 @!p0 $0x0;
	s0 =	sadd.s32 @!p0 $0xFFFFF800, s19  }
0x119: {  	[tilespmem:s1], [sflag:$0x1] =	stream.linear.gather @!p0 [hbm4b:s0+s1], $0x100, $0x38;
	[tilespmem:$0x1FE80] =	vst v63  }
0x11a: {  	p0 =	sgt.u32 @!p1 s22, $0x9C3  }
0x11b: {  	s0 =	simm.s32 @!p0 $0x0  }
0x11c: {  	s0 =	simm.s32 @p0 $0x1  }
0x11d: {  	s16 =	simm.s32 @!p1 $0xB;
	[smem:$0x7F0] =	sst s0  }
0x11e: {  	_ =	swait.ge @!p1 [sflag:s16], $0x4000  }
0x11f: {  	p6 =	por p0, p1;
	[sflag:s16] =	ssyncset.done @!p1 $0x0  }
0x120: {  	s0 =	simm.s32 @!p6 $0x5;
	[sflag:s16] =	ssyncadd.s32 @!p1 $0xFFFFC000  }
0x121: {  	p4 =	sgt.u32 s20, $0xA23;
	s23 =	sadd.s32 $0xE0, s21;
	_ =	swait.ge @!p6 [sflag:s0], $0x100  }
0x122: {  	p0 =	sgt.u32 s23, $0x9C3;
	s1 =	simm.s32 @!p6 $0x80;
	[sflag:s0] =	ssyncset.done @!p6 $0x0  }
0x123: {  	s16 =	simm.s32 @!p6 $0x400;
	[sflag:s0] =	ssyncadd.s32 @!p6 $0xFFFFFF00;
	s0 =	simm.s32 @!p6 $0x4600  }
0x124: {  	[tilespmem:s0], [sflag:$0x8] =	stream.indirect.gather @!p6 [hbm4b:s4+s1], $0x80, s16, s1, $0xb8;
	[tilespmem:$0x1FE80] =	vst v63  }
0x125: {  	s0 =	simm.s32 @!p0 $0x100;
	s1 =	sadd.s32 @!p0 $0xFFFFFC00, s19;
	s16 =	simm.s32 @!p0 $0x0  }
0x126: {  	[tilespmem:s0], [sflag:$0x2] =	stream.linear.gather @!p0 [hbm4b:s1+s16], $0x100, $0x38;
	[tilespmem:$0x1FE80] =	vst v63  }
0x127: {  	s0 =	simm.s32 @!p4 $0xC;
	p0 =	sgt.u32 @!p4 s20, $0x9C3  }
0x128: {  	_ =	swait.ge @!p4 [sflag:s0], $0x4000;
	s1 =	simm.s32 @!p0 $0x0  }
0x129: {  	p1 =	por p0, p4;
	s1 =	simm.s32 @p0 $0x1;
	[sflag:s0] =	ssyncset.done @!p4 $0x0  }
0x12a: {  	[smem:$0x7F2] =	sst s1;
	s1 =	simm.s32 @!p1 $0x6;
	[sflag:s0] =	ssyncadd.s32 @!p4 $0xFFFFC000  }
0x12b: {  	_ =	swait.ge @!p1 [sflag:s1], $0x100  }
0x12c: {  	s24 =	sld [smem:$0x7EE]  }
0x12d: {  	s25 =	sadd.s32 $0x100, s21;
	s16 =	simm.s32 @!p1 $0x500;
	s26 =	sld [smem:$0x7EF]  }
0x12e: {  	s17 =	simm.s32 @!p1 $0x8600;
	[sflag:s1] =	ssyncset.done @!p1 $0x0;
	s28 =	sld [smem:$0x7EF]  }
0x12f: {  	s0 =	simm.s32 @!p1 $0x80;
	s29 =	sld [smem:$0x7F0];
	[sflag:s1] =	ssyncadd.s32 @!p1 $0xFFFFFF00  }
0x130: {  	[tilespmem:s17], [sflag:$0x9] =	stream.indirect.gather @!p1 [hbm4b:s4+s0], $0x80, s16, s0, $0xb8;
	[tilespmem:$0x1FE80] =	vst v63  }
0x131: {  	s30 =	sld [smem:$0x7F1];
	p5 =	seq.s32 s24, $0x1;
	p0 =	seq.s32 s26, $0x1  }
0x132: {  	p5 =	por !p5, p3;
	p3 =	por @!p2 $0x1, $0x1;
	p0 =	por @!p0 $0x0, $0x0  }
0x133: {  	p2 =	sgt.u32 s25, $0x9C3;
	p3 =	por @!p5 p0, p0;
	p0 =	por $0x0, $0x0  }
0x134: {  	p5 =	seq.s32 s28, $0x1;
	s0 =	simm.s32 @!p2 $0x0;
	s1 =	simm.s32 @!p2 $0x200  }
0x135: {  	[tilespmem:s1], [sflag:$0x3] =	stream.linear.gather @!p2 [hbm4b:s19+s0], $0x100, $0x38;
	[tilespmem:$0x1FE80] =	vst v63  }
0x136: {  	p0 =	por @!p5 p3, p3;
	p3 =	seq.s32 s29, $0x1;
	p5 =	seq.s32 s30, $0x1  }
0x137: {  	p2 =	por !p3, p5  }
0x138: {  	p3 =	por @!p6 $0x1, $0x1;
	p6 =	por @!p5 $0x0, $0x0;
	s0 =	simm.s32 @p0 $0x7  }
0x139: {  	s1 =	simm.s32 @p0 $0x80;
	s16 =	simm.s32 @p0 $0x380;
	_ =	swait.ge @p0 [sflag:s0], $0x4000  }
0x13a: {  	p3 =	por @!p2 p6, p6;
	p2 =	por $0x0, $0x0;
	[sflag:s0] =	ssyncset.done @p0 $0x0  }
0x13b: {  	s31 =	sld [smem:$0x7F2];
	[sflag:s0] =	ssyncadd.s32 @p0 $0xFFFFC000;
	s0 =	simm.s32 @p0 $0x600  }
0x13c: {  	[spmem:s2] =	stream.indirect.scatter.add.f32 @p0 [tilespmem:s0], [sflag:$0xA], $0x80, s16, s1, $0xb8;
	[tilespmem:$0x1FE80] =	vst v63  }
0x13d: {  	p1 =	por @!p1 $0x1, $0x1;
	p2 =	por @!p5 p3, p3;
	p0 =	por @!p4 $0x0, $0x0  }
0x13e: {  	s0 =	simm.s32 @p2 $0x8;
	s1 =	simm.s32 @p2 $0x4600;
	p6 =	seq.s32 s31, $0x1  }
0x13f: {  	s16 =	simm.s32 @p2 $0x480;
	_ =	swait.ge @p2 [sflag:s0], $0x4000;
	p3 =	por !p6, p4  }
0x140: {  	[sflag:s0] =	ssyncset.done @p2 $0x0;
	p1 =	por @!p3 p0, p0;
	p0 =	por $0x0, $0x0  }
0x141: {  	[sflag:s0] =	ssyncadd.s32 @p2 $0xFFFFC000;
	s0 =	simm.s32 @p2 $0x80;
	p0 =	por @!p4 p1, p1  }
0x142: {  	[spmem:s2] =	stream.indirect.scatter.add.f32 @p2 [tilespmem:s1], [sflag:$0xB], $0x80, s16, s0, $0xb8;
	[tilespmem:$0x1FE80] =	vst v63  }
0x143: {  	s0 =	simm.s32 @p0 $0x9  }
0x144: {  	_ =	swait.ge @p0 [sflag:s0], $0x4000  }
0x145: {  	s18 =	sadd.s32 $0x1, s18;
	s1 =	simm.s32 @p0 $0x80;
	[sflag:s0] =	ssyncset.done @p0 $0x0  }
0x146: {  	s16 =	simm.s32 @p0 $0x580;
	s17 =	simm.s32 @p0 $0x8600;
	[sflag:s0] =	ssyncadd.s32 @p0 $0xFFFFC000  }
0x147: {  	[spmem:s2] =	stream.indirect.scatter.add.f32 @p0 [tilespmem:s17], [sflag:$0xC], $0x80, s16, s1, $0xb8;
	[tilespmem:$0x1FE80] =	vst v63  }
0x148: {  	p0 =	sne.s32 s18, s11  }
.Ltmp1:
0x149: {  	[bflag:$0x0] =	sbarrier.arrive $0xFFFF;
	(pc) =	sbr.rel @p0 .LBB2_1-.Ltmp1, $4  }
0x14a: {  	[hbm:s12], [sflag:s8] =	dma.local [spmem:s14], $0x2780  }
0x14b: {  	_ =	swait.ge [sflag:s15], $0x2780  }
0x14c: {  	[sflag:s15] =	ssyncset.done $0x0  }
0x14d: {  	[sflag:s15] =	ssyncadd.s32 $0xFFFFD880  }
0x14e: {  	_ =	sfence.sel $0x180000  }
0x14f: {  	[bflag:$0x0] =	sbarrier.arrive $0xFFFF  }
0x150: {  	_ =	strace $0x9000004D  }
0x151: {  	s0 =	stileid.u32;
	[bflag:$0x2] =	sbarrier.arrive $0xFFFF  }
0x152: {  	p0 =	sne.s32 s0, $0x0;
	s0 =	rddreg [dreg:$0x3]  }
0x153: {  	s0 =	sadd.s32 @!p0 $0x100000, s0  }
0x154: {  	[sflag:s0] =	ssyncadd.tile.s32 @!p0 $0x1;
	_ =	shalt  }
.Lfunc_end2:
_tile_overlayer_lowered:
.L_overlay_start_2:
0x155: {  	(tag) =	ssettag $0x2  }
0x156: {  	s0 =	rddreg [dreg:$0x0];
	s2 =	stileid.u32  }
0x157: {  	s1 =	rddreg [dreg:$0x1];
	p0 =	sne.s32 s2, $0x0  }
0x158: {  	s3 =	rddreg [dreg:$0x2];
	[bflag:$0x3] =	sbarrier.arrive $0xFFFF;
	s2 =	simm.s32 @!p0 $0x1C0D  }
0x159: {  	[timem:s3], [sflag:s2] =	dma.local @!p0 [hbm:s0], s1  }
0x15a: {  	s0 =	simm.s32 @!p0 $0xD  }
0x15b: {  	_ =	swait.ge @!p0 [sflag:s0], s1  }
0x15c: {  	s1 =	ssub.s32 @!p0 $0x0, s1;
	[sflag:s0] =	ssyncset.done @!p0 $0x0  }
0x15d: {  	[sflag:s0] =	ssyncadd.s32 @!p0 s1  }
0x15e: {  	[bflag:$0x3] =	sbarrier.arrive $0xFFFF  }
0x15f: {  	_ =	shalt  }

// kernel: kernel.9.cloned.1.call-start
scs
__scs_entry_jumppad:
0x0: {  	(pc) =	sbr.rel $0x88, $3  }
0x1: {  	(tag) =	ssettag $0x0;
	lr =	simm.s32 $0x1  }
0x2: {  	[smem:$0x3F91] =	sst lr;
	_ =	strace $0xD0000000  }
0x3: {  	_ = 	snop  }
0x4: {  	_ = 	snop  }
0x5: {  	_ = 	snop  }
0x6: {  	_ = 	snop  }
0x7: {  	_ = 	snop  }
__scs_overlays_trampoline_lowered:
0x8: {  	[smem:$0x3FA0] =	sst s0  }
0x9: {  	[smem:$0x3FA1] =	sst s1  }
0xa: {  	[smem:$0x3FA2] =	sst s2  }
0xb: {  	[smem:$0x3FA3] =	sst s3  }
0xc: {  	[smem:$0x3FA4] =	sst s4  }
0xd: {  	[smem:$0x3FA5] =	sst s5  }
0xe: {  	[smem:$0x3FA6] =	sst s6  }
0xf: {  	[smem:$0x3FA7] =	sst s7  }
0x10: {  	[smem:$0x3FA8] =	sst s8  }
0x11: {  	[smem:$0x3FA9] =	sst s9;
	s0 =	simm.s32 @!p0 $0x0  }
0x12: {  	s1 =	sld [smem:$0x3F8F];
	s0 =	simm.s32 @p0 $0x1  }
0x13: {  	[smem:$0x3FAA] =	sst s0;
	s0 =	simm.s32 @!p1 $0x0  }
0x14: {  	s2 =	sld [smem:$0x3F8E];
	s0 =	simm.s32 @p1 $0x1  }
0x15: {  	[smem:$0x3FAB] =	sst s0;
	s0 =	simm.s32 @!p2 $0x0  }
0x16: {  	s3 =	sld [smem:$0x3FDB];
	s0 =	simm.s32 @p2 $0x1  }
0x17: {  	s4 =	simm.s32 $0x1BF5;
	[smem:$0x3FAD] =	sst s0  }
0x18: {  	s0 =	sld [smem:$0x3F90];
	_ =	swait.ge [sflag:s4], $0x0  }
0x19: {  	s7 =	sld [smem:$0x3F91]  }
0x1a: {  	s8 =	sadd.s32 $0xFFFFE003, lr  }
0x1b: {  	s9 =	sadd.s32 $0xFFFFFEF7, lr;
	s5 =	simm.s32 $0xFFFFFFFF;
	p2 =	slt.u32 s8, $0xFFFFF086  }
0x1c: {  	p1 =	slt.u32 s9, $0xF7A;
	s5 =	simm.s32 @!p2 $0x0  }
0x1d: {  	s5 =	simm.s32 @p1 $0x1;
	p0 =	seq.s32 s7, s2  }
0x1e: {  	s7 =	smul.u32 @!p0 $0xF7A, s2;
	p2 =	seq.s32 @!p0 s5, $0x0  }
0x1f: {  	s9 =	smul.u32 $0xF7A, s1;
	s8 =	simm.s32 @!p0 $0x1BF5;
	p2 =	por !p2, p0  }
0x20: {  	[sflag:s8] =	ssyncset.s32 @!p0 $0xFFFFF086;
	s6 =	sadd.s32 @!p0 s3, s7;
	s7 =	simm.s32 @!p0 $0x108  }
0x21: {  	s3 =	sadd.s32 s3, s9;
	s6 =	sadd.s32 @!p0 $0x88, s6;
	s7 =	simm.s32 @p2 $0x1082  }
0x22: {  	[simem:s7], [sflag:s8] =	dma.local @!p0 [hbm:s6], $0xF7A  }
0x23: {  	s9 =	sor.u32 $0xD0000000, s2;
	s6 =	simm.s32 $0x108;
	_ =	swait.ge @!p0 [sflag:s8], $0x0  }
0x24: {  	s3 =	sadd.s32 $0x88, s3;
	s6 =	simm.s32 @!p1 $0x1082;
	[sflag:s4] =	ssyncset.s32 $0xFFFFF086  }
0x25: {  	[simem:s6], [sflag:s4] =	dma.local [hbm:s3], $0xF7A  }
0x26: {  	[smem:$0x3F91] =	sst s1;
	(tag) =	ssettag s2;
	_ =	strace s9  }
0x27: {  	s1 =	sld [smem:$0x3FA1]  }
0x28: {  	s2 =	sld [smem:$0x3FA2]  }
0x29: {  	s4 =	sld [smem:$0x3FA4]  }
0x2a: {  	p0 =	seq.s32 s5, $0x0;
	s5 =	sld [smem:$0x3FA5]  }
0x2b: {  	s6 =	sld [smem:$0x3FA6]  }
0x2c: {  	s7 =	sld [smem:$0x3FA7]  }
0x2d: {  	s3 =	simm.s32 $0x108;
	s8 =	sld [smem:$0x3FA8]  }
0x2e: {  	s3 =	simm.s32 @!p0 $0x1082;
	s9 =	sld [smem:$0x3FA9]  }
0x2f: {  	lr =	sadd.s32 s0, s3;
	s0 =	sld [smem:$0x3FA0]  }
0x30: {  	s3 =	sld [smem:$0x3FA3]  }
0x31: {  	[smem:$0x3FAC] =	sst s10  }
0x32: {  	s10 =	sld [smem:$0x3FAA];
	_ =	sdelay $0x3  }
0x33: {  	p0 =	seq.s32 s10, $0x1;
	s10 =	sld [smem:$0x3FAC];
	_ =	sdelay $0x3  }
0x34: {  	[smem:$0x3FAC] =	sst s10  }
0x35: {  	s10 =	sld [smem:$0x3FAB];
	_ =	sdelay $0x3  }
0x36: {  	p1 =	seq.s32 s10, $0x1;
	s10 =	sld [smem:$0x3FAC];
	_ =	sdelay $0x3  }
0x37: {  	[smem:$0x3FAC] =	sst s10  }
0x38: {  	s10 =	sld [smem:$0x3FAD]  }
0x39: {  	_ = 	snop;
	(pc) =	sbr.ind lr, $3  }
0x3a: {  	_ = 	snop  }
0x3b: {  	_ = 	snop  }
0x3c: {  	p2 =	seq.s32 s10, $0x1;
	s10 =	sld [smem:$0x3FAC]  }
0x3d: {  	_ =	shalt  }
0x3e: {  	_ =	shalt  }
0x3f: {  	_ =	shalt  }
0x40: {  	_ =	shalt  }
0x41: {  	_ =	shalt  }
0x42: {  	_ =	shalt  }
0x43: {  	_ =	shalt  }
0x44: {  	_ =	shalt  }
0x45: {  	_ =	shalt  }
0x46: {  	_ =	shalt  }
0x47: {  	_ =	shalt  }
0x48: {  	_ =	shalt  }
0x49: {  	_ =	shalt  }
0x4a: {  	_ =	shalt  }
0x4b: {  	_ =	shalt  }
0x4c: {  	_ =	shalt  }
0x4d: {  	_ =	shalt  }
0x4e: {  	_ =	shalt  }
0x4f: {  	_ =	shalt  }
0x50: {  	_ =	shalt  }
0x51: {  	_ =	shalt  }
0x52: {  	_ =	shalt  }
0x53: {  	_ =	shalt  }
0x54: {  	_ =	shalt  }
0x55: {  	_ =	shalt  }
0x56: {  	_ =	shalt  }
0x57: {  	_ =	shalt  }
0x58: {  	_ =	shalt  }
0x59: {  	_ =	shalt  }
0x5a: {  	_ =	shalt  }
0x5b: {  	_ =	shalt  }
0x5c: {  	_ =	shalt  }
0x5d: {  	_ =	shalt  }
0x5e: {  	_ =	shalt  }
0x5f: {  	_ =	shalt  }
0x60: {  	_ =	shalt  }
0x61: {  	_ =	shalt  }
0x62: {  	_ =	shalt  }
0x63: {  	_ =	shalt  }
0x64: {  	_ =	shalt  }
0x65: {  	_ =	shalt  }
0x66: {  	_ =	shalt  }
0x67: {  	_ =	shalt  }
0x68: {  	_ =	shalt  }
0x69: {  	_ =	shalt  }
0x6a: {  	_ =	shalt  }
0x6b: {  	_ =	shalt  }
0x6c: {  	_ =	shalt  }
0x6d: {  	_ =	shalt  }
0x6e: {  	_ =	shalt  }
0x6f: {  	_ =	shalt  }
0x70: {  	_ =	shalt  }
0x71: {  	_ =	shalt  }
0x72: {  	_ =	shalt  }
0x73: {  	_ =	shalt  }
0x74: {  	_ =	shalt  }
0x75: {  	_ =	shalt  }
0x76: {  	_ =	shalt  }
0x77: {  	_ =	shalt  }
0x78: {  	_ =	shalt  }
0x79: {  	_ =	shalt  }
0x7a: {  	_ =	shalt  }
0x7b: {  	_ =	shalt  }
0x7c: {  	_ =	shalt  }
0x7d: {  	_ =	shalt  }
0x7e: {  	_ =	shalt  }
0x7f: {  	_ =	shalt  }
0x80: {  	_ =	shalt  }
0x81: {  	_ =	shalt  }
0x82: {  	_ =	shalt  }
0x83: {  	_ =	shalt  }
0x84: {  	_ =	shalt  }
0x85: {  	_ =	shalt  }
0x86: {  	_ =	shalt  }
0x87: {  	_ =	shalt  }
.Lfunc_end0:
.L_simem_size_0:
called_computation_lowered:
.L_overlay_start_0:
0x88: {  	s2 =	sld [smem:$0x3FD9]  }
0x89: {  	s3 =	sld [smem:$0x3FFE];
	_ =	sdelay $0x1  }
0x8a: {  	s1 =	srdreg.scid  }
0x8b: {  	s0 =	sand.u32 $0x1, s1  }
0x8c: {  	s15 =	sshll.u32 s0, $0xA;
	s2 =	sadd.s32 s3, s2  }
0x8d: {  	s2 =	sadd.s32 s2, s15  }
0x8e: {  	[smem:$0x3FB8] =	sst s2  }
0x8f: {  	_ = 	snop  }
0x90: {  	s2 =	sld [smem:$0x3FD0];
	_ =	sdelay $0x2  }
0x91: {  	s4 =	simm.s32 $0xA;
	s5 =	simm.s32 $0x10;
	s16 =	sld [smem:$0x3FC8]  }
0x92: {  	[smem:s5], [sflag:s4] =	dma.local [hbm:s2], $0x1  }
0x93: {  	_ =	swait.eq [sflag:s4], $0x1  }
0x94: {  	[sflag:s4] =	ssyncset.done $0x0  }
0x95: {  	[sflag:s4] =	ssyncadd.s32 $0xFFFFFFFF  }
0x96: {  	s17 =	sld [smem:$0x11];
	(tm) =	ssettm $0x1  }
0x97: {  	s18 =	sld [smem:$0x3FFB];
	_ =	sdelay $0x3  }
0x98: {  	_ =	strace s18  }
0x99: {  	s4 =	sld [smem:$0x3FFC];
	_ =	sdelay $0x3  }
0x9a: {  	_ =	strace s4  }
0x9b: {  	s4 =	sld [smem:$0x3FFD];
	_ =	sdelay $0x3  }
0x9c: {  	_ =	strace s4  }
0x9d: {  	_ =	strace $0x8FFFFFFF  }
0x9e: {  	s19 =	sld [smem:$0x3FDB];
	_ =	sdelay $0x1  }
0x9f: {  	s20 =	simm.s32 $_scs_section_size  }
0xa0: {  	s6 =	simm.s32 $_size__tile_overlayer_lowered;
	s7 =	simm.s32 $_tile_overlayer_lowered  }
0xa1: {  	s23 =	simm.s32 $0x1BFF;
	s22 =	sshll.u32 s7, $0x1;
	s4 =	sadd.s32 s20, s19  }
0xa2: {  	s8 =	simm.s32 $0x0;
	s21 =	sshll.u32 s6, $0x1;
	s6 =	sadd.s32 s22, s4  }
0xa3: {  	[timem:s8], [sflag:s23] =	dma.local [hbm:s6], s21  }
0xa4: {  	_ =	swait.ge [sflag:s23], s21  }
0xa5: {  	s5 =	ssub.s32 $0x0, s21;
	[sflag:s23] =	ssyncset.done $0x0  }
0xa6: {  	[sflag:s23] =	ssyncadd.s32 s5;
	_ =	sdelay $0x1  }
0xa7: {  	s24 =	simm.s32 $0x1B8B  }
0xa8: {  	_ =	swait.ge [sflag:s24], $0x1  }
0xa9: {  	[sflag:s24] =	ssyncset.done $0x0  }
0xaa: {  	s25 =	simm.s32 $0x1B8E;
	[sflag:s24] =	ssyncadd.s32 $0xFFFFFFFF  }
0xab: {  	s26 =	simm.s32 $execute0_lowered;
	[smem:$0x3FD2] =	sst s25  }
0xac: {  	s5 =	sshll.u32 s26, $0x1;
	_ =	strace $0x80000046;
	[dreg:$0x1] =	wrdreg $0xFFFFFFFF  }
0xad: {  	s28 =	simm.s32 $_size_execute0_lowered;
	s4 =	sadd.s32 s4, s5;
	[dreg:$0x0] =	wrdreg $0x0  }
0xae: {  	s5 =	sshll.u32 s28, $0x1;
	[dreg:$0x2] =	wrdreg s4  }
0xaf: {  	[dreg:$0x3] =	wrdreg s5  }
0xb0: {  	[dreg:$0x4] =	wrdreg $0xC0  }
0xb1: {  	_ =	task [dreg:s8], $0x5FFFF  }
0xb2: {  	[dreg:$0x1] =	wrdreg $0xFFFFFFFF  }
0xb3: {  	[dreg:$0x0] =	wrdreg $0x60  }
0xb4: {  	[dreg:$0x2] =	wrdreg s16  }
0xb5: {  	[dreg:$0x3] =	wrdreg s17  }
0xb6: {  	[dreg:$0x4] =	wrdreg $0x7000  }
0xb7: {  	[dreg:$0x5] =	wrdreg $0x9  }
0xb8: {  	_ =	task.clear_ibuf [dreg:s8], $0x6FFFF;
	_ =	strace $0x90000046  }
0xb9: {  	s29 =	simm.s32 $0x9;
	_ =	strace $0x80000048  }
0xba: {  	_ =	swait.ge [sflag:s29], $0x1  }
0xbb: {  	[sflag:s29] =	ssyncadd.s32 $0xFFFFFFFF  }
0xbc: {  	_ =	strace $0x90000048  }
0xbd: {  	_ =	sfence  }
0xbe: {  	s30 =	sld [smem:$0x0];
	_ =	sdelay $0x2  }
0xbf: {  	s31 =	sshll.u32 s1, $0xD;
	s1 =	sshrl.u32 s1, $0x2  }
0xc0: {  	s3 =	sand.u32 $0x4000, s31;
	s1 =	sadd.s32 s1, s30  }
0xc1: {  	s0 =	sor.u32 s3, s0;
	s1 =	sshll.u32 s1, $0x11  }
0xc2: {  	s0 =	sor.u32 s1, s0  }
0xc3: {  	s0 =	sadd.s32 $0x8F2B, s0  }
0xc4: {  	[sflag:s0] =	ssyncadd.remote.s32 $0x1  }
0xc5: {  	_ =	sfence.sel $0xFFFF  }
0xc6: {  	[dreg:$0x0] =	wrdreg $0xFFFFFFFF;
	(pc) =	sbr.abs _section_cstart, $3  }
0xc7: {  	[dreg:$0x1] =	wrdreg $0xFFFFFFFF  }
0xc8: {  	_ =	task.clear_ibuf [dreg:s8], $0x2FFFF;
	_ =	strace $0x9FFFFFFF  }
0xc9: {  	(tm) =	ssettm $0x7FFFFFFF  }
tec
execute0_lowered:
.L_overlay_start_1:
0x0: {  	(tag) =	ssettag $0x1  }
0x1: {  	s0 =	rddreg [dreg:$0x0]  }
0x2: {  	s1 =	rddreg [dreg:$0x1]  }
0x3: {  	s2 =	rddreg [dreg:$0x2]  }
0x4: {  	s4 =	srdreg.scid;
	s3 =	simm.s32 $0x0;
	s10 =	stileid.u32  }
0x5: {  	s28 =	simm.s32 $0x5;
	s29 =	simm.s32 $0xA;
	s30 =	simm.s32 $0x6  }
0x6: {  	s31 =	simm.s32 $0xB;
	s5 =	sand.u32 $0x1, s4;
	s8 =	smul.u32 $0xA00, s10  }
0x7: {  	[smem:$0x7FF] =	sst s3;
	s16 =	sshll.u32 s10, $0x1;
	s9 =	smul.u32 $0x500, s10  }
0x8: {  	s24 =	sshll.u32 s10, $0x6;
	p0 =	sgt.u32 s10, $0x1;
	s6 =	ssub.s32 $0x2, s5  }
0x9: {  	s4 =	sor.u32 s5, s16;
	_ =	strace $0x80000047;
	s19 =	sshll.u32 s5, $0x7  }
0xa: {  	[dreg:$0xa] =	wrdreg s24;
	s25 =	sshll.u32 s5, $0x5;
	s16 =	simm.s32 $0x80  }
0xb: {  	s5 =	simm.s32 $0x0;
	s7 =	sshrl.u32 s6, $0x1;
	[dreg:$0x4] =	wrdreg s4  }
0xc: {  	s17 =	sshll.u32 s4, $0x5;
	s8 =	sshrl.u32 s8, $0x2;
	s4 =	simm.s32 $0xD  }
0xd: {  	s6 =	ssub.s32 s6, s7;
	s7 =	sadd.s32 s17, s0;
	s11 =	sadd.s32 s8, s2  }
0xe: {  	s8 =	sor.u32 s19, s9;
	s0 =	sadd.s32 s24, s0;
	s19 =	simm.s32 $0x1  }
0xf: {  	s24 =	simm.s32 $0x3;
	s18 =	sadd.s32 $0x10, s7;
	[dreg:$0x5] =	wrdreg s11  }
0x10: {  	s20 =	sadd.s32 $0x410, s7;
	s21 =	sadd.s32 $0x810, s7;
	[dreg:$0x6] =	wrdreg s18  }
0x11: {  	s22 =	sadd.s32 $0xC10, s7;
	s23 =	sshrl.u32 s8, $0x3;
	[dreg:$0x7] =	wrdreg s20  }
0x12: {  	s26 =	smax.u32 s6, $0x1;
	s13 =	sadd.s32 s25, s0;
	[dreg:$0x8] =	wrdreg s21  }
0x13: {  	s25 =	simm.s32 $0x4;
	s0 =	simm.s32 $0xC;
	[dreg:$0x9] =	wrdreg s22  }
0x14: {  	s1 =	sadd.s32 s1, s23;
	[dreg:$0xc] =	wrdreg s26;
	s20 =	simm.s32 $0x400  }
0x15: {  	s21 =	simm.s32 $0x200;
	s22 =	simm.s32 $0x2;
	s23 =	simm.s32 $0x280  }
0x16: {  	v0 =	vimm.f32 $1.000000000e+00;
	v1 =	vimm.f32 $0.0e+00;
	s26 =	simm.s32 $0x9;
	s18 =	simm.s32 $0x100;
	[dreg:$0xb] =	wrdreg s1  }
.LBB2_1:
0x17: {  	[tilespmem:$0x400] =	vst v0  }
0x18: {  	[tilespmem:$0x410] =	vst v0  }
0x19: {  	[tilespmem:$0x420] =	vst v0  }
0x1a: {  	[tilespmem:$0x430] =	vst v0  }
0x1b: {  	[tilespmem:$0x440] =	vst v0  }
0x1c: {  	[tilespmem:$0x450] =	vst v0  }
0x1d: {  	[tilespmem:$0x460] =	vst v0  }
0x1e: {  	[tilespmem:$0x470] =	vst v0  }
0x1f: {  	[tilespmem:$0x480] =	vst v1  }
0x20: {  	[tilespmem:$0x490] =	vst v1  }
0x21: {  	[tilespmem:$0x4A0] =	vst v1  }
0x22: {  	[tilespmem:$0x4B0] =	vst v1  }
0x23: {  	[tilespmem:$0x4C0] =	vst v1  }
0x24: {  	[tilespmem:$0x4D0] =	vst v1  }
0x25: {  	[tilespmem:$0x4E0] =	vst v1  }
0x26: {  	[tilespmem:$0x4F0] =	vst v1  }
0x27: {  	[tilespmem:$0x500] =	vst v1  }
0x28: {  	[tilespmem:$0x510] =	vst v1  }
0x29: {  	[tilespmem:$0x520] =	vst v1  }
0x2a: {  	[tilespmem:$0x530] =	vst v1  }
0x2b: {  	[tilespmem:$0x540] =	vst v1  }
0x2c: {  	[tilespmem:$0x550] =	vst v1  }
0x2d: {  	[tilespmem:$0x560] =	vst v1  }
0x2e: {  	[tilespmem:$0x570] =	vst v1  }
0x2f: {  	[tilespmem:$0x580] =	vst v1  }
0x30: {  	[tilespmem:$0x590] =	vst v1  }
0x31: {  	[tilespmem:$0x5A0] =	vst v1  }
0x32: {  	[tilespmem:$0x5B0] =	vst v1  }
0x33: {  	[tilespmem:$0x5C0] =	vst v1  }
0x34: {  	[tilespmem:$0x5D0] =	vst v1  }
0x35: {  	[tilespmem:$0x5E0] =	vst v1  }
0x36: {  	[tilespmem:$0x5F0] =	vst v1  }
0x37: {  	[tilespmem:$0x600] =	vst v1  }
0x38: {  	[tilespmem:$0x610] =	vst v1  }
0x39: {  	[tilespmem:$0x620] =	vst v1  }
0x3a: {  	[tilespmem:$0x630] =	vst v1  }
0x3b: {  	[tilespmem:$0x640] =	vst v1  }
0x3c: {  	[tilespmem:$0x650] =	vst v1  }
0x3d: {  	[tilespmem:$0x660] =	vst v1  }
0x3e: {  	[tilespmem:$0x670] =	vst v1  }
0x3f: {  	[tilespmem:$0x680] =	vst v1  }
0x40: {  	[tilespmem:$0x690] =	vst v1  }
0x41: {  	[tilespmem:$0x6A0] =	vst v1  }
0x42: {  	[tilespmem:$0x6B0] =	vst v1  }
0x43: {  	[tilespmem:$0x6C0] =	vst v1  }
0x44: {  	[tilespmem:$0x6D0] =	vst v1  }
0x45: {  	[tilespmem:$0x6E0] =	vst v1  }
0x46: {  	[dreg:$0xd] =	wrdreg s5;
	[tilespmem:$0x6F0] =	vst v1;
	s1 =	simm.s32 $0x480  }
0x47: {  	[spmem:s11] =	stream.linear.scatter [tilespmem:s1], [sflag:$0xD], $0x280, $0x38;
	[tilespmem:$0x980] =	vst v63  }
0x48: {  	_ =	swait.ge [sflag:s4], $0x280  }
0x49: {  	[sflag:s4] =	ssyncset.done $0x0  }
0x4a: {  	[sflag:s4] =	ssyncadd.s32 $0xFFFFFD80  }
0x4b: {  	[bflag:$0x0] =	sbarrier.arrive $0xFFFF  }
0x4c: {  	s9 =	rddreg [dreg:$0x6]  }
0x4d: {  	[tilespmem:s3], [sflag:$0x1] =	stream.linear.gather [hbm4b:s9+s3], $0x80, $0x38;
	[tilespmem:$0x980] =	vst v63  }
0x4e: {  	s10 =	rddreg [dreg:$0x7]  }
0x4f: {  	[tilespmem:s16], [sflag:$0x2] =	stream.linear.gather [hbm4b:s10+s3], $0x80, $0x38;
	[tilespmem:$0x980] =	vst v63  }
0x50: {  	s7 =	simm.s32 $0x100;
	p1 =	por $0x1, $0x1;
	s11 =	rddreg [dreg:$0x8]  }
0x51: {  	[tilespmem:s7], [sflag:$0x3] =	stream.linear.gather [hbm4b:s11+s3], $0x80, $0x38;
	[tilespmem:$0x980] =	vst v63  }
0x52: {  	s8 =	simm.s32 $0x180;
	s1 =	simm.s32 @!p1 $0x9;
	s12 =	rddreg [dreg:$0x9]  }
0x53: {  	[tilespmem:s8], [sflag:$0x4] =	stream.linear.gather [hbm4b:s12+s3], $0x80, $0x38;
	[tilespmem:$0x980] =	vst v63  }
0x54: {  	_ =	swait.ge @!p1 [sflag:s1], $0x80  }
0x55: {  	[sflag:s1] =	ssyncset.done @!p1 $0x0  }
0x56: {  	[sflag:s1] =	ssyncadd.s32 @!p1 $0xFFFFFF80  }
0x57: {  	_ =	swait.ge [sflag:s19], $0x80  }
0x58: {  	[sflag:s19] =	ssyncset.done $0x0  }
0x59: {  	s14 =	sadd.s32 $0x0, s13;
	[sflag:s19] =	ssyncadd.s32 $0xFFFFFF80  }
0x5a: {  	[spmem:s2] =	stream.indirect.scatter.add.f32 [tilespmem:s20], [sflag:$0x9], $0x1, s3, s16, $0xb8;
	[tilespmem:$0x980] =	vst v63  }
0x5b: {  	s15 =	sadd.s32 $0x1010, s14;
	s6 =	simm.s32 @!p1 $0xA  }
0x5c: {  	[tilespmem:s21], [sflag:$0x5] =	stream.linear.gather [hbm4b:s15+s3], $0x80, $0x38;
	[tilespmem:$0x980] =	vst v63  }
0x5d: {  	_ =	swait.ge @!p1 [sflag:s6], $0x80  }
0x5e: {  	[sflag:s6] =	ssyncset.done @!p1 $0x0  }
0x5f: {  	[sflag:s6] =	ssyncadd.s32 @!p1 $0xFFFFFF80  }
0x60: {  	_ =	swait.ge [sflag:s22], $0x80  }
0x61: {  	[sflag:s22] =	ssyncset.done $0x0  }
0x62: {  	[sflag:s22] =	ssyncadd.s32 $0xFFFFFF80  }
0x63: {  	[spmem:s2] =	stream.indirect.scatter.add.f32 [tilespmem:s20], [sflag:$0xA], $0x1, s16, s16, $0xb8;
	[tilespmem:$0x980] =	vst v63  }
0x64: {  	s5 =	simm.s32 @!p1 $0xB;
	s1 =	sadd.s32 $0x1410, s14  }
0x65: {  	[tilespmem:s23], [sflag:$0x6] =	stream.linear.gather [hbm4b:s1+s3], $0x80, $0x38;
	[tilespmem:$0x980] =	vst v63  }
0x66: {  	_ =	swait.ge @!p1 [sflag:s5], $0x80  }
0x67: {  	[sflag:s5] =	ssyncset.done @!p1 $0x0  }
0x68: {  	s17 =	rddreg [dreg:$0x4];
	[sflag:s5] =	ssyncadd.s32 @!p1 $0xFFFFFF80  }
0x69: {  	s11 =	sadd.s32 $0xC0, s17;
	_ =	swait.ge [sflag:s24], $0x80  }
0x6a: {  	p2 =	sgt.u32 s11, $0x9C3;
	[sflag:s24] =	ssyncset.done $0x0  }
0x6b: {  	s1 =	sadd.s32 @!p2 $0x0, s13;
	s5 =	simm.s32 @!p2 $0x300;
	[sflag:s24] =	ssyncadd.s32 $0xFFFFFF80  }
0x6c: {  	[spmem:s2] =	stream.indirect.scatter.add.f32 [tilespmem:s20], [sflag:$0xB], $0x1, s7, s16, $0xb8;
	[tilespmem:$0x980] =	vst v63  }
0x6d: {  	s6 =	simm.s32 @!p2 $0x0;
	s1 =	sadd.s32 @!p2 $0x1810, s1;
	s7 =	simm.s32 @!p1 $0xC  }
0x6e: {  	[tilespmem:s5], [sflag:$0x7] =	stream.linear.gather @!p2 [hbm4b:s1+s6], $0x80, $0x38;
	[tilespmem:$0x980] =	vst v63  }
0x6f: {  	_ =	swait.ge @!p1 [sflag:s7], $0x80  }
0x70: {  	[sflag:s7] =	ssyncset.done @!p1 $0x0  }
0x71: {  	[sflag:s7] =	ssyncadd.s32 @!p1 $0xFFFFFF80  }
0x72: {  	s12 =	sadd.s32 $0xE0, s17;
	_ =	swait.ge [sflag:s25], $0x80  }
0x73: {  	p1 =	sgt.u32 s12, $0x9C3;
	[sflag:s25] =	ssyncset.done $0x0  }
0x74: {  	s1 =	sadd.s32 @!p1 $0x0, s13;
	[sflag:s25] =	ssyncadd.s32 $0xFFFFFF80  }
0x75: {  	[spmem:s2] =	stream.indirect.scatter.add.f32 [tilespmem:s20], [sflag:$0xC], $0x1, s8, s16, $0xb8;
	[tilespmem:$0x980] =	vst v63  }
0x76: {  	s5 =	simm.s32 @!p1 $0x380;
	s6 =	simm.s32 @!p1 $0x0;
	s1 =	sadd.s32 @!p1 $0x1C10, s1  }
0x77: {  	[tilespmem:s5], [sflag:$0x8] =	stream.linear.gather @!p1 [hbm4b:s1+s6], $0x80, $0x38;
	[tilespmem:$0x980] =	vst v63  }
0x78: {  	_ =	swait.ge [sflag:s26], $0x80  }
0x79: {  	[sflag:s26] =	ssyncset.done $0x0  }
0x7a: {  	[sflag:s26] =	ssyncadd.s32 $0xFFFFFF80  }
0x7b: {  	s6 =	sadd.s32 $0x100, s17;
	_ =	swait.ge [sflag:s28], $0x80  }
0x7c: {  	p1 =	sgt.u32 s6, $0x9C3;
	[sflag:s28] =	ssyncset.done $0x0  }
0x7d: {  	s1 =	sadd.s32 @!p1 $0x0, s13;
	[sflag:s28] =	ssyncadd.s32 $0xFFFFFF80  }
0x7e: {  	[spmem:s2] =	stream.indirect.scatter.add.f32 [tilespmem:s20], [sflag:$0x9], $0x1, s21, s16, $0xb8;
	[tilespmem:$0x980] =	vst v63  }
0x7f: {  	s5 =	simm.s32 @!p1 $0x0;
	s1 =	sadd.s32 @!p1 $0x2010, s1  }
0x80: {  	[tilespmem:s5], [sflag:$0x1] =	stream.linear.gather @!p1 [hbm4b:s1+s5], $0x80, $0x38;
	[tilespmem:$0x980] =	vst v63  }
0x81: {  	_ =	swait.ge [sflag:s29], $0x80  }
0x82: {  	[sflag:s29] =	ssyncset.done $0x0  }
0x83: {  	[sflag:s29] =	ssyncadd.s32 $0xFFFFFF80  }
0x84: {  	s14 =	sadd.s32 $0x120, s17;
	_ =	swait.ge [sflag:s30], $0x80  }
0x85: {  	p1 =	sgt.u32 s14, $0x9C3;
	[sflag:s30] =	ssyncset.done $0x0  }
0x86: {  	s1 =	sadd.s32 @!p1 $0x0, s13;
	[sflag:s30] =	ssyncadd.s32 $0xFFFFFF80  }
0x87: {  	[spmem:s2] =	stream.indirect.scatter.add.f32 [tilespmem:s20], [sflag:$0xA], $0x1, s23, s16, $0xb8;
	[tilespmem:$0x980] =	vst v63  }
0x88: {  	s5 =	simm.s32 @!p1 $0x80;
	s7 =	simm.s32 @!p1 $0x0;
	s1 =	sadd.s32 @!p1 $0x2410, s1  }
0x89: {  	[tilespmem:s5], [sflag:$0x2] =	stream.linear.gather @!p1 [hbm4b:s1+s7], $0x80, $0x38;
	[tilespmem:$0x980] =	vst v63  }
0x8a: {  	s9 =	simm.s32 $0x4000;
	s15 =	sadd.s32 $0x140, s17;
	_ =	swait.ge [sflag:s31], $0x80  }
0x8b: {  	p3 =	sgt.u32 s17, $0x8E3;
	p1 =	sgt.u32 s17, $0x903;
	[sflag:s31] =	ssyncset.done $0x0  }
0x8c: {  	p2 =	sgt.u32 s15, $0x9C3;
	s1 =	simm.s32 @!p1 $0x7;
	[sflag:s31] =	ssyncadd.s32 $0xFFFFFF80  }
0x8d: {  	s11 =	sadd.s32 @!p2 $0x0, s13;
	s12 =	simm.s32 @!p3 $0x8;
	_ =	swait.ge @!p1 [sflag:s1], $0x80  }
0x8e: {  	s17 =	sadd.s32 $0x160, s17;
	s5 =	simm.s32 @!p1 $0x300;
	[sflag:s1] =	ssyncset.done @!p1 $0x0  }
0x8f: {  	s10 =	simm.s32 @!p1 $0x400;
	s7 =	simm.s32 @!p1 $0x80;
	[sflag:s1] =	ssyncadd.s32 @!p1 $0xFFFFFF80  }
0x90: {  	[spmem:s2] =	stream.indirect.scatter.add.f32 @!p1 [tilespmem:s10], [sflag:$0xB], $0x1, s5, s7, $0xb8;
	[tilespmem:$0x980] =	vst v63  }
0x91: {  	s1 =	simm.s32 @!p2 $0x100;
	s5 =	simm.s32 @!p2 $0x0;
	s7 =	sadd.s32 @!p2 $0x2810, s11  }
0x92: {  	[tilespmem:s1], [sflag:$0x3] =	stream.linear.gather @!p2 [hbm4b:s7+s5], $0x80, $0x38;
	[tilespmem:$0x980] =	vst v63  }
0x93: {  	s8 =	sadd.s32 $0x120, s6;
	p4 =	sgt.u32 s17, $0x9C3;
	_ =	swait.ge [sflag:s0], $0x80  }
0x94: {  	s14 =	simm.s32 $0x2000;
	s15 =	simm.s32 @!p4 $0x180;
	[sflag:s0] =	ssyncset.done $0x0  }
0x95: {  	s10 =	simm.s32 @!p3 $0x380;
	s11 =	sadd.s32 @!p4 $0x0, s13;
	[sflag:s0] =	ssyncadd.s32 $0xFFFFFF80  }
0x96: {  	s5 =	simm.s32 @!p3 $0x400;
	p2 =	por $0x0, $0x0;
	_ =	swait.ge @!p3 [sflag:s12], $0x80  }
0x97: {  	s1 =	simm.s32 @!p3 $0x80;
	s7 =	smov.u32 s6;
	[sflag:s12] =	ssyncset.done @!p3 $0x0  }
.LBB2_2:
0x98: {  	[sflag:s12] =	ssyncadd.s32 @!p3 $0xFFFFFF80;
	s12 =	sadd.s32 @!p4 $0x2C10, s11  }
0x99: {  	s4 =	simm.s32 @!p4 $0x0;
	s11 =	smov.u32 s14;
	s14 =	smov.u32 s9  }
0x9a: {  	[spmem:s2] =	stream.indirect.scatter.add.f32 @!p3 [tilespmem:s5], [sflag:$0xC], $0x1, s10, s1, $0xb8;
	[tilespmem:$0x980] =	vst v63  }
0x9b: {  	s9 =	sadd.s32 $0x2000, s9;
	s1 =	simm.s32 @!p2 $0x9  }
0x9c: {  	[tilespmem:s15], [sflag:$0x4] =	stream.linear.gather @!p4 [hbm4b:s12+s4], $0x80, $0x38;
	[tilespmem:$0x980] =	vst v63  }
0x9d: {  	p1 =	sne.s32 s9, $0x14000;
	_ =	swait.ge @!p2 [sflag:s1], $0x80  }
0x9e: {  	[sflag:s1] =	ssyncset.done @!p2 $0x0  }
0x9f: {  	[sflag:s1] =	ssyncadd.s32 @!p2 $0xFFFFFF80  }
0xa0: {  	s1 =	sadd.s32 s11, s13;
	_ =	swait.ge [sflag:s19], $0x80  }
0xa1: {  	[sflag:s19] =	ssyncset.done $0x0  }
0xa2: {  	[sflag:s19] =	ssyncadd.s32 $0xFFFFFF80  }
0xa3: {  	[spmem:s2] =	stream.indirect.scatter.add.f32 [tilespmem:s20], [sflag:$0x9], $0x1, s3, s16, $0xb8;
	[tilespmem:$0x980] =	vst v63  }
0xa4: {  	s5 =	simm.s32 @!p2 $0xA;
	s4 =	sadd.s32 $0x1010, s1  }
0xa5: {  	[tilespmem:s21], [sflag:$0x5] =	stream.linear.gather [hbm4b:s4+s3], $0x80, $0x38;
	[tilespmem:$0x980] =	vst v63  }
0xa6: {  	_ =	swait.ge @!p2 [sflag:s5], $0x80  }
0xa7: {  	[sflag:s5] =	ssyncset.done @!p2 $0x0  }
0xa8: {  	[sflag:s5] =	ssyncadd.s32 @!p2 $0xFFFFFF80  }
0xa9: {  	_ =	swait.ge [sflag:s22], $0x80  }
0xaa: {  	[sflag:s22] =	ssyncset.done $0x0  }
0xab: {  	[sflag:s22] =	ssyncadd.s32 $0xFFFFFF80  }
0xac: {  	[spmem:s2] =	stream.indirect.scatter.add.f32 [tilespmem:s20], [sflag:$0xA], $0x1, s16, s16, $0xb8;
	[tilespmem:$0x980] =	vst v63  }
0xad: {  	s1 =	sadd.s32 $0x1410, s1;
	s4 =	simm.s32 @!p2 $0xB  }
0xae: {  	[tilespmem:s23], [sflag:$0x6] =	stream.linear.gather [hbm4b:s1+s3], $0x80, $0x38;
	[tilespmem:$0x980] =	vst v63  }
0xaf: {  	_ =	swait.ge @!p2 [sflag:s4], $0x80  }
0xb0: {  	[sflag:s4] =	ssyncset.done @!p2 $0x0  }
0xb1: {  	s1 =	sadd.s32 $0xC0, s6;
	[sflag:s4] =	ssyncadd.s32 @!p2 $0xFFFFFF80  }
0xb2: {  	p3 =	sgt.u32 s1, $0x9C3;
	_ =	swait.ge [sflag:s24], $0x80  }
0xb3: {  	s1 =	sadd.s32 @!p3 s11, s13;
	s4 =	simm.s32 @!p3 $0x300;
	[sflag:s24] =	ssyncset.done $0x0  }
0xb4: {  	s1 =	sadd.s32 @!p3 $0x1810, s1;
	[sflag:s24] =	ssyncadd.s32 $0xFFFFFF80  }
0xb5: {  	[spmem:s2] =	stream.indirect.scatter.add.f32 [tilespmem:s20], [sflag:$0xB], $0x1, s18, s16, $0xb8;
	[tilespmem:$0x980] =	vst v63  }
0xb6: {  	s10 =	simm.s32 @!p2 $0xC;
	s5 =	simm.s32 @!p3 $0x0  }
0xb7: {  	[tilespmem:s4], [sflag:$0x7] =	stream.linear.gather @!p3 [hbm4b:s1+s5], $0x80, $0x38;
	[tilespmem:$0x980] =	vst v63  }
0xb8: {  	_ =	swait.ge @!p2 [sflag:s10], $0x80  }
0xb9: {  	[sflag:s10] =	ssyncset.done @!p2 $0x0  }
0xba: {  	s1 =	sadd.s32 $0xE0, s6;
	[sflag:s10] =	ssyncadd.s32 @!p2 $0xFFFFFF80  }
0xbb: {  	p2 =	sgt.u32 s1, $0x9C3;
	_ =	swait.ge [sflag:s25], $0x80  }
0xbc: {  	s1 =	sadd.s32 @!p2 s11, s13;
	s4 =	simm.s32 @!p2 $0x380;
	[sflag:s25] =	ssyncset.done $0x0  }
0xbd: {  	s5 =	simm.s32 $0x180;
	s1 =	sadd.s32 @!p2 $0x1C10, s1;
	[sflag:s25] =	ssyncadd.s32 $0xFFFFFF80  }
0xbe: {  	[spmem:s2] =	stream.indirect.scatter.add.f32 [tilespmem:s20], [sflag:$0xC], $0x1, s5, s16, $0xb8;
	[tilespmem:$0x980] =	vst v63  }
0xbf: {  	s5 =	simm.s32 @!p2 $0x0  }
0xc0: {  	[tilespmem:s4], [sflag:$0x8] =	stream.linear.gather @!p2 [hbm4b:s1+s5], $0x80, $0x38;
	[tilespmem:$0x980] =	vst v63  }
0xc1: {  	_ =	swait.ge [sflag:s26], $0x80  }
0xc2: {  	[sflag:s26] =	ssyncset.done $0x0  }
0xc3: {  	s6 =	sadd.s32 $0x100, s6;
	[sflag:s26] =	ssyncadd.s32 $0xFFFFFF80  }
0xc4: {  	s1 =	sadd.s32 $0x120, s6;
	p2 =	sgt.u32 s6, $0x9C3;
	_ =	swait.ge [sflag:s28], $0x80  }
0xc5: {  	s4 =	sadd.s32 @!p2 s11, s13;
	s5 =	simm.s32 @!p2 $0x0;
	[sflag:s28] =	ssyncset.done $0x0  }
0xc6: {  	s4 =	sadd.s32 @!p2 $0x2010, s4;
	[sflag:s28] =	ssyncadd.s32 $0xFFFFFF80  }
0xc7: {  	[spmem:s2] =	stream.indirect.scatter.add.f32 [tilespmem:s20], [sflag:$0x9], $0x1, s21, s16, $0xb8;
	[tilespmem:$0x980] =	vst v63  }
0xc8: {  	_ = 	snop  }
0xc9: {  	[tilespmem:s5], [sflag:$0x1] =	stream.linear.gather @!p2 [hbm4b:s4+s5], $0x80, $0x38;
	[tilespmem:$0x980] =	vst v63  }
0xca: {  	_ =	swait.ge [sflag:s29], $0x80  }
0xcb: {  	[sflag:s29] =	ssyncset.done $0x0  }
0xcc: {  	[sflag:s29] =	ssyncadd.s32 $0xFFFFFF80  }
0xcd: {  	p3 =	sgt.u32 s8, $0x9C3;
	s8 =	smov.u32 s1;
	_ =	swait.ge [sflag:s30], $0x80  }
0xce: {  	s1 =	sadd.s32 @!p3 s11, s13;
	s4 =	simm.s32 @!p3 $0x80;
	[sflag:s30] =	ssyncset.done $0x0  }
0xcf: {  	s1 =	sadd.s32 @!p3 $0x2410, s1;
	[sflag:s30] =	ssyncadd.s32 $0xFFFFFF80  }
0xd0: {  	[spmem:s2] =	stream.indirect.scatter.add.f32 [tilespmem:s20], [sflag:$0xA], $0x1, s23, s16, $0xb8;
	[tilespmem:$0x980] =	vst v63  }
0xd1: {  	s5 =	simm.s32 @!p3 $0x0;
	p2 =	sgt.u32 s7, $0x903  }
0xd2: {  	[tilespmem:s4], [sflag:$0x2] =	stream.linear.gather @!p3 [hbm4b:s1+s5], $0x80, $0x38;
	[tilespmem:$0x980] =	vst v63  }
0xd3: {  	s1 =	simm.s32 @!p2 $0x7;
	_ =	swait.ge [sflag:s31], $0x80  }
0xd4: {  	s4 =	simm.s32 @!p2 $0x300;
	s5 =	sadd.s32 $0x140, s7;
	[sflag:s31] =	ssyncset.done $0x0  }
0xd5: {  	s10 =	simm.s32 @!p2 $0x400;
	p4 =	sgt.u32 s5, $0x9C3;
	[sflag:s31] =	ssyncadd.s32 $0xFFFFFF80  }
0xd6: {  	s5 =	simm.s32 @!p2 $0x80;
	s12 =	simm.s32 @!p4 $0x100;
	_ =	swait.ge @!p2 [sflag:s1], $0x80  }
0xd7: {  	s15 =	sadd.s32 @!p4 s11, s13;
	s17 =	simm.s32 @!p4 $0x0;
	[sflag:s1] =	ssyncset.done @!p2 $0x0  }
0xd8: {  	[sflag:s1] =	ssyncadd.s32 @!p2 $0xFFFFFF80;
	s1 =	sadd.s32 @!p4 $0x2810, s15  }
0xd9: {  	[spmem:s2] =	stream.indirect.scatter.add.f32 @!p2 [tilespmem:s10], [sflag:$0xB], $0x1, s4, s5, $0xb8;
	[tilespmem:$0x980] =	vst v63  }
0xda: {  	p3 =	sgt.u32 s7, $0x8E3;
	s4 =	sadd.s32 $0x160, s7;
	s7 =	smov.u32 s6  }
0xdb: {  	[tilespmem:s12], [sflag:$0x3] =	stream.linear.gather @!p4 [hbm4b:s1+s17], $0x80, $0x38;
	[tilespmem:$0x980] =	vst v63  }
.Ltmp0:
0xdc: {  	s12 =	simm.s32 @!p3 $0x8;
	_ =	swait.ge [sflag:s0], $0x80;
	(pc) =	sbr.rel @p1 .LBB2_2-.Ltmp0, $4  }
0xdd: {  	p4 =	sgt.u32 s4, $0x9C3;
	[sflag:s0] =	ssyncset.done $0x0  }
0xde: {  	s10 =	simm.s32 @!p3 $0x380;
	s5 =	simm.s32 @!p3 $0x400;
	[sflag:s0] =	ssyncadd.s32 $0xFFFFFF80  }
0xdf: {  	p2 =	seq.s32 s14, $0x0;
	s1 =	simm.s32 @!p3 $0x80;
	_ =	swait.ge @!p3 [sflag:s12], $0x80  }
0xe0: {  	s11 =	sadd.s32 @!p4 s11, s13;
	s15 =	simm.s32 @!p4 $0x180;
	[sflag:s12] =	ssyncset.done @!p3 $0x0  }
0xe1: {  	[sflag:s12] =	ssyncadd.s32 @!p3 $0xFFFFFF80  }
0xe2: {  	[spmem:s2] =	stream.indirect.scatter.add.f32 @!p3 [tilespmem:s5], [sflag:$0xC], $0x1, s10, s1, $0xb8;
	[tilespmem:$0x980] =	vst v63  }
0xe3: {  	s4 =	simm.s32 @!p4 $0x0;
	s1 =	sadd.s32 @!p4 $0x2C10, s11  }
0xe4: {  	[tilespmem:s15], [sflag:$0x4] =	stream.linear.gather @!p4 [hbm4b:s1+s4], $0x80, $0x38;
	[tilespmem:$0x980] =	vst v63  }
0xe5: {  	s1 =	simm.s32 @!p2 $0x9  }
0xe6: {  	_ =	swait.ge @!p2 [sflag:s1], $0x80  }
0xe7: {  	[sflag:s1] =	ssyncset.done @!p2 $0x0  }
0xe8: {  	[sflag:s1] =	ssyncadd.s32 @!p2 $0xFFFFFF80  }
0xe9: {  	_ =	swait.ge [sflag:s19], $0x80  }
0xea: {  	[sflag:s19] =	ssyncset.done $0x0  }
0xeb: {  	s10 =	sadd.s32 s14, s13;
	[sflag:s19] =	ssyncadd.s32 $0xFFFFFF80  }
0xec: {  	[spmem:s2] =	stream.indirect.scatter.add.f32 [tilespmem:s20], [sflag:$0x9], $0x1, s3, s16, $0xb8;
	[tilespmem:$0x980] =	vst v63  }
0xed: {  	s5 =	simm.s32 @!p2 $0xA;
	s11 =	sadd.s32 $0x1010, s10  }
0xee: {  	[tilespmem:s21], [sflag:$0x5] =	stream.linear.gather [hbm4b:s11+s3], $0x80, $0x38;
	[tilespmem:$0x980] =	vst v63  }
0xef: {  	_ =	swait.ge @!p2 [sflag:s5], $0x80  }
0xf0: {  	[sflag:s5] =	ssyncset.done @!p2 $0x0  }
0xf1: {  	[sflag:s5] =	ssyncadd.s32 @!p2 $0xFFFFFF80  }
0xf2: {  	_ =	swait.ge [sflag:s22], $0x80  }
0xf3: {  	[sflag:s22] =	ssyncset.done $0x0  }
0xf4: {  	[sflag:s22] =	ssyncadd.s32 $0xFFFFFF80  }
0xf5: {  	[spmem:s2] =	stream.indirect.scatter.add.f32 [tilespmem:s20], [sflag:$0xA], $0x1, s16, s16, $0xb8;
	[tilespmem:$0x980] =	vst v63  }
0xf6: {  	s4 =	simm.s32 @!p2 $0xB;
	s1 =	sadd.s32 $0x1410, s10  }
0xf7: {  	[tilespmem:s23], [sflag:$0x6] =	stream.linear.gather [hbm4b:s1+s3], $0x80, $0x38;
	[tilespmem:$0x980] =	vst v63  }
0xf8: {  	_ =	swait.ge @!p2 [sflag:s4], $0x80  }
0xf9: {  	[sflag:s4] =	ssyncset.done @!p2 $0x0  }
0xfa: {  	[sflag:s4] =	ssyncadd.s32 @!p2 $0xFFFFFF80  }
0xfb: {  	s12 =	sadd.s32 $0xC0, s6;
	_ =	swait.ge [sflag:s24], $0x80  }
0xfc: {  	p1 =	sgt.u32 s12, $0x9C3;
	[sflag:s24] =	ssyncset.done $0x0  }
0xfd: {  	s1 =	sadd.s32 @!p1 s14, s13;
	[sflag:s24] =	ssyncadd.s32 $0xFFFFFF80  }
0xfe: {  	[spmem:s2] =	stream.indirect.scatter.add.f32 [tilespmem:s20], [sflag:$0xB], $0x1, s18, s16, $0xb8;
	[tilespmem:$0x980] =	vst v63  }
0xff: {  	s5 =	simm.s32 @!p1 $0x0;
	s1 =	sadd.s32 @!p1 $0x1810, s1;
	s4 =	simm.s32 @!p1 $0x300  }
0x100: {  	[tilespmem:s4], [sflag:$0x7] =	stream.linear.gather @!p1 [hbm4b:s1+s5], $0x80, $0x38;
	[tilespmem:$0x980] =	vst v63  }
0x101: {  	s1 =	simm.s32 @!p2 $0xC  }
0x102: {  	_ =	swait.ge @!p2 [sflag:s1], $0x80  }
0x103: {  	[sflag:s1] =	ssyncset.done @!p2 $0x0  }
0x104: {  	[sflag:s1] =	ssyncadd.s32 @!p2 $0xFFFFFF80  }
0x105: {  	s15 =	sadd.s32 $0xE0, s6;
	_ =	swait.ge [sflag:s25], $0x80  }
0x106: {  	p1 =	sgt.u32 s15, $0x9C3;
	[sflag:s25] =	ssyncset.done $0x0  }
0x107: {  	s17 =	simm.s32 $0x180;
	s1 =	sadd.s32 @!p1 s14, s13;
	[sflag:s25] =	ssyncadd.s32 $0xFFFFFF80  }
0x108: {  	[spmem:s2] =	stream.indirect.scatter.add.f32 [tilespmem:s20], [sflag:$0xC], $0x1, s17, s16, $0xb8;
	[tilespmem:$0x980] =	vst v63  }
0x109: {  	s4 =	simm.s32 @!p1 $0x380;
	s5 =	simm.s32 @!p1 $0x0;
	s1 =	sadd.s32 @!p1 $0x1C10, s1  }
0x10a: {  	[tilespmem:s4], [sflag:$0x8] =	stream.linear.gather @!p1 [hbm4b:s1+s5], $0x80, $0x38;
	[tilespmem:$0x980] =	vst v63  }
0x10b: {  	_ =	swait.ge [sflag:s26], $0x80  }
0x10c: {  	[sflag:s26] =	ssyncset.done $0x0  }
0x10d: {  	[sflag:s26] =	ssyncadd.s32 $0xFFFFFF80  }
0x10e: {  	s5 =	sadd.s32 $0x100, s6;
	_ =	swait.ge [sflag:s28], $0x80  }
0x10f: {  	p1 =	sgt.u32 s5, $0x9C3;
	[sflag:s28] =	ssyncset.done $0x0  }
0x110: {  	s1 =	sadd.s32 @!p1 s14, s13;
	[sflag:s28] =	ssyncadd.s32 $0xFFFFFF80  }
0x111: {  	[spmem:s2] =	stream.indirect.scatter.add.f32 [tilespmem:s20], [sflag:$0x9], $0x1, s21, s16, $0xb8;
	[tilespmem:$0x980] =	vst v63  }
0x112: {  	s4 =	simm.s32 @!p1 $0x0;
	s1 =	sadd.s32 @!p1 $0x2010, s1  }
0x113: {  	[tilespmem:s4], [sflag:$0x1] =	stream.linear.gather @!p1 [hbm4b:s1+s4], $0x80, $0x38;
	[tilespmem:$0x980] =	vst v63  }
0x114: {  	_ =	swait.ge [sflag:s29], $0x80  }
0x115: {  	[sflag:s29] =	ssyncset.done $0x0  }
0x116: {  	[sflag:s29] =	ssyncadd.s32 $0xFFFFFF80  }
0x117: {  	_ =	swait.ge [sflag:s30], $0x80  }
0x118: {  	p1 =	sgt.u32 s8, $0x9C3;
	[sflag:s30] =	ssyncset.done $0x0  }
0x119: {  	s1 =	sadd.s32 @!p1 s14, s13;
	[sflag:s30] =	ssyncadd.s32 $0xFFFFFF80  }
0x11a: {  	[spmem:s2] =	stream.indirect.scatter.add.f32 [tilespmem:s20], [sflag:$0xA], $0x1, s23, s16, $0xb8;
	[tilespmem:$0x980] =	vst v63  }
0x11b: {  	s4 =	simm.s32 @!p1 $0x80;
	s5 =	simm.s32 @!p1 $0x0;
	s1 =	sadd.s32 @!p1 $0x2410, s1  }
0x11c: {  	[tilespmem:s4], [sflag:$0x2] =	stream.linear.gather @!p1 [hbm4b:s1+s5], $0x80, $0x38;
	[tilespmem:$0x980] =	vst v63  }
0x11d: {  	_ =	swait.ge [sflag:s31], $0x80  }
0x11e: {  	p1 =	sgt.u32 s7, $0x903;
	[sflag:s31] =	ssyncset.done $0x0  }
0x11f: {  	s1 =	simm.s32 @!p1 $0x7;
	[sflag:s31] =	ssyncadd.s32 $0xFFFFFF80  }
0x120: {  	s6 =	sadd.s32 $0x140, s7;
	_ =	swait.ge @!p1 [sflag:s1], $0x80  }
0x121: {  	p2 =	sgt.u32 s6, $0x9C3;
	s5 =	simm.s32 @!p1 $0x300;
	[sflag:s1] =	ssyncset.done @!p1 $0x0  }
0x122: {  	s4 =	simm.s32 @!p1 $0x400;
	[sflag:s1] =	ssyncadd.s32 @!p1 $0xFFFFFF80;
	s1 =	simm.s32 @!p1 $0x80  }
0x123: {  	[spmem:s2] =	stream.indirect.scatter.add.f32 @!p1 [tilespmem:s4], [sflag:$0xB], $0x1, s5, s1, $0xb8;
	[tilespmem:$0x980] =	vst v63  }
0x124: {  	s1 =	sadd.s32 @!p2 s14, s13  }
0x125: {  	s4 =	simm.s32 @!p2 $0x100;
	s5 =	simm.s32 @!p2 $0x0;
	s1 =	sadd.s32 @!p2 $0x2810, s1  }
0x126: {  	[tilespmem:s4], [sflag:$0x3] =	stream.linear.gather @!p2 [hbm4b:s1+s5], $0x80, $0x38;
	[tilespmem:$0x980] =	vst v63  }
0x127: {  	_ =	swait.ge [sflag:s0], $0x80  }
0x128: {  	p1 =	sgt.u32 s7, $0x8E3;
	[sflag:s0] =	ssyncset.done $0x0  }
0x129: {  	s1 =	simm.s32 @!p1 $0x8;
	[sflag:s0] =	ssyncadd.s32 $0xFFFFFF80  }
0x12a: {  	_ =	swait.ge @!p1 [sflag:s1], $0x80  }
0x12b: {  	s7 =	sadd.s32 $0x160, s7;
	s4 =	simm.s32 @!p1 $0x380;
	[sflag:s1] =	ssyncset.done @!p1 $0x0  }
0x12c: {  	s5 =	simm.s32 @!p1 $0x400;
	[sflag:s1] =	ssyncadd.s32 @!p1 $0xFFFFFF80;
	s1 =	simm.s32 @!p1 $0x80  }
0x12d: {  	[spmem:s2] =	stream.indirect.scatter.add.f32 @!p1 [tilespmem:s5], [sflag:$0xC], $0x1, s4, s1, $0xb8;
	[tilespmem:$0x980] =	vst v63  }
0x12e: {  	p1 =	sgt.u32 s7, $0x9C3  }
0x12f: {  	s1 =	sadd.s32 @!p1 s14, s13  }
0x130: {  	s4 =	simm.s32 @!p1 $0x180;
	s5 =	simm.s32 @!p1 $0x0;
	s1 =	sadd.s32 @!p1 $0x2C10, s1  }
0x131: {  	[tilespmem:s4], [sflag:$0x4] =	stream.linear.gather @!p1 [hbm4b:s1+s5], $0x80, $0x38;
	[tilespmem:$0x980] =	vst v63  }
0x132: {  	_ =	swait.ge [sflag:s26], $0x80  }
0x133: {  	[sflag:s26] =	ssyncset.done $0x0  }
0x134: {  	[sflag:s26] =	ssyncadd.s32 $0xFFFFFF80  }
0x135: {  	_ =	swait.ge [sflag:s29], $0x80  }
0x136: {  	[sflag:s29] =	ssyncset.done $0x0  }
0x137: {  	s1 =	simm.s32 @!p0 $0xB;
	[sflag:s29] =	ssyncadd.s32 $0xFFFFFF80  }
0x138: {  	_ =	swait.ge @!p0 [sflag:s1], $0x80  }
0x139: {  	[sflag:s1] =	ssyncset.done @!p0 $0x0  }
0x13a: {  	[sflag:s1] =	ssyncadd.s32 @!p0 $0xFFFFFF80  }
0x13b: {  	[bflag:$0x0] =	sbarrier.arrive $0xFFFF  }
0x13c: {  	s12 =	simm.s32 $0x20;
	s8 =	rddreg [dreg:$0xa]  }
0x13d: {  	s14 =	simm.s32 $0x10;
	s4 =	simm.s32 $0xD;
	s11 =	rddreg [dreg:$0x5]  }
0x13e: {  	s10 =	rddreg [dreg:$0xb];
	s1 =	sor.u32 $0x1C0D, s8;
	s9 =	sshrl.u32 s11, $0x3  }
0x13f: {  	[hbm:s10@s12], [sflag:s1] =	dma.strided [spmem:s9@s14], $0x50, s19, $0x10   }
0x140: {  	_ =	swait.ge [sflag:s4], $0x50  }
0x141: {  	s15 =	rddreg [dreg:$0xd]  }
0x142: {  	s17 =	rddreg [dreg:$0xc];
	s5 =	sadd.s32 $0x1, s15  }
0x143: {  	p1 =	sne.s32 s5, s17  }
.Ltmp1:
0x144: {  	_ = 	snop;
	(pc) =	sbr.rel @p1 .LBB2_1-.Ltmp1, $3  }
0x145: {  	_ =	sdelay $0x1  }
0x146: {  	[sflag:s4] =	ssyncset.done $0x0  }
0x147: {  	[sflag:s4] =	ssyncadd.s32 $0xFFFFFFB0  }
0x148: {  	_ =	sfence.sel $0x180000  }
0x149: {  	[bflag:$0x0] =	sbarrier.arrive $0xFFFF  }
0x14a: {  	_ =	strace $0x90000047  }
0x14b: {  	s0 =	stileid.u32;
	[bflag:$0x2] =	sbarrier.arrive $0xFFFF  }
0x14c: {  	p0 =	sne.s32 s0, $0x0;
	s0 =	rddreg [dreg:$0x3]  }
0x14d: {  	s0 =	sadd.s32 @!p0 $0x100000, s0  }
0x14e: {  	[sflag:s0] =	ssyncadd.tile.s32 @!p0 $0x1;
	_ =	shalt  }
.Lfunc_end2:
_tile_overlayer_lowered:
.L_overlay_start_2:
0x14f: {  	(tag) =	ssettag $0x2  }
0x150: {  	s0 =	rddreg [dreg:$0x0];
	s2 =	stileid.u32  }
0x151: {  	s1 =	rddreg [dreg:$0x1];
	p0 =	sne.s32 s2, $0x0  }
0x152: {  	s3 =	rddreg [dreg:$0x2];
	[bflag:$0x3] =	sbarrier.arrive $0xFFFF;
	s2 =	simm.s32 @!p0 $0x1C0D  }
0x153: {  	[timem:s3], [sflag:s2] =	dma.local @!p0 [hbm:s0], s1  }
0x154: {  	s0 =	simm.s32 @!p0 $0xD  }
0x155: {  	_ =	swait.ge @!p0 [sflag:s0], s1  }
0x156: {  	s1 =	ssub.s32 @!p0 $0x0, s1;
	[sflag:s0] =	ssyncset.done @!p0 $0x0  }
0x157: {  	[sflag:s0] =	ssyncadd.s32 @!p0 s1  }
0x158: {  	[bflag:$0x3] =	sbarrier.arrive $0xFFFF  }
0x159: {  	_ =	shalt  }

</sc_bundles>
